<compile_context>
chip_gen: v7x
topology: tpu7x:2x2x1
jax: 0.10.2.dev20260603
libtpu: 0.0.44.dev20260713+nightly
codegen_flags: <defaults>
</compile_context>

<pallas_src>
import functools

import jax
import jax.numpy as jnp
from jax import lax
from jax.experimental import pallas as pl
from jax.experimental.pallas import tpu as pltpu
from jax.experimental.pallas import tpu_sc as plsc

N_NODES = 10000
N_EDGES = 320000
D_FEAT = 128
HIDDEN = 128

NPAD = 10240
N_CORES = 2
N_TILES = 16
CHUNK = 128
K_CHUNKS = 80
EDGES_PER_WORKER = CHUNK * K_CHUNKS
E_PAD = EDGES_PER_WORKER * N_TILES * N_CORES
ROWS_PER_TILE = NPAD // N_TILES
W_CHUNKS = 16
N_WINDOWS = K_CHUNKS // W_CHUNKS


def _sc_body(x_hbm, src_hbm, dst_hbm, zeros_hbm, out_hbm,
             agg_sp, sw0, sw1, dw0, dw1, rows_a, rows_b, sem_a, sem_b, sem_i):
    c = lax.axis_index("c")
    s = lax.axis_index("s")

    def idx_win(arr, w):
        return arr.at[c, s, pl.ds(w * W_CHUNKS, W_CHUNKS)]

    rows = pl.ds(s * ROWS_PER_TILE, ROWS_PER_TILE)
    pltpu.sync_copy(zeros_hbm, agg_sp.at[rows])
    pltpu.sync_copy(idx_win(src_hbm, 0), sw0)
    pltpu.sync_copy(idx_win(dst_hbm, 0), dw0)
    if N_WINDOWS > 1:
        pltpu.make_async_copy(idx_win(src_hbm, 1), sw1, sem_i).start()
        pltpu.make_async_copy(idx_win(dst_hbm, 1), dw1, sem_i).start()

    def gather(sref, jj, buf, sem):
        for h in range(2):
            sl = pl.ds(h * 64, 64)
            pltpu.make_async_copy(x_hbm.at[sref.at[jj, sl]], buf.at[sl],
                                  sem).start()

    def finish(sref, dref, jj, buf, sem):
        for h in range(2):
            sl = pl.ds(h * 64, 64)
            pltpu.make_async_copy(x_hbm.at[sref.at[jj, sl]], buf.at[sl],
                                  sem).wait()
        pltpu.sync_copy(buf, agg_sp.at[dref.at[jj]], add=True)

    gather(sw0, 0, rows_a, sem_a)
    gather(sw0, 1, rows_b, sem_b)
    plsc.subcore_barrier()
    wins = [(sw0, dw0), (sw1, dw1)]
    for w in range(N_WINDOWS):
        S, D = wins[w % 2]
        Sn, Dn = wins[(w + 1) % 2]

        def pair(i, carry, S=S, D=D):
            finish(S, D, 2 * i, rows_a, sem_a)
            gather(S, 2 * i + 2, rows_a, sem_a)
            finish(S, D, 2 * i + 1, rows_b, sem_b)
            gather(S, 2 * i + 3, rows_b, sem_b)
            return carry

        lax.fori_loop(0, W_CHUNKS // 2 - 1, pair, 0, unroll=False)
        finish(S, D, W_CHUNKS - 2, rows_a, sem_a)
        if w + 1 < N_WINDOWS:
            pltpu.make_async_copy(idx_win(src_hbm, w + 1), Sn, sem_i).wait()
            pltpu.make_async_copy(idx_win(dst_hbm, w + 1), Dn, sem_i).wait()
            gather(Sn, 0, rows_a, sem_a)
        finish(S, D, W_CHUNKS - 1, rows_b, sem_b)
        if w + 1 < N_WINDOWS:
            gather(Sn, 1, rows_b, sem_b)
        if w + 2 < N_WINDOWS:
            pltpu.make_async_copy(idx_win(src_hbm, w + 2), S, sem_i).start()
            pltpu.make_async_copy(idx_win(dst_hbm, w + 2), D, sem_i).start()
    plsc.subcore_barrier()

    pltpu.sync_copy(agg_sp.at[rows], out_hbm.at[c, rows])


@functools.cache
def _sc_aggregate():
    @functools.partial(
        pl.kernel,
        out_type=jax.ShapeDtypeStruct((N_CORES, NPAD, D_FEAT), jnp.float32),
        mesh=plsc.VectorSubcoreMesh(core_axis_name="c", subcore_axis_name="s"),
        scratch_types=[
            pltpu.VMEM_SHARED((NPAD, D_FEAT), jnp.float32),
            pltpu.VMEM((W_CHUNKS, CHUNK), jnp.int32),
            pltpu.VMEM((W_CHUNKS, CHUNK), jnp.int32),
            pltpu.VMEM((W_CHUNKS, CHUNK), jnp.int32),
            pltpu.VMEM((W_CHUNKS, CHUNK), jnp.int32),
            pltpu.VMEM((CHUNK, D_FEAT), jnp.float32),
            pltpu.VMEM((CHUNK, D_FEAT), jnp.float32),
            pltpu.SemaphoreType.DMA,
            pltpu.SemaphoreType.DMA,
            pltpu.SemaphoreType.DMA,
        ],
    )
    def agg(x, src4, dst4, zeros, out, *scratch):
        _sc_body(x, src4, dst4, zeros, out, *scratch)

    return agg


def _mm_body(p_ref, w_ref, b_ref, o_ref):
    acc = p_ref[0] + p_ref[1]
    o_ref[...] = jnp.maximum(
        jnp.dot(acc, w_ref[...], preferred_element_type=jnp.float32)
        + b_ref[...], 0.0)


def _matmul_combine(parts, W, b2):
    rblk = 2000
    return pl.pallas_call(
        _mm_body,
        grid=(N_NODES // rblk,),
        in_specs=[
            pl.BlockSpec((N_CORES, rblk, D_FEAT), lambda r: (0, r, 0)),
            pl.BlockSpec((D_FEAT, HIDDEN), lambda r: (0, 0)),
            pl.BlockSpec((1, HIDDEN), lambda r: (0, 0)),
        ],
        out_specs=pl.BlockSpec((rblk, HIDDEN), lambda r: (r, 0)),
        out_shape=jax.ShapeDtypeStruct((N_NODES, HIDDEN), jnp.float32),
    )(parts, W, b2)


def kernel(x, edge_index, W, b):
    src = edge_index[0].astype(jnp.int32)
    dst = edge_index[1].astype(jnp.int32)
    npad_e = E_PAD - N_EDGES
    pad_src = jnp.arange(npad_e, dtype=jnp.int32) % N_NODES
    pad_dst = N_NODES + (jnp.arange(npad_e, dtype=jnp.int32) % (NPAD - N_NODES))
    shard = (N_CORES, N_TILES, K_CHUNKS, CHUNK)
    src4 = jnp.concatenate([src, pad_src]).reshape(shard)
    dst4 = jnp.concatenate([dst, pad_dst]).reshape(shard)
    zeros = jnp.zeros((ROWS_PER_TILE, D_FEAT), jnp.float32)

    parts = _sc_aggregate()(x, src4, dst4, zeros)
    return _matmul_combine(parts, W, b.reshape(1, HIDDEN))

# --- scband reference (transcript-rebuilt; emitter-appended) ---
"""Pipeline reference for scband-gcnblock-5952824672505 (READ-ONLY COPY).

The authoritative reference and input builder live on the scoring server;
editing this copy changes nothing except your own understanding.
"""

import jax, jax.numpy as jnp
import numpy as np

N_NODES = 10000
N_EDGES = 320000
D_FEAT = 128
HIDDEN_DIM = 128


def setup_inputs(seed: int = 0) -> dict:
    key = jax.random.key(seed)
    k_x, k_e, k_w = jax.random.split(key, 3)
    x = jax.random.normal(k_x, (N_NODES, D_FEAT), dtype=jnp.float32)
    edge_index = jax.random.randint(k_e, (2, N_EDGES), 0, N_NODES, dtype=jnp.int64)
    # GraphConvLayer learned parameters: weight [D_FEAT, HIDDEN_DIM], bias [HIDDEN_DIM]
    W = jax.random.normal(k_w, (D_FEAT, HIDDEN_DIM), dtype=jnp.float32) * 0.05
    b = jnp.zeros((HIDDEN_DIM,), dtype=jnp.float32)
    return {"x": x, "edge_index": edge_index, "W": W, "b": b}


def reference(x, edge_index, W, b):
    # GCNBlock forward (eval mode, dropout is identity):
    #   h = GraphConvLayer(x, A): aggregate neighbor features then linear transform
    #   out = ReLU(h); dropout(out) -> identity at inference
    h = jnp.dot(x, W)  # [N, hidden_dim] linear transform
    src = edge_index[0]
    dst = edge_index[1]
    msgs = jnp.take(h, src, axis=0)  # gather source-node features per edge
    agg = jax.ops.segment_sum(msgs, dst, num_segments=N_NODES)  # scatter-add to dst
    out = agg + b  # bias=True in GraphConvLayer
    out = jax.nn.relu(out)  # self._activation
    # self._dropout is identity at inference (training=False)
    return out

if __name__ == "__main__":
    import jax
    _d = setup_inputs()
    print(jax.jit(kernel)(*tuple(_d.values())))

</pallas_src>

<mosaic_0001>
#map = affine_map<(d0, d1) -> (0, 0)>
#map1 = affine_map<(d0, d1) -> (0, 0, 0, 0)>
#map2 = affine_map<(d0, d1) -> (0, 0, 0)>
module attributes {stable_mosaic.version = 14 : i64} {
  func.func @agg(%arg0: i32, %arg1: i32, %arg2: memref<10000x128xf32, #tpu.memory_space<hbm>>, %arg3: memref<2x16x80x128xi32, #tpu.memory_space<hbm>>, %arg4: memref<2x16x80x128xi32, #tpu.memory_space<hbm>>, %arg5: memref<640x128xf32, #tpu.memory_space<hbm>>, %arg6: memref<2x10240x128xf32, #tpu.memory_space<hbm>>, %arg7: memref<10240x128xf32, #tpu.memory_space<vmem_shared>>, %arg8: memref<16x128xi32, #tpu.memory_space<vmem>>, %arg9: memref<16x128xi32, #tpu.memory_space<vmem>>, %arg10: memref<16x128xi32, #tpu.memory_space<vmem>>, %arg11: memref<16x128xi32, #tpu.memory_space<vmem>>, %arg12: memref<128x128xf32, #tpu.memory_space<vmem>>, %arg13: memref<128x128xf32, #tpu.memory_space<vmem>>, %arg14: memref<!tpu.dma_semaphore, #tpu.memory_space<semaphore_mem>>, %arg15: memref<!tpu.dma_semaphore, #tpu.memory_space<semaphore_mem>>, %arg16: memref<!tpu.dma_semaphore, #tpu.memory_space<semaphore_mem>>) attributes {dimension_semantics = [#tpu.dimension_semantics<core_parallel>, #tpu.dimension_semantics<subcore_parallel>], iteration_bounds = array<i64: 2, 16>, scalar_prefetch = 0 : i64, scratch_operands = 10 : i64, tpu.core_type = #tpu.core_type<sc_vector_subcore>, window_params = [{transform_indices = #map}, {transform_indices = #map1}, {transform_indices = #map1}, {transform_indices = #map}, {transform_indices = #map2}]} {
    %mul3A = arith.constant 640 : i32
    %mul3A_0 = arith.muli %arg1, %mul3A : i32
    "tpu.region"() ({
      %run_scoped3A_566 = tpu.sem_alloc : memref<!tpu.dma_semaphore, #tpu.memory_space<semaphore_mem>>
      %dma_start3A_567 = arith.constant 0 : i32
      %dma_start3A_568 = tpu.memref_slice %arg7[%mul3A_0, %dma_start3A_567] : memref<10240x128xf32, #tpu.memory_space<vmem_shared>> -> memref<640x128xf32, #tpu.memory_space<vmem_shared>>
      tpu.enqueue_dma source(%arg5 : memref<640x128xf32, #tpu.memory_space<hbm>>) target(%dma_start3A_568 : memref<640x128xf32, #tpu.memory_space<vmem_shared>>) target_semaphore(%run_scoped3A_566 : memref<!tpu.dma_semaphore, #tpu.memory_space<semaphore_mem>>)
      %dma_wait3A_569 = arith.constant 0 : i32
      %dma_wait3A_570 = tpu.memref_slice %arg7[%mul3A_0, %dma_wait3A_569] : memref<10240x128xf32, #tpu.memory_space<vmem_shared>> -> memref<640x128xf32, #tpu.memory_space<vmem_shared>>
      tpu.wait_dma2 semaphore(%run_scoped3A_566 : memref<!tpu.dma_semaphore, #tpu.memory_space<semaphore_mem>>) src(%arg5 : memref<640x128xf32, #tpu.memory_space<hbm>>) dst(%dma_wait3A_570 : memref<640x128xf32, #tpu.memory_space<vmem_shared>>)
      tpu.yield
    }) : () -> ()
    "tpu.region"() ({
      %run_scoped3A_566 = tpu.sem_alloc : memref<!tpu.dma_semaphore, #tpu.memory_space<semaphore_mem>>
      %dma_start3A_567 = arith.constant 0 : i32
      %dma_start3A_568 = arith.constant 0 : i32
      %dma_start3A_569 = tpu.memref_slice %arg3[%arg0, %arg1, %dma_start3A_567, %dma_start3A_568] : memref<2x16x80x128xi32, #tpu.memory_space<hbm>> -> memref<1x1x16x128xi32, #tpu.memory_space<hbm>>
      %dma_start3A_570 = tpu.memref_squeeze %dma_start3A_569 : memref<1x1x16x128xi32, #tpu.memory_space<hbm>> -> memref<16x128xi32, #tpu.memory_space<hbm>>
      %dma_start3A_571 = arith.constant 0 : i32
      %dma_start3A_572 = arith.constant 0 : i32
      %dma_start3A_573 = tpu.memref_slice %arg3[%arg0, %arg1, %dma_start3A_571, %dma_start3A_572] : memref<2x16x80x128xi32, #tpu.memory_space<hbm>> -> memref<1x1x16x128xi32, #tpu.memory_space<hbm>>
      %dma_start3A_574 = tpu.memref_squeeze %dma_start3A_573 : memref<1x1x16x128xi32, #tpu.memory_space<hbm>> -> memref<16x128xi32, #tpu.memory_space<hbm>>
      tpu.enqueue_dma source(%dma_start3A_574 : memref<16x128xi32, #tpu.memory_space<hbm>>) target(%arg8 : memref<16x128xi32, #tpu.memory_space<vmem>>) target_semaphore(%run_scoped3A_566 : memref<!tpu.dma_semaphore, #tpu.memory_space<semaphore_mem>>)
      %dma_wait3A_575 = arith.constant 0 : i32
      %dma_wait3A_576 = arith.constant 0 : i32
      %dma_wait3A_577 = tpu.memref_slice %arg3[%arg0, %arg1, %dma_wait3A_575, %dma_wait3A_576] : memref<2x16x80x128xi32, #tpu.memory_space<hbm>> -> memref<1x1x16x128xi32, #tpu.memory_space<hbm>>
      %dma_wait3A_578 = tpu.memref_squeeze %dma_wait3A_577 : memref<1x1x16x128xi32, #tpu.memory_space<hbm>> -> memref<16x128xi32, #tpu.memory_space<hbm>>
      %dma_wait3A_579 = arith.constant 0 : i32
      %dma_wait3A_580 = arith.constant 0 : i32
      %dma_wait3A_581 = tpu.memref_slice %arg3[%arg0, %arg1, %dma_wait3A_579, %dma_wait3A_580] : memref<2x16x80x128xi32, #tpu.memory_space<hbm>> -> memref<1x1x16x128xi32, #tpu.memory_space<hbm>>
      %dma_wait3A_582 = tpu.memref_squeeze %dma_wait3A_581 : memref<1x1x16x128xi32, #tpu.memory_space<hbm>> -> memref<16x128xi32, #tpu.memory_space<hbm>>
      tpu.wait_dma2 semaphore(%run_scoped3A_566 : memref<!tpu.dma_semaphore, #tpu.memory_space<semaphore_mem>>) src(%dma_wait3A_582 : memref<16x128xi32, #tpu.memory_space<hbm>>) dst(%arg8 : memref<16x128xi32, #tpu.memory_space<vmem>>)
      tpu.yield
    }) : () -> ()
    "tpu.region"() ({
      %run_scoped3A_566 = tpu.sem_alloc : memref<!tpu.dma_semaphore, #tpu.memory_space<semaphore_mem>>
      %dma_start3A_567 = arith.constant 0 : i32
      %dma_start3A_568 = arith.constant 0 : i32
      %dma_start3A_569 = tpu.memref_slice %arg4[%arg0, %arg1, %dma_start3A_567, %dma_start3A_568] : memref<2x16x80x128xi32, #tpu.memory_space<hbm>> -> memref<1x1x16x128xi32, #tpu.memory_space<hbm>>
      %dma_start3A_570 = tpu.memref_squeeze %dma_start3A_569 : memref<1x1x16x128xi32, #tpu.memory_space<hbm>> -> memref<16x128xi32, #tpu.memory_space<hbm>>
      %dma_start3A_571 = arith.constant 0 : i32
      %dma_start3A_572 = arith.constant 0 : i32
      %dma_start3A_573 = tpu.memref_slice %arg4[%arg0, %arg1, %dma_start3A_571, %dma_start3A_572] : memref<2x16x80x128xi32, #tpu.memory_space<hbm>> -> memref<1x1x16x128xi32, #tpu.memory_space<hbm>>
      %dma_start3A_574 = tpu.memref_squeeze %dma_start3A_573 : memref<1x1x16x128xi32, #tpu.memory_space<hbm>> -> memref<16x128xi32, #tpu.memory_space<hbm>>
      tpu.enqueue_dma source(%dma_start3A_574 : memref<16x128xi32, #tpu.memory_space<hbm>>) target(%arg10 : memref<16x128xi32, #tpu.memory_space<vmem>>) target_semaphore(%run_scoped3A_566 : memref<!tpu.dma_semaphore, #tpu.memory_space<semaphore_mem>>)
      %dma_wait3A_575 = arith.constant 0 : i32
      %dma_wait3A_576 = arith.constant 0 : i32
      %dma_wait3A_577 = tpu.memref_slice %arg4[%arg0, %arg1, %dma_wait3A_575, %dma_wait3A_576] : memref<2x16x80x128xi32, #tpu.memory_space<hbm>> -> memref<1x1x16x128xi32, #tpu.memory_space<hbm>>
      %dma_wait3A_578 = tpu.memref_squeeze %dma_wait3A_577 : memref<1x1x16x128xi32, #tpu.memory_space<hbm>> -> memref<16x128xi32, #tpu.memory_space<hbm>>
      %dma_wait3A_579 = arith.constant 0 : i32
      %dma_wait3A_580 = arith.constant 0 : i32
      %dma_wait3A_581 = tpu.memref_slice %arg4[%arg0, %arg1, %dma_wait3A_579, %dma_wait3A_580] : memref<2x16x80x128xi32, #tpu.memory_space<hbm>> -> memref<1x1x16x128xi32, #tpu.memory_space<hbm>>
      %dma_wait3A_582 = tpu.memref_squeeze %dma_wait3A_581 : memref<1x1x16x128xi32, #tpu.memory_space<hbm>> -> memref<16x128xi32, #tpu.memory_space<hbm>>
      tpu.wait_dma2 semaphore(%run_scoped3A_566 : memref<!tpu.dma_semaphore, #tpu.memory_space<semaphore_mem>>) src(%dma_wait3A_582 : memref<16x128xi32, #tpu.memory_space<hbm>>) dst(%arg10 : memref<16x128xi32, #tpu.memory_space<vmem>>)
      tpu.yield
    }) : () -> ()
    %dma_start3A = arith.constant 16 : i32
    %dma_start3A_1 = arith.constant 0 : i32
    %dma_start3A_2 = tpu.memref_slice %arg3[%arg0, %arg1, %dma_start3A, %dma_start3A_1] : memref<2x16x80x128xi32, #tpu.memory_space<hbm>> -> memref<1x1x16x128xi32, #tpu.memory_space<hbm>>
    %dma_start3A_3 = tpu.memref_squeeze %dma_start3A_2 : memref<1x1x16x128xi32, #tpu.memory_space<hbm>> -> memref<16x128xi32, #tpu.memory_space<hbm>>
    %dma_start3A_4 = arith.constant 16 : i32
    %dma_start3A_5 = arith.constant 0 : i32
    %dma_start3A_6 = tpu.memref_slice %arg3[%arg0, %arg1, %dma_start3A_4, %dma_start3A_5] : memref<2x16x80x128xi32, #tpu.memory_space<hbm>> -> memref<1x1x16x128xi32, #tpu.memory_space<hbm>>
    %dma_start3A_7 = tpu.memref_squeeze %dma_start3A_6 : memref<1x1x16x128xi32, #tpu.memory_space<hbm>> -> memref<16x128xi32, #tpu.memory_space<hbm>>
    tpu.enqueue_dma source(%dma_start3A_7 : memref<16x128xi32, #tpu.memory_space<hbm>>) target(%arg9 : memref<16x128xi32, #tpu.memory_space<vmem>>) target_semaphore(%arg16 : memref<!tpu.dma_semaphore, #tpu.memory_space<semaphore_mem>>)
    %dma_start3A_8 = arith.constant 16 : i32
    %dma_start3A_9 = arith.constant 0 : i32
    %dma_start3A_10 = tpu.memref_slice %arg4[%arg0, %arg1, %dma_start3A_8, %dma_start3A_9] : memref<2x16x80x128xi32, #tpu.memory_space<hbm>> -> memref<1x1x16x128xi32, #tpu.memory_space<hbm>>
    %dma_start3A_11 = tpu.memref_squeeze %dma_start3A_10 : memref<1x1x16x128xi32, #tpu.memory_space<hbm>> -> memref<16x128xi32, #tpu.memory_space<hbm>>
    %dma_start3A_12 = arith.constant 16 : i32
    %dma_start3A_13 = arith.constant 0 : i32
    %dma_start3A_14 = tpu.memref_slice %arg4[%arg0, %arg1, %dma_start3A_12, %dma_start3A_13] : memref<2x16x80x128xi32, #tpu.memory_space<hbm>> -> memref<1x1x16x128xi32, #tpu.memory_space<hbm>>
    %dma_start3A_15 = tpu.memref_squeeze %dma_start3A_14 : memref<1x1x16x128xi32, #tpu.memory_space<hbm>> -> memref<16x128xi32, #tpu.memory_space<hbm>>
    tpu.enqueue_dma source(%dma_start3A_15 : memref<16x128xi32, #tpu.memory_space<hbm>>) target(%arg11 : memref<16x128xi32, #tpu.memory_space<vmem>>) target_semaphore(%arg16 : memref<!tpu.dma_semaphore, #tpu.memory_space<semaphore_mem>>)
    %dma_start3A_16 = arith.constant 0 : i32
    %dma_start3A_17 = arith.constant 0 : i32
    %dma_start3A_18 = arith.constant 0 : i32
    %dma_start3A_19 = tpu.memref_slice %arg12[%dma_start3A_17, %dma_start3A_18] : memref<128x128xf32, #tpu.memory_space<vmem>> -> memref<64x128xf32, #tpu.memory_space<vmem>>
    %dma_start3A_20 = arith.constant 0 : i32
    %dma_start3A_21 = tpu.memref_slice %arg8[%dma_start3A_16, %dma_start3A_20] : memref<16x128xi32, #tpu.memory_space<vmem>> -> memref<1x64xi32, #tpu.memory_space<vmem>>
    %dma_start3A_22 = tpu.memref_squeeze %dma_start3A_21 : memref<1x64xi32, #tpu.memory_space<vmem>> -> memref<64xi32, #tpu.memory_space<vmem>>
    %dma_start3A_23 = arith.constant 0 : i32
    %dma_start3A_24 = arith.constant 0 : i32
    %dma_start3A_25 = tpu.memref_slice %arg2[%dma_start3A_23, %dma_start3A_24] : memref<10000x128xf32, #tpu.memory_space<hbm>> -> memref<10000x128xf32, #tpu.memory_space<hbm>>
    tpu.enqueue_indirect_dma source(%dma_start3A_25 : memref<10000x128xf32, #tpu.memory_space<hbm>>) target(%dma_start3A_19 : memref<64x128xf32, #tpu.memory_space<vmem>>) offsets(%dma_start3A_22 : memref<64xi32, #tpu.memory_space<vmem>>) semaphore(%arg14 : memref<!tpu.dma_semaphore, #tpu.memory_space<semaphore_mem>>)
    %dma_start3A_26 = arith.constant 0 : i32
    %dma_start3A_27 = arith.constant 64 : i32
    %dma_start3A_28 = arith.constant 0 : i32
    %dma_start3A_29 = tpu.memref_slice %arg12[%dma_start3A_27, %dma_start3A_28] : memref<128x128xf32, #tpu.memory_space<vmem>> -> memref<64x128xf32, #tpu.memory_space<vmem>>
    %dma_start3A_30 = arith.constant 64 : i32
    %dma_start3A_31 = tpu.memref_slice %arg8[%dma_start3A_26, %dma_start3A_30] : memref<16x128xi32, #tpu.memory_space<vmem>> -> memref<1x64xi32, #tpu.memory_space<vmem>>
    %dma_start3A_32 = tpu.memref_squeeze %dma_start3A_31 : memref<1x64xi32, #tpu.memory_space<vmem>> -> memref<64xi32, #tpu.memory_space<vmem>>
    %dma_start3A_33 = arith.constant 0 : i32
    %dma_start3A_34 = arith.constant 0 : i32
    %dma_start3A_35 = tpu.memref_slice %arg2[%dma_start3A_33, %dma_start3A_34] : memref<10000x128xf32, #tpu.memory_space<hbm>> -> memref<10000x128xf32, #tpu.memory_space<hbm>>
    tpu.enqueue_indirect_dma source(%dma_start3A_35 : memref<10000x128xf32, #tpu.memory_space<hbm>>) target(%dma_start3A_29 : memref<64x128xf32, #tpu.memory_space<vmem>>) offsets(%dma_start3A_32 : memref<64xi32, #tpu.memory_space<vmem>>) semaphore(%arg14 : memref<!tpu.dma_semaphore, #tpu.memory_space<semaphore_mem>>)
    %dma_start3A_36 = arith.constant 1 : i32
    %dma_start3A_37 = arith.constant 0 : i32
    %dma_start3A_38 = arith.constant 0 : i32
    %dma_start3A_39 = tpu.memref_slice %arg13[%dma_start3A_37, %dma_start3A_38] : memref<128x128xf32, #tpu.memory_space<vmem>> -> memref<64x128xf32, #tpu.memory_space<vmem>>
    %dma_start3A_40 = arith.constant 0 : i32
    %dma_start3A_41 = tpu.memref_slice %arg8[%dma_start3A_36, %dma_start3A_40] : memref<16x128xi32, #tpu.memory_space<vmem>> -> memref<1x64xi32, #tpu.memory_space<vmem>>
    %dma_start3A_42 = tpu.memref_squeeze %dma_start3A_41 : memref<1x64xi32, #tpu.memory_space<vmem>> -> memref<64xi32, #tpu.memory_space<vmem>>
    %dma_start3A_43 = arith.constant 0 : i32
    %dma_start3A_44 = arith.constant 0 : i32
    %dma_start3A_45 = tpu.memref_slice %arg2[%dma_start3A_43, %dma_start3A_44] : memref<10000x128xf32, #tpu.memory_space<hbm>> -> memref<10000x128xf32, #tpu.memory_space<hbm>>
    tpu.enqueue_indirect_dma source(%dma_start3A_45 : memref<10000x128xf32, #tpu.memory_space<hbm>>) target(%dma_start3A_39 : memref<64x128xf32, #tpu.memory_space<vmem>>) offsets(%dma_start3A_42 : memref<64xi32, #tpu.memory_space<vmem>>) semaphore(%arg15 : memref<!tpu.dma_semaphore, #tpu.memory_space<semaphore_mem>>)
    %dma_start3A_46 = arith.constant 1 : i32
    %dma_start3A_47 = arith.constant 64 : i32
    %dma_start3A_48 = arith.constant 0 : i32
    %dma_start3A_49 = tpu.memref_slice %arg13[%dma_start3A_47, %dma_start3A_48] : memref<128x128xf32, #tpu.memory_space<vmem>> -> memref<64x128xf32, #tpu.memory_space<vmem>>
    %dma_start3A_50 = arith.constant 64 : i32
    %dma_start3A_51 = tpu.memref_slice %arg8[%dma_start3A_46, %dma_start3A_50] : memref<16x128xi32, #tpu.memory_space<vmem>> -> memref<1x64xi32, #tpu.memory_space<vmem>>
    %dma_start3A_52 = tpu.memref_squeeze %dma_start3A_51 : memref<1x64xi32, #tpu.memory_space<vmem>> -> memref<64xi32, #tpu.memory_space<vmem>>
    %dma_start3A_53 = arith.constant 0 : i32
    %dma_start3A_54 = arith.constant 0 : i32
    %dma_start3A_55 = tpu.memref_slice %arg2[%dma_start3A_53, %dma_start3A_54] : memref<10000x128xf32, #tpu.memory_space<hbm>> -> memref<10000x128xf32, #tpu.memory_space<hbm>>
    tpu.enqueue_indirect_dma source(%dma_start3A_55 : memref<10000x128xf32, #tpu.memory_space<hbm>>) target(%dma_start3A_49 : memref<64x128xf32, #tpu.memory_space<vmem>>) offsets(%dma_start3A_52 : memref<64xi32, #tpu.memory_space<vmem>>) semaphore(%arg15 : memref<!tpu.dma_semaphore, #tpu.memory_space<semaphore_mem>>)
    %barrier3A = arith.constant 0 : index
    tpu.barrier barrier_id(%barrier3A)
    %scan3A = arith.constant 0 : i32
    %scan3A_56 = arith.constant 0 : i32
    %scan3A_57 = arith.constant 7 : i32
    %scan3A_58 = arith.addi %scan3A_56, %scan3A_57 : i32
    %scan3A_59 = arith.constant 1 : i32
    scf.for %scan3A_566 = %scan3A_56 to %scan3A_58 step %scan3A_59  : i32 {
      %mul3A_567 = arith.constant 2 : i32
      %mul3A_568 = arith.muli %mul3A_567, %scan3A_566 : i32
      %dma_wait3A_569 = arith.constant 0 : i32
      %dma_wait3A_570 = arith.constant 0 : i32
      %dma_wait3A_571 = tpu.memref_slice %arg12[%dma_wait3A_569, %dma_wait3A_570] : memref<128x128xf32, #tpu.memory_space<vmem>> -> memref<64x128xf32, #tpu.memory_space<vmem>>
      %dma_wait3A_572 = arith.constant 0 : i32
      %dma_wait3A_573 = tpu.memref_slice %arg8[%mul3A_568, %dma_wait3A_572] : memref<16x128xi32, #tpu.memory_space<vmem>> -> memref<1x64xi32, #tpu.memory_space<vmem>>
      %dma_wait3A_574 = tpu.memref_squeeze %dma_wait3A_573 : memref<1x64xi32, #tpu.memory_space<vmem>> -> memref<64xi32, #tpu.memory_space<vmem>>
      %dma_wait3A_575 = arith.constant 0 : i32
      %dma_wait3A_576 = arith.constant 0 : i32
      %dma_wait3A_577 = tpu.memref_slice %arg2[%dma_wait3A_575, %dma_wait3A_576] : memref<10000x128xf32, #tpu.memory_space<hbm>> -> memref<10000x128xf32, #tpu.memory_space<hbm>>
      tpu.wait_indirect_dma semaphore(%arg14 : memref<!tpu.dma_semaphore, #tpu.memory_space<semaphore_mem>>) src(%dma_wait3A_577 : memref<10000x128xf32, #tpu.memory_space<hbm>>) dst(%dma_wait3A_571 : memref<64x128xf32, #tpu.memory_space<vmem>>)
      %dma_wait3A_578 = arith.constant 64 : i32
      %dma_wait3A_579 = arith.constant 0 : i32
      %dma_wait3A_580 = tpu.memref_slice %arg12[%dma_wait3A_578, %dma_wait3A_579] : memref<128x128xf32, #tpu.memory_space<vmem>> -> memref<64x128xf32, #tpu.memory_space<vmem>>
      %dma_wait3A_581 = arith.constant 64 : i32
      %dma_wait3A_582 = tpu.memref_slice %arg8[%mul3A_568, %dma_wait3A_581] : memref<16x128xi32, #tpu.memory_space<vmem>> -> memref<1x64xi32, #tpu.memory_space<vmem>>
      %dma_wait3A_583 = tpu.memref_squeeze %dma_wait3A_582 : memref<1x64xi32, #tpu.memory_space<vmem>> -> memref<64xi32, #tpu.memory_space<vmem>>
      %dma_wait3A_584 = arith.constant 0 : i32
      %dma_wait3A_585 = arith.constant 0 : i32
      %dma_wait3A_586 = tpu.memref_slice %arg2[%dma_wait3A_584, %dma_wait3A_585] : memref<10000x128xf32, #tpu.memory_space<hbm>> -> memref<10000x128xf32, #tpu.memory_space<hbm>>
      tpu.wait_indirect_dma semaphore(%arg14 : memref<!tpu.dma_semaphore, #tpu.memory_space<semaphore_mem>>) src(%dma_wait3A_586 : memref<10000x128xf32, #tpu.memory_space<hbm>>) dst(%dma_wait3A_580 : memref<64x128xf32, #tpu.memory_space<vmem>>)
      "tpu.region"() ({
        %run_scoped3A_652 = tpu.sem_alloc : memref<!tpu.dma_semaphore, #tpu.memory_space<semaphore_mem>>
        %dma_start3A_653 = arith.constant 0 : i32
        %dma_start3A_654 = tpu.memref_slice %arg10[%mul3A_568, %dma_start3A_653] : memref<16x128xi32, #tpu.memory_space<vmem>> -> memref<1x128xi32, #tpu.memory_space<vmem>>
        %dma_start3A_655 = tpu.memref_squeeze %dma_start3A_654 : memref<1x128xi32, #tpu.memory_space<vmem>> -> memref<128xi32, #tpu.memory_space<vmem>>
        %dma_start3A_656 = arith.constant 0 : i32
        %dma_start3A_657 = arith.constant 0 : i32
        %dma_start3A_658 = tpu.memref_slice %arg7[%dma_start3A_656, %dma_start3A_657] : memref<10240x128xf32, #tpu.memory_space<vmem_shared>> -> memref<10240x128xf32, #tpu.memory_space<vmem_shared>>
        tpu.enqueue_indirect_dma source(%arg12 : memref<128x128xf32, #tpu.memory_space<vmem>>) target(%dma_start3A_658 : memref<10240x128xf32, #tpu.memory_space<vmem_shared>>) offsets(%dma_start3A_655 : memref<128xi32, #tpu.memory_space<vmem>>) semaphore(%run_scoped3A_652 : memref<!tpu.dma_semaphore, #tpu.memory_space<semaphore_mem>>) {add = true}
        %dma_wait3A_659 = arith.constant 0 : i32
        %dma_wait3A_660 = tpu.memref_slice %arg10[%mul3A_568, %dma_wait3A_659] : memref<16x128xi32, #tpu.memory_space<vmem>> -> memref<1x128xi32, #tpu.memory_space<vmem>>
        %dma_wait3A_661 = tpu.memref_squeeze %dma_wait3A_660 : memref<1x128xi32, #tpu.memory_space<vmem>> -> memref<128xi32, #tpu.memory_space<vmem>>
        %dma_wait3A_662 = arith.constant 0 : i32
        %dma_wait3A_663 = arith.constant 0 : i32
        %dma_wait3A_664 = tpu.memref_slice %arg7[%dma_wait3A_662, %dma_wait3A_663] : memref<10240x128xf32, #tpu.memory_space<vmem_shared>> -> memref<10240x128xf32, #tpu.memory_space<vmem_shared>>
        tpu.wait_indirect_dma semaphore(%run_scoped3A_652 : memref<!tpu.dma_semaphore, #tpu.memory_space<semaphore_mem>>) src(%arg12 : memref<128x128xf32, #tpu.memory_space<vmem>>) dst(%dma_wait3A_664 : memref<10240x128xf32, #tpu.memory_space<vmem_shared>>)
        tpu.yield
      }) : () -> ()
      %mul3A_587 = arith.constant 2 : i32
      %mul3A_588 = arith.muli %mul3A_587, %scan3A_566 : i32
      %add3A = arith.constant 2 : i32
      %add3A_589 = arith.addi %mul3A_588, %add3A : i32
      %dma_start3A_590 = arith.constant 0 : i32
      %dma_start3A_591 = arith.constant 0 : i32
      %dma_start3A_592 = tpu.memref_slice %arg12[%dma_start3A_590, %dma_start3A_591] : memref<128x128xf32, #tpu.memory_space<vmem>> -> memref<64x128xf32, #tpu.memory_space<vmem>>
      %dma_start3A_593 = arith.constant 0 : i32
      %dma_start3A_594 = tpu.memref_slice %arg8[%add3A_589, %dma_start3A_593] : memref<16x128xi32, #tpu.memory_space<vmem>> -> memref<1x64xi32, #tpu.memory_space<vmem>>
      %dma_start3A_595 = tpu.memref_squeeze %dma_start3A_594 : memref<1x64xi32, #tpu.memory_space<vmem>> -> memref<64xi32, #tpu.memory_space<vmem>>
      %dma_start3A_596 = arith.constant 0 : i32
      %dma_start3A_597 = arith.constant 0 : i32
      %dma_start3A_598 = tpu.memref_slice %arg2[%dma_start3A_596, %dma_start3A_597] : memref<10000x128xf32, #tpu.memory_space<hbm>> -> memref<10000x128xf32, #tpu.memory_space<hbm>>
      tpu.enqueue_indirect_dma source(%dma_start3A_598 : memref<10000x128xf32, #tpu.memory_space<hbm>>) target(%dma_start3A_592 : memref<64x128xf32, #tpu.memory_space<vmem>>) offsets(%dma_start3A_595 : memref<64xi32, #tpu.memory_space<vmem>>) semaphore(%arg14 : memref<!tpu.dma_semaphore, #tpu.memory_space<semaphore_mem>>)
      %dma_start3A_599 = arith.constant 64 : i32
      %dma_start3A_600 = arith.constant 0 : i32
      %dma_start3A_601 = tpu.memref_slice %arg12[%dma_start3A_599, %dma_start3A_600] : memref<128x128xf32, #tpu.memory_space<vmem>> -> memref<64x128xf32, #tpu.memory_space<vmem>>
      %dma_start3A_602 = arith.constant 64 : i32
      %dma_start3A_603 = tpu.memref_slice %arg8[%add3A_589, %dma_start3A_602] : memref<16x128xi32, #tpu.memory_space<vmem>> -> memref<1x64xi32, #tpu.memory_space<vmem>>
      %dma_start3A_604 = tpu.memref_squeeze %dma_start3A_603 : memref<1x64xi32, #tpu.memory_space<vmem>> -> memref<64xi32, #tpu.memory_space<vmem>>
      %dma_start3A_605 = arith.constant 0 : i32
      %dma_start3A_606 = arith.constant 0 : i32
      %dma_start3A_607 = tpu.memref_slice %arg2[%dma_start3A_605, %dma_start3A_606] : memref<10000x128xf32, #tpu.memory_space<hbm>> -> memref<10000x128xf32, #tpu.memory_space<hbm>>
      tpu.enqueue_indirect_dma source(%dma_start3A_607 : memref<10000x128xf32, #tpu.memory_space<hbm>>) target(%dma_start3A_601 : memref<64x128xf32, #tpu.memory_space<vmem>>) offsets(%dma_start3A_604 : memref<64xi32, #tpu.memory_space<vmem>>) semaphore(%arg14 : memref<!tpu.dma_semaphore, #tpu.memory_space<semaphore_mem>>)
      %mul3A_608 = arith.constant 2 : i32
      %mul3A_609 = arith.muli %mul3A_608, %scan3A_566 : i32
      %add3A_610 = arith.constant 1 : i32
      %add3A_611 = arith.addi %mul3A_609, %add3A_610 : i32
      %dma_wait3A_612 = arith.constant 0 : i32
      %dma_wait3A_613 = arith.constant 0 : i32
      %dma_wait3A_614 = tpu.memref_slice %arg13[%dma_wait3A_612, %dma_wait3A_613] : memref<128x128xf32, #tpu.memory_space<vmem>> -> memref<64x128xf32, #tpu.memory_space<vmem>>
      %dma_wait3A_615 = arith.constant 0 : i32
      %dma_wait3A_616 = tpu.memref_slice %arg8[%add3A_611, %dma_wait3A_615] : memref<16x128xi32, #tpu.memory_space<vmem>> -> memref<1x64xi32, #tpu.memory_space<vmem>>
      %dma_wait3A_617 = tpu.memref_squeeze %dma_wait3A_616 : memref<1x64xi32, #tpu.memory_space<vmem>> -> memref<64xi32, #tpu.memory_space<vmem>>
      %dma_wait3A_618 = arith.constant 0 : i32
      %dma_wait3A_619 = arith.constant 0 : i32
      %dma_wait3A_620 = tpu.memref_slice %arg2[%dma_wait3A_618, %dma_wait3A_619] : memref<10000x128xf32, #tpu.memory_space<hbm>> -> memref<10000x128xf32, #tpu.memory_space<hbm>>
      tpu.wait_indirect_dma semaphore(%arg15 : memref<!tpu.dma_semaphore, #tpu.memory_space<semaphore_mem>>) src(%dma_wait3A_620 : memref<10000x128xf32, #tpu.memory_space<hbm>>) dst(%dma_wait3A_614 : memref<64x128xf32, #tpu.memory_space<vmem>>)
      %dma_wait3A_621 = arith.constant 64 : i32
      %dma_wait3A_622 = arith.constant 0 : i32
      %dma_wait3A_623 = tpu.memref_slice %arg13[%dma_wait3A_621, %dma_wait3A_622] : memref<128x128xf32, #tpu.memory_space<vmem>> -> memref<64x128xf32, #tpu.memory_space<vmem>>
      %dma_wait3A_624 = arith.constant 64 : i32
      %dma_wait3A_625 = tpu.memref_slice %arg8[%add3A_611, %dma_wait3A_624] : memref<16x128xi32, #tpu.memory_space<vmem>> -> memref<1x64xi32, #tpu.memory_space<vmem>>
      %dma_wait3A_626 = tpu.memref_squeeze %dma_wait3A_625 : memref<1x64xi32, #tpu.memory_space<vmem>> -> memref<64xi32, #tpu.memory_space<vmem>>
      %dma_wait3A_627 = arith.constant 0 : i32
      %dma_wait3A_628 = arith.constant 0 : i32
      %dma_wait3A_629 = tpu.memref_slice %arg2[%dma_wait3A_627, %dma_wait3A_628] : memref<10000x128xf32, #tpu.memory_space<hbm>> -> memref<10000x128xf32, #tpu.memory_space<hbm>>
      tpu.wait_indirect_dma semaphore(%arg15 : memref<!tpu.dma_semaphore, #tpu.memory_space<semaphore_mem>>) src(%dma_wait3A_629 : memref<10000x128xf32, #tpu.memory_space<hbm>>) dst(%dma_wait3A_623 : memref<64x128xf32, #tpu.memory_space<vmem>>)
      "tpu.region"() ({
        %run_scoped3A_652 = tpu.sem_alloc : memref<!tpu.dma_semaphore, #tpu.memory_space<semaphore_mem>>
        %dma_start3A_653 = arith.constant 0 : i32
        %dma_start3A_654 = tpu.memref_slice %arg10[%add3A_611, %dma_start3A_653] : memref<16x128xi32, #tpu.memory_space<vmem>> -> memref<1x128xi32, #tpu.memory_space<vmem>>
        %dma_start3A_655 = tpu.memref_squeeze %dma_start3A_654 : memref<1x128xi32, #tpu.memory_space<vmem>> -> memref<128xi32, #tpu.memory_space<vmem>>
        %dma_start3A_656 = arith.constant 0 : i32
        %dma_start3A_657 = arith.constant 0 : i32
        %dma_start3A_658 = tpu.memref_slice %arg7[%dma_start3A_656, %dma_start3A_657] : memref<10240x128xf32, #tpu.memory_space<vmem_shared>> -> memref<10240x128xf32, #tpu.memory_space<vmem_shared>>
        tpu.enqueue_indirect_dma source(%arg13 : memref<128x128xf32, #tpu.memory_space<vmem>>) target(%dma_start3A_658 : memref<10240x128xf32, #tpu.memory_space<vmem_shared>>) offsets(%dma_start3A_655 : memref<128xi32, #tpu.memory_space<vmem>>) semaphore(%run_scoped3A_652 : memref<!tpu.dma_semaphore, #tpu.memory_space<semaphore_mem>>) {add = true}
        %dma_wait3A_659 = arith.constant 0 : i32
        %dma_wait3A_660 = tpu.memref_slice %arg10[%add3A_611, %dma_wait3A_659] : memref<16x128xi32, #tpu.memory_space<vmem>> -> memref<1x128xi32, #tpu.memory_space<vmem>>
        %dma_wait3A_661 = tpu.memref_squeeze %dma_wait3A_660 : memref<1x128xi32, #tpu.memory_space<vmem>> -> memref<128xi32, #tpu.memory_space<vmem>>
        %dma_wait3A_662 = arith.constant 0 : i32
        %dma_wait3A_663 = arith.constant 0 : i32
        %dma_wait3A_664 = tpu.memref_slice %arg7[%dma_wait3A_662, %dma_wait3A_663] : memref<10240x128xf32, #tpu.memory_space<vmem_shared>> -> memref<10240x128xf32, #tpu.memory_space<vmem_shared>>
        tpu.wait_indirect_dma semaphore(%run_scoped3A_652 : memref<!tpu.dma_semaphore, #tpu.memory_space<semaphore_mem>>) src(%arg13 : memref<128x128xf32, #tpu.memory_space<vmem>>) dst(%dma_wait3A_664 : memref<10240x128xf32, #tpu.memory_space<vmem_shared>>)
        tpu.yield
      }) : () -> ()
      %mul3A_630 = arith.constant 2 : i32
      %mul3A_631 = arith.muli %mul3A_630, %scan3A_566 : i32
      %add3A_632 = arith.constant 3 : i32
      %add3A_633 = arith.addi %mul3A_631, %add3A_632 : i32
      %dma_start3A_634 = arith.constant 0 : i32
      %dma_start3A_635 = arith.constant 0 : i32
      %dma_start3A_636 = tpu.memref_slice %arg13[%dma_start3A_634, %dma_start3A_635] : memref<128x128xf32, #tpu.memory_space<vmem>> -> memref<64x128xf32, #tpu.memory_space<vmem>>
      %dma_start3A_637 = arith.constant 0 : i32
      %dma_start3A_638 = tpu.memref_slice %arg8[%add3A_633, %dma_start3A_637] : memref<16x128xi32, #tpu.memory_space<vmem>> -> memref<1x64xi32, #tpu.memory_space<vmem>>
      %dma_start3A_639 = tpu.memref_squeeze %dma_start3A_638 : memref<1x64xi32, #tpu.memory_space<vmem>> -> memref<64xi32, #tpu.memory_space<vmem>>
      %dma_start3A_640 = arith.constant 0 : i32
      %dma_start3A_641 = arith.constant 0 : i32
      %dma_start3A_642 = tpu.memref_slice %arg2[%dma_start3A_640, %dma_start3A_641] : memref<10000x128xf32, #tpu.memory_space<hbm>> -> memref<10000x128xf32, #tpu.memory_space<hbm>>
      tpu.enqueue_indirect_dma source(%dma_start3A_642 : memref<10000x128xf32, #tpu.memory_space<hbm>>) target(%dma_start3A_636 : memref<64x128xf32, #tpu.memory_space<vmem>>) offsets(%dma_start3A_639 : memref<64xi32, #tpu.memory_space<vmem>>) semaphore(%arg15 : memref<!tpu.dma_semaphore, #tpu.memory_space<semaphore_mem>>)
      %dma_start3A_643 = arith.constant 64 : i32
      %dma_start3A_644 = arith.constant 0 : i32
      %dma_start3A_645 = tpu.memref_slice %arg13[%dma_start3A_643, %dma_start3A_644] : memref<128x128xf32, #tpu.memory_space<vmem>> -> memref<64x128xf32, #tpu.memory_space<vmem>>
      %dma_start3A_646 = arith.constant 64 : i32
      %dma_start3A_647 = tpu.memref_slice %arg8[%add3A_633, %dma_start3A_646] : memref<16x128xi32, #tpu.memory_space<vmem>> -> memref<1x64xi32, #tpu.memory_space<vmem>>
      %dma_start3A_648 = tpu.memref_squeeze %dma_start3A_647 : memref<1x64xi32, #tpu.memory_space<vmem>> -> memref<64xi32, #tpu.memory_space<vmem>>
      %dma_start3A_649 = arith.constant 0 : i32
      %dma_start3A_650 = arith.constant 0 : i32
      %dma_start3A_651 = tpu.memref_slice %arg2[%dma_start3A_649, %dma_start3A_650] : memref<10000x128xf32, #tpu.memory_space<hbm>> -> memref<10000x128xf32, #tpu.memory_space<hbm>>
      tpu.enqueue_indirect_dma source(%dma_start3A_651 : memref<10000x128xf32, #tpu.memory_space<hbm>>) target(%dma_start3A_645 : memref<64x128xf32, #tpu.memory_space<vmem>>) offsets(%dma_start3A_648 : memref<64xi32, #tpu.memory_space<vmem>>) semaphore(%arg15 : memref<!tpu.dma_semaphore, #tpu.memory_space<semaphore_mem>>)
    }
    %scan3A_60 = arith.constant 7 : i32
    %dma_wait3A = arith.constant 14 : i32
    %dma_wait3A_61 = arith.constant 0 : i32
    %dma_wait3A_62 = arith.constant 0 : i32
    %dma_wait3A_63 = tpu.memref_slice %arg12[%dma_wait3A_61, %dma_wait3A_62] : memref<128x128xf32, #tpu.memory_space<vmem>> -> memref<64x128xf32, #tpu.memory_space<vmem>>
    %dma_wait3A_64 = arith.constant 0 : i32
    %dma_wait3A_65 = tpu.memref_slice %arg8[%dma_wait3A, %dma_wait3A_64] : memref<16x128xi32, #tpu.memory_space<vmem>> -> memref<1x64xi32, #tpu.memory_space<vmem>>
    %dma_wait3A_66 = tpu.memref_squeeze %dma_wait3A_65 : memref<1x64xi32, #tpu.memory_space<vmem>> -> memref<64xi32, #tpu.memory_space<vmem>>
    %dma_wait3A_67 = arith.constant 0 : i32
    %dma_wait3A_68 = arith.constant 0 : i32
    %dma_wait3A_69 = tpu.memref_slice %arg2[%dma_wait3A_67, %dma_wait3A_68] : memref<10000x128xf32, #tpu.memory_space<hbm>> -> memref<10000x128xf32, #tpu.memory_space<hbm>>
    tpu.wait_indirect_dma semaphore(%arg14 : memref<!tpu.dma_semaphore, #tpu.memory_space<semaphore_mem>>) src(%dma_wait3A_69 : memref<10000x128xf32, #tpu.memory_space<hbm>>) dst(%dma_wait3A_63 : memref<64x128xf32, #tpu.memory_space<vmem>>)
    %dma_wait3A_70 = arith.constant 14 : i32
    %dma_wait3A_71 = arith.constant 64 : i32
    %dma_wait3A_72 = arith.constant 0 : i32
    %dma_wait3A_73 = tpu.memref_slice %arg12[%dma_wait3A_71, %dma_wait3A_72] : memref<128x128xf32, #tpu.memory_space<vmem>> -> memref<64x128xf32, #tpu.memory_space<vmem>>
    %dma_wait3A_74 = arith.constant 64 : i32
    %dma_wait3A_75 = tpu.memref_slice %arg8[%dma_wait3A_70, %dma_wait3A_74] : memref<16x128xi32, #tpu.memory_space<vmem>> -> memref<1x64xi32, #tpu.memory_space<vmem>>
    %dma_wait3A_76 = tpu.memref_squeeze %dma_wait3A_75 : memref<1x64xi32, #tpu.memory_space<vmem>> -> memref<64xi32, #tpu.memory_space<vmem>>
    %dma_wait3A_77 = arith.constant 0 : i32
    %dma_wait3A_78 = arith.constant 0 : i32
    %dma_wait3A_79 = tpu.memref_slice %arg2[%dma_wait3A_77, %dma_wait3A_78] : memref<10000x128xf32, #tpu.memory_space<hbm>> -> memref<10000x128xf32, #tpu.memory_space<hbm>>
    tpu.wait_indirect_dma semaphore(%arg14 : memref<!tpu.dma_semaphore, #tpu.memory_space<semaphore_mem>>) src(%dma_wait3A_79 : memref<10000x128xf32, #tpu.memory_space<hbm>>) dst(%dma_wait3A_73 : memref<64x128xf32, #tpu.memory_space<vmem>>)
    %run_scoped3A = arith.constant 14 : i32
    "tpu.region"() ({
      %run_scoped3A_566 = tpu.sem_alloc : memref<!tpu.dma_semaphore, #tpu.memory_space<semaphore_mem>>
      %dma_start3A_567 = arith.constant 0 : i32
      %dma_start3A_568 = tpu.memref_slice %arg10[%run_scoped3A, %dma_start3A_567] : memref<16x128xi32, #tpu.memory_space<vmem>> -> memref<1x128xi32, #tpu.memory_space<vmem>>
      %dma_start3A_569 = tpu.memref_squeeze %dma_start3A_568 : memref<1x128xi32, #tpu.memory_space<vmem>> -> memref<128xi32, #tpu.memory_space<vmem>>
      %dma_start3A_570 = arith.constant 0 : i32
      %dma_start3A_571 = arith.constant 0 : i32
      %dma_start3A_572 = tpu.memref_slice %arg7[%dma_start3A_570, %dma_start3A_571] : memref<10240x128xf32, #tpu.memory_space<vmem_shared>> -> memref<10240x128xf32, #tpu.memory_space<vmem_shared>>
      tpu.enqueue_indirect_dma source(%arg12 : memref<128x128xf32, #tpu.memory_space<vmem>>) target(%dma_start3A_572 : memref<10240x128xf32, #tpu.memory_space<vmem_shared>>) offsets(%dma_start3A_569 : memref<128xi32, #tpu.memory_space<vmem>>) semaphore(%run_scoped3A_566 : memref<!tpu.dma_semaphore, #tpu.memory_space<semaphore_mem>>) {add = true}
      %dma_wait3A_573 = arith.constant 0 : i32
      %dma_wait3A_574 = tpu.memref_slice %arg10[%run_scoped3A, %dma_wait3A_573] : memref<16x128xi32, #tpu.memory_space<vmem>> -> memref<1x128xi32, #tpu.memory_space<vmem>>
      %dma_wait3A_575 = tpu.memref_squeeze %dma_wait3A_574 : memref<1x128xi32, #tpu.memory_space<vmem>> -> memref<128xi32, #tpu.memory_space<vmem>>
      %dma_wait3A_576 = arith.constant 0 : i32
      %dma_wait3A_577 = arith.constant 0 : i32
      %dma_wait3A_578 = tpu.memref_slice %arg7[%dma_wait3A_576, %dma_wait3A_577] : memref<10240x128xf32, #tpu.memory_space<vmem_shared>> -> memref<10240x128xf32, #tpu.memory_space<vmem_shared>>
      tpu.wait_indirect_dma semaphore(%run_scoped3A_566 : memref<!tpu.dma_semaphore, #tpu.memory_space<semaphore_mem>>) src(%arg12 : memref<128x128xf32, #tpu.memory_space<vmem>>) dst(%dma_wait3A_578 : memref<10240x128xf32, #tpu.memory_space<vmem_shared>>)
      tpu.yield
    }) : () -> ()
    %dma_wait3A_80 = arith.constant 16 : i32
    %dma_wait3A_81 = arith.constant 0 : i32
    %dma_wait3A_82 = tpu.memref_slice %arg3[%arg0, %arg1, %dma_wait3A_80, %dma_wait3A_81] : memref<2x16x80x128xi32, #tpu.memory_space<hbm>> -> memref<1x1x16x128xi32, #tpu.memory_space<hbm>>
    %dma_wait3A_83 = tpu.memref_squeeze %dma_wait3A_82 : memref<1x1x16x128xi32, #tpu.memory_space<hbm>> -> memref<16x128xi32, #tpu.memory_space<hbm>>
    %dma_wait3A_84 = arith.constant 16 : i32
    %dma_wait3A_85 = arith.constant 0 : i32
    %dma_wait3A_86 = tpu.memref_slice %arg3[%arg0, %arg1, %dma_wait3A_84, %dma_wait3A_85] : memref<2x16x80x128xi32, #tpu.memory_space<hbm>> -> memref<1x1x16x128xi32, #tpu.memory_space<hbm>>
    %dma_wait3A_87 = tpu.memref_squeeze %dma_wait3A_86 : memref<1x1x16x128xi32, #tpu.memory_space<hbm>> -> memref<16x128xi32, #tpu.memory_space<hbm>>
    tpu.wait_dma2 semaphore(%arg16 : memref<!tpu.dma_semaphore, #tpu.memory_space<semaphore_mem>>) src(%dma_wait3A_87 : memref<16x128xi32, #tpu.memory_space<hbm>>) dst(%arg9 : memref<16x128xi32, #tpu.memory_space<vmem>>)
    %dma_wait3A_88 = arith.constant 16 : i32
    %dma_wait3A_89 = arith.constant 0 : i32
    %dma_wait3A_90 = tpu.memref_slice %arg4[%arg0, %arg1, %dma_wait3A_88, %dma_wait3A_89] : memref<2x16x80x128xi32, #tpu.memory_space<hbm>> -> memref<1x1x16x128xi32, #tpu.memory_space<hbm>>
    %dma_wait3A_91 = tpu.memref_squeeze %dma_wait3A_90 : memref<1x1x16x128xi32, #tpu.memory_space<hbm>> -> memref<16x128xi32, #tpu.memory_space<hbm>>
    %dma_wait3A_92 = arith.constant 16 : i32
    %dma_wait3A_93 = arith.constant 0 : i32
    %dma_wait3A_94 = tpu.memref_slice %arg4[%arg0, %arg1, %dma_wait3A_92, %dma_wait3A_93] : memref<2x16x80x128xi32, #tpu.memory_space<hbm>> -> memref<1x1x16x128xi32, #tpu.memory_space<hbm>>
    %dma_wait3A_95 = tpu.memref_squeeze %dma_wait3A_94 : memref<1x1x16x128xi32, #tpu.memory_space<hbm>> -> memref<16x128xi32, #tpu.memory_space<hbm>>
    tpu.wait_dma2 semaphore(%arg16 : memref<!tpu.dma_semaphore, #tpu.memory_space<semaphore_mem>>) src(%dma_wait3A_95 : memref<16x128xi32, #tpu.memory_space<hbm>>) dst(%arg11 : memref<16x128xi32, #tpu.memory_space<vmem>>)
    %dma_start3A_96 = arith.constant 0 : i32
    %dma_start3A_97 = arith.constant 0 : i32
    %dma_start3A_98 = arith.constant 0 : i32
    %dma_start3A_99 = tpu.memref_slice %arg12[%dma_start3A_97, %dma_start3A_98] : memref<128x128xf32, #tpu.memory_space<vmem>> -> memref<64x128xf32, #tpu.memory_space<vmem>>
    %dma_start3A_100 = arith.constant 0 : i32
    %dma_start3A_101 = tpu.memref_slice %arg9[%dma_start3A_96, %dma_start3A_100] : memref<16x128xi32, #tpu.memory_space<vmem>> -> memref<1x64xi32, #tpu.memory_space<vmem>>
    %dma_start3A_102 = tpu.memref_squeeze %dma_start3A_101 : memref<1x64xi32, #tpu.memory_space<vmem>> -> memref<64xi32, #tpu.memory_space<vmem>>
    %dma_start3A_103 = arith.constant 0 : i32
    %dma_start3A_104 = arith.constant 0 : i32
    %dma_start3A_105 = tpu.memref_slice %arg2[%dma_start3A_103, %dma_start3A_104] : memref<10000x128xf32, #tpu.memory_space<hbm>> -> memref<10000x128xf32, #tpu.memory_space<hbm>>
    tpu.enqueue_indirect_dma source(%dma_start3A_105 : memref<10000x128xf32, #tpu.memory_space<hbm>>) target(%dma_start3A_99 : memref<64x128xf32, #tpu.memory_space<vmem>>) offsets(%dma_start3A_102 : memref<64xi32, #tpu.memory_space<vmem>>) semaphore(%arg14 : memref<!tpu.dma_semaphore, #tpu.memory_space<semaphore_mem>>)
    %dma_start3A_106 = arith.constant 0 : i32
    %dma_start3A_107 = arith.constant 64 : i32
    %dma_start3A_108 = arith.constant 0 : i32
    %dma_start3A_109 = tpu.memref_slice %arg12[%dma_start3A_107, %dma_start3A_108] : memref<128x128xf32, #tpu.memory_space<vmem>> -> memref<64x128xf32, #tpu.memory_space<vmem>>
    %dma_start3A_110 = arith.constant 64 : i32
    %dma_start3A_111 = tpu.memref_slice %arg9[%dma_start3A_106, %dma_start3A_110] : memref<16x128xi32, #tpu.memory_space<vmem>> -> memref<1x64xi32, #tpu.memory_space<vmem>>
    %dma_start3A_112 = tpu.memref_squeeze %dma_start3A_111 : memref<1x64xi32, #tpu.memory_space<vmem>> -> memref<64xi32, #tpu.memory_space<vmem>>
    %dma_start3A_113 = arith.constant 0 : i32
    %dma_start3A_114 = arith.constant 0 : i32
    %dma_start3A_115 = tpu.memref_slice %arg2[%dma_start3A_113, %dma_start3A_114] : memref<10000x128xf32, #tpu.memory_space<hbm>> -> memref<10000x128xf32, #tpu.memory_space<hbm>>
    tpu.enqueue_indirect_dma source(%dma_start3A_115 : memref<10000x128xf32, #tpu.memory_space<hbm>>) target(%dma_start3A_109 : memref<64x128xf32, #tpu.memory_space<vmem>>) offsets(%dma_start3A_112 : memref<64xi32, #tpu.memory_space<vmem>>) semaphore(%arg14 : memref<!tpu.dma_semaphore, #tpu.memory_space<semaphore_mem>>)
    %dma_wait3A_116 = arith.constant 15 : i32
    %dma_wait3A_117 = arith.constant 0 : i32
    %dma_wait3A_118 = arith.constant 0 : i32
    %dma_wait3A_119 = tpu.memref_slice %arg13[%dma_wait3A_117, %dma_wait3A_118] : memref<128x128xf32, #tpu.memory_space<vmem>> -> memref<64x128xf32, #tpu.memory_space<vmem>>
    %dma_wait3A_120 = arith.constant 0 : i32
    %dma_wait3A_121 = tpu.memref_slice %arg8[%dma_wait3A_116, %dma_wait3A_120] : memref<16x128xi32, #tpu.memory_space<vmem>> -> memref<1x64xi32, #tpu.memory_space<vmem>>
    %dma_wait3A_122 = tpu.memref_squeeze %dma_wait3A_121 : memref<1x64xi32, #tpu.memory_space<vmem>> -> memref<64xi32, #tpu.memory_space<vmem>>
    %dma_wait3A_123 = arith.constant 0 : i32
    %dma_wait3A_124 = arith.constant 0 : i32
    %dma_wait3A_125 = tpu.memref_slice %arg2[%dma_wait3A_123, %dma_wait3A_124] : memref<10000x128xf32, #tpu.memory_space<hbm>> -> memref<10000x128xf32, #tpu.memory_space<hbm>>
    tpu.wait_indirect_dma semaphore(%arg15 : memref<!tpu.dma_semaphore, #tpu.memory_space<semaphore_mem>>) src(%dma_wait3A_125 : memref<10000x128xf32, #tpu.memory_space<hbm>>) dst(%dma_wait3A_119 : memref<64x128xf32, #tpu.memory_space<vmem>>)
    %dma_wait3A_126 = arith.constant 15 : i32
    %dma_wait3A_127 = arith.constant 64 : i32
    %dma_wait3A_128 = arith.constant 0 : i32
    %dma_wait3A_129 = tpu.memref_slice %arg13[%dma_wait3A_127, %dma_wait3A_128] : memref<128x128xf32, #tpu.memory_space<vmem>> -> memref<64x128xf32, #tpu.memory_space<vmem>>
    %dma_wait3A_130 = arith.constant 64 : i32
    %dma_wait3A_131 = tpu.memref_slice %arg8[%dma_wait3A_126, %dma_wait3A_130] : memref<16x128xi32, #tpu.memory_space<vmem>> -> memref<1x64xi32, #tpu.memory_space<vmem>>
    %dma_wait3A_132 = tpu.memref_squeeze %dma_wait3A_131 : memref<1x64xi32, #tpu.memory_space<vmem>> -> memref<64xi32, #tpu.memory_space<vmem>>
    %dma_wait3A_133 = arith.constant 0 : i32
    %dma_wait3A_134 = arith.constant 0 : i32
    %dma_wait3A_135 = tpu.memref_slice %arg2[%dma_wait3A_133, %dma_wait3A_134] : memref<10000x128xf32, #tpu.memory_space<hbm>> -> memref<10000x128xf32, #tpu.memory_space<hbm>>
    tpu.wait_indirect_dma semaphore(%arg15 : memref<!tpu.dma_semaphore, #tpu.memory_space<semaphore_mem>>) src(%dma_wait3A_135 : memref<10000x128xf32, #tpu.memory_space<hbm>>) dst(%dma_wait3A_129 : memref<64x128xf32, #tpu.memory_space<vmem>>)
    %run_scoped3A_136 = arith.constant 15 : i32
    "tpu.region"() ({
      %run_scoped3A_566 = tpu.sem_alloc : memref<!tpu.dma_semaphore, #tpu.memory_space<semaphore_mem>>
      %dma_start3A_567 = arith.constant 0 : i32
      %dma_start3A_568 = tpu.memref_slice %arg10[%run_scoped3A_136, %dma_start3A_567] : memref<16x128xi32, #tpu.memory_space<vmem>> -> memref<1x128xi32, #tpu.memory_space<vmem>>
      %dma_start3A_569 = tpu.memref_squeeze %dma_start3A_568 : memref<1x128xi32, #tpu.memory_space<vmem>> -> memref<128xi32, #tpu.memory_space<vmem>>
      %dma_start3A_570 = arith.constant 0 : i32
      %dma_start3A_571 = arith.constant 0 : i32
      %dma_start3A_572 = tpu.memref_slice %arg7[%dma_start3A_570, %dma_start3A_571] : memref<10240x128xf32, #tpu.memory_space<vmem_shared>> -> memref<10240x128xf32, #tpu.memory_space<vmem_shared>>
      tpu.enqueue_indirect_dma source(%arg13 : memref<128x128xf32, #tpu.memory_space<vmem>>) target(%dma_start3A_572 : memref<10240x128xf32, #tpu.memory_space<vmem_shared>>) offsets(%dma_start3A_569 : memref<128xi32, #tpu.memory_space<vmem>>) semaphore(%run_scoped3A_566 : memref<!tpu.dma_semaphore, #tpu.memory_space<semaphore_mem>>) {add = true}
      %dma_wait3A_573 = arith.constant 0 : i32
      %dma_wait3A_574 = tpu.memref_slice %arg10[%run_scoped3A_136, %dma_wait3A_573] : memref<16x128xi32, #tpu.memory_space<vmem>> -> memref<1x128xi32, #tpu.memory_space<vmem>>
      %dma_wait3A_575 = tpu.memref_squeeze %dma_wait3A_574 : memref<1x128xi32, #tpu.memory_space<vmem>> -> memref<128xi32, #tpu.memory_space<vmem>>
      %dma_wait3A_576 = arith.constant 0 : i32
      %dma_wait3A_577 = arith.constant 0 : i32
      %dma_wait3A_578 = tpu.memref_slice %arg7[%dma_wait3A_576, %dma_wait3A_577] : memref<10240x128xf32, #tpu.memory_space<vmem_shared>> -> memref<10240x128xf32, #tpu.memory_space<vmem_shared>>
      tpu.wait_indirect_dma semaphore(%run_scoped3A_566 : memref<!tpu.dma_semaphore, #tpu.memory_space<semaphore_mem>>) src(%arg13 : memref<128x128xf32, #tpu.memory_space<vmem>>) dst(%dma_wait3A_578 : memref<10240x128xf32, #tpu.memory_space<vmem_shared>>)
      tpu.yield
    }) : () -> ()
    %dma_start3A_137 = arith.constant 1 : i32
    %dma_start3A_138 = arith.constant 0 : i32
    %dma_start3A_139 = arith.constant 0 : i32
    %dma_start3A_140 = tpu.memref_slice %arg13[%dma_start3A_138, %dma_start3A_139] : memref<128x128xf32, #tpu.memory_space<vmem>> -> memref<64x128xf32, #tpu.memory_space<vmem>>
    %dma_start3A_141 = arith.constant 0 : i32
    %dma_start3A_142 = tpu.memref_slice %arg9[%dma_start3A_137, %dma_start3A_141] : memref<16x128xi32, #tpu.memory_space<vmem>> -> memref<1x64xi32, #tpu.memory_space<vmem>>
    %dma_start3A_143 = tpu.memref_squeeze %dma_start3A_142 : memref<1x64xi32, #tpu.memory_space<vmem>> -> memref<64xi32, #tpu.memory_space<vmem>>
    %dma_start3A_144 = arith.constant 0 : i32
    %dma_start3A_145 = arith.constant 0 : i32
    %dma_start3A_146 = tpu.memref_slice %arg2[%dma_start3A_144, %dma_start3A_145] : memref<10000x128xf32, #tpu.memory_space<hbm>> -> memref<10000x128xf32, #tpu.memory_space<hbm>>
    tpu.enqueue_indirect_dma source(%dma_start3A_146 : memref<10000x128xf32, #tpu.memory_space<hbm>>) target(%dma_start3A_140 : memref<64x128xf32, #tpu.memory_space<vmem>>) offsets(%dma_start3A_143 : memref<64xi32, #tpu.memory_space<vmem>>) semaphore(%arg15 : memref<!tpu.dma_semaphore, #tpu.memory_space<semaphore_mem>>)
    %dma_start3A_147 = arith.constant 1 : i32
    %dma_start3A_148 = arith.constant 64 : i32
    %dma_start3A_149 = arith.constant 0 : i32
    %dma_start3A_150 = tpu.memref_slice %arg13[%dma_start3A_148, %dma_start3A_149] : memref<128x128xf32, #tpu.memory_space<vmem>> -> memref<64x128xf32, #tpu.memory_space<vmem>>
    %dma_start3A_151 = arith.constant 64 : i32
    %dma_start3A_152 = tpu.memref_slice %arg9[%dma_start3A_147, %dma_start3A_151] : memref<16x128xi32, #tpu.memory_space<vmem>> -> memref<1x64xi32, #tpu.memory_space<vmem>>
    %dma_start3A_153 = tpu.memref_squeeze %dma_start3A_152 : memref<1x64xi32, #tpu.memory_space<vmem>> -> memref<64xi32, #tpu.memory_space<vmem>>
    %dma_start3A_154 = arith.constant 0 : i32
    %dma_start3A_155 = arith.constant 0 : i32
    %dma_start3A_156 = tpu.memref_slice %arg2[%dma_start3A_154, %dma_start3A_155] : memref<10000x128xf32, #tpu.memory_space<hbm>> -> memref<10000x128xf32, #tpu.memory_space<hbm>>
    tpu.enqueue_indirect_dma source(%dma_start3A_156 : memref<10000x128xf32, #tpu.memory_space<hbm>>) target(%dma_start3A_150 : memref<64x128xf32, #tpu.memory_space<vmem>>) offsets(%dma_start3A_153 : memref<64xi32, #tpu.memory_space<vmem>>) semaphore(%arg15 : memref<!tpu.dma_semaphore, #tpu.memory_space<semaphore_mem>>)
    %dma_start3A_157 = arith.constant 32 : i32
    %dma_start3A_158 = arith.constant 0 : i32
    %dma_start3A_159 = tpu.memref_slice %arg3[%arg0, %arg1, %dma_start3A_157, %dma_start3A_158] : memref<2x16x80x128xi32, #tpu.memory_space<hbm>> -> memref<1x1x16x128xi32, #tpu.memory_space<hbm>>
    %dma_start3A_160 = tpu.memref_squeeze %dma_start3A_159 : memref<1x1x16x128xi32, #tpu.memory_space<hbm>> -> memref<16x128xi32, #tpu.memory_space<hbm>>
    %dma_start3A_161 = arith.constant 32 : i32
    %dma_start3A_162 = arith.constant 0 : i32
    %dma_start3A_163 = tpu.memref_slice %arg3[%arg0, %arg1, %dma_start3A_161, %dma_start3A_162] : memref<2x16x80x128xi32, #tpu.memory_space<hbm>> -> memref<1x1x16x128xi32, #tpu.memory_space<hbm>>
    %dma_start3A_164 = tpu.memref_squeeze %dma_start3A_163 : memref<1x1x16x128xi32, #tpu.memory_space<hbm>> -> memref<16x128xi32, #tpu.memory_space<hbm>>
    tpu.enqueue_dma source(%dma_start3A_164 : memref<16x128xi32, #tpu.memory_space<hbm>>) target(%arg8 : memref<16x128xi32, #tpu.memory_space<vmem>>) target_semaphore(%arg16 : memref<!tpu.dma_semaphore, #tpu.memory_space<semaphore_mem>>)
    %dma_start3A_165 = arith.constant 32 : i32
    %dma_start3A_166 = arith.constant 0 : i32
    %dma_start3A_167 = tpu.memref_slice %arg4[%arg0, %arg1, %dma_start3A_165, %dma_start3A_166] : memref<2x16x80x128xi32, #tpu.memory_space<hbm>> -> memref<1x1x16x128xi32, #tpu.memory_space<hbm>>
    %dma_start3A_168 = tpu.memref_squeeze %dma_start3A_167 : memref<1x1x16x128xi32, #tpu.memory_space<hbm>> -> memref<16x128xi32, #tpu.memory_space<hbm>>
    %dma_start3A_169 = arith.constant 32 : i32
    %dma_start3A_170 = arith.constant 0 : i32
    %dma_start3A_171 = tpu.memref_slice %arg4[%arg0, %arg1, %dma_start3A_169, %dma_start3A_170] : memref<2x16x80x128xi32, #tpu.memory_space<hbm>> -> memref<1x1x16x128xi32, #tpu.memory_space<hbm>>
    %dma_start3A_172 = tpu.memref_squeeze %dma_start3A_171 : memref<1x1x16x128xi32, #tpu.memory_space<hbm>> -> memref<16x128xi32, #tpu.memory_space<hbm>>
    tpu.enqueue_dma source(%dma_start3A_172 : memref<16x128xi32, #tpu.memory_space<hbm>>) target(%arg10 : memref<16x128xi32, #tpu.memory_space<vmem>>) target_semaphore(%arg16 : memref<!tpu.dma_semaphore, #tpu.memory_space<semaphore_mem>>)
    %scan3A_173 = arith.constant 0 : i32
    %scan3A_174 = arith.constant 0 : i32
    %scan3A_175 = arith.constant 7 : i32
    %scan3A_176 = arith.addi %scan3A_174, %scan3A_175 : i32
    %scan3A_177 = arith.constant 1 : i32
    scf.for %scan3A_566 = %scan3A_174 to %scan3A_176 step %scan3A_177  : i32 {
      %mul3A_567 = arith.constant 2 : i32
      %mul3A_568 = arith.muli %mul3A_567, %scan3A_566 : i32
      %dma_wait3A_569 = arith.constant 0 : i32
      %dma_wait3A_570 = arith.constant 0 : i32
      %dma_wait3A_571 = tpu.memref_slice %arg12[%dma_wait3A_569, %dma_wait3A_570] : memref<128x128xf32, #tpu.memory_space<vmem>> -> memref<64x128xf32, #tpu.memory_space<vmem>>
      %dma_wait3A_572 = arith.constant 0 : i32
      %dma_wait3A_573 = tpu.memref_slice %arg9[%mul3A_568, %dma_wait3A_572] : memref<16x128xi32, #tpu.memory_space<vmem>> -> memref<1x64xi32, #tpu.memory_space<vmem>>
      %dma_wait3A_574 = tpu.memref_squeeze %dma_wait3A_573 : memref<1x64xi32, #tpu.memory_space<vmem>> -> memref<64xi32, #tpu.memory_space<vmem>>
      %dma_wait3A_575 = arith.constant 0 : i32
      %dma_wait3A_576 = arith.constant 0 : i32
      %dma_wait3A_577 = tpu.memref_slice %arg2[%dma_wait3A_575, %dma_wait3A_576] : memref<10000x128xf32, #tpu.memory_space<hbm>> -> memref<10000x128xf32, #tpu.memory_space<hbm>>
      tpu.wait_indirect_dma semaphore(%arg14 : memref<!tpu.dma_semaphore, #tpu.memory_space<semaphore_mem>>) src(%dma_wait3A_577 : memref<10000x128xf32, #tpu.memory_space<hbm>>) dst(%dma_wait3A_571 : memref<64x128xf32, #tpu.memory_space<vmem>>)
      %dma_wait3A_578 = arith.constant 64 : i32
      %dma_wait3A_579 = arith.constant 0 : i32
      %dma_wait3A_580 = tpu.memref_slice %arg12[%dma_wait3A_578, %dma_wait3A_579] : memref<128x128xf32, #tpu.memory_space<vmem>> -> memref<64x128xf32, #tpu.memory_space<vmem>>
      %dma_wait3A_581 = arith.constant 64 : i32
      %dma_wait3A_582 = tpu.memref_slice %arg9[%mul3A_568, %dma_wait3A_581] : memref<16x128xi32, #tpu.memory_space<vmem>> -> memref<1x64xi32, #tpu.memory_space<vmem>>
      %dma_wait3A_583 = tpu.memref_squeeze %dma_wait3A_582 : memref<1x64xi32, #tpu.memory_space<vmem>> -> memref<64xi32, #tpu.memory_space<vmem>>
      %dma_wait3A_584 = arith.constant 0 : i32
      %dma_wait3A_585 = arith.constant 0 : i32
      %dma_wait3A_586 = tpu.memref_slice %arg2[%dma_wait3A_584, %dma_wait3A_585] : memref<10000x128xf32, #tpu.memory_space<hbm>> -> memref<10000x128xf32, #tpu.memory_space<hbm>>
      tpu.wait_indirect_dma semaphore(%arg14 : memref<!tpu.dma_semaphore, #tpu.memory_space<semaphore_mem>>) src(%dma_wait3A_586 : memref<10000x128xf32, #tpu.memory_space<hbm>>) dst(%dma_wait3A_580 : memref<64x128xf32, #tpu.memory_space<vmem>>)
      "tpu.region"() ({
        %run_scoped3A_652 = tpu.sem_alloc : memref<!tpu.dma_semaphore, #tpu.memory_space<semaphore_mem>>
        %dma_start3A_653 = arith.constant 0 : i32
        %dma_start3A_654 = tpu.memref_slice %arg11[%mul3A_568, %dma_start3A_653] : memref<16x128xi32, #tpu.memory_space<vmem>> -> memref<1x128xi32, #tpu.memory_space<vmem>>
        %dma_start3A_655 = tpu.memref_squeeze %dma_start3A_654 : memref<1x128xi32, #tpu.memory_space<vmem>> -> memref<128xi32, #tpu.memory_space<vmem>>
        %dma_start3A_656 = arith.constant 0 : i32
        %dma_start3A_657 = arith.constant 0 : i32
        %dma_start3A_658 = tpu.memref_slice %arg7[%dma_start3A_656, %dma_start3A_657] : memref<10240x128xf32, #tpu.memory_space<vmem_shared>> -> memref<10240x128xf32, #tpu.memory_space<vmem_shared>>
        tpu.enqueue_indirect_dma source(%arg12 : memref<128x128xf32, #tpu.memory_space<vmem>>) target(%dma_start3A_658 : memref<10240x128xf32, #tpu.memory_space<vmem_shared>>) offsets(%dma_start3A_655 : memref<128xi32, #tpu.memory_space<vmem>>) semaphore(%run_scoped3A_652 : memref<!tpu.dma_semaphore, #tpu.memory_space<semaphore_mem>>) {add = true}
        %dma_wait3A_659 = arith.constant 0 : i32
        %dma_wait3A_660 = tpu.memref_slice %arg11[%mul3A_568, %dma_wait3A_659] : memref<16x128xi32, #tpu.memory_space<vmem>> -> memref<1x128xi32, #tpu.memory_space<vmem>>
        %dma_wait3A_661 = tpu.memref_squeeze %dma_wait3A_660 : memref<1x128xi32, #tpu.memory_space<vmem>> -> memref<128xi32, #tpu.memory_space<vmem>>
        %dma_wait3A_662 = arith.constant 0 : i32
        %dma_wait3A_663 = arith.constant 0 : i32
        %dma_wait3A_664 = tpu.memref_slice %arg7[%dma_wait3A_662, %dma_wait3A_663] : memref<10240x128xf32, #tpu.memory_space<vmem_shared>> -> memref<10240x128xf32, #tpu.memory_space<vmem_shared>>
        tpu.wait_indirect_dma semaphore(%run_scoped3A_652 : memref<!tpu.dma_semaphore, #tpu.memory_space<semaphore_mem>>) src(%arg12 : memref<128x128xf32, #tpu.memory_space<vmem>>) dst(%dma_wait3A_664 : memref<10240x128xf32, #tpu.memory_space<vmem_shared>>)
        tpu.yield
      }) : () -> ()
      %mul3A_587 = arith.constant 2 : i32
      %mul3A_588 = arith.muli %mul3A_587, %scan3A_566 : i32
      %add3A = arith.constant 2 : i32
      %add3A_589 = arith.addi %mul3A_588, %add3A : i32
      %dma_start3A_590 = arith.constant 0 : i32
      %dma_start3A_591 = arith.constant 0 : i32
      %dma_start3A_592 = tpu.memref_slice %arg12[%dma_start3A_590, %dma_start3A_591] : memref<128x128xf32, #tpu.memory_space<vmem>> -> memref<64x128xf32, #tpu.memory_space<vmem>>
      %dma_start3A_593 = arith.constant 0 : i32
      %dma_start3A_594 = tpu.memref_slice %arg9[%add3A_589, %dma_start3A_593] : memref<16x128xi32, #tpu.memory_space<vmem>> -> memref<1x64xi32, #tpu.memory_space<vmem>>
      %dma_start3A_595 = tpu.memref_squeeze %dma_start3A_594 : memref<1x64xi32, #tpu.memory_space<vmem>> -> memref<64xi32, #tpu.memory_space<vmem>>
      %dma_start3A_596 = arith.constant 0 : i32
      %dma_start3A_597 = arith.constant 0 : i32
      %dma_start3A_598 = tpu.memref_slice %arg2[%dma_start3A_596, %dma_start3A_597] : memref<10000x128xf32, #tpu.memory_space<hbm>> -> memref<10000x128xf32, #tpu.memory_space<hbm>>
      tpu.enqueue_indirect_dma source(%dma_start3A_598 : memref<10000x128xf32, #tpu.memory_space<hbm>>) target(%dma_start3A_592 : memref<64x128xf32, #tpu.memory_space<vmem>>) offsets(%dma_start3A_595 : memref<64xi32, #tpu.memory_space<vmem>>) semaphore(%arg14 : memref<!tpu.dma_semaphore, #tpu.memory_space<semaphore_mem>>)
      %dma_start3A_599 = arith.constant 64 : i32
      %dma_start3A_600 = arith.constant 0 : i32
      %dma_start3A_601 = tpu.memref_slice %arg12[%dma_start3A_599, %dma_start3A_600] : memref<128x128xf32, #tpu.memory_space<vmem>> -> memref<64x128xf32, #tpu.memory_space<vmem>>
      %dma_start3A_602 = arith.constant 64 : i32
      %dma_start3A_603 = tpu.memref_slice %arg9[%add3A_589, %dma_start3A_602] : memref<16x128xi32, #tpu.memory_space<vmem>> -> memref<1x64xi32, #tpu.memory_space<vmem>>
      %dma_start3A_604 = tpu.memref_squeeze %dma_start3A_603 : memref<1x64xi32, #tpu.memory_space<vmem>> -> memref<64xi32, #tpu.memory_space<vmem>>
      %dma_start3A_605 = arith.constant 0 : i32
      %dma_start3A_606 = arith.constant 0 : i32
      %dma_start3A_607 = tpu.memref_slice %arg2[%dma_start3A_605, %dma_start3A_606] : memref<10000x128xf32, #tpu.memory_space<hbm>> -> memref<10000x128xf32, #tpu.memory_space<hbm>>
      tpu.enqueue_indirect_dma source(%dma_start3A_607 : memref<10000x128xf32, #tpu.memory_space<hbm>>) target(%dma_start3A_601 : memref<64x128xf32, #tpu.memory_space<vmem>>) offsets(%dma_start3A_604 : memref<64xi32, #tpu.memory_space<vmem>>) semaphore(%arg14 : memref<!tpu.dma_semaphore, #tpu.memory_space<semaphore_mem>>)
      %mul3A_608 = arith.constant 2 : i32
      %mul3A_609 = arith.muli %mul3A_608, %scan3A_566 : i32
      %add3A_610 = arith.constant 1 : i32
      %add3A_611 = arith.addi %mul3A_609, %add3A_610 : i32
      %dma_wait3A_612 = arith.constant 0 : i32
      %dma_wait3A_613 = arith.constant 0 : i32
      %dma_wait3A_614 = tpu.memref_slice %arg13[%dma_wait3A_612, %dma_wait3A_613] : memref<128x128xf32, #tpu.memory_space<vmem>> -> memref<64x128xf32, #tpu.memory_space<vmem>>
      %dma_wait3A_615 = arith.constant 0 : i32
      %dma_wait3A_616 = tpu.memref_slice %arg9[%add3A_611, %dma_wait3A_615] : memref<16x128xi32, #tpu.memory_space<vmem>> -> memref<1x64xi32, #tpu.memory_space<vmem>>
      %dma_wait3A_617 = tpu.memref_squeeze %dma_wait3A_616 : memref<1x64xi32, #tpu.memory_space<vmem>> -> memref<64xi32, #tpu.memory_space<vmem>>
      %dma_wait3A_618 = arith.constant 0 : i32
      %dma_wait3A_619 = arith.constant 0 : i32
      %dma_wait3A_620 = tpu.memref_slice %arg2[%dma_wait3A_618, %dma_wait3A_619] : memref<10000x128xf32, #tpu.memory_space<hbm>> -> memref<10000x128xf32, #tpu.memory_space<hbm>>
      tpu.wait_indirect_dma semaphore(%arg15 : memref<!tpu.dma_semaphore, #tpu.memory_space<semaphore_mem>>) src(%dma_wait3A_620 : memref<10000x128xf32, #tpu.memory_space<hbm>>) dst(%dma_wait3A_614 : memref<64x128xf32, #tpu.memory_space<vmem>>)
      %dma_wait3A_621 = arith.constant 64 : i32
      %dma_wait3A_622 = arith.constant 0 : i32
      %dma_wait3A_623 = tpu.memref_slice %arg13[%dma_wait3A_621, %dma_wait3A_622] : memref<128x128xf32, #tpu.memory_space<vmem>> -> memref<64x128xf32, #tpu.memory_space<vmem>>
      %dma_wait3A_624 = arith.constant 64 : i32
      %dma_wait3A_625 = tpu.memref_slice %arg9[%add3A_611, %dma_wait3A_624] : memref<16x128xi32, #tpu.memory_space<vmem>> -> memref<1x64xi32, #tpu.memory_space<vmem>>
      %dma_wait3A_626 = tpu.memref_squeeze %dma_wait3A_625 : memref<1x64xi32, #tpu.memory_space<vmem>> -> memref<64xi32, #tpu.memory_space<vmem>>
      %dma_wait3A_627 = arith.constant 0 : i32
      %dma_wait3A_628 = arith.constant 0 : i32
      %dma_wait3A_629 = tpu.memref_slice %arg2[%dma_wait3A_627, %dma_wait3A_628] : memref<10000x128xf32, #tpu.memory_space<hbm>> -> memref<10000x128xf32, #tpu.memory_space<hbm>>
      tpu.wait_indirect_dma semaphore(%arg15 : memref<!tpu.dma_semaphore, #tpu.memory_space<semaphore_mem>>) src(%dma_wait3A_629 : memref<10000x128xf32, #tpu.memory_space<hbm>>) dst(%dma_wait3A_623 : memref<64x128xf32, #tpu.memory_space<vmem>>)
      "tpu.region"() ({
        %run_scoped3A_652 = tpu.sem_alloc : memref<!tpu.dma_semaphore, #tpu.memory_space<semaphore_mem>>
        %dma_start3A_653 = arith.constant 0 : i32
        %dma_start3A_654 = tpu.memref_slice %arg11[%add3A_611, %dma_start3A_653] : memref<16x128xi32, #tpu.memory_space<vmem>> -> memref<1x128xi32, #tpu.memory_space<vmem>>
        %dma_start3A_655 = tpu.memref_squeeze %dma_start3A_654 : memref<1x128xi32, #tpu.memory_space<vmem>> -> memref<128xi32, #tpu.memory_space<vmem>>
        %dma_start3A_656 = arith.constant 0 : i32
        %dma_start3A_657 = arith.constant 0 : i32
        %dma_start3A_658 = tpu.memref_slice %arg7[%dma_start3A_656, %dma_start3A_657] : memref<10240x128xf32, #tpu.memory_space<vmem_shared>> -> memref<10240x128xf32, #tpu.memory_space<vmem_shared>>
        tpu.enqueue_indirect_dma source(%arg13 : memref<128x128xf32, #tpu.memory_space<vmem>>) target(%dma_start3A_658 : memref<10240x128xf32, #tpu.memory_space<vmem_shared>>) offsets(%dma_start3A_655 : memref<128xi32, #tpu.memory_space<vmem>>) semaphore(%run_scoped3A_652 : memref<!tpu.dma_semaphore, #tpu.memory_space<semaphore_mem>>) {add = true}
        %dma_wait3A_659 = arith.constant 0 : i32
        %dma_wait3A_660 = tpu.memref_slice %arg11[%add3A_611, %dma_wait3A_659] : memref<16x128xi32, #tpu.memory_space<vmem>> -> memref<1x128xi32, #tpu.memory_space<vmem>>
        %dma_wait3A_661 = tpu.memref_squeeze %dma_wait3A_660 : memref<1x128xi32, #tpu.memory_space<vmem>> -> memref<128xi32, #tpu.memory_space<vmem>>
        %dma_wait3A_662 = arith.constant 0 : i32
        %dma_wait3A_663 = arith.constant 0 : i32
        %dma_wait3A_664 = tpu.memref_slice %arg7[%dma_wait3A_662, %dma_wait3A_663] : memref<10240x128xf32, #tpu.memory_space<vmem_shared>> -> memref<10240x128xf32, #tpu.memory_space<vmem_shared>>
        tpu.wait_indirect_dma semaphore(%run_scoped3A_652 : memref<!tpu.dma_semaphore, #tpu.memory_space<semaphore_mem>>) src(%arg13 : memref<128x128xf32, #tpu.memory_space<vmem>>) dst(%dma_wait3A_664 : memref<10240x128xf32, #tpu.memory_space<vmem_shared>>)
        tpu.yield
      }) : () -> ()
      %mul3A_630 = arith.constant 2 : i32
      %mul3A_631 = arith.muli %mul3A_630, %scan3A_566 : i32
      %add3A_632 = arith.constant 3 : i32
      %add3A_633 = arith.addi %mul3A_631, %add3A_632 : i32
      %dma_start3A_634 = arith.constant 0 : i32
      %dma_start3A_635 = arith.constant 0 : i32
      %dma_start3A_636 = tpu.memref_slice %arg13[%dma_start3A_634, %dma_start3A_635] : memref<128x128xf32, #tpu.memory_space<vmem>> -> memref<64x128xf32, #tpu.memory_space<vmem>>
      %dma_start3A_637 = arith.constant 0 : i32
      %dma_start3A_638 = tpu.memref_slice %arg9[%add3A_633, %dma_start3A_637] : memref<16x128xi32, #tpu.memory_space<vmem>> -> memref<1x64xi32, #tpu.memory_space<vmem>>
      %dma_start3A_639 = tpu.memref_squeeze %dma_start3A_638 : memref<1x64xi32, #tpu.memory_space<vmem>> -> memref<64xi32, #tpu.memory_space<vmem>>
      %dma_start3A_640 = arith.constant 0 : i32
      %dma_start3A_641 = arith.constant 0 : i32
      %dma_start3A_642 = tpu.memref_slice %arg2[%dma_start3A_640, %dma_start3A_641] : memref<10000x128xf32, #tpu.memory_space<hbm>> -> memref<10000x128xf32, #tpu.memory_space<hbm>>
      tpu.enqueue_indirect_dma source(%dma_start3A_642 : memref<10000x128xf32, #tpu.memory_space<hbm>>) target(%dma_start3A_636 : memref<64x128xf32, #tpu.memory_space<vmem>>) offsets(%dma_start3A_639 : memref<64xi32, #tpu.memory_space<vmem>>) semaphore(%arg15 : memref<!tpu.dma_semaphore, #tpu.memory_space<semaphore_mem>>)
      %dma_start3A_643 = arith.constant 64 : i32
      %dma_start3A_644 = arith.constant 0 : i32
      %dma_start3A_645 = tpu.memref_slice %arg13[%dma_start3A_643, %dma_start3A_644] : memref<128x128xf32, #tpu.memory_space<vmem>> -> memref<64x128xf32, #tpu.memory_space<vmem>>
      %dma_start3A_646 = arith.constant 64 : i32
      %dma_start3A_647 = tpu.memref_slice %arg9[%add3A_633, %dma_start3A_646] : memref<16x128xi32, #tpu.memory_space<vmem>> -> memref<1x64xi32, #tpu.memory_space<vmem>>
      %dma_start3A_648 = tpu.memref_squeeze %dma_start3A_647 : memref<1x64xi32, #tpu.memory_space<vmem>> -> memref<64xi32, #tpu.memory_space<vmem>>
      %dma_start3A_649 = arith.constant 0 : i32
      %dma_start3A_650 = arith.constant 0 : i32
      %dma_start3A_651 = tpu.memref_slice %arg2[%dma_start3A_649, %dma_start3A_650] : memref<10000x128xf32, #tpu.memory_space<hbm>> -> memref<10000x128xf32, #tpu.memory_space<hbm>>
      tpu.enqueue_indirect_dma source(%dma_start3A_651 : memref<10000x128xf32, #tpu.memory_space<hbm>>) target(%dma_start3A_645 : memref<64x128xf32, #tpu.memory_space<vmem>>) offsets(%dma_start3A_648 : memref<64xi32, #tpu.memory_space<vmem>>) semaphore(%arg15 : memref<!tpu.dma_semaphore, #tpu.memory_space<semaphore_mem>>)
    }
    %scan3A_178 = arith.constant 7 : i32
    %dma_wait3A_179 = arith.constant 14 : i32
    %dma_wait3A_180 = arith.constant 0 : i32
    %dma_wait3A_181 = arith.constant 0 : i32
    %dma_wait3A_182 = tpu.memref_slice %arg12[%dma_wait3A_180, %dma_wait3A_181] : memref<128x128xf32, #tpu.memory_space<vmem>> -> memref<64x128xf32, #tpu.memory_space<vmem>>
    %dma_wait3A_183 = arith.constant 0 : i32
    %dma_wait3A_184 = tpu.memref_slice %arg9[%dma_wait3A_179, %dma_wait3A_183] : memref<16x128xi32, #tpu.memory_space<vmem>> -> memref<1x64xi32, #tpu.memory_space<vmem>>
    %dma_wait3A_185 = tpu.memref_squeeze %dma_wait3A_184 : memref<1x64xi32, #tpu.memory_space<vmem>> -> memref<64xi32, #tpu.memory_space<vmem>>
    %dma_wait3A_186 = arith.constant 0 : i32
    %dma_wait3A_187 = arith.constant 0 : i32
    %dma_wait3A_188 = tpu.memref_slice %arg2[%dma_wait3A_186, %dma_wait3A_187] : memref<10000x128xf32, #tpu.memory_space<hbm>> -> memref<10000x128xf32, #tpu.memory_space<hbm>>
    tpu.wait_indirect_dma semaphore(%arg14 : memref<!tpu.dma_semaphore, #tpu.memory_space<semaphore_mem>>) src(%dma_wait3A_188 : memref<10000x128xf32, #tpu.memory_space<hbm>>) dst(%dma_wait3A_182 : memref<64x128xf32, #tpu.memory_space<vmem>>)
    %dma_wait3A_189 = arith.constant 14 : i32
    %dma_wait3A_190 = arith.constant 64 : i32
    %dma_wait3A_191 = arith.constant 0 : i32
    %dma_wait3A_192 = tpu.memref_slice %arg12[%dma_wait3A_190, %dma_wait3A_191] : memref<128x128xf32, #tpu.memory_space<vmem>> -> memref<64x128xf32, #tpu.memory_space<vmem>>
    %dma_wait3A_193 = arith.constant 64 : i32
    %dma_wait3A_194 = tpu.memref_slice %arg9[%dma_wait3A_189, %dma_wait3A_193] : memref<16x128xi32, #tpu.memory_space<vmem>> -> memref<1x64xi32, #tpu.memory_space<vmem>>
    %dma_wait3A_195 = tpu.memref_squeeze %dma_wait3A_194 : memref<1x64xi32, #tpu.memory_space<vmem>> -> memref<64xi32, #tpu.memory_space<vmem>>
    %dma_wait3A_196 = arith.constant 0 : i32
    %dma_wait3A_197 = arith.constant 0 : i32
    %dma_wait3A_198 = tpu.memref_slice %arg2[%dma_wait3A_196, %dma_wait3A_197] : memref<10000x128xf32, #tpu.memory_space<hbm>> -> memref<10000x128xf32, #tpu.memory_space<hbm>>
    tpu.wait_indirect_dma semaphore(%arg14 : memref<!tpu.dma_semaphore, #tpu.memory_space<semaphore_mem>>) src(%dma_wait3A_198 : memref<10000x128xf32, #tpu.memory_space<hbm>>) dst(%dma_wait3A_192 : memref<64x128xf32, #tpu.memory_space<vmem>>)
    %run_scoped3A_199 = arith.constant 14 : i32
    "tpu.region"() ({
      %run_scoped3A_566 = tpu.sem_alloc : memref<!tpu.dma_semaphore, #tpu.memory_space<semaphore_mem>>
      %dma_start3A_567 = arith.constant 0 : i32
      %dma_start3A_568 = tpu.memref_slice %arg11[%run_scoped3A_199, %dma_start3A_567] : memref<16x128xi32, #tpu.memory_space<vmem>> -> memref<1x128xi32, #tpu.memory_space<vmem>>
      %dma_start3A_569 = tpu.memref_squeeze %dma_start3A_568 : memref<1x128xi32, #tpu.memory_space<vmem>> -> memref<128xi32, #tpu.memory_space<vmem>>
      %dma_start3A_570 = arith.constant 0 : i32
      %dma_start3A_571 = arith.constant 0 : i32
      %dma_start3A_572 = tpu.memref_slice %arg7[%dma_start3A_570, %dma_start3A_571] : memref<10240x128xf32, #tpu.memory_space<vmem_shared>> -> memref<10240x128xf32, #tpu.memory_space<vmem_shared>>
      tpu.enqueue_indirect_dma source(%arg12 : memref<128x128xf32, #tpu.memory_space<vmem>>) target(%dma_start3A_572 : memref<10240x128xf32, #tpu.memory_space<vmem_shared>>) offsets(%dma_start3A_569 : memref<128xi32, #tpu.memory_space<vmem>>) semaphore(%run_scoped3A_566 : memref<!tpu.dma_semaphore, #tpu.memory_space<semaphore_mem>>) {add = true}
      %dma_wait3A_573 = arith.constant 0 : i32
      %dma_wait3A_574 = tpu.memref_slice %arg11[%run_scoped3A_199, %dma_wait3A_573] : memref<16x128xi32, #tpu.memory_space<vmem>> -> memref<1x128xi32, #tpu.memory_space<vmem>>
      %dma_wait3A_575 = tpu.memref_squeeze %dma_wait3A_574 : memref<1x128xi32, #tpu.memory_space<vmem>> -> memref<128xi32, #tpu.memory_space<vmem>>
      %dma_wait3A_576 = arith.constant 0 : i32
      %dma_wait3A_577 = arith.constant 0 : i32
      %dma_wait3A_578 = tpu.memref_slice %arg7[%dma_wait3A_576, %dma_wait3A_577] : memref<10240x128xf32, #tpu.memory_space<vmem_shared>> -> memref<10240x128xf32, #tpu.memory_space<vmem_shared>>
      tpu.wait_indirect_dma semaphore(%run_scoped3A_566 : memref<!tpu.dma_semaphore, #tpu.memory_space<semaphore_mem>>) src(%arg12 : memref<128x128xf32, #tpu.memory_space<vmem>>) dst(%dma_wait3A_578 : memref<10240x128xf32, #tpu.memory_space<vmem_shared>>)
      tpu.yield
    }) : () -> ()
    %dma_wait3A_200 = arith.constant 32 : i32
    %dma_wait3A_201 = arith.constant 0 : i32
    %dma_wait3A_202 = tpu.memref_slice %arg3[%arg0, %arg1, %dma_wait3A_200, %dma_wait3A_201] : memref<2x16x80x128xi32, #tpu.memory_space<hbm>> -> memref<1x1x16x128xi32, #tpu.memory_space<hbm>>
    %dma_wait3A_203 = tpu.memref_squeeze %dma_wait3A_202 : memref<1x1x16x128xi32, #tpu.memory_space<hbm>> -> memref<16x128xi32, #tpu.memory_space<hbm>>
    %dma_wait3A_204 = arith.constant 32 : i32
    %dma_wait3A_205 = arith.constant 0 : i32
    %dma_wait3A_206 = tpu.memref_slice %arg3[%arg0, %arg1, %dma_wait3A_204, %dma_wait3A_205] : memref<2x16x80x128xi32, #tpu.memory_space<hbm>> -> memref<1x1x16x128xi32, #tpu.memory_space<hbm>>
    %dma_wait3A_207 = tpu.memref_squeeze %dma_wait3A_206 : memref<1x1x16x128xi32, #tpu.memory_space<hbm>> -> memref<16x128xi32, #tpu.memory_space<hbm>>
    tpu.wait_dma2 semaphore(%arg16 : memref<!tpu.dma_semaphore, #tpu.memory_space<semaphore_mem>>) src(%dma_wait3A_207 : memref<16x128xi32, #tpu.memory_space<hbm>>) dst(%arg8 : memref<16x128xi32, #tpu.memory_space<vmem>>)
    %dma_wait3A_208 = arith.constant 32 : i32
    %dma_wait3A_209 = arith.constant 0 : i32
    %dma_wait3A_210 = tpu.memref_slice %arg4[%arg0, %arg1, %dma_wait3A_208, %dma_wait3A_209] : memref<2x16x80x128xi32, #tpu.memory_space<hbm>> -> memref<1x1x16x128xi32, #tpu.memory_space<hbm>>
    %dma_wait3A_211 = tpu.memref_squeeze %dma_wait3A_210 : memref<1x1x16x128xi32, #tpu.memory_space<hbm>> -> memref<16x128xi32, #tpu.memory_space<hbm>>
    %dma_wait3A_212 = arith.constant 32 : i32
    %dma_wait3A_213 = arith.constant 0 : i32
    %dma_wait3A_214 = tpu.memref_slice %arg4[%arg0, %arg1, %dma_wait3A_212, %dma_wait3A_213] : memref<2x16x80x128xi32, #tpu.memory_space<hbm>> -> memref<1x1x16x128xi32, #tpu.memory_space<hbm>>
    %dma_wait3A_215 = tpu.memref_squeeze %dma_wait3A_214 : memref<1x1x16x128xi32, #tpu.memory_space<hbm>> -> memref<16x128xi32, #tpu.memory_space<hbm>>
    tpu.wait_dma2 semaphore(%arg16 : memref<!tpu.dma_semaphore, #tpu.memory_space<semaphore_mem>>) src(%dma_wait3A_215 : memref<16x128xi32, #tpu.memory_space<hbm>>) dst(%arg10 : memref<16x128xi32, #tpu.memory_space<vmem>>)
    %dma_start3A_216 = arith.constant 0 : i32
    %dma_start3A_217 = arith.constant 0 : i32
    %dma_start3A_218 = arith.constant 0 : i32
    %dma_start3A_219 = tpu.memref_slice %arg12[%dma_start3A_217, %dma_start3A_218] : memref<128x128xf32, #tpu.memory_space<vmem>> -> memref<64x128xf32, #tpu.memory_space<vmem>>
    %dma_start3A_220 = arith.constant 0 : i32
    %dma_start3A_221 = tpu.memref_slice %arg8[%dma_start3A_216, %dma_start3A_220] : memref<16x128xi32, #tpu.memory_space<vmem>> -> memref<1x64xi32, #tpu.memory_space<vmem>>
    %dma_start3A_222 = tpu.memref_squeeze %dma_start3A_221 : memref<1x64xi32, #tpu.memory_space<vmem>> -> memref<64xi32, #tpu.memory_space<vmem>>
    %dma_start3A_223 = arith.constant 0 : i32
    %dma_start3A_224 = arith.constant 0 : i32
    %dma_start3A_225 = tpu.memref_slice %arg2[%dma_start3A_223, %dma_start3A_224] : memref<10000x128xf32, #tpu.memory_space<hbm>> -> memref<10000x128xf32, #tpu.memory_space<hbm>>
    tpu.enqueue_indirect_dma source(%dma_start3A_225 : memref<10000x128xf32, #tpu.memory_space<hbm>>) target(%dma_start3A_219 : memref<64x128xf32, #tpu.memory_space<vmem>>) offsets(%dma_start3A_222 : memref<64xi32, #tpu.memory_space<vmem>>) semaphore(%arg14 : memref<!tpu.dma_semaphore, #tpu.memory_space<semaphore_mem>>)
    %dma_start3A_226 = arith.constant 0 : i32
    %dma_start3A_227 = arith.constant 64 : i32
    %dma_start3A_228 = arith.constant 0 : i32
    %dma_start3A_229 = tpu.memref_slice %arg12[%dma_start3A_227, %dma_start3A_228] : memref<128x128xf32, #tpu.memory_space<vmem>> -> memref<64x128xf32, #tpu.memory_space<vmem>>
    %dma_start3A_230 = arith.constant 64 : i32
    %dma_start3A_231 = tpu.memref_slice %arg8[%dma_start3A_226, %dma_start3A_230] : memref<16x128xi32, #tpu.memory_space<vmem>> -> memref<1x64xi32, #tpu.memory_space<vmem>>
    %dma_start3A_232 = tpu.memref_squeeze %dma_start3A_231 : memref<1x64xi32, #tpu.memory_space<vmem>> -> memref<64xi32, #tpu.memory_space<vmem>>
    %dma_start3A_233 = arith.constant 0 : i32
    %dma_start3A_234 = arith.constant 0 : i32
    %dma_start3A_235 = tpu.memref_slice %arg2[%dma_start3A_233, %dma_start3A_234] : memref<10000x128xf32, #tpu.memory_space<hbm>> -> memref<10000x128xf32, #tpu.memory_space<hbm>>
    tpu.enqueue_indirect_dma source(%dma_start3A_235 : memref<10000x128xf32, #tpu.memory_space<hbm>>) target(%dma_start3A_229 : memref<64x128xf32, #tpu.memory_space<vmem>>) offsets(%dma_start3A_232 : memref<64xi32, #tpu.memory_space<vmem>>) semaphore(%arg14 : memref<!tpu.dma_semaphore, #tpu.memory_space<semaphore_mem>>)
    %dma_wait3A_236 = arith.constant 15 : i32
    %dma_wait3A_237 = arith.constant 0 : i32
    %dma_wait3A_238 = arith.constant 0 : i32
    %dma_wait3A_239 = tpu.memref_slice %arg13[%dma_wait3A_237, %dma_wait3A_238] : memref<128x128xf32, #tpu.memory_space<vmem>> -> memref<64x128xf32, #tpu.memory_space<vmem>>
    %dma_wait3A_240 = arith.constant 0 : i32
    %dma_wait3A_241 = tpu.memref_slice %arg9[%dma_wait3A_236, %dma_wait3A_240] : memref<16x128xi32, #tpu.memory_space<vmem>> -> memref<1x64xi32, #tpu.memory_space<vmem>>
    %dma_wait3A_242 = tpu.memref_squeeze %dma_wait3A_241 : memref<1x64xi32, #tpu.memory_space<vmem>> -> memref<64xi32, #tpu.memory_space<vmem>>
    %dma_wait3A_243 = arith.constant 0 : i32
    %dma_wait3A_244 = arith.constant 0 : i32
    %dma_wait3A_245 = tpu.memref_slice %arg2[%dma_wait3A_243, %dma_wait3A_244] : memref<10000x128xf32, #tpu.memory_space<hbm>> -> memref<10000x128xf32, #tpu.memory_space<hbm>>
    tpu.wait_indirect_dma semaphore(%arg15 : memref<!tpu.dma_semaphore, #tpu.memory_space<semaphore_mem>>) src(%dma_wait3A_245 : memref<10000x128xf32, #tpu.memory_space<hbm>>) dst(%dma_wait3A_239 : memref<64x128xf32, #tpu.memory_space<vmem>>)
    %dma_wait3A_246 = arith.constant 15 : i32
    %dma_wait3A_247 = arith.constant 64 : i32
    %dma_wait3A_248 = arith.constant 0 : i32
    %dma_wait3A_249 = tpu.memref_slice %arg13[%dma_wait3A_247, %dma_wait3A_248] : memref<128x128xf32, #tpu.memory_space<vmem>> -> memref<64x128xf32, #tpu.memory_space<vmem>>
    %dma_wait3A_250 = arith.constant 64 : i32
    %dma_wait3A_251 = tpu.memref_slice %arg9[%dma_wait3A_246, %dma_wait3A_250] : memref<16x128xi32, #tpu.memory_space<vmem>> -> memref<1x64xi32, #tpu.memory_space<vmem>>
    %dma_wait3A_252 = tpu.memref_squeeze %dma_wait3A_251 : memref<1x64xi32, #tpu.memory_space<vmem>> -> memref<64xi32, #tpu.memory_space<vmem>>
    %dma_wait3A_253 = arith.constant 0 : i32
    %dma_wait3A_254 = arith.constant 0 : i32
    %dma_wait3A_255 = tpu.memref_slice %arg2[%dma_wait3A_253, %dma_wait3A_254] : memref<10000x128xf32, #tpu.memory_space<hbm>> -> memref<10000x128xf32, #tpu.memory_space<hbm>>
    tpu.wait_indirect_dma semaphore(%arg15 : memref<!tpu.dma_semaphore, #tpu.memory_space<semaphore_mem>>) src(%dma_wait3A_255 : memref<10000x128xf32, #tpu.memory_space<hbm>>) dst(%dma_wait3A_249 : memref<64x128xf32, #tpu.memory_space<vmem>>)
    %run_scoped3A_256 = arith.constant 15 : i32
    "tpu.region"() ({
      %run_scoped3A_566 = tpu.sem_alloc : memref<!tpu.dma_semaphore, #tpu.memory_space<semaphore_mem>>
      %dma_start3A_567 = arith.constant 0 : i32
      %dma_start3A_568 = tpu.memref_slice %arg11[%run_scoped3A_256, %dma_start3A_567] : memref<16x128xi32, #tpu.memory_space<vmem>> -> memref<1x128xi32, #tpu.memory_space<vmem>>
      %dma_start3A_569 = tpu.memref_squeeze %dma_start3A_568 : memref<1x128xi32, #tpu.memory_space<vmem>> -> memref<128xi32, #tpu.memory_space<vmem>>
      %dma_start3A_570 = arith.constant 0 : i32
      %dma_start3A_571 = arith.constant 0 : i32
      %dma_start3A_572 = tpu.memref_slice %arg7[%dma_start3A_570, %dma_start3A_571] : memref<10240x128xf32, #tpu.memory_space<vmem_shared>> -> memref<10240x128xf32, #tpu.memory_space<vmem_shared>>
      tpu.enqueue_indirect_dma source(%arg13 : memref<128x128xf32, #tpu.memory_space<vmem>>) target(%dma_start3A_572 : memref<10240x128xf32, #tpu.memory_space<vmem_shared>>) offsets(%dma_start3A_569 : memref<128xi32, #tpu.memory_space<vmem>>) semaphore(%run_scoped3A_566 : memref<!tpu.dma_semaphore, #tpu.memory_space<semaphore_mem>>) {add = true}
      %dma_wait3A_573 = arith.constant 0 : i32
      %dma_wait3A_574 = tpu.memref_slice %arg11[%run_scoped3A_256, %dma_wait3A_573] : memref<16x128xi32, #tpu.memory_space<vmem>> -> memref<1x128xi32, #tpu.memory_space<vmem>>
      %dma_wait3A_575 = tpu.memref_squeeze %dma_wait3A_574 : memref<1x128xi32, #tpu.memory_space<vmem>> -> memref<128xi32, #tpu.memory_space<vmem>>
      %dma_wait3A_576 = arith.constant 0 : i32
      %dma_wait3A_577 = arith.constant 0 : i32
      %dma_wait3A_578 = tpu.memref_slice %arg7[%dma_wait3A_576, %dma_wait3A_577] : memref<10240x128xf32, #tpu.memory_space<vmem_shared>> -> memref<10240x128xf32, #tpu.memory_space<vmem_shared>>
      tpu.wait_indirect_dma semaphore(%run_scoped3A_566 : memref<!tpu.dma_semaphore, #tpu.memory_space<semaphore_mem>>) src(%arg13 : memref<128x128xf32, #tpu.memory_space<vmem>>) dst(%dma_wait3A_578 : memref<10240x128xf32, #tpu.memory_space<vmem_shared>>)
      tpu.yield
    }) : () -> ()
    %dma_start3A_257 = arith.constant 1 : i32
    %dma_start3A_258 = arith.constant 0 : i32
    %dma_start3A_259 = arith.constant 0 : i32
    %dma_start3A_260 = tpu.memref_slice %arg13[%dma_start3A_258, %dma_start3A_259] : memref<128x128xf32, #tpu.memory_space<vmem>> -> memref<64x128xf32, #tpu.memory_space<vmem>>
    %dma_start3A_261 = arith.constant 0 : i32
    %dma_start3A_262 = tpu.memref_slice %arg8[%dma_start3A_257, %dma_start3A_261] : memref<16x128xi32, #tpu.memory_space<vmem>> -> memref<1x64xi32, #tpu.memory_space<vmem>>
    %dma_start3A_263 = tpu.memref_squeeze %dma_start3A_262 : memref<1x64xi32, #tpu.memory_space<vmem>> -> memref<64xi32, #tpu.memory_space<vmem>>
    %dma_start3A_264 = arith.constant 0 : i32
    %dma_start3A_265 = arith.constant 0 : i32
    %dma_start3A_266 = tpu.memref_slice %arg2[%dma_start3A_264, %dma_start3A_265] : memref<10000x128xf32, #tpu.memory_space<hbm>> -> memref<10000x128xf32, #tpu.memory_space<hbm>>
    tpu.enqueue_indirect_dma source(%dma_start3A_266 : memref<10000x128xf32, #tpu.memory_space<hbm>>) target(%dma_start3A_260 : memref<64x128xf32, #tpu.memory_space<vmem>>) offsets(%dma_start3A_263 : memref<64xi32, #tpu.memory_space<vmem>>) semaphore(%arg15 : memref<!tpu.dma_semaphore, #tpu.memory_space<semaphore_mem>>)
    %dma_start3A_267 = arith.constant 1 : i32
    %dma_start3A_268 = arith.constant 64 : i32
    %dma_start3A_269 = arith.constant 0 : i32
    %dma_start3A_270 = tpu.memref_slice %arg13[%dma_start3A_268, %dma_start3A_269] : memref<128x128xf32, #tpu.memory_space<vmem>> -> memref<64x128xf32, #tpu.memory_space<vmem>>
    %dma_start3A_271 = arith.constant 64 : i32
    %dma_start3A_272 = tpu.memref_slice %arg8[%dma_start3A_267, %dma_start3A_271] : memref<16x128xi32, #tpu.memory_space<vmem>> -> memref<1x64xi32, #tpu.memory_space<vmem>>
    %dma_start3A_273 = tpu.memref_squeeze %dma_start3A_272 : memref<1x64xi32, #tpu.memory_space<vmem>> -> memref<64xi32, #tpu.memory_space<vmem>>
    %dma_start3A_274 = arith.constant 0 : i32
    %dma_start3A_275 = arith.constant 0 : i32
    %dma_start3A_276 = tpu.memref_slice %arg2[%dma_start3A_274, %dma_start3A_275] : memref<10000x128xf32, #tpu.memory_space<hbm>> -> memref<10000x128xf32, #tpu.memory_space<hbm>>
    tpu.enqueue_indirect_dma source(%dma_start3A_276 : memref<10000x128xf32, #tpu.memory_space<hbm>>) target(%dma_start3A_270 : memref<64x128xf32, #tpu.memory_space<vmem>>) offsets(%dma_start3A_273 : memref<64xi32, #tpu.memory_space<vmem>>) semaphore(%arg15 : memref<!tpu.dma_semaphore, #tpu.memory_space<semaphore_mem>>)
    %dma_start3A_277 = arith.constant 48 : i32
    %dma_start3A_278 = arith.constant 0 : i32
    %dma_start3A_279 = tpu.memref_slice %arg3[%arg0, %arg1, %dma_start3A_277, %dma_start3A_278] : memref<2x16x80x128xi32, #tpu.memory_space<hbm>> -> memref<1x1x16x128xi32, #tpu.memory_space<hbm>>
    %dma_start3A_280 = tpu.memref_squeeze %dma_start3A_279 : memref<1x1x16x128xi32, #tpu.memory_space<hbm>> -> memref<16x128xi32, #tpu.memory_space<hbm>>
    %dma_start3A_281 = arith.constant 48 : i32
    %dma_start3A_282 = arith.constant 0 : i32
    %dma_start3A_283 = tpu.memref_slice %arg3[%arg0, %arg1, %dma_start3A_281, %dma_start3A_282] : memref<2x16x80x128xi32, #tpu.memory_space<hbm>> -> memref<1x1x16x128xi32, #tpu.memory_space<hbm>>
    %dma_start3A_284 = tpu.memref_squeeze %dma_start3A_283 : memref<1x1x16x128xi32, #tpu.memory_space<hbm>> -> memref<16x128xi32, #tpu.memory_space<hbm>>
    tpu.enqueue_dma source(%dma_start3A_284 : memref<16x128xi32, #tpu.memory_space<hbm>>) target(%arg9 : memref<16x128xi32, #tpu.memory_space<vmem>>) target_semaphore(%arg16 : memref<!tpu.dma_semaphore, #tpu.memory_space<semaphore_mem>>)
    %dma_start3A_285 = arith.constant 48 : i32
    %dma_start3A_286 = arith.constant 0 : i32
    %dma_start3A_287 = tpu.memref_slice %arg4[%arg0, %arg1, %dma_start3A_285, %dma_start3A_286] : memref<2x16x80x128xi32, #tpu.memory_space<hbm>> -> memref<1x1x16x128xi32, #tpu.memory_space<hbm>>
    %dma_start3A_288 = tpu.memref_squeeze %dma_start3A_287 : memref<1x1x16x128xi32, #tpu.memory_space<hbm>> -> memref<16x128xi32, #tpu.memory_space<hbm>>
    %dma_start3A_289 = arith.constant 48 : i32
    %dma_start3A_290 = arith.constant 0 : i32
    %dma_start3A_291 = tpu.memref_slice %arg4[%arg0, %arg1, %dma_start3A_289, %dma_start3A_290] : memref<2x16x80x128xi32, #tpu.memory_space<hbm>> -> memref<1x1x16x128xi32, #tpu.memory_space<hbm>>
    %dma_start3A_292 = tpu.memref_squeeze %dma_start3A_291 : memref<1x1x16x128xi32, #tpu.memory_space<hbm>> -> memref<16x128xi32, #tpu.memory_space<hbm>>
    tpu.enqueue_dma source(%dma_start3A_292 : memref<16x128xi32, #tpu.memory_space<hbm>>) target(%arg11 : memref<16x128xi32, #tpu.memory_space<vmem>>) target_semaphore(%arg16 : memref<!tpu.dma_semaphore, #tpu.memory_space<semaphore_mem>>)
    %scan3A_293 = arith.constant 0 : i32
    %scan3A_294 = arith.constant 0 : i32
    %scan3A_295 = arith.constant 7 : i32
    %scan3A_296 = arith.addi %scan3A_294, %scan3A_295 : i32
    %scan3A_297 = arith.constant 1 : i32
    scf.for %scan3A_566 = %scan3A_294 to %scan3A_296 step %scan3A_297  : i32 {
      %mul3A_567 = arith.constant 2 : i32
      %mul3A_568 = arith.muli %mul3A_567, %scan3A_566 : i32
      %dma_wait3A_569 = arith.constant 0 : i32
      %dma_wait3A_570 = arith.constant 0 : i32
      %dma_wait3A_571 = tpu.memref_slice %arg12[%dma_wait3A_569, %dma_wait3A_570] : memref<128x128xf32, #tpu.memory_space<vmem>> -> memref<64x128xf32, #tpu.memory_space<vmem>>
      %dma_wait3A_572 = arith.constant 0 : i32
      %dma_wait3A_573 = tpu.memref_slice %arg8[%mul3A_568, %dma_wait3A_572] : memref<16x128xi32, #tpu.memory_space<vmem>> -> memref<1x64xi32, #tpu.memory_space<vmem>>
      %dma_wait3A_574 = tpu.memref_squeeze %dma_wait3A_573 : memref<1x64xi32, #tpu.memory_space<vmem>> -> memref<64xi32, #tpu.memory_space<vmem>>
      %dma_wait3A_575 = arith.constant 0 : i32
      %dma_wait3A_576 = arith.constant 0 : i32
      %dma_wait3A_577 = tpu.memref_slice %arg2[%dma_wait3A_575, %dma_wait3A_576] : memref<10000x128xf32, #tpu.memory_space<hbm>> -> memref<10000x128xf32, #tpu.memory_space<hbm>>
      tpu.wait_indirect_dma semaphore(%arg14 : memref<!tpu.dma_semaphore, #tpu.memory_space<semaphore_mem>>) src(%dma_wait3A_577 : memref<10000x128xf32, #tpu.memory_space<hbm>>) dst(%dma_wait3A_571 : memref<64x128xf32, #tpu.memory_space<vmem>>)
      %dma_wait3A_578 = arith.constant 64 : i32
      %dma_wait3A_579 = arith.constant 0 : i32
      %dma_wait3A_580 = tpu.memref_slice %arg12[%dma_wait3A_578, %dma_wait3A_579] : memref<128x128xf32, #tpu.memory_space<vmem>> -> memref<64x128xf32, #tpu.memory_space<vmem>>
      %dma_wait3A_581 = arith.constant 64 : i32
      %dma_wait3A_582 = tpu.memref_slice %arg8[%mul3A_568, %dma_wait3A_581] : memref<16x128xi32, #tpu.memory_space<vmem>> -> memref<1x64xi32, #tpu.memory_space<vmem>>
      %dma_wait3A_583 = tpu.memref_squeeze %dma_wait3A_582 : memref<1x64xi32, #tpu.memory_space<vmem>> -> memref<64xi32, #tpu.memory_space<vmem>>
      %dma_wait3A_584 = arith.constant 0 : i32
      %dma_wait3A_585 = arith.constant 0 : i32
      %dma_wait3A_586 = tpu.memref_slice %arg2[%dma_wait3A_584, %dma_wait3A_585] : memref<10000x128xf32, #tpu.memory_space<hbm>> -> memref<10000x128xf32, #tpu.memory_space<hbm>>
      tpu.wait_indirect_dma semaphore(%arg14 : memref<!tpu.dma_semaphore, #tpu.memory_space<semaphore_mem>>) src(%dma_wait3A_586 : memref<10000x128xf32, #tpu.memory_space<hbm>>) dst(%dma_wait3A_580 : memref<64x128xf32, #tpu.memory_space<vmem>>)
      "tpu.region"() ({
        %run_scoped3A_652 = tpu.sem_alloc : memref<!tpu.dma_semaphore, #tpu.memory_space<semaphore_mem>>
        %dma_start3A_653 = arith.constant 0 : i32
        %dma_start3A_654 = tpu.memref_slice %arg10[%mul3A_568, %dma_start3A_653] : memref<16x128xi32, #tpu.memory_space<vmem>> -> memref<1x128xi32, #tpu.memory_space<vmem>>
        %dma_start3A_655 = tpu.memref_squeeze %dma_start3A_654 : memref<1x128xi32, #tpu.memory_space<vmem>> -> memref<128xi32, #tpu.memory_space<vmem>>
        %dma_start3A_656 = arith.constant 0 : i32
        %dma_start3A_657 = arith.constant 0 : i32
        %dma_start3A_658 = tpu.memref_slice %arg7[%dma_start3A_656, %dma_start3A_657] : memref<10240x128xf32, #tpu.memory_space<vmem_shared>> -> memref<10240x128xf32, #tpu.memory_space<vmem_shared>>
        tpu.enqueue_indirect_dma source(%arg12 : memref<128x128xf32, #tpu.memory_space<vmem>>) target(%dma_start3A_658 : memref<10240x128xf32, #tpu.memory_space<vmem_shared>>) offsets(%dma_start3A_655 : memref<128xi32, #tpu.memory_space<vmem>>) semaphore(%run_scoped3A_652 : memref<!tpu.dma_semaphore, #tpu.memory_space<semaphore_mem>>) {add = true}
        %dma_wait3A_659 = arith.constant 0 : i32
        %dma_wait3A_660 = tpu.memref_slice %arg10[%mul3A_568, %dma_wait3A_659] : memref<16x128xi32, #tpu.memory_space<vmem>> -> memref<1x128xi32, #tpu.memory_space<vmem>>
        %dma_wait3A_661 = tpu.memref_squeeze %dma_wait3A_660 : memref<1x128xi32, #tpu.memory_space<vmem>> -> memref<128xi32, #tpu.memory_space<vmem>>
        %dma_wait3A_662 = arith.constant 0 : i32
        %dma_wait3A_663 = arith.constant 0 : i32
        %dma_wait3A_664 = tpu.memref_slice %arg7[%dma_wait3A_662, %dma_wait3A_663] : memref<10240x128xf32, #tpu.memory_space<vmem_shared>> -> memref<10240x128xf32, #tpu.memory_space<vmem_shared>>
        tpu.wait_indirect_dma semaphore(%run_scoped3A_652 : memref<!tpu.dma_semaphore, #tpu.memory_space<semaphore_mem>>) src(%arg12 : memref<128x128xf32, #tpu.memory_space<vmem>>) dst(%dma_wait3A_664 : memref<10240x128xf32, #tpu.memory_space<vmem_shared>>)
        tpu.yield
      }) : () -> ()
      %mul3A_587 = arith.constant 2 : i32
      %mul3A_588 = arith.muli %mul3A_587, %scan3A_566 : i32
      %add3A = arith.constant 2 : i32
      %add3A_589 = arith.addi %mul3A_588, %add3A : i32
      %dma_start3A_590 = arith.constant 0 : i32
      %dma_start3A_591 = arith.constant 0 : i32
      %dma_start3A_592 = tpu.memref_slice %arg12[%dma_start3A_590, %dma_start3A_591] : memref<128x128xf32, #tpu.memory_space<vmem>> -> memref<64x128xf32, #tpu.memory_space<vmem>>
      %dma_start3A_593 = arith.constant 0 : i32
      %dma_start3A_594 = tpu.memref_slice %arg8[%add3A_589, %dma_start3A_593] : memref<16x128xi32, #tpu.memory_space<vmem>> -> memref<1x64xi32, #tpu.memory_space<vmem>>
      %dma_start3A_595 = tpu.memref_squeeze %dma_start3A_594 : memref<1x64xi32, #tpu.memory_space<vmem>> -> memref<64xi32, #tpu.memory_space<vmem>>
      %dma_start3A_596 = arith.constant 0 : i32
      %dma_start3A_597 = arith.constant 0 : i32
      %dma_start3A_598 = tpu.memref_slice %arg2[%dma_start3A_596, %dma_start3A_597] : memref<10000x128xf32, #tpu.memory_space<hbm>> -> memref<10000x128xf32, #tpu.memory_space<hbm>>
      tpu.enqueue_indirect_dma source(%dma_start3A_598 : memref<10000x128xf32, #tpu.memory_space<hbm>>) target(%dma_start3A_592 : memref<64x128xf32, #tpu.memory_space<vmem>>) offsets(%dma_start3A_595 : memref<64xi32, #tpu.memory_space<vmem>>) semaphore(%arg14 : memref<!tpu.dma_semaphore, #tpu.memory_space<semaphore_mem>>)
      %dma_start3A_599 = arith.constant 64 : i32
      %dma_start3A_600 = arith.constant 0 : i32
      %dma_start3A_601 = tpu.memref_slice %arg12[%dma_start3A_599, %dma_start3A_600] : memref<128x128xf32, #tpu.memory_space<vmem>> -> memref<64x128xf32, #tpu.memory_space<vmem>>
      %dma_start3A_602 = arith.constant 64 : i32
      %dma_start3A_603 = tpu.memref_slice %arg8[%add3A_589, %dma_start3A_602] : memref<16x128xi32, #tpu.memory_space<vmem>> -> memref<1x64xi32, #tpu.memory_space<vmem>>
      %dma_start3A_604 = tpu.memref_squeeze %dma_start3A_603 : memref<1x64xi32, #tpu.memory_space<vmem>> -> memref<64xi32, #tpu.memory_space<vmem>>
      %dma_start3A_605 = arith.constant 0 : i32
      %dma_start3A_606 = arith.constant 0 : i32
      %dma_start3A_607 = tpu.memref_slice %arg2[%dma_start3A_605, %dma_start3A_606] : memref<10000x128xf32, #tpu.memory_space<hbm>> -> memref<10000x128xf32, #tpu.memory_space<hbm>>
      tpu.enqueue_indirect_dma source(%dma_start3A_607 : memref<10000x128xf32, #tpu.memory_space<hbm>>) target(%dma_start3A_601 : memref<64x128xf32, #tpu.memory_space<vmem>>) offsets(%dma_start3A_604 : memref<64xi32, #tpu.memory_space<vmem>>) semaphore(%arg14 : memref<!tpu.dma_semaphore, #tpu.memory_space<semaphore_mem>>)
      %mul3A_608 = arith.constant 2 : i32
      %mul3A_609 = arith.muli %mul3A_608, %scan3A_566 : i32
      %add3A_610 = arith.constant 1 : i32
      %add3A_611 = arith.addi %mul3A_609, %add3A_610 : i32
      %dma_wait3A_612 = arith.constant 0 : i32
      %dma_wait3A_613 = arith.constant 0 : i32
      %dma_wait3A_614 = tpu.memref_slice %arg13[%dma_wait3A_612, %dma_wait3A_613] : memref<128x128xf32, #tpu.memory_space<vmem>> -> memref<64x128xf32, #tpu.memory_space<vmem>>
      %dma_wait3A_615 = arith.constant 0 : i32
      %dma_wait3A_616 = tpu.memref_slice %arg8[%add3A_611, %dma_wait3A_615] : memref<16x128xi32, #tpu.memory_space<vmem>> -> memref<1x64xi32, #tpu.memory_space<vmem>>
      %dma_wait3A_617 = tpu.memref_squeeze %dma_wait3A_616 : memref<1x64xi32, #tpu.memory_space<vmem>> -> memref<64xi32, #tpu.memory_space<vmem>>
      %dma_wait3A_618 = arith.constant 0 : i32
      %dma_wait3A_619 = arith.constant 0 : i32
      %dma_wait3A_620 = tpu.memref_slice %arg2[%dma_wait3A_618, %dma_wait3A_619] : memref<10000x128xf32, #tpu.memory_space<hbm>> -> memref<10000x128xf32, #tpu.memory_space<hbm>>
      tpu.wait_indirect_dma semaphore(%arg15 : memref<!tpu.dma_semaphore, #tpu.memory_space<semaphore_mem>>) src(%dma_wait3A_620 : memref<10000x128xf32, #tpu.memory_space<hbm>>) dst(%dma_wait3A_614 : memref<64x128xf32, #tpu.memory_space<vmem>>)
      %dma_wait3A_621 = arith.constant 64 : i32
      %dma_wait3A_622 = arith.constant 0 : i32
      %dma_wait3A_623 = tpu.memref_slice %arg13[%dma_wait3A_621, %dma_wait3A_622] : memref<128x128xf32, #tpu.memory_space<vmem>> -> memref<64x128xf32, #tpu.memory_space<vmem>>
      %dma_wait3A_624 = arith.constant 64 : i32
      %dma_wait3A_625 = tpu.memref_slice %arg8[%add3A_611, %dma_wait3A_624] : memref<16x128xi32, #tpu.memory_space<vmem>> -> memref<1x64xi32, #tpu.memory_space<vmem>>
      %dma_wait3A_626 = tpu.memref_squeeze %dma_wait3A_625 : memref<1x64xi32, #tpu.memory_space<vmem>> -> memref<64xi32, #tpu.memory_space<vmem>>
      %dma_wait3A_627 = arith.constant 0 : i32
      %dma_wait3A_628 = arith.constant 0 : i32
      %dma_wait3A_629 = tpu.memref_slice %arg2[%dma_wait3A_627, %dma_wait3A_628] : memref<10000x128xf32, #tpu.memory_space<hbm>> -> memref<10000x128xf32, #tpu.memory_space<hbm>>
      tpu.wait_indirect_dma semaphore(%arg15 : memref<!tpu.dma_semaphore, #tpu.memory_space<semaphore_mem>>) src(%dma_wait3A_629 : memref<10000x128xf32, #tpu.memory_space<hbm>>) dst(%dma_wait3A_623 : memref<64x128xf32, #tpu.memory_space<vmem>>)
      "tpu.region"() ({
        %run_scoped3A_652 = tpu.sem_alloc : memref<!tpu.dma_semaphore, #tpu.memory_space<semaphore_mem>>
        %dma_start3A_653 = arith.constant 0 : i32
        %dma_start3A_654 = tpu.memref_slice %arg10[%add3A_611, %dma_start3A_653] : memref<16x128xi32, #tpu.memory_space<vmem>> -> memref<1x128xi32, #tpu.memory_space<vmem>>
        %dma_start3A_655 = tpu.memref_squeeze %dma_start3A_654 : memref<1x128xi32, #tpu.memory_space<vmem>> -> memref<128xi32, #tpu.memory_space<vmem>>
        %dma_start3A_656 = arith.constant 0 : i32
        %dma_start3A_657 = arith.constant 0 : i32
        %dma_start3A_658 = tpu.memref_slice %arg7[%dma_start3A_656, %dma_start3A_657] : memref<10240x128xf32, #tpu.memory_space<vmem_shared>> -> memref<10240x128xf32, #tpu.memory_space<vmem_shared>>
        tpu.enqueue_indirect_dma source(%arg13 : memref<128x128xf32, #tpu.memory_space<vmem>>) target(%dma_start3A_658 : memref<10240x128xf32, #tpu.memory_space<vmem_shared>>) offsets(%dma_start3A_655 : memref<128xi32, #tpu.memory_space<vmem>>) semaphore(%run_scoped3A_652 : memref<!tpu.dma_semaphore, #tpu.memory_space<semaphore_mem>>) {add = true}
        %dma_wait3A_659 = arith.constant 0 : i32
        %dma_wait3A_660 = tpu.memref_slice %arg10[%add3A_611, %dma_wait3A_659] : memref<16x128xi32, #tpu.memory_space<vmem>> -> memref<1x128xi32, #tpu.memory_space<vmem>>
        %dma_wait3A_661 = tpu.memref_squeeze %dma_wait3A_660 : memref<1x128xi32, #tpu.memory_space<vmem>> -> memref<128xi32, #tpu.memory_space<vmem>>
        %dma_wait3A_662 = arith.constant 0 : i32
        %dma_wait3A_663 = arith.constant 0 : i32
        %dma_wait3A_664 = tpu.memref_slice %arg7[%dma_wait3A_662, %dma_wait3A_663] : memref<10240x128xf32, #tpu.memory_space<vmem_shared>> -> memref<10240x128xf32, #tpu.memory_space<vmem_shared>>
        tpu.wait_indirect_dma semaphore(%run_scoped3A_652 : memref<!tpu.dma_semaphore, #tpu.memory_space<semaphore_mem>>) src(%arg13 : memref<128x128xf32, #tpu.memory_space<vmem>>) dst(%dma_wait3A_664 : memref<10240x128xf32, #tpu.memory_space<vmem_shared>>)
        tpu.yield
      }) : () -> ()
      %mul3A_630 = arith.constant 2 : i32
      %mul3A_631 = arith.muli %mul3A_630, %scan3A_566 : i32
      %add3A_632 = arith.constant 3 : i32
      %add3A_633 = arith.addi %mul3A_631, %add3A_632 : i32
      %dma_start3A_634 = arith.constant 0 : i32
      %dma_start3A_635 = arith.constant 0 : i32
      %dma_start3A_636 = tpu.memref_slice %arg13[%dma_start3A_634, %dma_start3A_635] : memref<128x128xf32, #tpu.memory_space<vmem>> -> memref<64x128xf32, #tpu.memory_space<vmem>>
      %dma_start3A_637 = arith.constant 0 : i32
      %dma_start3A_638 = tpu.memref_slice %arg8[%add3A_633, %dma_start3A_637] : memref<16x128xi32, #tpu.memory_space<vmem>> -> memref<1x64xi32, #tpu.memory_space<vmem>>
      %dma_start3A_639 = tpu.memref_squeeze %dma_start3A_638 : memref<1x64xi32, #tpu.memory_space<vmem>> -> memref<64xi32, #tpu.memory_space<vmem>>
      %dma_start3A_640 = arith.constant 0 : i32
      %dma_start3A_641 = arith.constant 0 : i32
      %dma_start3A_642 = tpu.memref_slice %arg2[%dma_start3A_640, %dma_start3A_641] : memref<10000x128xf32, #tpu.memory_space<hbm>> -> memref<10000x128xf32, #tpu.memory_space<hbm>>
      tpu.enqueue_indirect_dma source(%dma_start3A_642 : memref<10000x128xf32, #tpu.memory_space<hbm>>) target(%dma_start3A_636 : memref<64x128xf32, #tpu.memory_space<vmem>>) offsets(%dma_start3A_639 : memref<64xi32, #tpu.memory_space<vmem>>) semaphore(%arg15 : memref<!tpu.dma_semaphore, #tpu.memory_space<semaphore_mem>>)
      %dma_start3A_643 = arith.constant 64 : i32
      %dma_start3A_644 = arith.constant 0 : i32
      %dma_start3A_645 = tpu.memref_slice %arg13[%dma_start3A_643, %dma_start3A_644] : memref<128x128xf32, #tpu.memory_space<vmem>> -> memref<64x128xf32, #tpu.memory_space<vmem>>
      %dma_start3A_646 = arith.constant 64 : i32
      %dma_start3A_647 = tpu.memref_slice %arg8[%add3A_633, %dma_start3A_646] : memref<16x128xi32, #tpu.memory_space<vmem>> -> memref<1x64xi32, #tpu.memory_space<vmem>>
      %dma_start3A_648 = tpu.memref_squeeze %dma_start3A_647 : memref<1x64xi32, #tpu.memory_space<vmem>> -> memref<64xi32, #tpu.memory_space<vmem>>
      %dma_start3A_649 = arith.constant 0 : i32
      %dma_start3A_650 = arith.constant 0 : i32
      %dma_start3A_651 = tpu.memref_slice %arg2[%dma_start3A_649, %dma_start3A_650] : memref<10000x128xf32, #tpu.memory_space<hbm>> -> memref<10000x128xf32, #tpu.memory_space<hbm>>
      tpu.enqueue_indirect_dma source(%dma_start3A_651 : memref<10000x128xf32, #tpu.memory_space<hbm>>) target(%dma_start3A_645 : memref<64x128xf32, #tpu.memory_space<vmem>>) offsets(%dma_start3A_648 : memref<64xi32, #tpu.memory_space<vmem>>) semaphore(%arg15 : memref<!tpu.dma_semaphore, #tpu.memory_space<semaphore_mem>>)
    }
    %scan3A_298 = arith.constant 7 : i32
    %dma_wait3A_299 = arith.constant 14 : i32
    %dma_wait3A_300 = arith.constant 0 : i32
    %dma_wait3A_301 = arith.constant 0 : i32
    %dma_wait3A_302 = tpu.memref_slice %arg12[%dma_wait3A_300, %dma_wait3A_301] : memref<128x128xf32, #tpu.memory_space<vmem>> -> memref<64x128xf32, #tpu.memory_space<vmem>>
    %dma_wait3A_303 = arith.constant 0 : i32
    %dma_wait3A_304 = tpu.memref_slice %arg8[%dma_wait3A_299, %dma_wait3A_303] : memref<16x128xi32, #tpu.memory_space<vmem>> -> memref<1x64xi32, #tpu.memory_space<vmem>>
    %dma_wait3A_305 = tpu.memref_squeeze %dma_wait3A_304 : memref<1x64xi32, #tpu.memory_space<vmem>> -> memref<64xi32, #tpu.memory_space<vmem>>
    %dma_wait3A_306 = arith.constant 0 : i32
    %dma_wait3A_307 = arith.constant 0 : i32
    %dma_wait3A_308 = tpu.memref_slice %arg2[%dma_wait3A_306, %dma_wait3A_307] : memref<10000x128xf32, #tpu.memory_space<hbm>> -> memref<10000x128xf32, #tpu.memory_space<hbm>>
    tpu.wait_indirect_dma semaphore(%arg14 : memref<!tpu.dma_semaphore, #tpu.memory_space<semaphore_mem>>) src(%dma_wait3A_308 : memref<10000x128xf32, #tpu.memory_space<hbm>>) dst(%dma_wait3A_302 : memref<64x128xf32, #tpu.memory_space<vmem>>)
    %dma_wait3A_309 = arith.constant 14 : i32
    %dma_wait3A_310 = arith.constant 64 : i32
    %dma_wait3A_311 = arith.constant 0 : i32
    %dma_wait3A_312 = tpu.memref_slice %arg12[%dma_wait3A_310, %dma_wait3A_311] : memref<128x128xf32, #tpu.memory_space<vmem>> -> memref<64x128xf32, #tpu.memory_space<vmem>>
    %dma_wait3A_313 = arith.constant 64 : i32
    %dma_wait3A_314 = tpu.memref_slice %arg8[%dma_wait3A_309, %dma_wait3A_313] : memref<16x128xi32, #tpu.memory_space<vmem>> -> memref<1x64xi32, #tpu.memory_space<vmem>>
    %dma_wait3A_315 = tpu.memref_squeeze %dma_wait3A_314 : memref<1x64xi32, #tpu.memory_space<vmem>> -> memref<64xi32, #tpu.memory_space<vmem>>
    %dma_wait3A_316 = arith.constant 0 : i32
    %dma_wait3A_317 = arith.constant 0 : i32
    %dma_wait3A_318 = tpu.memref_slice %arg2[%dma_wait3A_316, %dma_wait3A_317] : memref<10000x128xf32, #tpu.memory_space<hbm>> -> memref<10000x128xf32, #tpu.memory_space<hbm>>
    tpu.wait_indirect_dma semaphore(%arg14 : memref<!tpu.dma_semaphore, #tpu.memory_space<semaphore_mem>>) src(%dma_wait3A_318 : memref<10000x128xf32, #tpu.memory_space<hbm>>) dst(%dma_wait3A_312 : memref<64x128xf32, #tpu.memory_space<vmem>>)
    %run_scoped3A_319 = arith.constant 14 : i32
    "tpu.region"() ({
      %run_scoped3A_566 = tpu.sem_alloc : memref<!tpu.dma_semaphore, #tpu.memory_space<semaphore_mem>>
      %dma_start3A_567 = arith.constant 0 : i32
      %dma_start3A_568 = tpu.memref_slice %arg10[%run_scoped3A_319, %dma_start3A_567] : memref<16x128xi32, #tpu.memory_space<vmem>> -> memref<1x128xi32, #tpu.memory_space<vmem>>
      %dma_start3A_569 = tpu.memref_squeeze %dma_start3A_568 : memref<1x128xi32, #tpu.memory_space<vmem>> -> memref<128xi32, #tpu.memory_space<vmem>>
      %dma_start3A_570 = arith.constant 0 : i32
      %dma_start3A_571 = arith.constant 0 : i32
      %dma_start3A_572 = tpu.memref_slice %arg7[%dma_start3A_570, %dma_start3A_571] : memref<10240x128xf32, #tpu.memory_space<vmem_shared>> -> memref<10240x128xf32, #tpu.memory_space<vmem_shared>>
      tpu.enqueue_indirect_dma source(%arg12 : memref<128x128xf32, #tpu.memory_space<vmem>>) target(%dma_start3A_572 : memref<10240x128xf32, #tpu.memory_space<vmem_shared>>) offsets(%dma_start3A_569 : memref<128xi32, #tpu.memory_space<vmem>>) semaphore(%run_scoped3A_566 : memref<!tpu.dma_semaphore, #tpu.memory_space<semaphore_mem>>) {add = true}
      %dma_wait3A_573 = arith.constant 0 : i32
      %dma_wait3A_574 = tpu.memref_slice %arg10[%run_scoped3A_319, %dma_wait3A_573] : memref<16x128xi32, #tpu.memory_space<vmem>> -> memref<1x128xi32, #tpu.memory_space<vmem>>
      %dma_wait3A_575 = tpu.memref_squeeze %dma_wait3A_574 : memref<1x128xi32, #tpu.memory_space<vmem>> -> memref<128xi32, #tpu.memory_space<vmem>>
      %dma_wait3A_576 = arith.constant 0 : i32
      %dma_wait3A_577 = arith.constant 0 : i32
      %dma_wait3A_578 = tpu.memref_slice %arg7[%dma_wait3A_576, %dma_wait3A_577] : memref<10240x128xf32, #tpu.memory_space<vmem_shared>> -> memref<10240x128xf32, #tpu.memory_space<vmem_shared>>
      tpu.wait_indirect_dma semaphore(%run_scoped3A_566 : memref<!tpu.dma_semaphore, #tpu.memory_space<semaphore_mem>>) src(%arg12 : memref<128x128xf32, #tpu.memory_space<vmem>>) dst(%dma_wait3A_578 : memref<10240x128xf32, #tpu.memory_space<vmem_shared>>)
      tpu.yield
    }) : () -> ()
    %dma_wait3A_320 = arith.constant 48 : i32
    %dma_wait3A_321 = arith.constant 0 : i32
    %dma_wait3A_322 = tpu.memref_slice %arg3[%arg0, %arg1, %dma_wait3A_320, %dma_wait3A_321] : memref<2x16x80x128xi32, #tpu.memory_space<hbm>> -> memref<1x1x16x128xi32, #tpu.memory_space<hbm>>
    %dma_wait3A_323 = tpu.memref_squeeze %dma_wait3A_322 : memref<1x1x16x128xi32, #tpu.memory_space<hbm>> -> memref<16x128xi32, #tpu.memory_space<hbm>>
    %dma_wait3A_324 = arith.constant 48 : i32
    %dma_wait3A_325 = arith.constant 0 : i32
    %dma_wait3A_326 = tpu.memref_slice %arg3[%arg0, %arg1, %dma_wait3A_324, %dma_wait3A_325] : memref<2x16x80x128xi32, #tpu.memory_space<hbm>> -> memref<1x1x16x128xi32, #tpu.memory_space<hbm>>
    %dma_wait3A_327 = tpu.memref_squeeze %dma_wait3A_326 : memref<1x1x16x128xi32, #tpu.memory_space<hbm>> -> memref<16x128xi32, #tpu.memory_space<hbm>>
    tpu.wait_dma2 semaphore(%arg16 : memref<!tpu.dma_semaphore, #tpu.memory_space<semaphore_mem>>) src(%dma_wait3A_327 : memref<16x128xi32, #tpu.memory_space<hbm>>) dst(%arg9 : memref<16x128xi32, #tpu.memory_space<vmem>>)
    %dma_wait3A_328 = arith.constant 48 : i32
    %dma_wait3A_329 = arith.constant 0 : i32
    %dma_wait3A_330 = tpu.memref_slice %arg4[%arg0, %arg1, %dma_wait3A_328, %dma_wait3A_329] : memref<2x16x80x128xi32, #tpu.memory_space<hbm>> -> memref<1x1x16x128xi32, #tpu.memory_space<hbm>>
    %dma_wait3A_331 = tpu.memref_squeeze %dma_wait3A_330 : memref<1x1x16x128xi32, #tpu.memory_space<hbm>> -> memref<16x128xi32, #tpu.memory_space<hbm>>
    %dma_wait3A_332 = arith.constant 48 : i32
    %dma_wait3A_333 = arith.constant 0 : i32
    %dma_wait3A_334 = tpu.memref_slice %arg4[%arg0, %arg1, %dma_wait3A_332, %dma_wait3A_333] : memref<2x16x80x128xi32, #tpu.memory_space<hbm>> -> memref<1x1x16x128xi32, #tpu.memory_space<hbm>>
    %dma_wait3A_335 = tpu.memref_squeeze %dma_wait3A_334 : memref<1x1x16x128xi32, #tpu.memory_space<hbm>> -> memref<16x128xi32, #tpu.memory_space<hbm>>
    tpu.wait_dma2 semaphore(%arg16 : memref<!tpu.dma_semaphore, #tpu.memory_space<semaphore_mem>>) src(%dma_wait3A_335 : memref<16x128xi32, #tpu.memory_space<hbm>>) dst(%arg11 : memref<16x128xi32, #tpu.memory_space<vmem>>)
    %dma_start3A_336 = arith.constant 0 : i32
    %dma_start3A_337 = arith.constant 0 : i32
    %dma_start3A_338 = arith.constant 0 : i32
    %dma_start3A_339 = tpu.memref_slice %arg12[%dma_start3A_337, %dma_start3A_338] : memref<128x128xf32, #tpu.memory_space<vmem>> -> memref<64x128xf32, #tpu.memory_space<vmem>>
    %dma_start3A_340 = arith.constant 0 : i32
    %dma_start3A_341 = tpu.memref_slice %arg9[%dma_start3A_336, %dma_start3A_340] : memref<16x128xi32, #tpu.memory_space<vmem>> -> memref<1x64xi32, #tpu.memory_space<vmem>>
    %dma_start3A_342 = tpu.memref_squeeze %dma_start3A_341 : memref<1x64xi32, #tpu.memory_space<vmem>> -> memref<64xi32, #tpu.memory_space<vmem>>
    %dma_start3A_343 = arith.constant 0 : i32
    %dma_start3A_344 = arith.constant 0 : i32
    %dma_start3A_345 = tpu.memref_slice %arg2[%dma_start3A_343, %dma_start3A_344] : memref<10000x128xf32, #tpu.memory_space<hbm>> -> memref<10000x128xf32, #tpu.memory_space<hbm>>
    tpu.enqueue_indirect_dma source(%dma_start3A_345 : memref<10000x128xf32, #tpu.memory_space<hbm>>) target(%dma_start3A_339 : memref<64x128xf32, #tpu.memory_space<vmem>>) offsets(%dma_start3A_342 : memref<64xi32, #tpu.memory_space<vmem>>) semaphore(%arg14 : memref<!tpu.dma_semaphore, #tpu.memory_space<semaphore_mem>>)
    %dma_start3A_346 = arith.constant 0 : i32
    %dma_start3A_347 = arith.constant 64 : i32
    %dma_start3A_348 = arith.constant 0 : i32
    %dma_start3A_349 = tpu.memref_slice %arg12[%dma_start3A_347, %dma_start3A_348] : memref<128x128xf32, #tpu.memory_space<vmem>> -> memref<64x128xf32, #tpu.memory_space<vmem>>
    %dma_start3A_350 = arith.constant 64 : i32
    %dma_start3A_351 = tpu.memref_slice %arg9[%dma_start3A_346, %dma_start3A_350] : memref<16x128xi32, #tpu.memory_space<vmem>> -> memref<1x64xi32, #tpu.memory_space<vmem>>
    %dma_start3A_352 = tpu.memref_squeeze %dma_start3A_351 : memref<1x64xi32, #tpu.memory_space<vmem>> -> memref<64xi32, #tpu.memory_space<vmem>>
    %dma_start3A_353 = arith.constant 0 : i32
    %dma_start3A_354 = arith.constant 0 : i32
    %dma_start3A_355 = tpu.memref_slice %arg2[%dma_start3A_353, %dma_start3A_354] : memref<10000x128xf32, #tpu.memory_space<hbm>> -> memref<10000x128xf32, #tpu.memory_space<hbm>>
    tpu.enqueue_indirect_dma source(%dma_start3A_355 : memref<10000x128xf32, #tpu.memory_space<hbm>>) target(%dma_start3A_349 : memref<64x128xf32, #tpu.memory_space<vmem>>) offsets(%dma_start3A_352 : memref<64xi32, #tpu.memory_space<vmem>>) semaphore(%arg14 : memref<!tpu.dma_semaphore, #tpu.memory_space<semaphore_mem>>)
    %dma_wait3A_356 = arith.constant 15 : i32
    %dma_wait3A_357 = arith.constant 0 : i32
    %dma_wait3A_358 = arith.constant 0 : i32
    %dma_wait3A_359 = tpu.memref_slice %arg13[%dma_wait3A_357, %dma_wait3A_358] : memref<128x128xf32, #tpu.memory_space<vmem>> -> memref<64x128xf32, #tpu.memory_space<vmem>>
    %dma_wait3A_360 = arith.constant 0 : i32
    %dma_wait3A_361 = tpu.memref_slice %arg8[%dma_wait3A_356, %dma_wait3A_360] : memref<16x128xi32, #tpu.memory_space<vmem>> -> memref<1x64xi32, #tpu.memory_space<vmem>>
    %dma_wait3A_362 = tpu.memref_squeeze %dma_wait3A_361 : memref<1x64xi32, #tpu.memory_space<vmem>> -> memref<64xi32, #tpu.memory_space<vmem>>
    %dma_wait3A_363 = arith.constant 0 : i32
    %dma_wait3A_364 = arith.constant 0 : i32
    %dma_wait3A_365 = tpu.memref_slice %arg2[%dma_wait3A_363, %dma_wait3A_364] : memref<10000x128xf32, #tpu.memory_space<hbm>> -> memref<10000x128xf32, #tpu.memory_space<hbm>>
    tpu.wait_indirect_dma semaphore(%arg15 : memref<!tpu.dma_semaphore, #tpu.memory_space<semaphore_mem>>) src(%dma_wait3A_365 : memref<10000x128xf32, #tpu.memory_space<hbm>>) dst(%dma_wait3A_359 : memref<64x128xf32, #tpu.memory_space<vmem>>)
    %dma_wait3A_366 = arith.constant 15 : i32
    %dma_wait3A_367 = arith.constant 64 : i32
    %dma_wait3A_368 = arith.constant 0 : i32
    %dma_wait3A_369 = tpu.memref_slice %arg13[%dma_wait3A_367, %dma_wait3A_368] : memref<128x128xf32, #tpu.memory_space<vmem>> -> memref<64x128xf32, #tpu.memory_space<vmem>>
    %dma_wait3A_370 = arith.constant 64 : i32
    %dma_wait3A_371 = tpu.memref_slice %arg8[%dma_wait3A_366, %dma_wait3A_370] : memref<16x128xi32, #tpu.memory_space<vmem>> -> memref<1x64xi32, #tpu.memory_space<vmem>>
    %dma_wait3A_372 = tpu.memref_squeeze %dma_wait3A_371 : memref<1x64xi32, #tpu.memory_space<vmem>> -> memref<64xi32, #tpu.memory_space<vmem>>
    %dma_wait3A_373 = arith.constant 0 : i32
    %dma_wait3A_374 = arith.constant 0 : i32
    %dma_wait3A_375 = tpu.memref_slice %arg2[%dma_wait3A_373, %dma_wait3A_374] : memref<10000x128xf32, #tpu.memory_space<hbm>> -> memref<10000x128xf32, #tpu.memory_space<hbm>>
    tpu.wait_indirect_dma semaphore(%arg15 : memref<!tpu.dma_semaphore, #tpu.memory_space<semaphore_mem>>) src(%dma_wait3A_375 : memref<10000x128xf32, #tpu.memory_space<hbm>>) dst(%dma_wait3A_369 : memref<64x128xf32, #tpu.memory_space<vmem>>)
    %run_scoped3A_376 = arith.constant 15 : i32
    "tpu.region"() ({
      %run_scoped3A_566 = tpu.sem_alloc : memref<!tpu.dma_semaphore, #tpu.memory_space<semaphore_mem>>
      %dma_start3A_567 = arith.constant 0 : i32
      %dma_start3A_568 = tpu.memref_slice %arg10[%run_scoped3A_376, %dma_start3A_567] : memref<16x128xi32, #tpu.memory_space<vmem>> -> memref<1x128xi32, #tpu.memory_space<vmem>>
      %dma_start3A_569 = tpu.memref_squeeze %dma_start3A_568 : memref<1x128xi32, #tpu.memory_space<vmem>> -> memref<128xi32, #tpu.memory_space<vmem>>
      %dma_start3A_570 = arith.constant 0 : i32
      %dma_start3A_571 = arith.constant 0 : i32
      %dma_start3A_572 = tpu.memref_slice %arg7[%dma_start3A_570, %dma_start3A_571] : memref<10240x128xf32, #tpu.memory_space<vmem_shared>> -> memref<10240x128xf32, #tpu.memory_space<vmem_shared>>
      tpu.enqueue_indirect_dma source(%arg13 : memref<128x128xf32, #tpu.memory_space<vmem>>) target(%dma_start3A_572 : memref<10240x128xf32, #tpu.memory_space<vmem_shared>>) offsets(%dma_start3A_569 : memref<128xi32, #tpu.memory_space<vmem>>) semaphore(%run_scoped3A_566 : memref<!tpu.dma_semaphore, #tpu.memory_space<semaphore_mem>>) {add = true}
      %dma_wait3A_573 = arith.constant 0 : i32
      %dma_wait3A_574 = tpu.memref_slice %arg10[%run_scoped3A_376, %dma_wait3A_573] : memref<16x128xi32, #tpu.memory_space<vmem>> -> memref<1x128xi32, #tpu.memory_space<vmem>>
      %dma_wait3A_575 = tpu.memref_squeeze %dma_wait3A_574 : memref<1x128xi32, #tpu.memory_space<vmem>> -> memref<128xi32, #tpu.memory_space<vmem>>
      %dma_wait3A_576 = arith.constant 0 : i32
      %dma_wait3A_577 = arith.constant 0 : i32
      %dma_wait3A_578 = tpu.memref_slice %arg7[%dma_wait3A_576, %dma_wait3A_577] : memref<10240x128xf32, #tpu.memory_space<vmem_shared>> -> memref<10240x128xf32, #tpu.memory_space<vmem_shared>>
      tpu.wait_indirect_dma semaphore(%run_scoped3A_566 : memref<!tpu.dma_semaphore, #tpu.memory_space<semaphore_mem>>) src(%arg13 : memref<128x128xf32, #tpu.memory_space<vmem>>) dst(%dma_wait3A_578 : memref<10240x128xf32, #tpu.memory_space<vmem_shared>>)
      tpu.yield
    }) : () -> ()
    %dma_start3A_377 = arith.constant 1 : i32
    %dma_start3A_378 = arith.constant 0 : i32
    %dma_start3A_379 = arith.constant 0 : i32
    %dma_start3A_380 = tpu.memref_slice %arg13[%dma_start3A_378, %dma_start3A_379] : memref<128x128xf32, #tpu.memory_space<vmem>> -> memref<64x128xf32, #tpu.memory_space<vmem>>
    %dma_start3A_381 = arith.constant 0 : i32
    %dma_start3A_382 = tpu.memref_slice %arg9[%dma_start3A_377, %dma_start3A_381] : memref<16x128xi32, #tpu.memory_space<vmem>> -> memref<1x64xi32, #tpu.memory_space<vmem>>
    %dma_start3A_383 = tpu.memref_squeeze %dma_start3A_382 : memref<1x64xi32, #tpu.memory_space<vmem>> -> memref<64xi32, #tpu.memory_space<vmem>>
    %dma_start3A_384 = arith.constant 0 : i32
    %dma_start3A_385 = arith.constant 0 : i32
    %dma_start3A_386 = tpu.memref_slice %arg2[%dma_start3A_384, %dma_start3A_385] : memref<10000x128xf32, #tpu.memory_space<hbm>> -> memref<10000x128xf32, #tpu.memory_space<hbm>>
    tpu.enqueue_indirect_dma source(%dma_start3A_386 : memref<10000x128xf32, #tpu.memory_space<hbm>>) target(%dma_start3A_380 : memref<64x128xf32, #tpu.memory_space<vmem>>) offsets(%dma_start3A_383 : memref<64xi32, #tpu.memory_space<vmem>>) semaphore(%arg15 : memref<!tpu.dma_semaphore, #tpu.memory_space<semaphore_mem>>)
    %dma_start3A_387 = arith.constant 1 : i32
    %dma_start3A_388 = arith.constant 64 : i32
    %dma_start3A_389 = arith.constant 0 : i32
    %dma_start3A_390 = tpu.memref_slice %arg13[%dma_start3A_388, %dma_start3A_389] : memref<128x128xf32, #tpu.memory_space<vmem>> -> memref<64x128xf32, #tpu.memory_space<vmem>>
    %dma_start3A_391 = arith.constant 64 : i32
    %dma_start3A_392 = tpu.memref_slice %arg9[%dma_start3A_387, %dma_start3A_391] : memref<16x128xi32, #tpu.memory_space<vmem>> -> memref<1x64xi32, #tpu.memory_space<vmem>>
    %dma_start3A_393 = tpu.memref_squeeze %dma_start3A_392 : memref<1x64xi32, #tpu.memory_space<vmem>> -> memref<64xi32, #tpu.memory_space<vmem>>
    %dma_start3A_394 = arith.constant 0 : i32
    %dma_start3A_395 = arith.constant 0 : i32
    %dma_start3A_396 = tpu.memref_slice %arg2[%dma_start3A_394, %dma_start3A_395] : memref<10000x128xf32, #tpu.memory_space<hbm>> -> memref<10000x128xf32, #tpu.memory_space<hbm>>
    tpu.enqueue_indirect_dma source(%dma_start3A_396 : memref<10000x128xf32, #tpu.memory_space<hbm>>) target(%dma_start3A_390 : memref<64x128xf32, #tpu.memory_space<vmem>>) offsets(%dma_start3A_393 : memref<64xi32, #tpu.memory_space<vmem>>) semaphore(%arg15 : memref<!tpu.dma_semaphore, #tpu.memory_space<semaphore_mem>>)
    %dma_start3A_397 = arith.constant 64 : i32
    %dma_start3A_398 = arith.constant 0 : i32
    %dma_start3A_399 = tpu.memref_slice %arg3[%arg0, %arg1, %dma_start3A_397, %dma_start3A_398] : memref<2x16x80x128xi32, #tpu.memory_space<hbm>> -> memref<1x1x16x128xi32, #tpu.memory_space<hbm>>
    %dma_start3A_400 = tpu.memref_squeeze %dma_start3A_399 : memref<1x1x16x128xi32, #tpu.memory_space<hbm>> -> memref<16x128xi32, #tpu.memory_space<hbm>>
    %dma_start3A_401 = arith.constant 64 : i32
    %dma_start3A_402 = arith.constant 0 : i32
    %dma_start3A_403 = tpu.memref_slice %arg3[%arg0, %arg1, %dma_start3A_401, %dma_start3A_402] : memref<2x16x80x128xi32, #tpu.memory_space<hbm>> -> memref<1x1x16x128xi32, #tpu.memory_space<hbm>>
    %dma_start3A_404 = tpu.memref_squeeze %dma_start3A_403 : memref<1x1x16x128xi32, #tpu.memory_space<hbm>> -> memref<16x128xi32, #tpu.memory_space<hbm>>
    tpu.enqueue_dma source(%dma_start3A_404 : memref<16x128xi32, #tpu.memory_space<hbm>>) target(%arg8 : memref<16x128xi32, #tpu.memory_space<vmem>>) target_semaphore(%arg16 : memref<!tpu.dma_semaphore, #tpu.memory_space<semaphore_mem>>)
    %dma_start3A_405 = arith.constant 64 : i32
    %dma_start3A_406 = arith.constant 0 : i32
    %dma_start3A_407 = tpu.memref_slice %arg4[%arg0, %arg1, %dma_start3A_405, %dma_start3A_406] : memref<2x16x80x128xi32, #tpu.memory_space<hbm>> -> memref<1x1x16x128xi32, #tpu.memory_space<hbm>>
    %dma_start3A_408 = tpu.memref_squeeze %dma_start3A_407 : memref<1x1x16x128xi32, #tpu.memory_space<hbm>> -> memref<16x128xi32, #tpu.memory_space<hbm>>
    %dma_start3A_409 = arith.constant 64 : i32
    %dma_start3A_410 = arith.constant 0 : i32
    %dma_start3A_411 = tpu.memref_slice %arg4[%arg0, %arg1, %dma_start3A_409, %dma_start3A_410] : memref<2x16x80x128xi32, #tpu.memory_space<hbm>> -> memref<1x1x16x128xi32, #tpu.memory_space<hbm>>
    %dma_start3A_412 = tpu.memref_squeeze %dma_start3A_411 : memref<1x1x16x128xi32, #tpu.memory_space<hbm>> -> memref<16x128xi32, #tpu.memory_space<hbm>>
    tpu.enqueue_dma source(%dma_start3A_412 : memref<16x128xi32, #tpu.memory_space<hbm>>) target(%arg10 : memref<16x128xi32, #tpu.memory_space<vmem>>) target_semaphore(%arg16 : memref<!tpu.dma_semaphore, #tpu.memory_space<semaphore_mem>>)
    %scan3A_413 = arith.constant 0 : i32
    %scan3A_414 = arith.constant 0 : i32
    %scan3A_415 = arith.constant 7 : i32
    %scan3A_416 = arith.addi %scan3A_414, %scan3A_415 : i32
    %scan3A_417 = arith.constant 1 : i32
    scf.for %scan3A_566 = %scan3A_414 to %scan3A_416 step %scan3A_417  : i32 {
      %mul3A_567 = arith.constant 2 : i32
      %mul3A_568 = arith.muli %mul3A_567, %scan3A_566 : i32
      %dma_wait3A_569 = arith.constant 0 : i32
      %dma_wait3A_570 = arith.constant 0 : i32
      %dma_wait3A_571 = tpu.memref_slice %arg12[%dma_wait3A_569, %dma_wait3A_570] : memref<128x128xf32, #tpu.memory_space<vmem>> -> memref<64x128xf32, #tpu.memory_space<vmem>>
      %dma_wait3A_572 = arith.constant 0 : i32
      %dma_wait3A_573 = tpu.memref_slice %arg9[%mul3A_568, %dma_wait3A_572] : memref<16x128xi32, #tpu.memory_space<vmem>> -> memref<1x64xi32, #tpu.memory_space<vmem>>
      %dma_wait3A_574 = tpu.memref_squeeze %dma_wait3A_573 : memref<1x64xi32, #tpu.memory_space<vmem>> -> memref<64xi32, #tpu.memory_space<vmem>>
      %dma_wait3A_575 = arith.constant 0 : i32
      %dma_wait3A_576 = arith.constant 0 : i32
      %dma_wait3A_577 = tpu.memref_slice %arg2[%dma_wait3A_575, %dma_wait3A_576] : memref<10000x128xf32, #tpu.memory_space<hbm>> -> memref<10000x128xf32, #tpu.memory_space<hbm>>
      tpu.wait_indirect_dma semaphore(%arg14 : memref<!tpu.dma_semaphore, #tpu.memory_space<semaphore_mem>>) src(%dma_wait3A_577 : memref<10000x128xf32, #tpu.memory_space<hbm>>) dst(%dma_wait3A_571 : memref<64x128xf32, #tpu.memory_space<vmem>>)
      %dma_wait3A_578 = arith.constant 64 : i32
      %dma_wait3A_579 = arith.constant 0 : i32
      %dma_wait3A_580 = tpu.memref_slice %arg12[%dma_wait3A_578, %dma_wait3A_579] : memref<128x128xf32, #tpu.memory_space<vmem>> -> memref<64x128xf32, #tpu.memory_space<vmem>>
      %dma_wait3A_581 = arith.constant 64 : i32
      %dma_wait3A_582 = tpu.memref_slice %arg9[%mul3A_568, %dma_wait3A_581] : memref<16x128xi32, #tpu.memory_space<vmem>> -> memref<1x64xi32, #tpu.memory_space<vmem>>
      %dma_wait3A_583 = tpu.memref_squeeze %dma_wait3A_582 : memref<1x64xi32, #tpu.memory_space<vmem>> -> memref<64xi32, #tpu.memory_space<vmem>>
      %dma_wait3A_584 = arith.constant 0 : i32
      %dma_wait3A_585 = arith.constant 0 : i32
      %dma_wait3A_586 = tpu.memref_slice %arg2[%dma_wait3A_584, %dma_wait3A_585] : memref<10000x128xf32, #tpu.memory_space<hbm>> -> memref<10000x128xf32, #tpu.memory_space<hbm>>
      tpu.wait_indirect_dma semaphore(%arg14 : memref<!tpu.dma_semaphore, #tpu.memory_space<semaphore_mem>>) src(%dma_wait3A_586 : memref<10000x128xf32, #tpu.memory_space<hbm>>) dst(%dma_wait3A_580 : memref<64x128xf32, #tpu.memory_space<vmem>>)
      "tpu.region"() ({
        %run_scoped3A_652 = tpu.sem_alloc : memref<!tpu.dma_semaphore, #tpu.memory_space<semaphore_mem>>
        %dma_start3A_653 = arith.constant 0 : i32
        %dma_start3A_654 = tpu.memref_slice %arg11[%mul3A_568, %dma_start3A_653] : memref<16x128xi32, #tpu.memory_space<vmem>> -> memref<1x128xi32, #tpu.memory_space<vmem>>
        %dma_start3A_655 = tpu.memref_squeeze %dma_start3A_654 : memref<1x128xi32, #tpu.memory_space<vmem>> -> memref<128xi32, #tpu.memory_space<vmem>>
        %dma_start3A_656 = arith.constant 0 : i32
        %dma_start3A_657 = arith.constant 0 : i32
        %dma_start3A_658 = tpu.memref_slice %arg7[%dma_start3A_656, %dma_start3A_657] : memref<10240x128xf32, #tpu.memory_space<vmem_shared>> -> memref<10240x128xf32, #tpu.memory_space<vmem_shared>>
        tpu.enqueue_indirect_dma source(%arg12 : memref<128x128xf32, #tpu.memory_space<vmem>>) target(%dma_start3A_658 : memref<10240x128xf32, #tpu.memory_space<vmem_shared>>) offsets(%dma_start3A_655 : memref<128xi32, #tpu.memory_space<vmem>>) semaphore(%run_scoped3A_652 : memref<!tpu.dma_semaphore, #tpu.memory_space<semaphore_mem>>) {add = true}
        %dma_wait3A_659 = arith.constant 0 : i32
        %dma_wait3A_660 = tpu.memref_slice %arg11[%mul3A_568, %dma_wait3A_659] : memref<16x128xi32, #tpu.memory_space<vmem>> -> memref<1x128xi32, #tpu.memory_space<vmem>>
        %dma_wait3A_661 = tpu.memref_squeeze %dma_wait3A_660 : memref<1x128xi32, #tpu.memory_space<vmem>> -> memref<128xi32, #tpu.memory_space<vmem>>
        %dma_wait3A_662 = arith.constant 0 : i32
        %dma_wait3A_663 = arith.constant 0 : i32
        %dma_wait3A_664 = tpu.memref_slice %arg7[%dma_wait3A_662, %dma_wait3A_663] : memref<10240x128xf32, #tpu.memory_space<vmem_shared>> -> memref<10240x128xf32, #tpu.memory_space<vmem_shared>>
        tpu.wait_indirect_dma semaphore(%run_scoped3A_652 : memref<!tpu.dma_semaphore, #tpu.memory_space<semaphore_mem>>) src(%arg12 : memref<128x128xf32, #tpu.memory_space<vmem>>) dst(%dma_wait3A_664 : memref<10240x128xf32, #tpu.memory_space<vmem_shared>>)
        tpu.yield
      }) : () -> ()
      %mul3A_587 = arith.constant 2 : i32
      %mul3A_588 = arith.muli %mul3A_587, %scan3A_566 : i32
      %add3A = arith.constant 2 : i32
      %add3A_589 = arith.addi %mul3A_588, %add3A : i32
      %dma_start3A_590 = arith.constant 0 : i32
      %dma_start3A_591 = arith.constant 0 : i32
      %dma_start3A_592 = tpu.memref_slice %arg12[%dma_start3A_590, %dma_start3A_591] : memref<128x128xf32, #tpu.memory_space<vmem>> -> memref<64x128xf32, #tpu.memory_space<vmem>>
      %dma_start3A_593 = arith.constant 0 : i32
      %dma_start3A_594 = tpu.memref_slice %arg9[%add3A_589, %dma_start3A_593] : memref<16x128xi32, #tpu.memory_space<vmem>> -> memref<1x64xi32, #tpu.memory_space<vmem>>
      %dma_start3A_595 = tpu.memref_squeeze %dma_start3A_594 : memref<1x64xi32, #tpu.memory_space<vmem>> -> memref<64xi32, #tpu.memory_space<vmem>>
      %dma_start3A_596 = arith.constant 0 : i32
      %dma_start3A_597 = arith.constant 0 : i32
      %dma_start3A_598 = tpu.memref_slice %arg2[%dma_start3A_596, %dma_start3A_597] : memref<10000x128xf32, #tpu.memory_space<hbm>> -> memref<10000x128xf32, #tpu.memory_space<hbm>>
      tpu.enqueue_indirect_dma source(%dma_start3A_598 : memref<10000x128xf32, #tpu.memory_space<hbm>>) target(%dma_start3A_592 : memref<64x128xf32, #tpu.memory_space<vmem>>) offsets(%dma_start3A_595 : memref<64xi32, #tpu.memory_space<vmem>>) semaphore(%arg14 : memref<!tpu.dma_semaphore, #tpu.memory_space<semaphore_mem>>)
      %dma_start3A_599 = arith.constant 64 : i32
      %dma_start3A_600 = arith.constant 0 : i32
      %dma_start3A_601 = tpu.memref_slice %arg12[%dma_start3A_599, %dma_start3A_600] : memref<128x128xf32, #tpu.memory_space<vmem>> -> memref<64x128xf32, #tpu.memory_space<vmem>>
      %dma_start3A_602 = arith.constant 64 : i32
      %dma_start3A_603 = tpu.memref_slice %arg9[%add3A_589, %dma_start3A_602] : memref<16x128xi32, #tpu.memory_space<vmem>> -> memref<1x64xi32, #tpu.memory_space<vmem>>
      %dma_start3A_604 = tpu.memref_squeeze %dma_start3A_603 : memref<1x64xi32, #tpu.memory_space<vmem>> -> memref<64xi32, #tpu.memory_space<vmem>>
      %dma_start3A_605 = arith.constant 0 : i32
      %dma_start3A_606 = arith.constant 0 : i32
      %dma_start3A_607 = tpu.memref_slice %arg2[%dma_start3A_605, %dma_start3A_606] : memref<10000x128xf32, #tpu.memory_space<hbm>> -> memref<10000x128xf32, #tpu.memory_space<hbm>>
      tpu.enqueue_indirect_dma source(%dma_start3A_607 : memref<10000x128xf32, #tpu.memory_space<hbm>>) target(%dma_start3A_601 : memref<64x128xf32, #tpu.memory_space<vmem>>) offsets(%dma_start3A_604 : memref<64xi32, #tpu.memory_space<vmem>>) semaphore(%arg14 : memref<!tpu.dma_semaphore, #tpu.memory_space<semaphore_mem>>)
      %mul3A_608 = arith.constant 2 : i32
      %mul3A_609 = arith.muli %mul3A_608, %scan3A_566 : i32
      %add3A_610 = arith.constant 1 : i32
      %add3A_611 = arith.addi %mul3A_609, %add3A_610 : i32
      %dma_wait3A_612 = arith.constant 0 : i32
      %dma_wait3A_613 = arith.constant 0 : i32
      %dma_wait3A_614 = tpu.memref_slice %arg13[%dma_wait3A_612, %dma_wait3A_613] : memref<128x128xf32, #tpu.memory_space<vmem>> -> memref<64x128xf32, #tpu.memory_space<vmem>>
      %dma_wait3A_615 = arith.constant 0 : i32
      %dma_wait3A_616 = tpu.memref_slice %arg9[%add3A_611, %dma_wait3A_615] : memref<16x128xi32, #tpu.memory_space<vmem>> -> memref<1x64xi32, #tpu.memory_space<vmem>>
      %dma_wait3A_617 = tpu.memref_squeeze %dma_wait3A_616 : memref<1x64xi32, #tpu.memory_space<vmem>> -> memref<64xi32, #tpu.memory_space<vmem>>
      %dma_wait3A_618 = arith.constant 0 : i32
      %dma_wait3A_619 = arith.constant 0 : i32
      %dma_wait3A_620 = tpu.memref_slice %arg2[%dma_wait3A_618, %dma_wait3A_619] : memref<10000x128xf32, #tpu.memory_space<hbm>> -> memref<10000x128xf32, #tpu.memory_space<hbm>>
      tpu.wait_indirect_dma semaphore(%arg15 : memref<!tpu.dma_semaphore, #tpu.memory_space<semaphore_mem>>) src(%dma_wait3A_620 : memref<10000x128xf32, #tpu.memory_space<hbm>>) dst(%dma_wait3A_614 : memref<64x128xf32, #tpu.memory_space<vmem>>)
      %dma_wait3A_621 = arith.constant 64 : i32
      %dma_wait3A_622 = arith.constant 0 : i32
      %dma_wait3A_623 = tpu.memref_slice %arg13[%dma_wait3A_621, %dma_wait3A_622] : memref<128x128xf32, #tpu.memory_space<vmem>> -> memref<64x128xf32, #tpu.memory_space<vmem>>
      %dma_wait3A_624 = arith.constant 64 : i32
      %dma_wait3A_625 = tpu.memref_slice %arg9[%add3A_611, %dma_wait3A_624] : memref<16x128xi32, #tpu.memory_space<vmem>> -> memref<1x64xi32, #tpu.memory_space<vmem>>
      %dma_wait3A_626 = tpu.memref_squeeze %dma_wait3A_625 : memref<1x64xi32, #tpu.memory_space<vmem>> -> memref<64xi32, #tpu.memory_space<vmem>>
      %dma_wait3A_627 = arith.constant 0 : i32
      %dma_wait3A_628 = arith.constant 0 : i32
      %dma_wait3A_629 = tpu.memref_slice %arg2[%dma_wait3A_627, %dma_wait3A_628] : memref<10000x128xf32, #tpu.memory_space<hbm>> -> memref<10000x128xf32, #tpu.memory_space<hbm>>
      tpu.wait_indirect_dma semaphore(%arg15 : memref<!tpu.dma_semaphore, #tpu.memory_space<semaphore_mem>>) src(%dma_wait3A_629 : memref<10000x128xf32, #tpu.memory_space<hbm>>) dst(%dma_wait3A_623 : memref<64x128xf32, #tpu.memory_space<vmem>>)
      "tpu.region"() ({
        %run_scoped3A_652 = tpu.sem_alloc : memref<!tpu.dma_semaphore, #tpu.memory_space<semaphore_mem>>
        %dma_start3A_653 = arith.constant 0 : i32
        %dma_start3A_654 = tpu.memref_slice %arg11[%add3A_611, %dma_start3A_653] : memref<16x128xi32, #tpu.memory_space<vmem>> -> memref<1x128xi32, #tpu.memory_space<vmem>>
        %dma_start3A_655 = tpu.memref_squeeze %dma_start3A_654 : memref<1x128xi32, #tpu.memory_space<vmem>> -> memref<128xi32, #tpu.memory_space<vmem>>
        %dma_start3A_656 = arith.constant 0 : i32
        %dma_start3A_657 = arith.constant 0 : i32
        %dma_start3A_658 = tpu.memref_slice %arg7[%dma_start3A_656, %dma_start3A_657] : memref<10240x128xf32, #tpu.memory_space<vmem_shared>> -> memref<10240x128xf32, #tpu.memory_space<vmem_shared>>
        tpu.enqueue_indirect_dma source(%arg13 : memref<128x128xf32, #tpu.memory_space<vmem>>) target(%dma_start3A_658 : memref<10240x128xf32, #tpu.memory_space<vmem_shared>>) offsets(%dma_start3A_655 : memref<128xi32, #tpu.memory_space<vmem>>) semaphore(%run_scoped3A_652 : memref<!tpu.dma_semaphore, #tpu.memory_space<semaphore_mem>>) {add = true}
        %dma_wait3A_659 = arith.constant 0 : i32
        %dma_wait3A_660 = tpu.memref_slice %arg11[%add3A_611, %dma_wait3A_659] : memref<16x128xi32, #tpu.memory_space<vmem>> -> memref<1x128xi32, #tpu.memory_space<vmem>>
        %dma_wait3A_661 = tpu.memref_squeeze %dma_wait3A_660 : memref<1x128xi32, #tpu.memory_space<vmem>> -> memref<128xi32, #tpu.memory_space<vmem>>
        %dma_wait3A_662 = arith.constant 0 : i32
        %dma_wait3A_663 = arith.constant 0 : i32
        %dma_wait3A_664 = tpu.memref_slice %arg7[%dma_wait3A_662, %dma_wait3A_663] : memref<10240x128xf32, #tpu.memory_space<vmem_shared>> -> memref<10240x128xf32, #tpu.memory_space<vmem_shared>>
        tpu.wait_indirect_dma semaphore(%run_scoped3A_652 : memref<!tpu.dma_semaphore, #tpu.memory_space<semaphore_mem>>) src(%arg13 : memref<128x128xf32, #tpu.memory_space<vmem>>) dst(%dma_wait3A_664 : memref<10240x128xf32, #tpu.memory_space<vmem_shared>>)
        tpu.yield
      }) : () -> ()
      %mul3A_630 = arith.constant 2 : i32
      %mul3A_631 = arith.muli %mul3A_630, %scan3A_566 : i32
      %add3A_632 = arith.constant 3 : i32
      %add3A_633 = arith.addi %mul3A_631, %add3A_632 : i32
      %dma_start3A_634 = arith.constant 0 : i32
      %dma_start3A_635 = arith.constant 0 : i32
      %dma_start3A_636 = tpu.memref_slice %arg13[%dma_start3A_634, %dma_start3A_635] : memref<128x128xf32, #tpu.memory_space<vmem>> -> memref<64x128xf32, #tpu.memory_space<vmem>>
      %dma_start3A_637 = arith.constant 0 : i32
      %dma_start3A_638 = tpu.memref_slice %arg9[%add3A_633, %dma_start3A_637] : memref<16x128xi32, #tpu.memory_space<vmem>> -> memref<1x64xi32, #tpu.memory_space<vmem>>
      %dma_start3A_639 = tpu.memref_squeeze %dma_start3A_638 : memref<1x64xi32, #tpu.memory_space<vmem>> -> memref<64xi32, #tpu.memory_space<vmem>>
      %dma_start3A_640 = arith.constant 0 : i32
      %dma_start3A_641 = arith.constant 0 : i32
      %dma_start3A_642 = tpu.memref_slice %arg2[%dma_start3A_640, %dma_start3A_641] : memref<10000x128xf32, #tpu.memory_space<hbm>> -> memref<10000x128xf32, #tpu.memory_space<hbm>>
      tpu.enqueue_indirect_dma source(%dma_start3A_642 : memref<10000x128xf32, #tpu.memory_space<hbm>>) target(%dma_start3A_636 : memref<64x128xf32, #tpu.memory_space<vmem>>) offsets(%dma_start3A_639 : memref<64xi32, #tpu.memory_space<vmem>>) semaphore(%arg15 : memref<!tpu.dma_semaphore, #tpu.memory_space<semaphore_mem>>)
      %dma_start3A_643 = arith.constant 64 : i32
      %dma_start3A_644 = arith.constant 0 : i32
      %dma_start3A_645 = tpu.memref_slice %arg13[%dma_start3A_643, %dma_start3A_644] : memref<128x128xf32, #tpu.memory_space<vmem>> -> memref<64x128xf32, #tpu.memory_space<vmem>>
      %dma_start3A_646 = arith.constant 64 : i32
      %dma_start3A_647 = tpu.memref_slice %arg9[%add3A_633, %dma_start3A_646] : memref<16x128xi32, #tpu.memory_space<vmem>> -> memref<1x64xi32, #tpu.memory_space<vmem>>
      %dma_start3A_648 = tpu.memref_squeeze %dma_start3A_647 : memref<1x64xi32, #tpu.memory_space<vmem>> -> memref<64xi32, #tpu.memory_space<vmem>>
      %dma_start3A_649 = arith.constant 0 : i32
      %dma_start3A_650 = arith.constant 0 : i32
      %dma_start3A_651 = tpu.memref_slice %arg2[%dma_start3A_649, %dma_start3A_650] : memref<10000x128xf32, #tpu.memory_space<hbm>> -> memref<10000x128xf32, #tpu.memory_space<hbm>>
      tpu.enqueue_indirect_dma source(%dma_start3A_651 : memref<10000x128xf32, #tpu.memory_space<hbm>>) target(%dma_start3A_645 : memref<64x128xf32, #tpu.memory_space<vmem>>) offsets(%dma_start3A_648 : memref<64xi32, #tpu.memory_space<vmem>>) semaphore(%arg15 : memref<!tpu.dma_semaphore, #tpu.memory_space<semaphore_mem>>)
    }
    %scan3A_418 = arith.constant 7 : i32
    %dma_wait3A_419 = arith.constant 14 : i32
    %dma_wait3A_420 = arith.constant 0 : i32
    %dma_wait3A_421 = arith.constant 0 : i32
    %dma_wait3A_422 = tpu.memref_slice %arg12[%dma_wait3A_420, %dma_wait3A_421] : memref<128x128xf32, #tpu.memory_space<vmem>> -> memref<64x128xf32, #tpu.memory_space<vmem>>
    %dma_wait3A_423 = arith.constant 0 : i32
    %dma_wait3A_424 = tpu.memref_slice %arg9[%dma_wait3A_419, %dma_wait3A_423] : memref<16x128xi32, #tpu.memory_space<vmem>> -> memref<1x64xi32, #tpu.memory_space<vmem>>
    %dma_wait3A_425 = tpu.memref_squeeze %dma_wait3A_424 : memref<1x64xi32, #tpu.memory_space<vmem>> -> memref<64xi32, #tpu.memory_space<vmem>>
    %dma_wait3A_426 = arith.constant 0 : i32
    %dma_wait3A_427 = arith.constant 0 : i32
    %dma_wait3A_428 = tpu.memref_slice %arg2[%dma_wait3A_426, %dma_wait3A_427] : memref<10000x128xf32, #tpu.memory_space<hbm>> -> memref<10000x128xf32, #tpu.memory_space<hbm>>
    tpu.wait_indirect_dma semaphore(%arg14 : memref<!tpu.dma_semaphore, #tpu.memory_space<semaphore_mem>>) src(%dma_wait3A_428 : memref<10000x128xf32, #tpu.memory_space<hbm>>) dst(%dma_wait3A_422 : memref<64x128xf32, #tpu.memory_space<vmem>>)
    %dma_wait3A_429 = arith.constant 14 : i32
    %dma_wait3A_430 = arith.constant 64 : i32
    %dma_wait3A_431 = arith.constant 0 : i32
    %dma_wait3A_432 = tpu.memref_slice %arg12[%dma_wait3A_430, %dma_wait3A_431] : memref<128x128xf32, #tpu.memory_space<vmem>> -> memref<64x128xf32, #tpu.memory_space<vmem>>
    %dma_wait3A_433 = arith.constant 64 : i32
    %dma_wait3A_434 = tpu.memref_slice %arg9[%dma_wait3A_429, %dma_wait3A_433] : memref<16x128xi32, #tpu.memory_space<vmem>> -> memref<1x64xi32, #tpu.memory_space<vmem>>
    %dma_wait3A_435 = tpu.memref_squeeze %dma_wait3A_434 : memref<1x64xi32, #tpu.memory_space<vmem>> -> memref<64xi32, #tpu.memory_space<vmem>>
    %dma_wait3A_436 = arith.constant 0 : i32
    %dma_wait3A_437 = arith.constant 0 : i32
    %dma_wait3A_438 = tpu.memref_slice %arg2[%dma_wait3A_436, %dma_wait3A_437] : memref<10000x128xf32, #tpu.memory_space<hbm>> -> memref<10000x128xf32, #tpu.memory_space<hbm>>
    tpu.wait_indirect_dma semaphore(%arg14 : memref<!tpu.dma_semaphore, #tpu.memory_space<semaphore_mem>>) src(%dma_wait3A_438 : memref<10000x128xf32, #tpu.memory_space<hbm>>) dst(%dma_wait3A_432 : memref<64x128xf32, #tpu.memory_space<vmem>>)
    %run_scoped3A_439 = arith.constant 14 : i32
    "tpu.region"() ({
      %run_scoped3A_566 = tpu.sem_alloc : memref<!tpu.dma_semaphore, #tpu.memory_space<semaphore_mem>>
      %dma_start3A_567 = arith.constant 0 : i32
      %dma_start3A_568 = tpu.memref_slice %arg11[%run_scoped3A_439, %dma_start3A_567] : memref<16x128xi32, #tpu.memory_space<vmem>> -> memref<1x128xi32, #tpu.memory_space<vmem>>
      %dma_start3A_569 = tpu.memref_squeeze %dma_start3A_568 : memref<1x128xi32, #tpu.memory_space<vmem>> -> memref<128xi32, #tpu.memory_space<vmem>>
      %dma_start3A_570 = arith.constant 0 : i32
      %dma_start3A_571 = arith.constant 0 : i32
      %dma_start3A_572 = tpu.memref_slice %arg7[%dma_start3A_570, %dma_start3A_571] : memref<10240x128xf32, #tpu.memory_space<vmem_shared>> -> memref<10240x128xf32, #tpu.memory_space<vmem_shared>>
      tpu.enqueue_indirect_dma source(%arg12 : memref<128x128xf32, #tpu.memory_space<vmem>>) target(%dma_start3A_572 : memref<10240x128xf32, #tpu.memory_space<vmem_shared>>) offsets(%dma_start3A_569 : memref<128xi32, #tpu.memory_space<vmem>>) semaphore(%run_scoped3A_566 : memref<!tpu.dma_semaphore, #tpu.memory_space<semaphore_mem>>) {add = true}
      %dma_wait3A_573 = arith.constant 0 : i32
      %dma_wait3A_574 = tpu.memref_slice %arg11[%run_scoped3A_439, %dma_wait3A_573] : memref<16x128xi32, #tpu.memory_space<vmem>> -> memref<1x128xi32, #tpu.memory_space<vmem>>
      %dma_wait3A_575 = tpu.memref_squeeze %dma_wait3A_574 : memref<1x128xi32, #tpu.memory_space<vmem>> -> memref<128xi32, #tpu.memory_space<vmem>>
      %dma_wait3A_576 = arith.constant 0 : i32
      %dma_wait3A_577 = arith.constant 0 : i32
      %dma_wait3A_578 = tpu.memref_slice %arg7[%dma_wait3A_576, %dma_wait3A_577] : memref<10240x128xf32, #tpu.memory_space<vmem_shared>> -> memref<10240x128xf32, #tpu.memory_space<vmem_shared>>
      tpu.wait_indirect_dma semaphore(%run_scoped3A_566 : memref<!tpu.dma_semaphore, #tpu.memory_space<semaphore_mem>>) src(%arg12 : memref<128x128xf32, #tpu.memory_space<vmem>>) dst(%dma_wait3A_578 : memref<10240x128xf32, #tpu.memory_space<vmem_shared>>)
      tpu.yield
    }) : () -> ()
    %dma_wait3A_440 = arith.constant 64 : i32
    %dma_wait3A_441 = arith.constant 0 : i32
    %dma_wait3A_442 = tpu.memref_slice %arg3[%arg0, %arg1, %dma_wait3A_440, %dma_wait3A_441] : memref<2x16x80x128xi32, #tpu.memory_space<hbm>> -> memref<1x1x16x128xi32, #tpu.memory_space<hbm>>
    %dma_wait3A_443 = tpu.memref_squeeze %dma_wait3A_442 : memref<1x1x16x128xi32, #tpu.memory_space<hbm>> -> memref<16x128xi32, #tpu.memory_space<hbm>>
    %dma_wait3A_444 = arith.constant 64 : i32
    %dma_wait3A_445 = arith.constant 0 : i32
    %dma_wait3A_446 = tpu.memref_slice %arg3[%arg0, %arg1, %dma_wait3A_444, %dma_wait3A_445] : memref<2x16x80x128xi32, #tpu.memory_space<hbm>> -> memref<1x1x16x128xi32, #tpu.memory_space<hbm>>
    %dma_wait3A_447 = tpu.memref_squeeze %dma_wait3A_446 : memref<1x1x16x128xi32, #tpu.memory_space<hbm>> -> memref<16x128xi32, #tpu.memory_space<hbm>>
    tpu.wait_dma2 semaphore(%arg16 : memref<!tpu.dma_semaphore, #tpu.memory_space<semaphore_mem>>) src(%dma_wait3A_447 : memref<16x128xi32, #tpu.memory_space<hbm>>) dst(%arg8 : memref<16x128xi32, #tpu.memory_space<vmem>>)
    %dma_wait3A_448 = arith.constant 64 : i32
    %dma_wait3A_449 = arith.constant 0 : i32
    %dma_wait3A_450 = tpu.memref_slice %arg4[%arg0, %arg1, %dma_wait3A_448, %dma_wait3A_449] : memref<2x16x80x128xi32, #tpu.memory_space<hbm>> -> memref<1x1x16x128xi32, #tpu.memory_space<hbm>>
    %dma_wait3A_451 = tpu.memref_squeeze %dma_wait3A_450 : memref<1x1x16x128xi32, #tpu.memory_space<hbm>> -> memref<16x128xi32, #tpu.memory_space<hbm>>
    %dma_wait3A_452 = arith.constant 64 : i32
    %dma_wait3A_453 = arith.constant 0 : i32
    %dma_wait3A_454 = tpu.memref_slice %arg4[%arg0, %arg1, %dma_wait3A_452, %dma_wait3A_453] : memref<2x16x80x128xi32, #tpu.memory_space<hbm>> -> memref<1x1x16x128xi32, #tpu.memory_space<hbm>>
    %dma_wait3A_455 = tpu.memref_squeeze %dma_wait3A_454 : memref<1x1x16x128xi32, #tpu.memory_space<hbm>> -> memref<16x128xi32, #tpu.memory_space<hbm>>
    tpu.wait_dma2 semaphore(%arg16 : memref<!tpu.dma_semaphore, #tpu.memory_space<semaphore_mem>>) src(%dma_wait3A_455 : memref<16x128xi32, #tpu.memory_space<hbm>>) dst(%arg10 : memref<16x128xi32, #tpu.memory_space<vmem>>)
    %dma_start3A_456 = arith.constant 0 : i32
    %dma_start3A_457 = arith.constant 0 : i32
    %dma_start3A_458 = arith.constant 0 : i32
    %dma_start3A_459 = tpu.memref_slice %arg12[%dma_start3A_457, %dma_start3A_458] : memref<128x128xf32, #tpu.memory_space<vmem>> -> memref<64x128xf32, #tpu.memory_space<vmem>>
    %dma_start3A_460 = arith.constant 0 : i32
    %dma_start3A_461 = tpu.memref_slice %arg8[%dma_start3A_456, %dma_start3A_460] : memref<16x128xi32, #tpu.memory_space<vmem>> -> memref<1x64xi32, #tpu.memory_space<vmem>>
    %dma_start3A_462 = tpu.memref_squeeze %dma_start3A_461 : memref<1x64xi32, #tpu.memory_space<vmem>> -> memref<64xi32, #tpu.memory_space<vmem>>
    %dma_start3A_463 = arith.constant 0 : i32
    %dma_start3A_464 = arith.constant 0 : i32
    %dma_start3A_465 = tpu.memref_slice %arg2[%dma_start3A_463, %dma_start3A_464] : memref<10000x128xf32, #tpu.memory_space<hbm>> -> memref<10000x128xf32, #tpu.memory_space<hbm>>
    tpu.enqueue_indirect_dma source(%dma_start3A_465 : memref<10000x128xf32, #tpu.memory_space<hbm>>) target(%dma_start3A_459 : memref<64x128xf32, #tpu.memory_space<vmem>>) offsets(%dma_start3A_462 : memref<64xi32, #tpu.memory_space<vmem>>) semaphore(%arg14 : memref<!tpu.dma_semaphore, #tpu.memory_space<semaphore_mem>>)
    %dma_start3A_466 = arith.constant 0 : i32
    %dma_start3A_467 = arith.constant 64 : i32
    %dma_start3A_468 = arith.constant 0 : i32
    %dma_start3A_469 = tpu.memref_slice %arg12[%dma_start3A_467, %dma_start3A_468] : memref<128x128xf32, #tpu.memory_space<vmem>> -> memref<64x128xf32, #tpu.memory_space<vmem>>
    %dma_start3A_470 = arith.constant 64 : i32
    %dma_start3A_471 = tpu.memref_slice %arg8[%dma_start3A_466, %dma_start3A_470] : memref<16x128xi32, #tpu.memory_space<vmem>> -> memref<1x64xi32, #tpu.memory_space<vmem>>
    %dma_start3A_472 = tpu.memref_squeeze %dma_start3A_471 : memref<1x64xi32, #tpu.memory_space<vmem>> -> memref<64xi32, #tpu.memory_space<vmem>>
    %dma_start3A_473 = arith.constant 0 : i32
    %dma_start3A_474 = arith.constant 0 : i32
    %dma_start3A_475 = tpu.memref_slice %arg2[%dma_start3A_473, %dma_start3A_474] : memref<10000x128xf32, #tpu.memory_space<hbm>> -> memref<10000x128xf32, #tpu.memory_space<hbm>>
    tpu.enqueue_indirect_dma source(%dma_start3A_475 : memref<10000x128xf32, #tpu.memory_space<hbm>>) target(%dma_start3A_469 : memref<64x128xf32, #tpu.memory_space<vmem>>) offsets(%dma_start3A_472 : memref<64xi32, #tpu.memory_space<vmem>>) semaphore(%arg14 : memref<!tpu.dma_semaphore, #tpu.memory_space<semaphore_mem>>)
    %dma_wait3A_476 = arith.constant 15 : i32
    %dma_wait3A_477 = arith.constant 0 : i32
    %dma_wait3A_478 = arith.constant 0 : i32
    %dma_wait3A_479 = tpu.memref_slice %arg13[%dma_wait3A_477, %dma_wait3A_478] : memref<128x128xf32, #tpu.memory_space<vmem>> -> memref<64x128xf32, #tpu.memory_space<vmem>>
    %dma_wait3A_480 = arith.constant 0 : i32
    %dma_wait3A_481 = tpu.memref_slice %arg9[%dma_wait3A_476, %dma_wait3A_480] : memref<16x128xi32, #tpu.memory_space<vmem>> -> memref<1x64xi32, #tpu.memory_space<vmem>>
    %dma_wait3A_482 = tpu.memref_squeeze %dma_wait3A_481 : memref<1x64xi32, #tpu.memory_space<vmem>> -> memref<64xi32, #tpu.memory_space<vmem>>
    %dma_wait3A_483 = arith.constant 0 : i32
    %dma_wait3A_484 = arith.constant 0 : i32
    %dma_wait3A_485 = tpu.memref_slice %arg2[%dma_wait3A_483, %dma_wait3A_484] : memref<10000x128xf32, #tpu.memory_space<hbm>> -> memref<10000x128xf32, #tpu.memory_space<hbm>>
    tpu.wait_indirect_dma semaphore(%arg15 : memref<!tpu.dma_semaphore, #tpu.memory_space<semaphore_mem>>) src(%dma_wait3A_485 : memref<10000x128xf32, #tpu.memory_space<hbm>>) dst(%dma_wait3A_479 : memref<64x128xf32, #tpu.memory_space<vmem>>)
    %dma_wait3A_486 = arith.constant 15 : i32
    %dma_wait3A_487 = arith.constant 64 : i32
    %dma_wait3A_488 = arith.constant 0 : i32
    %dma_wait3A_489 = tpu.memref_slice %arg13[%dma_wait3A_487, %dma_wait3A_488] : memref<128x128xf32, #tpu.memory_space<vmem>> -> memref<64x128xf32, #tpu.memory_space<vmem>>
    %dma_wait3A_490 = arith.constant 64 : i32
    %dma_wait3A_491 = tpu.memref_slice %arg9[%dma_wait3A_486, %dma_wait3A_490] : memref<16x128xi32, #tpu.memory_space<vmem>> -> memref<1x64xi32, #tpu.memory_space<vmem>>
    %dma_wait3A_492 = tpu.memref_squeeze %dma_wait3A_491 : memref<1x64xi32, #tpu.memory_space<vmem>> -> memref<64xi32, #tpu.memory_space<vmem>>
    %dma_wait3A_493 = arith.constant 0 : i32
    %dma_wait3A_494 = arith.constant 0 : i32
    %dma_wait3A_495 = tpu.memref_slice %arg2[%dma_wait3A_493, %dma_wait3A_494] : memref<10000x128xf32, #tpu.memory_space<hbm>> -> memref<10000x128xf32, #tpu.memory_space<hbm>>
    tpu.wait_indirect_dma semaphore(%arg15 : memref<!tpu.dma_semaphore, #tpu.memory_space<semaphore_mem>>) src(%dma_wait3A_495 : memref<10000x128xf32, #tpu.memory_space<hbm>>) dst(%dma_wait3A_489 : memref<64x128xf32, #tpu.memory_space<vmem>>)
    %run_scoped3A_496 = arith.constant 15 : i32
    "tpu.region"() ({
      %run_scoped3A_566 = tpu.sem_alloc : memref<!tpu.dma_semaphore, #tpu.memory_space<semaphore_mem>>
      %dma_start3A_567 = arith.constant 0 : i32
      %dma_start3A_568 = tpu.memref_slice %arg11[%run_scoped3A_496, %dma_start3A_567] : memref<16x128xi32, #tpu.memory_space<vmem>> -> memref<1x128xi32, #tpu.memory_space<vmem>>
      %dma_start3A_569 = tpu.memref_squeeze %dma_start3A_568 : memref<1x128xi32, #tpu.memory_space<vmem>> -> memref<128xi32, #tpu.memory_space<vmem>>
      %dma_start3A_570 = arith.constant 0 : i32
      %dma_start3A_571 = arith.constant 0 : i32
      %dma_start3A_572 = tpu.memref_slice %arg7[%dma_start3A_570, %dma_start3A_571] : memref<10240x128xf32, #tpu.memory_space<vmem_shared>> -> memref<10240x128xf32, #tpu.memory_space<vmem_shared>>
      tpu.enqueue_indirect_dma source(%arg13 : memref<128x128xf32, #tpu.memory_space<vmem>>) target(%dma_start3A_572 : memref<10240x128xf32, #tpu.memory_space<vmem_shared>>) offsets(%dma_start3A_569 : memref<128xi32, #tpu.memory_space<vmem>>) semaphore(%run_scoped3A_566 : memref<!tpu.dma_semaphore, #tpu.memory_space<semaphore_mem>>) {add = true}
      %dma_wait3A_573 = arith.constant 0 : i32
      %dma_wait3A_574 = tpu.memref_slice %arg11[%run_scoped3A_496, %dma_wait3A_573] : memref<16x128xi32, #tpu.memory_space<vmem>> -> memref<1x128xi32, #tpu.memory_space<vmem>>
      %dma_wait3A_575 = tpu.memref_squeeze %dma_wait3A_574 : memref<1x128xi32, #tpu.memory_space<vmem>> -> memref<128xi32, #tpu.memory_space<vmem>>
      %dma_wait3A_576 = arith.constant 0 : i32
      %dma_wait3A_577 = arith.constant 0 : i32
      %dma_wait3A_578 = tpu.memref_slice %arg7[%dma_wait3A_576, %dma_wait3A_577] : memref<10240x128xf32, #tpu.memory_space<vmem_shared>> -> memref<10240x128xf32, #tpu.memory_space<vmem_shared>>
      tpu.wait_indirect_dma semaphore(%run_scoped3A_566 : memref<!tpu.dma_semaphore, #tpu.memory_space<semaphore_mem>>) src(%arg13 : memref<128x128xf32, #tpu.memory_space<vmem>>) dst(%dma_wait3A_578 : memref<10240x128xf32, #tpu.memory_space<vmem_shared>>)
      tpu.yield
    }) : () -> ()
    %dma_start3A_497 = arith.constant 1 : i32
    %dma_start3A_498 = arith.constant 0 : i32
    %dma_start3A_499 = arith.constant 0 : i32
    %dma_start3A_500 = tpu.memref_slice %arg13[%dma_start3A_498, %dma_start3A_499] : memref<128x128xf32, #tpu.memory_space<vmem>> -> memref<64x128xf32, #tpu.memory_space<vmem>>
    %dma_start3A_501 = arith.constant 0 : i32
    %dma_start3A_502 = tpu.memref_slice %arg8[%dma_start3A_497, %dma_start3A_501] : memref<16x128xi32, #tpu.memory_space<vmem>> -> memref<1x64xi32, #tpu.memory_space<vmem>>
    %dma_start3A_503 = tpu.memref_squeeze %dma_start3A_502 : memref<1x64xi32, #tpu.memory_space<vmem>> -> memref<64xi32, #tpu.memory_space<vmem>>
    %dma_start3A_504 = arith.constant 0 : i32
    %dma_start3A_505 = arith.constant 0 : i32
    %dma_start3A_506 = tpu.memref_slice %arg2[%dma_start3A_504, %dma_start3A_505] : memref<10000x128xf32, #tpu.memory_space<hbm>> -> memref<10000x128xf32, #tpu.memory_space<hbm>>
    tpu.enqueue_indirect_dma source(%dma_start3A_506 : memref<10000x128xf32, #tpu.memory_space<hbm>>) target(%dma_start3A_500 : memref<64x128xf32, #tpu.memory_space<vmem>>) offsets(%dma_start3A_503 : memref<64xi32, #tpu.memory_space<vmem>>) semaphore(%arg15 : memref<!tpu.dma_semaphore, #tpu.memory_space<semaphore_mem>>)
    %dma_start3A_507 = arith.constant 1 : i32
    %dma_start3A_508 = arith.constant 64 : i32
    %dma_start3A_509 = arith.constant 0 : i32
    %dma_start3A_510 = tpu.memref_slice %arg13[%dma_start3A_508, %dma_start3A_509] : memref<128x128xf32, #tpu.memory_space<vmem>> -> memref<64x128xf32, #tpu.memory_space<vmem>>
    %dma_start3A_511 = arith.constant 64 : i32
    %dma_start3A_512 = tpu.memref_slice %arg8[%dma_start3A_507, %dma_start3A_511] : memref<16x128xi32, #tpu.memory_space<vmem>> -> memref<1x64xi32, #tpu.memory_space<vmem>>
    %dma_start3A_513 = tpu.memref_squeeze %dma_start3A_512 : memref<1x64xi32, #tpu.memory_space<vmem>> -> memref<64xi32, #tpu.memory_space<vmem>>
    %dma_start3A_514 = arith.constant 0 : i32
    %dma_start3A_515 = arith.constant 0 : i32
    %dma_start3A_516 = tpu.memref_slice %arg2[%dma_start3A_514, %dma_start3A_515] : memref<10000x128xf32, #tpu.memory_space<hbm>> -> memref<10000x128xf32, #tpu.memory_space<hbm>>
    tpu.enqueue_indirect_dma source(%dma_start3A_516 : memref<10000x128xf32, #tpu.memory_space<hbm>>) target(%dma_start3A_510 : memref<64x128xf32, #tpu.memory_space<vmem>>) offsets(%dma_start3A_513 : memref<64xi32, #tpu.memory_space<vmem>>) semaphore(%arg15 : memref<!tpu.dma_semaphore, #tpu.memory_space<semaphore_mem>>)
    %scan3A_517 = arith.constant 0 : i32
    %scan3A_518 = arith.constant 0 : i32
    %scan3A_519 = arith.constant 7 : i32
    %scan3A_520 = arith.addi %scan3A_518, %scan3A_519 : i32
    %scan3A_521 = arith.constant 1 : i32
    scf.for %scan3A_566 = %scan3A_518 to %scan3A_520 step %scan3A_521  : i32 {
      %mul3A_567 = arith.constant 2 : i32
      %mul3A_568 = arith.muli %mul3A_567, %scan3A_566 : i32
      %dma_wait3A_569 = arith.constant 0 : i32
      %dma_wait3A_570 = arith.constant 0 : i32
      %dma_wait3A_571 = tpu.memref_slice %arg12[%dma_wait3A_569, %dma_wait3A_570] : memref<128x128xf32, #tpu.memory_space<vmem>> -> memref<64x128xf32, #tpu.memory_space<vmem>>
      %dma_wait3A_572 = arith.constant 0 : i32
      %dma_wait3A_573 = tpu.memref_slice %arg8[%mul3A_568, %dma_wait3A_572] : memref<16x128xi32, #tpu.memory_space<vmem>> -> memref<1x64xi32, #tpu.memory_space<vmem>>
      %dma_wait3A_574 = tpu.memref_squeeze %dma_wait3A_573 : memref<1x64xi32, #tpu.memory_space<vmem>> -> memref<64xi32, #tpu.memory_space<vmem>>
      %dma_wait3A_575 = arith.constant 0 : i32
      %dma_wait3A_576 = arith.constant 0 : i32
      %dma_wait3A_577 = tpu.memref_slice %arg2[%dma_wait3A_575, %dma_wait3A_576] : memref<10000x128xf32, #tpu.memory_space<hbm>> -> memref<10000x128xf32, #tpu.memory_space<hbm>>
      tpu.wait_indirect_dma semaphore(%arg14 : memref<!tpu.dma_semaphore, #tpu.memory_space<semaphore_mem>>) src(%dma_wait3A_577 : memref<10000x128xf32, #tpu.memory_space<hbm>>) dst(%dma_wait3A_571 : memref<64x128xf32, #tpu.memory_space<vmem>>)
      %dma_wait3A_578 = arith.constant 64 : i32
      %dma_wait3A_579 = arith.constant 0 : i32
      %dma_wait3A_580 = tpu.memref_slice %arg12[%dma_wait3A_578, %dma_wait3A_579] : memref<128x128xf32, #tpu.memory_space<vmem>> -> memref<64x128xf32, #tpu.memory_space<vmem>>
      %dma_wait3A_581 = arith.constant 64 : i32
      %dma_wait3A_582 = tpu.memref_slice %arg8[%mul3A_568, %dma_wait3A_581] : memref<16x128xi32, #tpu.memory_space<vmem>> -> memref<1x64xi32, #tpu.memory_space<vmem>>
      %dma_wait3A_583 = tpu.memref_squeeze %dma_wait3A_582 : memref<1x64xi32, #tpu.memory_space<vmem>> -> memref<64xi32, #tpu.memory_space<vmem>>
      %dma_wait3A_584 = arith.constant 0 : i32
      %dma_wait3A_585 = arith.constant 0 : i32
      %dma_wait3A_586 = tpu.memref_slice %arg2[%dma_wait3A_584, %dma_wait3A_585] : memref<10000x128xf32, #tpu.memory_space<hbm>> -> memref<10000x128xf32, #tpu.memory_space<hbm>>
      tpu.wait_indirect_dma semaphore(%arg14 : memref<!tpu.dma_semaphore, #tpu.memory_space<semaphore_mem>>) src(%dma_wait3A_586 : memref<10000x128xf32, #tpu.memory_space<hbm>>) dst(%dma_wait3A_580 : memref<64x128xf32, #tpu.memory_space<vmem>>)
      "tpu.region"() ({
        %run_scoped3A_652 = tpu.sem_alloc : memref<!tpu.dma_semaphore, #tpu.memory_space<semaphore_mem>>
        %dma_start3A_653 = arith.constant 0 : i32
        %dma_start3A_654 = tpu.memref_slice %arg10[%mul3A_568, %dma_start3A_653] : memref<16x128xi32, #tpu.memory_space<vmem>> -> memref<1x128xi32, #tpu.memory_space<vmem>>
        %dma_start3A_655 = tpu.memref_squeeze %dma_start3A_654 : memref<1x128xi32, #tpu.memory_space<vmem>> -> memref<128xi32, #tpu.memory_space<vmem>>
        %dma_start3A_656 = arith.constant 0 : i32
        %dma_start3A_657 = arith.constant 0 : i32
        %dma_start3A_658 = tpu.memref_slice %arg7[%dma_start3A_656, %dma_start3A_657] : memref<10240x128xf32, #tpu.memory_space<vmem_shared>> -> memref<10240x128xf32, #tpu.memory_space<vmem_shared>>
        tpu.enqueue_indirect_dma source(%arg12 : memref<128x128xf32, #tpu.memory_space<vmem>>) target(%dma_start3A_658 : memref<10240x128xf32, #tpu.memory_space<vmem_shared>>) offsets(%dma_start3A_655 : memref<128xi32, #tpu.memory_space<vmem>>) semaphore(%run_scoped3A_652 : memref<!tpu.dma_semaphore, #tpu.memory_space<semaphore_mem>>) {add = true}
        %dma_wait3A_659 = arith.constant 0 : i32
        %dma_wait3A_660 = tpu.memref_slice %arg10[%mul3A_568, %dma_wait3A_659] : memref<16x128xi32, #tpu.memory_space<vmem>> -> memref<1x128xi32, #tpu.memory_space<vmem>>
        %dma_wait3A_661 = tpu.memref_squeeze %dma_wait3A_660 : memref<1x128xi32, #tpu.memory_space<vmem>> -> memref<128xi32, #tpu.memory_space<vmem>>
        %dma_wait3A_662 = arith.constant 0 : i32
        %dma_wait3A_663 = arith.constant 0 : i32
        %dma_wait3A_664 = tpu.memref_slice %arg7[%dma_wait3A_662, %dma_wait3A_663] : memref<10240x128xf32, #tpu.memory_space<vmem_shared>> -> memref<10240x128xf32, #tpu.memory_space<vmem_shared>>
        tpu.wait_indirect_dma semaphore(%run_scoped3A_652 : memref<!tpu.dma_semaphore, #tpu.memory_space<semaphore_mem>>) src(%arg12 : memref<128x128xf32, #tpu.memory_space<vmem>>) dst(%dma_wait3A_664 : memref<10240x128xf32, #tpu.memory_space<vmem_shared>>)
        tpu.yield
      }) : () -> ()
      %mul3A_587 = arith.constant 2 : i32
      %mul3A_588 = arith.muli %mul3A_587, %scan3A_566 : i32
      %add3A = arith.constant 2 : i32
      %add3A_589 = arith.addi %mul3A_588, %add3A : i32
      %dma_start3A_590 = arith.constant 0 : i32
      %dma_start3A_591 = arith.constant 0 : i32
      %dma_start3A_592 = tpu.memref_slice %arg12[%dma_start3A_590, %dma_start3A_591] : memref<128x128xf32, #tpu.memory_space<vmem>> -> memref<64x128xf32, #tpu.memory_space<vmem>>
      %dma_start3A_593 = arith.constant 0 : i32
      %dma_start3A_594 = tpu.memref_slice %arg8[%add3A_589, %dma_start3A_593] : memref<16x128xi32, #tpu.memory_space<vmem>> -> memref<1x64xi32, #tpu.memory_space<vmem>>
      %dma_start3A_595 = tpu.memref_squeeze %dma_start3A_594 : memref<1x64xi32, #tpu.memory_space<vmem>> -> memref<64xi32, #tpu.memory_space<vmem>>
      %dma_start3A_596 = arith.constant 0 : i32
      %dma_start3A_597 = arith.constant 0 : i32
      %dma_start3A_598 = tpu.memref_slice %arg2[%dma_start3A_596, %dma_start3A_597] : memref<10000x128xf32, #tpu.memory_space<hbm>> -> memref<10000x128xf32, #tpu.memory_space<hbm>>
      tpu.enqueue_indirect_dma source(%dma_start3A_598 : memref<10000x128xf32, #tpu.memory_space<hbm>>) target(%dma_start3A_592 : memref<64x128xf32, #tpu.memory_space<vmem>>) offsets(%dma_start3A_595 : memref<64xi32, #tpu.memory_space<vmem>>) semaphore(%arg14 : memref<!tpu.dma_semaphore, #tpu.memory_space<semaphore_mem>>)
      %dma_start3A_599 = arith.constant 64 : i32
      %dma_start3A_600 = arith.constant 0 : i32
      %dma_start3A_601 = tpu.memref_slice %arg12[%dma_start3A_599, %dma_start3A_600] : memref<128x128xf32, #tpu.memory_space<vmem>> -> memref<64x128xf32, #tpu.memory_space<vmem>>
      %dma_start3A_602 = arith.constant 64 : i32
      %dma_start3A_603 = tpu.memref_slice %arg8[%add3A_589, %dma_start3A_602] : memref<16x128xi32, #tpu.memory_space<vmem>> -> memref<1x64xi32, #tpu.memory_space<vmem>>
      %dma_start3A_604 = tpu.memref_squeeze %dma_start3A_603 : memref<1x64xi32, #tpu.memory_space<vmem>> -> memref<64xi32, #tpu.memory_space<vmem>>
      %dma_start3A_605 = arith.constant 0 : i32
      %dma_start3A_606 = arith.constant 0 : i32
      %dma_start3A_607 = tpu.memref_slice %arg2[%dma_start3A_605, %dma_start3A_606] : memref<10000x128xf32, #tpu.memory_space<hbm>> -> memref<10000x128xf32, #tpu.memory_space<hbm>>
      tpu.enqueue_indirect_dma source(%dma_start3A_607 : memref<10000x128xf32, #tpu.memory_space<hbm>>) target(%dma_start3A_601 : memref<64x128xf32, #tpu.memory_space<vmem>>) offsets(%dma_start3A_604 : memref<64xi32, #tpu.memory_space<vmem>>) semaphore(%arg14 : memref<!tpu.dma_semaphore, #tpu.memory_space<semaphore_mem>>)
      %mul3A_608 = arith.constant 2 : i32
      %mul3A_609 = arith.muli %mul3A_608, %scan3A_566 : i32
      %add3A_610 = arith.constant 1 : i32
      %add3A_611 = arith.addi %mul3A_609, %add3A_610 : i32
      %dma_wait3A_612 = arith.constant 0 : i32
      %dma_wait3A_613 = arith.constant 0 : i32
      %dma_wait3A_614 = tpu.memref_slice %arg13[%dma_wait3A_612, %dma_wait3A_613] : memref<128x128xf32, #tpu.memory_space<vmem>> -> memref<64x128xf32, #tpu.memory_space<vmem>>
      %dma_wait3A_615 = arith.constant 0 : i32
      %dma_wait3A_616 = tpu.memref_slice %arg8[%add3A_611, %dma_wait3A_615] : memref<16x128xi32, #tpu.memory_space<vmem>> -> memref<1x64xi32, #tpu.memory_space<vmem>>
      %dma_wait3A_617 = tpu.memref_squeeze %dma_wait3A_616 : memref<1x64xi32, #tpu.memory_space<vmem>> -> memref<64xi32, #tpu.memory_space<vmem>>
      %dma_wait3A_618 = arith.constant 0 : i32
      %dma_wait3A_619 = arith.constant 0 : i32
      %dma_wait3A_620 = tpu.memref_slice %arg2[%dma_wait3A_618, %dma_wait3A_619] : memref<10000x128xf32, #tpu.memory_space<hbm>> -> memref<10000x128xf32, #tpu.memory_space<hbm>>
      tpu.wait_indirect_dma semaphore(%arg15 : memref<!tpu.dma_semaphore, #tpu.memory_space<semaphore_mem>>) src(%dma_wait3A_620 : memref<10000x128xf32, #tpu.memory_space<hbm>>) dst(%dma_wait3A_614 : memref<64x128xf32, #tpu.memory_space<vmem>>)
      %dma_wait3A_621 = arith.constant 64 : i32
      %dma_wait3A_622 = arith.constant 0 : i32
      %dma_wait3A_623 = tpu.memref_slice %arg13[%dma_wait3A_621, %dma_wait3A_622] : memref<128x128xf32, #tpu.memory_space<vmem>> -> memref<64x128xf32, #tpu.memory_space<vmem>>
      %dma_wait3A_624 = arith.constant 64 : i32
      %dma_wait3A_625 = tpu.memref_slice %arg8[%add3A_611, %dma_wait3A_624] : memref<16x128xi32, #tpu.memory_space<vmem>> -> memref<1x64xi32, #tpu.memory_space<vmem>>
      %dma_wait3A_626 = tpu.memref_squeeze %dma_wait3A_625 : memref<1x64xi32, #tpu.memory_space<vmem>> -> memref<64xi32, #tpu.memory_space<vmem>>
      %dma_wait3A_627 = arith.constant 0 : i32
      %dma_wait3A_628 = arith.constant 0 : i32
      %dma_wait3A_629 = tpu.memref_slice %arg2[%dma_wait3A_627, %dma_wait3A_628] : memref<10000x128xf32, #tpu.memory_space<hbm>> -> memref<10000x128xf32, #tpu.memory_space<hbm>>
      tpu.wait_indirect_dma semaphore(%arg15 : memref<!tpu.dma_semaphore, #tpu.memory_space<semaphore_mem>>) src(%dma_wait3A_629 : memref<10000x128xf32, #tpu.memory_space<hbm>>) dst(%dma_wait3A_623 : memref<64x128xf32, #tpu.memory_space<vmem>>)
      "tpu.region"() ({
        %run_scoped3A_652 = tpu.sem_alloc : memref<!tpu.dma_semaphore, #tpu.memory_space<semaphore_mem>>
        %dma_start3A_653 = arith.constant 0 : i32
        %dma_start3A_654 = tpu.memref_slice %arg10[%add3A_611, %dma_start3A_653] : memref<16x128xi32, #tpu.memory_space<vmem>> -> memref<1x128xi32, #tpu.memory_space<vmem>>
        %dma_start3A_655 = tpu.memref_squeeze %dma_start3A_654 : memref<1x128xi32, #tpu.memory_space<vmem>> -> memref<128xi32, #tpu.memory_space<vmem>>
        %dma_start3A_656 = arith.constant 0 : i32
        %dma_start3A_657 = arith.constant 0 : i32
        %dma_start3A_658 = tpu.memref_slice %arg7[%dma_start3A_656, %dma_start3A_657] : memref<10240x128xf32, #tpu.memory_space<vmem_shared>> -> memref<10240x128xf32, #tpu.memory_space<vmem_shared>>
        tpu.enqueue_indirect_dma source(%arg13 : memref<128x128xf32, #tpu.memory_space<vmem>>) target(%dma_start3A_658 : memref<10240x128xf32, #tpu.memory_space<vmem_shared>>) offsets(%dma_start3A_655 : memref<128xi32, #tpu.memory_space<vmem>>) semaphore(%run_scoped3A_652 : memref<!tpu.dma_semaphore, #tpu.memory_space<semaphore_mem>>) {add = true}
        %dma_wait3A_659 = arith.constant 0 : i32
        %dma_wait3A_660 = tpu.memref_slice %arg10[%add3A_611, %dma_wait3A_659] : memref<16x128xi32, #tpu.memory_space<vmem>> -> memref<1x128xi32, #tpu.memory_space<vmem>>
        %dma_wait3A_661 = tpu.memref_squeeze %dma_wait3A_660 : memref<1x128xi32, #tpu.memory_space<vmem>> -> memref<128xi32, #tpu.memory_space<vmem>>
        %dma_wait3A_662 = arith.constant 0 : i32
        %dma_wait3A_663 = arith.constant 0 : i32
        %dma_wait3A_664 = tpu.memref_slice %arg7[%dma_wait3A_662, %dma_wait3A_663] : memref<10240x128xf32, #tpu.memory_space<vmem_shared>> -> memref<10240x128xf32, #tpu.memory_space<vmem_shared>>
        tpu.wait_indirect_dma semaphore(%run_scoped3A_652 : memref<!tpu.dma_semaphore, #tpu.memory_space<semaphore_mem>>) src(%arg13 : memref<128x128xf32, #tpu.memory_space<vmem>>) dst(%dma_wait3A_664 : memref<10240x128xf32, #tpu.memory_space<vmem_shared>>)
        tpu.yield
      }) : () -> ()
      %mul3A_630 = arith.constant 2 : i32
      %mul3A_631 = arith.muli %mul3A_630, %scan3A_566 : i32
      %add3A_632 = arith.constant 3 : i32
      %add3A_633 = arith.addi %mul3A_631, %add3A_632 : i32
      %dma_start3A_634 = arith.constant 0 : i32
      %dma_start3A_635 = arith.constant 0 : i32
      %dma_start3A_636 = tpu.memref_slice %arg13[%dma_start3A_634, %dma_start3A_635] : memref<128x128xf32, #tpu.memory_space<vmem>> -> memref<64x128xf32, #tpu.memory_space<vmem>>
      %dma_start3A_637 = arith.constant 0 : i32
      %dma_start3A_638 = tpu.memref_slice %arg8[%add3A_633, %dma_start3A_637] : memref<16x128xi32, #tpu.memory_space<vmem>> -> memref<1x64xi32, #tpu.memory_space<vmem>>
      %dma_start3A_639 = tpu.memref_squeeze %dma_start3A_638 : memref<1x64xi32, #tpu.memory_space<vmem>> -> memref<64xi32, #tpu.memory_space<vmem>>
      %dma_start3A_640 = arith.constant 0 : i32
      %dma_start3A_641 = arith.constant 0 : i32
      %dma_start3A_642 = tpu.memref_slice %arg2[%dma_start3A_640, %dma_start3A_641] : memref<10000x128xf32, #tpu.memory_space<hbm>> -> memref<10000x128xf32, #tpu.memory_space<hbm>>
      tpu.enqueue_indirect_dma source(%dma_start3A_642 : memref<10000x128xf32, #tpu.memory_space<hbm>>) target(%dma_start3A_636 : memref<64x128xf32, #tpu.memory_space<vmem>>) offsets(%dma_start3A_639 : memref<64xi32, #tpu.memory_space<vmem>>) semaphore(%arg15 : memref<!tpu.dma_semaphore, #tpu.memory_space<semaphore_mem>>)
      %dma_start3A_643 = arith.constant 64 : i32
      %dma_start3A_644 = arith.constant 0 : i32
      %dma_start3A_645 = tpu.memref_slice %arg13[%dma_start3A_643, %dma_start3A_644] : memref<128x128xf32, #tpu.memory_space<vmem>> -> memref<64x128xf32, #tpu.memory_space<vmem>>
      %dma_start3A_646 = arith.constant 64 : i32
      %dma_start3A_647 = tpu.memref_slice %arg8[%add3A_633, %dma_start3A_646] : memref<16x128xi32, #tpu.memory_space<vmem>> -> memref<1x64xi32, #tpu.memory_space<vmem>>
      %dma_start3A_648 = tpu.memref_squeeze %dma_start3A_647 : memref<1x64xi32, #tpu.memory_space<vmem>> -> memref<64xi32, #tpu.memory_space<vmem>>
      %dma_start3A_649 = arith.constant 0 : i32
      %dma_start3A_650 = arith.constant 0 : i32
      %dma_start3A_651 = tpu.memref_slice %arg2[%dma_start3A_649, %dma_start3A_650] : memref<10000x128xf32, #tpu.memory_space<hbm>> -> memref<10000x128xf32, #tpu.memory_space<hbm>>
      tpu.enqueue_indirect_dma source(%dma_start3A_651 : memref<10000x128xf32, #tpu.memory_space<hbm>>) target(%dma_start3A_645 : memref<64x128xf32, #tpu.memory_space<vmem>>) offsets(%dma_start3A_648 : memref<64xi32, #tpu.memory_space<vmem>>) semaphore(%arg15 : memref<!tpu.dma_semaphore, #tpu.memory_space<semaphore_mem>>)
    }
    %scan3A_522 = arith.constant 7 : i32
    %dma_wait3A_523 = arith.constant 14 : i32
    %dma_wait3A_524 = arith.constant 0 : i32
    %dma_wait3A_525 = arith.constant 0 : i32
    %dma_wait3A_526 = tpu.memref_slice %arg12[%dma_wait3A_524, %dma_wait3A_525] : memref<128x128xf32, #tpu.memory_space<vmem>> -> memref<64x128xf32, #tpu.memory_space<vmem>>
    %dma_wait3A_527 = arith.constant 0 : i32
    %dma_wait3A_528 = tpu.memref_slice %arg8[%dma_wait3A_523, %dma_wait3A_527] : memref<16x128xi32, #tpu.memory_space<vmem>> -> memref<1x64xi32, #tpu.memory_space<vmem>>
    %dma_wait3A_529 = tpu.memref_squeeze %dma_wait3A_528 : memref<1x64xi32, #tpu.memory_space<vmem>> -> memref<64xi32, #tpu.memory_space<vmem>>
    %dma_wait3A_530 = arith.constant 0 : i32
    %dma_wait3A_531 = arith.constant 0 : i32
    %dma_wait3A_532 = tpu.memref_slice %arg2[%dma_wait3A_530, %dma_wait3A_531] : memref<10000x128xf32, #tpu.memory_space<hbm>> -> memref<10000x128xf32, #tpu.memory_space<hbm>>
    tpu.wait_indirect_dma semaphore(%arg14 : memref<!tpu.dma_semaphore, #tpu.memory_space<semaphore_mem>>) src(%dma_wait3A_532 : memref<10000x128xf32, #tpu.memory_space<hbm>>) dst(%dma_wait3A_526 : memref<64x128xf32, #tpu.memory_space<vmem>>)
    %dma_wait3A_533 = arith.constant 14 : i32
    %dma_wait3A_534 = arith.constant 64 : i32
    %dma_wait3A_535 = arith.constant 0 : i32
    %dma_wait3A_536 = tpu.memref_slice %arg12[%dma_wait3A_534, %dma_wait3A_535] : memref<128x128xf32, #tpu.memory_space<vmem>> -> memref<64x128xf32, #tpu.memory_space<vmem>>
    %dma_wait3A_537 = arith.constant 64 : i32
    %dma_wait3A_538 = tpu.memref_slice %arg8[%dma_wait3A_533, %dma_wait3A_537] : memref<16x128xi32, #tpu.memory_space<vmem>> -> memref<1x64xi32, #tpu.memory_space<vmem>>
    %dma_wait3A_539 = tpu.memref_squeeze %dma_wait3A_538 : memref<1x64xi32, #tpu.memory_space<vmem>> -> memref<64xi32, #tpu.memory_space<vmem>>
    %dma_wait3A_540 = arith.constant 0 : i32
    %dma_wait3A_541 = arith.constant 0 : i32
    %dma_wait3A_542 = tpu.memref_slice %arg2[%dma_wait3A_540, %dma_wait3A_541] : memref<10000x128xf32, #tpu.memory_space<hbm>> -> memref<10000x128xf32, #tpu.memory_space<hbm>>
    tpu.wait_indirect_dma semaphore(%arg14 : memref<!tpu.dma_semaphore, #tpu.memory_space<semaphore_mem>>) src(%dma_wait3A_542 : memref<10000x128xf32, #tpu.memory_space<hbm>>) dst(%dma_wait3A_536 : memref<64x128xf32, #tpu.memory_space<vmem>>)
    %run_scoped3A_543 = arith.constant 14 : i32
    "tpu.region"() ({
      %run_scoped3A_566 = tpu.sem_alloc : memref<!tpu.dma_semaphore, #tpu.memory_space<semaphore_mem>>
      %dma_start3A_567 = arith.constant 0 : i32
      %dma_start3A_568 = tpu.memref_slice %arg10[%run_scoped3A_543, %dma_start3A_567] : memref<16x128xi32, #tpu.memory_space<vmem>> -> memref<1x128xi32, #tpu.memory_space<vmem>>
      %dma_start3A_569 = tpu.memref_squeeze %dma_start3A_568 : memref<1x128xi32, #tpu.memory_space<vmem>> -> memref<128xi32, #tpu.memory_space<vmem>>
      %dma_start3A_570 = arith.constant 0 : i32
      %dma_start3A_571 = arith.constant 0 : i32
      %dma_start3A_572 = tpu.memref_slice %arg7[%dma_start3A_570, %dma_start3A_571] : memref<10240x128xf32, #tpu.memory_space<vmem_shared>> -> memref<10240x128xf32, #tpu.memory_space<vmem_shared>>
      tpu.enqueue_indirect_dma source(%arg12 : memref<128x128xf32, #tpu.memory_space<vmem>>) target(%dma_start3A_572 : memref<10240x128xf32, #tpu.memory_space<vmem_shared>>) offsets(%dma_start3A_569 : memref<128xi32, #tpu.memory_space<vmem>>) semaphore(%run_scoped3A_566 : memref<!tpu.dma_semaphore, #tpu.memory_space<semaphore_mem>>) {add = true}
      %dma_wait3A_573 = arith.constant 0 : i32
      %dma_wait3A_574 = tpu.memref_slice %arg10[%run_scoped3A_543, %dma_wait3A_573] : memref<16x128xi32, #tpu.memory_space<vmem>> -> memref<1x128xi32, #tpu.memory_space<vmem>>
      %dma_wait3A_575 = tpu.memref_squeeze %dma_wait3A_574 : memref<1x128xi32, #tpu.memory_space<vmem>> -> memref<128xi32, #tpu.memory_space<vmem>>
      %dma_wait3A_576 = arith.constant 0 : i32
      %dma_wait3A_577 = arith.constant 0 : i32
      %dma_wait3A_578 = tpu.memref_slice %arg7[%dma_wait3A_576, %dma_wait3A_577] : memref<10240x128xf32, #tpu.memory_space<vmem_shared>> -> memref<10240x128xf32, #tpu.memory_space<vmem_shared>>
      tpu.wait_indirect_dma semaphore(%run_scoped3A_566 : memref<!tpu.dma_semaphore, #tpu.memory_space<semaphore_mem>>) src(%arg12 : memref<128x128xf32, #tpu.memory_space<vmem>>) dst(%dma_wait3A_578 : memref<10240x128xf32, #tpu.memory_space<vmem_shared>>)
      tpu.yield
    }) : () -> ()
    %dma_wait3A_544 = arith.constant 15 : i32
    %dma_wait3A_545 = arith.constant 0 : i32
    %dma_wait3A_546 = arith.constant 0 : i32
    %dma_wait3A_547 = tpu.memref_slice %arg13[%dma_wait3A_545, %dma_wait3A_546] : memref<128x128xf32, #tpu.memory_space<vmem>> -> memref<64x128xf32, #tpu.memory_space<vmem>>
    %dma_wait3A_548 = arith.constant 0 : i32
    %dma_wait3A_549 = tpu.memref_slice %arg8[%dma_wait3A_544, %dma_wait3A_548] : memref<16x128xi32, #tpu.memory_space<vmem>> -> memref<1x64xi32, #tpu.memory_space<vmem>>
    %dma_wait3A_550 = tpu.memref_squeeze %dma_wait3A_549 : memref<1x64xi32, #tpu.memory_space<vmem>> -> memref<64xi32, #tpu.memory_space<vmem>>
    %dma_wait3A_551 = arith.constant 0 : i32
    %dma_wait3A_552 = arith.constant 0 : i32
    %dma_wait3A_553 = tpu.memref_slice %arg2[%dma_wait3A_551, %dma_wait3A_552] : memref<10000x128xf32, #tpu.memory_space<hbm>> -> memref<10000x128xf32, #tpu.memory_space<hbm>>
    tpu.wait_indirect_dma semaphore(%arg15 : memref<!tpu.dma_semaphore, #tpu.memory_space<semaphore_mem>>) src(%dma_wait3A_553 : memref<10000x128xf32, #tpu.memory_space<hbm>>) dst(%dma_wait3A_547 : memref<64x128xf32, #tpu.memory_space<vmem>>)
    %dma_wait3A_554 = arith.constant 15 : i32
    %dma_wait3A_555 = arith.constant 64 : i32
    %dma_wait3A_556 = arith.constant 0 : i32
    %dma_wait3A_557 = tpu.memref_slice %arg13[%dma_wait3A_555, %dma_wait3A_556] : memref<128x128xf32, #tpu.memory_space<vmem>> -> memref<64x128xf32, #tpu.memory_space<vmem>>
    %dma_wait3A_558 = arith.constant 64 : i32
    %dma_wait3A_559 = tpu.memref_slice %arg8[%dma_wait3A_554, %dma_wait3A_558] : memref<16x128xi32, #tpu.memory_space<vmem>> -> memref<1x64xi32, #tpu.memory_space<vmem>>
    %dma_wait3A_560 = tpu.memref_squeeze %dma_wait3A_559 : memref<1x64xi32, #tpu.memory_space<vmem>> -> memref<64xi32, #tpu.memory_space<vmem>>
    %dma_wait3A_561 = arith.constant 0 : i32
    %dma_wait3A_562 = arith.constant 0 : i32
    %dma_wait3A_563 = tpu.memref_slice %arg2[%dma_wait3A_561, %dma_wait3A_562] : memref<10000x128xf32, #tpu.memory_space<hbm>> -> memref<10000x128xf32, #tpu.memory_space<hbm>>
    tpu.wait_indirect_dma semaphore(%arg15 : memref<!tpu.dma_semaphore, #tpu.memory_space<semaphore_mem>>) src(%dma_wait3A_563 : memref<10000x128xf32, #tpu.memory_space<hbm>>) dst(%dma_wait3A_557 : memref<64x128xf32, #tpu.memory_space<vmem>>)
    %run_scoped3A_564 = arith.constant 15 : i32
    "tpu.region"() ({
      %run_scoped3A_566 = tpu.sem_alloc : memref<!tpu.dma_semaphore, #tpu.memory_space<semaphore_mem>>
      %dma_start3A_567 = arith.constant 0 : i32
      %dma_start3A_568 = tpu.memref_slice %arg10[%run_scoped3A_564, %dma_start3A_567] : memref<16x128xi32, #tpu.memory_space<vmem>> -> memref<1x128xi32, #tpu.memory_space<vmem>>
      %dma_start3A_569 = tpu.memref_squeeze %dma_start3A_568 : memref<1x128xi32, #tpu.memory_space<vmem>> -> memref<128xi32, #tpu.memory_space<vmem>>
      %dma_start3A_570 = arith.constant 0 : i32
      %dma_start3A_571 = arith.constant 0 : i32
      %dma_start3A_572 = tpu.memref_slice %arg7[%dma_start3A_570, %dma_start3A_571] : memref<10240x128xf32, #tpu.memory_space<vmem_shared>> -> memref<10240x128xf32, #tpu.memory_space<vmem_shared>>
      tpu.enqueue_indirect_dma source(%arg13 : memref<128x128xf32, #tpu.memory_space<vmem>>) target(%dma_start3A_572 : memref<10240x128xf32, #tpu.memory_space<vmem_shared>>) offsets(%dma_start3A_569 : memref<128xi32, #tpu.memory_space<vmem>>) semaphore(%run_scoped3A_566 : memref<!tpu.dma_semaphore, #tpu.memory_space<semaphore_mem>>) {add = true}
      %dma_wait3A_573 = arith.constant 0 : i32
      %dma_wait3A_574 = tpu.memref_slice %arg10[%run_scoped3A_564, %dma_wait3A_573] : memref<16x128xi32, #tpu.memory_space<vmem>> -> memref<1x128xi32, #tpu.memory_space<vmem>>
      %dma_wait3A_575 = tpu.memref_squeeze %dma_wait3A_574 : memref<1x128xi32, #tpu.memory_space<vmem>> -> memref<128xi32, #tpu.memory_space<vmem>>
      %dma_wait3A_576 = arith.constant 0 : i32
      %dma_wait3A_577 = arith.constant 0 : i32
      %dma_wait3A_578 = tpu.memref_slice %arg7[%dma_wait3A_576, %dma_wait3A_577] : memref<10240x128xf32, #tpu.memory_space<vmem_shared>> -> memref<10240x128xf32, #tpu.memory_space<vmem_shared>>
      tpu.wait_indirect_dma semaphore(%run_scoped3A_566 : memref<!tpu.dma_semaphore, #tpu.memory_space<semaphore_mem>>) src(%arg13 : memref<128x128xf32, #tpu.memory_space<vmem>>) dst(%dma_wait3A_578 : memref<10240x128xf32, #tpu.memory_space<vmem_shared>>)
      tpu.yield
    }) : () -> ()
    %barrier3A_565 = arith.constant 0 : index
    tpu.barrier barrier_id(%barrier3A_565)
    "tpu.region"() ({
      %run_scoped3A_566 = tpu.sem_alloc : memref<!tpu.dma_semaphore, #tpu.memory_space<semaphore_mem>>
      %dma_start3A_567 = arith.constant 0 : i32
      %dma_start3A_568 = tpu.memref_slice %arg6[%arg0, %mul3A_0, %dma_start3A_567] : memref<2x10240x128xf32, #tpu.memory_space<hbm>> -> memref<1x640x128xf32, #tpu.memory_space<hbm>>
      %dma_start3A_569 = tpu.memref_squeeze %dma_start3A_568 : memref<1x640x128xf32, #tpu.memory_space<hbm>> -> memref<640x128xf32, #tpu.memory_space<hbm>>
      %dma_start3A_570 = arith.constant 0 : i32
      %dma_start3A_571 = tpu.memref_slice %arg7[%mul3A_0, %dma_start3A_570] : memref<10240x128xf32, #tpu.memory_space<vmem_shared>> -> memref<640x128xf32, #tpu.memory_space<vmem_shared>>
      tpu.enqueue_dma source(%dma_start3A_571 : memref<640x128xf32, #tpu.memory_space<vmem_shared>>) target(%dma_start3A_569 : memref<640x128xf32, #tpu.memory_space<hbm>>) target_semaphore(%run_scoped3A_566 : memref<!tpu.dma_semaphore, #tpu.memory_space<semaphore_mem>>)
      %dma_wait3A_572 = arith.constant 0 : i32
      %dma_wait3A_573 = tpu.memref_slice %arg6[%arg0, %mul3A_0, %dma_wait3A_572] : memref<2x10240x128xf32, #tpu.memory_space<hbm>> -> memref<1x640x128xf32, #tpu.memory_space<hbm>>
      %dma_wait3A_574 = tpu.memref_squeeze %dma_wait3A_573 : memref<1x640x128xf32, #tpu.memory_space<hbm>> -> memref<640x128xf32, #tpu.memory_space<hbm>>
      %dma_wait3A_575 = arith.constant 0 : i32
      %dma_wait3A_576 = tpu.memref_slice %arg7[%mul3A_0, %dma_wait3A_575] : memref<10240x128xf32, #tpu.memory_space<vmem_shared>> -> memref<640x128xf32, #tpu.memory_space<vmem_shared>>
      tpu.wait_dma2 semaphore(%run_scoped3A_566 : memref<!tpu.dma_semaphore, #tpu.memory_space<semaphore_mem>>) src(%dma_wait3A_576 : memref<640x128xf32, #tpu.memory_space<vmem_shared>>) dst(%dma_wait3A_574 : memref<640x128xf32, #tpu.memory_space<hbm>>)
      tpu.yield
    }) : () -> ()
    return
  }
}

module attributes {stable_mosaic.version = 14 : i64} {
  func.func @_mm_body(%arg0: i32, %arg1: memref<2x2000x128xf32, #tpu.memory_space<vmem>>, %arg2: memref<128x128xf32, #tpu.memory_space<vmem>>, %arg3: memref<1x128xf32, #tpu.memory_space<vmem>>, %arg4: memref<2000x128xf32, #tpu.memory_space<vmem>>) attributes {dimension_semantics = [#tpu.dimension_semantics<arbitrary>], iteration_bounds = array<i64: 5>, scalar_prefetch = 0 : i64, scratch_operands = 0 : i64, tpu.core_type = #tpu.core_type<tc>, window_params = [{transform_indices = @transform_0, window_bounds = array<i64: 2, 2000, 128>}, {pipeline_mode = #tpu.pipeline_mode<synchronous>, transform_indices = @transform_1, window_bounds = array<i64: 128, 128>}, {pipeline_mode = #tpu.pipeline_mode<synchronous>, transform_indices = @transform_2, window_bounds = array<i64: 1, 128>}, {transform_indices = @transform_3, window_bounds = array<i64: 2000, 128>}]} {
    %get3A = arith.constant 0 : index
    %get3A_0 = arith.constant 0 : index
    %get3A_1 = arith.constant 0 : index
    %get3A_2 = vector.load %arg1[%get3A, %get3A_0, %get3A_1] : memref<2x2000x128xf32, #tpu.memory_space<vmem>>, vector<1x2000x128xf32>
    %get3A_3 = vector.shape_cast %get3A_2 : vector<1x2000x128xf32> to vector<2000x128xf32>
    %get3A_4 = arith.constant 1 : index
    %get3A_5 = arith.constant 0 : index
    %get3A_6 = arith.constant 0 : index
    %get3A_7 = vector.load %arg1[%get3A_4, %get3A_5, %get3A_6] : memref<2x2000x128xf32, #tpu.memory_space<vmem>>, vector<1x2000x128xf32>
    %get3A_8 = vector.shape_cast %get3A_7 : vector<1x2000x128xf32> to vector<2000x128xf32>
    %add3A = arith.addf %get3A_3, %get3A_8 : vector<2000x128xf32>
    %get3A_9 = arith.constant 0 : index
    %get3A_10 = arith.constant 0 : index
    %get3A_11 = vector.load %arg2[%get3A_9, %get3A_10] : memref<128x128xf32, #tpu.memory_space<vmem>>, vector<128x128xf32>
    %dot_general3A = arith.constant dense<0.000000e+00> : vector<2000x128xf32>
    %dot_general3A_12 = tpu.matmul %add3A, %get3A_11, %dot_general3A {dimension_numbers = #tpu.dot_dimension_numbers<[1], [0], [0], [1], [0, 0, 1, 1], [], []>, transpose_lhs_hint = false} : vector<2000x128xf32>, vector<128x128xf32>, vector<2000x128xf32> -> vector<2000x128xf32>
    %get3A_13 = arith.constant 0 : index
    %get3A_14 = arith.constant 0 : index
    %get3A_15 = vector.load %arg3[%get3A_13, %get3A_14] : memref<1x128xf32, #tpu.memory_space<vmem>>, vector<1x128xf32>
    %add3A_16 = vector.broadcast %get3A_15 : vector<1x128xf32> to vector<2000x128xf32>
    %add3A_17 = arith.addf %dot_general3A_12, %add3A_16 : vector<2000x128xf32>
    %max3A = arith.constant 0.000000e+00 : f32
    %max3A_18 = vector.broadcast %max3A : f32 to vector<2000x128xf32>
    %max3A_19 = arith.maximumf %add3A_17, %max3A_18 : vector<2000x128xf32>
    %swap3A = arith.constant 0 : index
    %swap3A_20 = arith.constant 0 : index
    %swap3A_21 = vector.load %arg4[%swap3A, %swap3A_20] : memref<2000x128xf32, #tpu.memory_space<vmem>>, vector<2000x128xf32>
    tpu.vector_store %arg4[%swap3A, %swap3A_20], %max3A_19 {strides = array<i32>} : memref<2000x128xf32, #tpu.memory_space<vmem>>, vector<2000x128xf32>,
    return
  }
  func.func @transform_0(%arg0: i32) -> (i32, i32, i32) {
    %c0_i32 = arith.constant 0 : i32
    %c0_i32_0 = arith.constant 0 : i32
    %c0_i32_1 = arith.constant 0 : i32
    return %c0_i32, %arg0, %c0_i32_0 : i32, i32, i32
  }
  func.func @transform_1(%arg0: i32) -> (i32, i32) {
    %c0_i32 = arith.constant 0 : i32
    %c0_i32_0 = arith.constant 0 : i32
    %c0_i32_1 = arith.constant 0 : i32
    return %c0_i32, %c0_i32_0 : i32, i32
  }
  func.func @transform_2(%arg0: i32) -> (i32, i32) {
    %c0_i32 = arith.constant 0 : i32
    %c0_i32_0 = arith.constant 0 : i32
    %c0_i32_1 = arith.constant 0 : i32
    return %c0_i32, %c0_i32_0 : i32, i32
  }
  func.func @transform_3(%arg0: i32) -> (i32, i32) {
    %c0_i32 = arith.constant 0 : i32
    %c0_i32_0 = arith.constant 0 : i32
    return %arg0, %c0_i32 : i32, i32
  }
}

</mosaic_0001>

<sc_bundles>
// kernel: kernel.4.cloned.1.call-start
scs
__scs_entry_jumppad:
0x0: {  	(pc) =	sbr.rel $0x88, $3  }
0x1: {  	(tag) =	ssettag $0x0;
	lr =	simm.s32 $0x1  }
0x2: {  	[smem:$0x3F9D] =	sst lr;
	_ =	strace $0xD0000000  }
0x3: {  	_ = 	snop  }
0x4: {  	_ = 	snop  }
0x5: {  	_ = 	snop  }
0x6: {  	_ = 	snop  }
0x7: {  	_ = 	snop  }
__scs_overlays_trampoline_lowered:
0x8: {  	[smem:$0x3FAC] =	sst s0  }
0x9: {  	[smem:$0x3FAD] =	sst s1  }
0xa: {  	[smem:$0x3FAE] =	sst s2  }
0xb: {  	[smem:$0x3FAF] =	sst s3  }
0xc: {  	[smem:$0x3FB0] =	sst s4  }
0xd: {  	[smem:$0x3FB1] =	sst s5  }
0xe: {  	[smem:$0x3FB2] =	sst s6  }
0xf: {  	[smem:$0x3FB3] =	sst s7  }
0x10: {  	[smem:$0x3FB4] =	sst s8  }
0x11: {  	[smem:$0x3FB5] =	sst s9;
	s0 =	simm.s32 @!p0 $0x0  }
0x12: {  	s1 =	sld [smem:$0x3F9B];
	s0 =	simm.s32 @p0 $0x1  }
0x13: {  	[smem:$0x3FB6] =	sst s0;
	s0 =	simm.s32 @!p1 $0x0  }
0x14: {  	s2 =	sld [smem:$0x3F9A];
	s0 =	simm.s32 @p1 $0x1  }
0x15: {  	[smem:$0x3FB7] =	sst s0;
	s0 =	simm.s32 @!p2 $0x0  }
0x16: {  	s3 =	sld [smem:$0x3FDB];
	s0 =	simm.s32 @p2 $0x1  }
0x17: {  	s4 =	simm.s32 $0x1BF5;
	[smem:$0x3FB9] =	sst s0  }
0x18: {  	s0 =	sld [smem:$0x3F9C];
	_ =	swait.ge [sflag:s4], $0x0  }
0x19: {  	s7 =	sld [smem:$0x3F9D]  }
0x1a: {  	s8 =	sadd.s32 $0xFFFFE003, lr  }
0x1b: {  	s9 =	sadd.s32 $0xFFFFFEF7, lr;
	s5 =	simm.s32 $0xFFFFFFFF;
	p2 =	slt.u32 s8, $0xFFFFF086  }
0x1c: {  	p1 =	slt.u32 s9, $0xF7A;
	s5 =	simm.s32 @!p2 $0x0  }
0x1d: {  	s5 =	simm.s32 @p1 $0x1;
	p0 =	seq.s32 s7, s2  }
0x1e: {  	s7 =	smul.u32 @!p0 $0xF7A, s2;
	p2 =	seq.s32 @!p0 s5, $0x0  }
0x1f: {  	s9 =	smul.u32 $0xF7A, s1;
	s8 =	simm.s32 @!p0 $0x1BF5;
	p2 =	por !p2, p0  }
0x20: {  	[sflag:s8] =	ssyncset.s32 @!p0 $0xFFFFF086;
	s6 =	sadd.s32 @!p0 s3, s7;
	s7 =	simm.s32 @!p0 $0x108  }
0x21: {  	s3 =	sadd.s32 s3, s9;
	s6 =	sadd.s32 @!p0 $0x88, s6;
	s7 =	simm.s32 @p2 $0x1082  }
0x22: {  	[simem:s7], [sflag:s8] =	dma.local @!p0 [hbm:s6], $0xF7A  }
0x23: {  	s9 =	sor.u32 $0xD0000000, s2;
	s6 =	simm.s32 $0x108;
	_ =	swait.ge @!p0 [sflag:s8], $0x0  }
0x24: {  	s3 =	sadd.s32 $0x88, s3;
	s6 =	simm.s32 @!p1 $0x1082;
	[sflag:s4] =	ssyncset.s32 $0xFFFFF086  }
0x25: {  	[simem:s6], [sflag:s4] =	dma.local [hbm:s3], $0xF7A  }
0x26: {  	[smem:$0x3F9D] =	sst s1;
	(tag) =	ssettag s2;
	_ =	strace s9  }
0x27: {  	s1 =	sld [smem:$0x3FAD]  }
0x28: {  	s2 =	sld [smem:$0x3FAE]  }
0x29: {  	s4 =	sld [smem:$0x3FB0]  }
0x2a: {  	p0 =	seq.s32 s5, $0x0;
	s5 =	sld [smem:$0x3FB1]  }
0x2b: {  	s6 =	sld [smem:$0x3FB2]  }
0x2c: {  	s7 =	sld [smem:$0x3FB3]  }
0x2d: {  	s3 =	simm.s32 $0x108;
	s8 =	sld [smem:$0x3FB4]  }
0x2e: {  	s3 =	simm.s32 @!p0 $0x1082;
	s9 =	sld [smem:$0x3FB5]  }
0x2f: {  	lr =	sadd.s32 s0, s3;
	s0 =	sld [smem:$0x3FAC]  }
0x30: {  	s3 =	sld [smem:$0x3FAF]  }
0x31: {  	[smem:$0x3FB8] =	sst s10  }
0x32: {  	s10 =	sld [smem:$0x3FB6];
	_ =	sdelay $0x3  }
0x33: {  	p0 =	seq.s32 s10, $0x1;
	s10 =	sld [smem:$0x3FB8];
	_ =	sdelay $0x3  }
0x34: {  	[smem:$0x3FB8] =	sst s10  }
0x35: {  	s10 =	sld [smem:$0x3FB7];
	_ =	sdelay $0x3  }
0x36: {  	p1 =	seq.s32 s10, $0x1;
	s10 =	sld [smem:$0x3FB8];
	_ =	sdelay $0x3  }
0x37: {  	[smem:$0x3FB8] =	sst s10  }
0x38: {  	s10 =	sld [smem:$0x3FB9]  }
0x39: {  	_ = 	snop;
	(pc) =	sbr.ind lr, $3  }
0x3a: {  	_ = 	snop  }
0x3b: {  	_ = 	snop  }
0x3c: {  	p2 =	seq.s32 s10, $0x1;
	s10 =	sld [smem:$0x3FB8]  }
0x3d: {  	_ =	shalt  }
0x3e: {  	_ =	shalt  }
0x3f: {  	_ =	shalt  }
0x40: {  	_ =	shalt  }
0x41: {  	_ =	shalt  }
0x42: {  	_ =	shalt  }
0x43: {  	_ =	shalt  }
0x44: {  	_ =	shalt  }
0x45: {  	_ =	shalt  }
0x46: {  	_ =	shalt  }
0x47: {  	_ =	shalt  }
0x48: {  	_ =	shalt  }
0x49: {  	_ =	shalt  }
0x4a: {  	_ =	shalt  }
0x4b: {  	_ =	shalt  }
0x4c: {  	_ =	shalt  }
0x4d: {  	_ =	shalt  }
0x4e: {  	_ =	shalt  }
0x4f: {  	_ =	shalt  }
0x50: {  	_ =	shalt  }
0x51: {  	_ =	shalt  }
0x52: {  	_ =	shalt  }
0x53: {  	_ =	shalt  }
0x54: {  	_ =	shalt  }
0x55: {  	_ =	shalt  }
0x56: {  	_ =	shalt  }
0x57: {  	_ =	shalt  }
0x58: {  	_ =	shalt  }
0x59: {  	_ =	shalt  }
0x5a: {  	_ =	shalt  }
0x5b: {  	_ =	shalt  }
0x5c: {  	_ =	shalt  }
0x5d: {  	_ =	shalt  }
0x5e: {  	_ =	shalt  }
0x5f: {  	_ =	shalt  }
0x60: {  	_ =	shalt  }
0x61: {  	_ =	shalt  }
0x62: {  	_ =	shalt  }
0x63: {  	_ =	shalt  }
0x64: {  	_ =	shalt  }
0x65: {  	_ =	shalt  }
0x66: {  	_ =	shalt  }
0x67: {  	_ =	shalt  }
0x68: {  	_ =	shalt  }
0x69: {  	_ =	shalt  }
0x6a: {  	_ =	shalt  }
0x6b: {  	_ =	shalt  }
0x6c: {  	_ =	shalt  }
0x6d: {  	_ =	shalt  }
0x6e: {  	_ =	shalt  }
0x6f: {  	_ =	shalt  }
0x70: {  	_ =	shalt  }
0x71: {  	_ =	shalt  }
0x72: {  	_ =	shalt  }
0x73: {  	_ =	shalt  }
0x74: {  	_ =	shalt  }
0x75: {  	_ =	shalt  }
0x76: {  	_ =	shalt  }
0x77: {  	_ =	shalt  }
0x78: {  	_ =	shalt  }
0x79: {  	_ =	shalt  }
0x7a: {  	_ =	shalt  }
0x7b: {  	_ =	shalt  }
0x7c: {  	_ =	shalt  }
0x7d: {  	_ =	shalt  }
0x7e: {  	_ =	shalt  }
0x7f: {  	_ =	shalt  }
0x80: {  	_ =	shalt  }
0x81: {  	_ =	shalt  }
0x82: {  	_ =	shalt  }
0x83: {  	_ =	shalt  }
0x84: {  	_ =	shalt  }
0x85: {  	_ =	shalt  }
0x86: {  	_ =	shalt  }
0x87: {  	_ =	shalt  }
.Lfunc_end0:
.L_simem_size_0:
called_computation_lowered:
.L_overlay_start_0:
0x88: {  	s2 =	sld [smem:$0x3FD9]  }
0x89: {  	s3 =	sld [smem:$0x3FFE];
	_ =	sdelay $0x1  }
0x8a: {  	s1 =	srdreg.scid  }
0x8b: {  	s0 =	sand.u32 $0x1, s1  }
0x8c: {  	s17 =	sshll.u32 s0, $0xA;
	s2 =	sadd.s32 s3, s2  }
0x8d: {  	s2 =	sadd.s32 s2, s17  }
0x8e: {  	[smem:$0x3FC4] =	sst s2  }
0x8f: {  	_ = 	snop  }
0x90: {  	s2 =	sld [smem:$0x3FC9]  }
0x91: {  	s18 =	sld [smem:$0x3FD0];
	(tm) =	ssettm $0x1  }
0x92: {  	s4 =	sld [smem:$0x3FFB];
	_ =	sdelay $0x3  }
0x93: {  	_ =	strace s4  }
0x94: {  	s4 =	sld [smem:$0x3FFC];
	_ =	sdelay $0x3  }
0x95: {  	_ =	strace s4  }
0x96: {  	s4 =	sld [smem:$0x3FFD];
	_ =	sdelay $0x3  }
0x97: {  	_ =	strace s4  }
0x98: {  	_ =	strace $0x8FFFFFFF  }
0x99: {  	s19 =	sld [smem:$0x3FDB];
	_ =	sdelay $0x1  }
0x9a: {  	s5 =	simm.s32 $_scs_section_size  }
0x9b: {  	s6 =	simm.s32 $_size__tile_overlayer_lowered;
	s7 =	simm.s32 $_tile_overlayer_lowered  }
0x9c: {  	s22 =	simm.s32 $0x1BFF;
	s21 =	sshll.u32 s7, $0x1;
	s4 =	sadd.s32 s5, s19  }
0x9d: {  	s8 =	simm.s32 $0x0;
	s20 =	sshll.u32 s6, $0x1;
	s6 =	sadd.s32 s21, s4  }
0x9e: {  	[timem:s8], [sflag:s22] =	dma.local [hbm:s6], s20  }
0x9f: {  	_ =	swait.ge [sflag:s22], s20  }
0xa0: {  	s5 =	ssub.s32 $0x0, s20;
	[sflag:s22] =	ssyncset.done $0x0  }
0xa1: {  	[sflag:s22] =	ssyncadd.s32 s5;
	_ =	sdelay $0x1  }
0xa2: {  	s23 =	simm.s32 $0x1B8B  }
0xa3: {  	_ =	swait.ge [sflag:s23], $0x1  }
0xa4: {  	[sflag:s23] =	ssyncset.done $0x0  }
0xa5: {  	s25 =	simm.s32 $0x1B8E;
	s24 =	sld [smem:$0x3FFE];
	[sflag:s23] =	ssyncadd.s32 $0xFFFFFFFF  }
0xa6: {  	s26 =	simm.s32 $execute0_lowered;
	[smem:$0x3FD2] =	sst s25  }
0xa7: {  	s6 =	sshll.u32 s26, $0x1;
	_ =	strace $0x80000046;
	[dreg:$0x1] =	wrdreg $0xFFFFFFFF  }
0xa8: {  	s28 =	simm.s32 $_size_execute0_lowered;
	s4 =	sadd.s32 s4, s6;
	[dreg:$0x0] =	wrdreg $0x0  }
0xa9: {  	s6 =	sshll.u32 s28, $0x1;
	[dreg:$0x2] =	wrdreg s4  }
0xaa: {  	[dreg:$0x3] =	wrdreg s6  }
0xab: {  	[dreg:$0x4] =	wrdreg $0xC0  }
0xac: {  	_ =	task [dreg:s8], $0x5FFFF  }
0xad: {  	[dreg:$0x1] =	wrdreg $0xFFFFFFFF  }
0xae: {  	[dreg:$0x0] =	wrdreg $0x60  }
0xaf: {  	[dreg:$0x2] =	wrdreg s2  }
0xb0: {  	[dreg:$0x3] =	wrdreg s18  }
0xb1: {  	[dreg:$0x4] =	wrdreg s24  }
0xb2: {  	[dreg:$0x5] =	wrdreg $0x0  }
0xb3: {  	[dreg:$0x6] =	wrdreg $0x9  }
0xb4: {  	_ =	task.clear_ibuf [dreg:s8], $0x7FFFF;
	_ =	strace $0x90000046  }
0xb5: {  	s29 =	simm.s32 $0x9;
	_ =	strace $0x80000048  }
0xb6: {  	_ =	swait.ge [sflag:s29], $0x1  }
0xb7: {  	[sflag:s29] =	ssyncadd.s32 $0xFFFFFFFF  }
0xb8: {  	_ =	strace $0x90000048  }
0xb9: {  	_ =	sfence  }
0xba: {  	s30 =	sld [smem:$0x0];
	_ =	sdelay $0x2  }
0xbb: {  	s31 =	sshll.u32 s1, $0xD;
	s1 =	sshrl.u32 s1, $0x2  }
0xbc: {  	s3 =	sand.u32 $0x4000, s31;
	s1 =	sadd.s32 s1, s30  }
0xbd: {  	s0 =	sor.u32 s3, s0;
	s1 =	sshll.u32 s1, $0x11  }
0xbe: {  	s0 =	sor.u32 s1, s0  }
0xbf: {  	s0 =	sadd.s32 $0x8F2B, s0  }
0xc0: {  	[sflag:s0] =	ssyncadd.remote.s32 $0x1  }
0xc1: {  	_ =	sfence.sel $0xFFFF  }
0xc2: {  	[dreg:$0x0] =	wrdreg $0xFFFFFFFF;
	(pc) =	sbr.abs _section_cstart, $3  }
0xc3: {  	[dreg:$0x1] =	wrdreg $0xFFFFFFFF  }
0xc4: {  	_ =	task.clear_ibuf [dreg:s8], $0x2FFFF;
	_ =	strace $0x9FFFFFFF  }
0xc5: {  	(tm) =	ssettm $0x7FFFFFFF  }
tec
execute0_lowered:
.L_overlay_start_1:
0x0: {  	(tag) =	ssettag $0x1  }
0x1: {  	s2 =	rddreg [dreg:$0x0]  }
0x2: {  	s0 =	rddreg [dreg:$0x1]  }
0x3: {  	s1 =	rddreg [dreg:$0x2];
	s4 =	srdreg.scid  }
0x4: {  	s3 =	rddreg [dreg:$0x3];
	s11 =	stileid.u32  }
0x5: {  	s8 =	sand.u32 $0x1, s4;
	s4 =	simm.s32 $0x0;
	s6 =	smul.u32 $0x2800, s11  }
0x6: {  	s7 =	sadd.s32 $0x400, s1;
	s23 =	sadd.s32 $0xA400, s1;
	s24 =	smul.u32 $0x14000, s11  }
0x7: {  	s12 =	smul.u32 $0x50000, s11;
	s17 =	sshll.u32 s11, $0x6;
	[dreg:$0x13] =	wrdreg s8  }
0x8: {  	s5 =	smul.u32 $0x28000, s8;
	[smem:$0x7FF] =	sst s4;
	s19 =	sor.u32 $0x1C04, s17  }
0x9: {  	_ =	strace $0x80000047;
	[dreg:$0x5] =	wrdreg s23;
	s15 =	sshrl.u32 s12, $0x2  }
0xa: {  	[dreg:$0x11] =	wrdreg s19;
	s5 =	sadd.s32 s6, s5;
	s16 =	sadd.s32 s15, s3  }
0xb: {  	s18 =	rddreg [dreg:$0x5];
	s5 =	sshrl.u32 s5, $0x3;
	s21 =	sshrl.u32 s16, $0x3  }
0xc: {  	s8 =	smul.u32 $0x140000, s8;
	s9 =	sadd.s32 s0, s5;
	[dreg:$0x12] =	wrdreg s21  }
0xd: {  	s25 =	sadd.s32 s7, s5;
	s10 =	sadd.s32 $0x100, s5;
	[dreg:$0x6] =	wrdreg s9  }
0xe: {  	s6 =	sadd.s32 s24, s8;
	[dreg:$0x7] =	wrdreg s25;
	s26 =	sadd.s32 s0, s10  }
0xf: {  	s30 =	sadd.s32 $0x200, s5;
	s28 =	sadd.s32 s7, s10;
	[dreg:$0x8] =	wrdreg s26  }
0x10: {  	s6 =	sshrl.u32 s6, $0x3;
	s31 =	sadd.s32 s0, s30;
	[dreg:$0x9] =	wrdreg s28  }
0x11: {  	s1 =	sadd.s32 s6, s1;
	s9 =	sadd.s32 s7, s30;
	[dreg:$0xa] =	wrdreg s31  }
0x12: {  	s10 =	sadd.s32 $0x300, s5;
	s20 =	sadd.s32 $0xCC00, s1;
	[dreg:$0xb] =	wrdreg s9  }
0x13: {  	s13 =	sadd.s32 s0, s10;
	[dreg:$0x10] =	wrdreg s20  }
0x14: {  	s5 =	sadd.s32 $0x400, s5;
	s14 =	sadd.s32 s7, s10;
	[dreg:$0xc] =	wrdreg s13  }
0x15: {  	s0 =	sadd.s32 s0, s5;
	[dreg:$0xd] =	wrdreg s14  }
0x16: {  	s7 =	sadd.s32 s7, s5;
	[dreg:$0xe] =	wrdreg s0  }
0x17: {  	s6 =	simm.s32 $0x4;
	[dreg:$0xf] =	wrdreg s7  }
0x18: {  	[spmem:s21], [sflag:s19] =	dma.local [hbm:s18], $0x2800  }
0x19: {  	_ =	swait.ge [sflag:s6], $0x2800  }
0x1a: {  	[sflag:s6] =	ssyncset.done $0x0  }
0x1b: {  	s9 =	simm.s32 $0x14000;
	s22 =	rddreg [dreg:$0x6];
	[sflag:s6] =	ssyncadd.s32 $0xFFFFD800  }
0x1c: {  	[tilespmem:s9], [sflag:$0x4] =	stream.linear.gather [hbm4b:s22+s4], $0x800, $0x38;
	[tilespmem:$0x1E000] =	vst v63  }
0x1d: {  	_ =	swait.ge [sflag:s6], $0x800  }
0x1e: {  	[sflag:s6] =	ssyncset.done $0x0  }
0x1f: {  	s11 =	simm.s32 $0x15000;
	s23 =	rddreg [dreg:$0x7];
	[sflag:s6] =	ssyncadd.s32 $0xFFFFF800  }
0x20: {  	[tilespmem:s11], [sflag:$0x4] =	stream.linear.gather [hbm4b:s23+s4], $0x800, $0x38;
	[tilespmem:$0x1E000] =	vst v63  }
0x21: {  	_ =	swait.ge [sflag:s6], $0x800  }
0x22: {  	[sflag:s6] =	ssyncset.done $0x0  }
0x23: {  	s25 =	simm.s32 $0x14800;
	s24 =	rddreg [dreg:$0x8];
	[sflag:s6] =	ssyncadd.s32 $0xFFFFF800  }
0x24: {  	[tilespmem:s25], [sflag:$0x3] =	stream.linear.gather [hbm4b:s24+s4], $0x800, $0x38;
	[tilespmem:$0x1E000] =	vst v63  }
0x25: {  	s28 =	simm.s32 $0x15800;
	s26 =	rddreg [dreg:$0x9]  }
0x26: {  	[tilespmem:s28], [sflag:$0x3] =	stream.linear.gather [hbm4b:s26+s4], $0x800, $0x38;
	[tilespmem:$0x1E000] =	vst v63  }
0x27: {  	s12 =	simm.s32 $0x40;
	s13 =	simm.s32 $0x16000  }
0x28: {  	[tilespmem:s13], [sflag:$0x1] =	stream.indirect.gather [hbm4b:s2+s12], $0x80, s9, s12, $0xb8;
	[tilespmem:$0x1E000] =	vst v63  }
0x29: {  	s15 =	simm.s32 $0x18000;
	s30 =	simm.s32 $0x14040  }
0x2a: {  	[tilespmem:s15], [sflag:$0x1] =	stream.indirect.gather [hbm4b:s2+s12], $0x80, s30, s12, $0xb8;
	[tilespmem:$0x1E000] =	vst v63  }
0x2b: {  	s17 =	simm.s32 $0x1A000;
	s31 =	simm.s32 $0x14080  }
0x2c: {  	[tilespmem:s17], [sflag:$0x2] =	stream.indirect.gather [hbm4b:s2+s12], $0x80, s31, s12, $0xb8;
	[tilespmem:$0x1E000] =	vst v63  }
0x2d: {  	s7 =	simm.s32 $0x140C0;
	s19 =	simm.s32 $0x1C000  }
0x2e: {  	[tilespmem:s19], [sflag:$0x2] =	stream.indirect.gather [hbm4b:s2+s12], $0x80, s7, s12, $0xb8;
	[tilespmem:$0x1E000] =	vst v63  }
0x2f: {  	s20 =	simm.s32 $0x1;
	[bflag:$0x0] =	sbarrier.arrive $0xFFFF  }
0x30: {  	_ =	swait.ge [sflag:s20], $0x2000  }
0x31: {  	[sflag:s20] =	ssyncset.done $0x0  }
0x32: {  	[sflag:s20] =	ssyncadd.s32 $0xFFFFE000  }
0x33: {  	_ =	swait.ge [sflag:s20], $0x2000  }
0x34: {  	[sflag:s20] =	ssyncset.done $0x0  }
0x35: {  	s21 =	simm.s32 $0x80;
	[sflag:s20] =	ssyncadd.s32 $0xFFFFE000  }
0x36: {  	[spmem:s3] =	stream.indirect.scatter.add.f32 [tilespmem:s13], [sflag:$0x4], $0x80, s11, s21, $0xb8;
	[tilespmem:$0x1E000] =	vst v63  }
0x37: {  	_ =	swait.ge [sflag:s6], $0x4000  }
0x38: {  	[sflag:s6] =	ssyncset.done $0x0  }
0x39: {  	s8 =	simm.s32 $0x14100;
	[sflag:s6] =	ssyncadd.s32 $0xFFFFC000  }
0x3a: {  	[tilespmem:s13], [sflag:$0x1] =	stream.indirect.gather [hbm4b:s2+s12], $0x80, s8, s12, $0xb8;
	[tilespmem:$0x1E000] =	vst v63  }
0x3b: {  	s10 =	simm.s32 $0x14140;
	s24 =	simm.s32 $0x2  }
0x3c: {  	[tilespmem:s15], [sflag:$0x1] =	stream.indirect.gather [hbm4b:s2+s12], $0x80, s10, s12, $0xb8;
	[tilespmem:$0x1E000] =	vst v63  }
0x3d: {  	_ =	swait.ge [sflag:s24], $0x2000  }
0x3e: {  	[sflag:s24] =	ssyncset.done $0x0  }
0x3f: {  	[sflag:s24] =	ssyncadd.s32 $0xFFFFE000  }
0x40: {  	_ =	swait.ge [sflag:s24], $0x2000  }
0x41: {  	[sflag:s24] =	ssyncset.done $0x0  }
0x42: {  	s14 =	simm.s32 $0x15080;
	[sflag:s24] =	ssyncadd.s32 $0xFFFFE000  }
0x43: {  	[spmem:s3] =	stream.indirect.scatter.add.f32 [tilespmem:s17], [sflag:$0x4], $0x80, s14, s21, $0xb8;
	[tilespmem:$0x1E000] =	vst v63  }
0x44: {  	_ =	swait.ge [sflag:s6], $0x4000  }
0x45: {  	[sflag:s6] =	ssyncset.done $0x0  }
0x46: {  	s16 =	simm.s32 $0x14180;
	[sflag:s6] =	ssyncadd.s32 $0xFFFFC000  }
0x47: {  	[tilespmem:s17], [sflag:$0x2] =	stream.indirect.gather [hbm4b:s2+s12], $0x80, s16, s12, $0xb8;
	[tilespmem:$0x1E000] =	vst v63  }
0x48: {  	s18 =	simm.s32 $0x141C0  }
0x49: {  	[tilespmem:s19], [sflag:$0x2] =	stream.indirect.gather [hbm4b:s2+s12], $0x80, s18, s12, $0xb8;
	[tilespmem:$0x1E000] =	vst v63  }
0x4a: {  	_ =	swait.ge [sflag:s20], $0x2000  }
0x4b: {  	[sflag:s20] =	ssyncset.done $0x0  }
0x4c: {  	[sflag:s20] =	ssyncadd.s32 $0xFFFFE000  }
0x4d: {  	_ =	swait.ge [sflag:s20], $0x2000  }
0x4e: {  	[sflag:s20] =	ssyncset.done $0x0  }
0x4f: {  	s22 =	simm.s32 $0x15100;
	[sflag:s20] =	ssyncadd.s32 $0xFFFFE000  }
0x50: {  	[spmem:s3] =	stream.indirect.scatter.add.f32 [tilespmem:s13], [sflag:$0x4], $0x80, s22, s21, $0xb8;
	[tilespmem:$0x1E000] =	vst v63  }
0x51: {  	_ =	swait.ge [sflag:s6], $0x4000  }
0x52: {  	[sflag:s6] =	ssyncset.done $0x0  }
0x53: {  	s23 =	simm.s32 $0x14200;
	[sflag:s6] =	ssyncadd.s32 $0xFFFFC000  }
0x54: {  	[tilespmem:s13], [sflag:$0x1] =	stream.indirect.gather [hbm4b:s2+s12], $0x80, s23, s12, $0xb8;
	[tilespmem:$0x1E000] =	vst v63  }
0x55: {  	s25 =	simm.s32 $0x14240  }
0x56: {  	[tilespmem:s15], [sflag:$0x1] =	stream.indirect.gather [hbm4b:s2+s12], $0x80, s25, s12, $0xb8;
	[tilespmem:$0x1E000] =	vst v63  }
0x57: {  	_ =	swait.ge [sflag:s24], $0x2000  }
0x58: {  	[sflag:s24] =	ssyncset.done $0x0  }
0x59: {  	[sflag:s24] =	ssyncadd.s32 $0xFFFFE000  }
0x5a: {  	_ =	swait.ge [sflag:s24], $0x2000  }
0x5b: {  	[sflag:s24] =	ssyncset.done $0x0  }
0x5c: {  	s26 =	simm.s32 $0x15180;
	[sflag:s24] =	ssyncadd.s32 $0xFFFFE000  }
0x5d: {  	[spmem:s3] =	stream.indirect.scatter.add.f32 [tilespmem:s17], [sflag:$0x4], $0x80, s26, s21, $0xb8;
	[tilespmem:$0x1E000] =	vst v63  }
0x5e: {  	_ =	swait.ge [sflag:s6], $0x4000  }
0x5f: {  	[sflag:s6] =	ssyncset.done $0x0  }
0x60: {  	s28 =	simm.s32 $0x14280;
	[sflag:s6] =	ssyncadd.s32 $0xFFFFC000  }
0x61: {  	[tilespmem:s17], [sflag:$0x2] =	stream.indirect.gather [hbm4b:s2+s12], $0x80, s28, s12, $0xb8;
	[tilespmem:$0x1E000] =	vst v63  }
0x62: {  	s30 =	simm.s32 $0x142C0  }
0x63: {  	[tilespmem:s19], [sflag:$0x2] =	stream.indirect.gather [hbm4b:s2+s12], $0x80, s30, s12, $0xb8;
	[tilespmem:$0x1E000] =	vst v63  }
0x64: {  	_ =	swait.ge [sflag:s20], $0x2000  }
0x65: {  	[sflag:s20] =	ssyncset.done $0x0  }
0x66: {  	[sflag:s20] =	ssyncadd.s32 $0xFFFFE000  }
0x67: {  	_ =	swait.ge [sflag:s20], $0x2000  }
0x68: {  	[sflag:s20] =	ssyncset.done $0x0  }
0x69: {  	s31 =	simm.s32 $0x15200;
	[sflag:s20] =	ssyncadd.s32 $0xFFFFE000  }
0x6a: {  	[spmem:s3] =	stream.indirect.scatter.add.f32 [tilespmem:s13], [sflag:$0x4], $0x80, s31, s21, $0xb8;
	[tilespmem:$0x1E000] =	vst v63  }
0x6b: {  	_ =	swait.ge [sflag:s6], $0x4000  }
0x6c: {  	[sflag:s6] =	ssyncset.done $0x0  }
0x6d: {  	s7 =	simm.s32 $0x14300;
	[sflag:s6] =	ssyncadd.s32 $0xFFFFC000  }
0x6e: {  	[tilespmem:s13], [sflag:$0x1] =	stream.indirect.gather [hbm4b:s2+s12], $0x80, s7, s12, $0xb8;
	[tilespmem:$0x1E000] =	vst v63  }
0x6f: {  	s8 =	simm.s32 $0x14340  }
0x70: {  	[tilespmem:s15], [sflag:$0x1] =	stream.indirect.gather [hbm4b:s2+s12], $0x80, s8, s12, $0xb8;
	[tilespmem:$0x1E000] =	vst v63  }
0x71: {  	_ =	swait.ge [sflag:s24], $0x2000  }
0x72: {  	[sflag:s24] =	ssyncset.done $0x0  }
0x73: {  	[sflag:s24] =	ssyncadd.s32 $0xFFFFE000  }
0x74: {  	_ =	swait.ge [sflag:s24], $0x2000  }
0x75: {  	[sflag:s24] =	ssyncset.done $0x0  }
0x76: {  	s10 =	simm.s32 $0x15280;
	[sflag:s24] =	ssyncadd.s32 $0xFFFFE000  }
0x77: {  	[spmem:s3] =	stream.indirect.scatter.add.f32 [tilespmem:s17], [sflag:$0x4], $0x80, s10, s21, $0xb8;
	[tilespmem:$0x1E000] =	vst v63  }
0x78: {  	_ =	swait.ge [sflag:s6], $0x4000  }
0x79: {  	[sflag:s6] =	ssyncset.done $0x0  }
0x7a: {  	s14 =	simm.s32 $0x14380;
	[sflag:s6] =	ssyncadd.s32 $0xFFFFC000  }
0x7b: {  	[tilespmem:s17], [sflag:$0x2] =	stream.indirect.gather [hbm4b:s2+s12], $0x80, s14, s12, $0xb8;
	[tilespmem:$0x1E000] =	vst v63  }
0x7c: {  	s16 =	simm.s32 $0x143C0  }
0x7d: {  	[tilespmem:s19], [sflag:$0x2] =	stream.indirect.gather [hbm4b:s2+s12], $0x80, s16, s12, $0xb8;
	[tilespmem:$0x1E000] =	vst v63  }
0x7e: {  	_ =	swait.ge [sflag:s20], $0x2000  }
0x7f: {  	[sflag:s20] =	ssyncset.done $0x0  }
0x80: {  	[sflag:s20] =	ssyncadd.s32 $0xFFFFE000  }
0x81: {  	_ =	swait.ge [sflag:s20], $0x2000  }
0x82: {  	[sflag:s20] =	ssyncset.done $0x0  }
0x83: {  	s18 =	simm.s32 $0x15300;
	[sflag:s20] =	ssyncadd.s32 $0xFFFFE000  }
0x84: {  	[spmem:s3] =	stream.indirect.scatter.add.f32 [tilespmem:s13], [sflag:$0x4], $0x80, s18, s21, $0xb8;
	[tilespmem:$0x1E000] =	vst v63  }
0x85: {  	_ =	swait.ge [sflag:s6], $0x4000  }
0x86: {  	[sflag:s6] =	ssyncset.done $0x0  }
0x87: {  	s22 =	simm.s32 $0x14400;
	[sflag:s6] =	ssyncadd.s32 $0xFFFFC000  }
0x88: {  	[tilespmem:s13], [sflag:$0x1] =	stream.indirect.gather [hbm4b:s2+s12], $0x80, s22, s12, $0xb8;
	[tilespmem:$0x1E000] =	vst v63  }
0x89: {  	s23 =	simm.s32 $0x14440  }
0x8a: {  	[tilespmem:s15], [sflag:$0x1] =	stream.indirect.gather [hbm4b:s2+s12], $0x80, s23, s12, $0xb8;
	[tilespmem:$0x1E000] =	vst v63  }
0x8b: {  	_ =	swait.ge [sflag:s24], $0x2000  }
0x8c: {  	[sflag:s24] =	ssyncset.done $0x0  }
0x8d: {  	[sflag:s24] =	ssyncadd.s32 $0xFFFFE000  }
0x8e: {  	_ =	swait.ge [sflag:s24], $0x2000  }
0x8f: {  	[sflag:s24] =	ssyncset.done $0x0  }
0x90: {  	s25 =	simm.s32 $0x15380;
	[sflag:s24] =	ssyncadd.s32 $0xFFFFE000  }
0x91: {  	[spmem:s3] =	stream.indirect.scatter.add.f32 [tilespmem:s17], [sflag:$0x4], $0x80, s25, s21, $0xb8;
	[tilespmem:$0x1E000] =	vst v63  }
0x92: {  	_ =	swait.ge [sflag:s6], $0x4000  }
0x93: {  	[sflag:s6] =	ssyncset.done $0x0  }
0x94: {  	s26 =	simm.s32 $0x14480;
	[sflag:s6] =	ssyncadd.s32 $0xFFFFC000  }
0x95: {  	[tilespmem:s17], [sflag:$0x2] =	stream.indirect.gather [hbm4b:s2+s12], $0x80, s26, s12, $0xb8;
	[tilespmem:$0x1E000] =	vst v63  }
0x96: {  	s28 =	simm.s32 $0x144C0  }
0x97: {  	[tilespmem:s19], [sflag:$0x2] =	stream.indirect.gather [hbm4b:s2+s12], $0x80, s28, s12, $0xb8;
	[tilespmem:$0x1E000] =	vst v63  }
0x98: {  	_ =	swait.ge [sflag:s20], $0x2000  }
0x99: {  	[sflag:s20] =	ssyncset.done $0x0  }
0x9a: {  	[sflag:s20] =	ssyncadd.s32 $0xFFFFE000  }
0x9b: {  	_ =	swait.ge [sflag:s20], $0x2000  }
0x9c: {  	[sflag:s20] =	ssyncset.done $0x0  }
0x9d: {  	s30 =	simm.s32 $0x15400;
	[sflag:s20] =	ssyncadd.s32 $0xFFFFE000  }
0x9e: {  	[spmem:s3] =	stream.indirect.scatter.add.f32 [tilespmem:s13], [sflag:$0x4], $0x80, s30, s21, $0xb8;
	[tilespmem:$0x1E000] =	vst v63  }
0x9f: {  	_ =	swait.ge [sflag:s6], $0x4000  }
0xa0: {  	[sflag:s6] =	ssyncset.done $0x0  }
0xa1: {  	s31 =	simm.s32 $0x14500;
	[sflag:s6] =	ssyncadd.s32 $0xFFFFC000  }
0xa2: {  	[tilespmem:s13], [sflag:$0x1] =	stream.indirect.gather [hbm4b:s2+s12], $0x80, s31, s12, $0xb8;
	[tilespmem:$0x1E000] =	vst v63  }
0xa3: {  	s7 =	simm.s32 $0x14540  }
0xa4: {  	[tilespmem:s15], [sflag:$0x1] =	stream.indirect.gather [hbm4b:s2+s12], $0x80, s7, s12, $0xb8;
	[tilespmem:$0x1E000] =	vst v63  }
0xa5: {  	_ =	swait.ge [sflag:s24], $0x2000  }
0xa6: {  	[sflag:s24] =	ssyncset.done $0x0  }
0xa7: {  	[sflag:s24] =	ssyncadd.s32 $0xFFFFE000  }
0xa8: {  	_ =	swait.ge [sflag:s24], $0x2000  }
0xa9: {  	[sflag:s24] =	ssyncset.done $0x0  }
0xaa: {  	s8 =	simm.s32 $0x15480;
	[sflag:s24] =	ssyncadd.s32 $0xFFFFE000  }
0xab: {  	[spmem:s3] =	stream.indirect.scatter.add.f32 [tilespmem:s17], [sflag:$0x4], $0x80, s8, s21, $0xb8;
	[tilespmem:$0x1E000] =	vst v63  }
0xac: {  	_ =	swait.ge [sflag:s6], $0x4000  }
0xad: {  	[sflag:s6] =	ssyncset.done $0x0  }
0xae: {  	s10 =	simm.s32 $0x14580;
	[sflag:s6] =	ssyncadd.s32 $0xFFFFC000  }
0xaf: {  	[tilespmem:s17], [sflag:$0x2] =	stream.indirect.gather [hbm4b:s2+s12], $0x80, s10, s12, $0xb8;
	[tilespmem:$0x1E000] =	vst v63  }
0xb0: {  	s14 =	simm.s32 $0x145C0  }
0xb1: {  	[tilespmem:s19], [sflag:$0x2] =	stream.indirect.gather [hbm4b:s2+s12], $0x80, s14, s12, $0xb8;
	[tilespmem:$0x1E000] =	vst v63  }
0xb2: {  	_ =	swait.ge [sflag:s20], $0x2000  }
0xb3: {  	[sflag:s20] =	ssyncset.done $0x0  }
0xb4: {  	[sflag:s20] =	ssyncadd.s32 $0xFFFFE000  }
0xb5: {  	_ =	swait.ge [sflag:s20], $0x2000  }
0xb6: {  	[sflag:s20] =	ssyncset.done $0x0  }
0xb7: {  	s16 =	simm.s32 $0x15500;
	[sflag:s20] =	ssyncadd.s32 $0xFFFFE000  }
0xb8: {  	[spmem:s3] =	stream.indirect.scatter.add.f32 [tilespmem:s13], [sflag:$0x4], $0x80, s16, s21, $0xb8;
	[tilespmem:$0x1E000] =	vst v63  }
0xb9: {  	_ =	swait.ge [sflag:s6], $0x4000  }
0xba: {  	[sflag:s6] =	ssyncset.done $0x0  }
0xbb: {  	s18 =	simm.s32 $0x14600;
	[sflag:s6] =	ssyncadd.s32 $0xFFFFC000  }
0xbc: {  	[tilespmem:s13], [sflag:$0x1] =	stream.indirect.gather [hbm4b:s2+s12], $0x80, s18, s12, $0xb8;
	[tilespmem:$0x1E000] =	vst v63  }
0xbd: {  	s22 =	simm.s32 $0x14640  }
0xbe: {  	[tilespmem:s15], [sflag:$0x1] =	stream.indirect.gather [hbm4b:s2+s12], $0x80, s22, s12, $0xb8;
	[tilespmem:$0x1E000] =	vst v63  }
0xbf: {  	_ =	swait.ge [sflag:s24], $0x2000  }
0xc0: {  	[sflag:s24] =	ssyncset.done $0x0  }
0xc1: {  	[sflag:s24] =	ssyncadd.s32 $0xFFFFE000  }
0xc2: {  	_ =	swait.ge [sflag:s24], $0x2000  }
0xc3: {  	[sflag:s24] =	ssyncset.done $0x0  }
0xc4: {  	s23 =	simm.s32 $0x15580;
	[sflag:s24] =	ssyncadd.s32 $0xFFFFE000  }
0xc5: {  	[spmem:s3] =	stream.indirect.scatter.add.f32 [tilespmem:s17], [sflag:$0x4], $0x80, s23, s21, $0xb8;
	[tilespmem:$0x1E000] =	vst v63  }
0xc6: {  	_ =	swait.ge [sflag:s6], $0x4000  }
0xc7: {  	[sflag:s6] =	ssyncset.done $0x0  }
0xc8: {  	s25 =	simm.s32 $0x14680;
	[sflag:s6] =	ssyncadd.s32 $0xFFFFC000  }
0xc9: {  	[tilespmem:s17], [sflag:$0x2] =	stream.indirect.gather [hbm4b:s2+s12], $0x80, s25, s12, $0xb8;
	[tilespmem:$0x1E000] =	vst v63  }
0xca: {  	s26 =	simm.s32 $0x146C0  }
0xcb: {  	[tilespmem:s19], [sflag:$0x2] =	stream.indirect.gather [hbm4b:s2+s12], $0x80, s26, s12, $0xb8;
	[tilespmem:$0x1E000] =	vst v63  }
0xcc: {  	_ =	swait.ge [sflag:s20], $0x2000  }
0xcd: {  	[sflag:s20] =	ssyncset.done $0x0  }
0xce: {  	[sflag:s20] =	ssyncadd.s32 $0xFFFFE000  }
0xcf: {  	_ =	swait.ge [sflag:s20], $0x2000  }
0xd0: {  	[sflag:s20] =	ssyncset.done $0x0  }
0xd1: {  	s28 =	simm.s32 $0x15600;
	[sflag:s20] =	ssyncadd.s32 $0xFFFFE000  }
0xd2: {  	[spmem:s3] =	stream.indirect.scatter.add.f32 [tilespmem:s13], [sflag:$0x4], $0x80, s28, s21, $0xb8;
	[tilespmem:$0x1E000] =	vst v63  }
0xd3: {  	_ =	swait.ge [sflag:s6], $0x4000  }
0xd4: {  	[sflag:s6] =	ssyncset.done $0x0  }
0xd5: {  	s30 =	simm.s32 $0x14700;
	[sflag:s6] =	ssyncadd.s32 $0xFFFFC000  }
0xd6: {  	[tilespmem:s13], [sflag:$0x1] =	stream.indirect.gather [hbm4b:s2+s12], $0x80, s30, s12, $0xb8;
	[tilespmem:$0x1E000] =	vst v63  }
0xd7: {  	s31 =	simm.s32 $0x14740  }
0xd8: {  	[tilespmem:s15], [sflag:$0x1] =	stream.indirect.gather [hbm4b:s2+s12], $0x80, s31, s12, $0xb8;
	[tilespmem:$0x1E000] =	vst v63  }
0xd9: {  	_ =	swait.ge [sflag:s24], $0x2000  }
0xda: {  	[sflag:s24] =	ssyncset.done $0x0  }
0xdb: {  	[sflag:s24] =	ssyncadd.s32 $0xFFFFE000  }
0xdc: {  	_ =	swait.ge [sflag:s24], $0x2000  }
0xdd: {  	[sflag:s24] =	ssyncset.done $0x0  }
0xde: {  	s7 =	simm.s32 $0x15680;
	[sflag:s24] =	ssyncadd.s32 $0xFFFFE000  }
0xdf: {  	[spmem:s3] =	stream.indirect.scatter.add.f32 [tilespmem:s17], [sflag:$0x4], $0x80, s7, s21, $0xb8;
	[tilespmem:$0x1E000] =	vst v63  }
0xe0: {  	_ =	swait.ge [sflag:s6], $0x4000  }
0xe1: {  	[sflag:s6] =	ssyncset.done $0x0  }
0xe2: {  	s8 =	simm.s32 $0x14780;
	[sflag:s6] =	ssyncadd.s32 $0xFFFFC000  }
0xe3: {  	[tilespmem:s17], [sflag:$0x2] =	stream.indirect.gather [hbm4b:s2+s12], $0x80, s8, s12, $0xb8;
	[tilespmem:$0x1E000] =	vst v63  }
0xe4: {  	s10 =	simm.s32 $0x147C0  }
0xe5: {  	[tilespmem:s19], [sflag:$0x2] =	stream.indirect.gather [hbm4b:s2+s12], $0x80, s10, s12, $0xb8;
	[tilespmem:$0x1E000] =	vst v63  }
0xe6: {  	_ =	swait.ge [sflag:s20], $0x2000  }
0xe7: {  	[sflag:s20] =	ssyncset.done $0x0  }
0xe8: {  	[sflag:s20] =	ssyncadd.s32 $0xFFFFE000  }
0xe9: {  	_ =	swait.ge [sflag:s20], $0x2000  }
0xea: {  	[sflag:s20] =	ssyncset.done $0x0  }
0xeb: {  	s14 =	simm.s32 $0x15700;
	[sflag:s20] =	ssyncadd.s32 $0xFFFFE000  }
0xec: {  	[spmem:s3] =	stream.indirect.scatter.add.f32 [tilespmem:s13], [sflag:$0x4], $0x80, s14, s21, $0xb8;
	[tilespmem:$0x1E000] =	vst v63  }
0xed: {  	_ =	swait.ge [sflag:s6], $0x4000  }
0xee: {  	[sflag:s6] =	ssyncset.done $0x0  }
0xef: {  	s26 =	simm.s32 $0x3;
	[sflag:s6] =	ssyncadd.s32 $0xFFFFC000  }
0xf0: {  	_ =	swait.ge [sflag:s26], $0x800  }
0xf1: {  	[sflag:s26] =	ssyncset.done $0x0  }
0xf2: {  	[sflag:s26] =	ssyncadd.s32 $0xFFFFF800  }
0xf3: {  	_ =	swait.ge [sflag:s26], $0x800  }
0xf4: {  	[sflag:s26] =	ssyncset.done $0x0  }
0xf5: {  	s7 =	simm.s32 $0x14800;
	[sflag:s26] =	ssyncadd.s32 $0xFFFFF800  }
0xf6: {  	[tilespmem:s13], [sflag:$0x1] =	stream.indirect.gather [hbm4b:s2+s12], $0x80, s7, s12, $0xb8;
	[tilespmem:$0x1E000] =	vst v63  }
0xf7: {  	s16 =	simm.s32 $0x14840  }
0xf8: {  	[tilespmem:s15], [sflag:$0x1] =	stream.indirect.gather [hbm4b:s2+s12], $0x80, s16, s12, $0xb8;
	[tilespmem:$0x1E000] =	vst v63  }
0xf9: {  	_ =	swait.ge [sflag:s24], $0x2000  }
0xfa: {  	[sflag:s24] =	ssyncset.done $0x0  }
0xfb: {  	[sflag:s24] =	ssyncadd.s32 $0xFFFFE000  }
0xfc: {  	_ =	swait.ge [sflag:s24], $0x2000  }
0xfd: {  	[sflag:s24] =	ssyncset.done $0x0  }
0xfe: {  	s18 =	simm.s32 $0x15780;
	[sflag:s24] =	ssyncadd.s32 $0xFFFFE000  }
0xff: {  	[spmem:s3] =	stream.indirect.scatter.add.f32 [tilespmem:s17], [sflag:$0x4], $0x80, s18, s21, $0xb8;
	[tilespmem:$0x1E000] =	vst v63  }
0x100: {  	_ =	swait.ge [sflag:s6], $0x4000  }
0x101: {  	[sflag:s6] =	ssyncset.done $0x0  }
0x102: {  	s22 =	simm.s32 $0x14880;
	[sflag:s6] =	ssyncadd.s32 $0xFFFFC000  }
0x103: {  	[tilespmem:s17], [sflag:$0x2] =	stream.indirect.gather [hbm4b:s2+s12], $0x80, s22, s12, $0xb8;
	[tilespmem:$0x1E000] =	vst v63  }
0x104: {  	s23 =	simm.s32 $0x148C0  }
0x105: {  	[tilespmem:s19], [sflag:$0x2] =	stream.indirect.gather [hbm4b:s2+s12], $0x80, s23, s12, $0xb8;
	[tilespmem:$0x1E000] =	vst v63  }
0x106: {  	s25 =	rddreg [dreg:$0xa]  }
0x107: {  	[tilespmem:s9], [sflag:$0x3] =	stream.linear.gather [hbm4b:s25+s4], $0x800, $0x38;
	[tilespmem:$0x1E000] =	vst v63  }
0x108: {  	s29 =	rddreg [dreg:$0xb]  }
0x109: {  	[tilespmem:s11], [sflag:$0x3] =	stream.linear.gather [hbm4b:s29+s4], $0x800, $0x38;
	[tilespmem:$0x1E000] =	vst v63  }
0x10a: {  	_ =	swait.ge [sflag:s20], $0x2000  }
0x10b: {  	[sflag:s20] =	ssyncset.done $0x0  }
0x10c: {  	[sflag:s20] =	ssyncadd.s32 $0xFFFFE000  }
0x10d: {  	_ =	swait.ge [sflag:s20], $0x2000  }
0x10e: {  	[sflag:s20] =	ssyncset.done $0x0  }
0x10f: {  	s5 =	simm.s32 $0x15800;
	[sflag:s20] =	ssyncadd.s32 $0xFFFFE000  }
0x110: {  	[spmem:s3] =	stream.indirect.scatter.add.f32 [tilespmem:s13], [sflag:$0x4], $0x80, s5, s21, $0xb8;
	[tilespmem:$0x1E000] =	vst v63  }
0x111: {  	_ =	swait.ge [sflag:s6], $0x4000  }
0x112: {  	[sflag:s6] =	ssyncset.done $0x0  }
0x113: {  	s28 =	simm.s32 $0x14900;
	[sflag:s6] =	ssyncadd.s32 $0xFFFFC000  }
0x114: {  	[tilespmem:s13], [sflag:$0x1] =	stream.indirect.gather [hbm4b:s2+s12], $0x80, s28, s12, $0xb8;
	[tilespmem:$0x1E000] =	vst v63  }
0x115: {  	s30 =	simm.s32 $0x14940  }
0x116: {  	[tilespmem:s15], [sflag:$0x1] =	stream.indirect.gather [hbm4b:s2+s12], $0x80, s30, s12, $0xb8;
	[tilespmem:$0x1E000] =	vst v63  }
0x117: {  	_ =	swait.ge [sflag:s24], $0x2000  }
0x118: {  	[sflag:s24] =	ssyncset.done $0x0  }
0x119: {  	[sflag:s24] =	ssyncadd.s32 $0xFFFFE000  }
0x11a: {  	_ =	swait.ge [sflag:s24], $0x2000  }
0x11b: {  	[sflag:s24] =	ssyncset.done $0x0  }
0x11c: {  	s31 =	simm.s32 $0x15880;
	[sflag:s24] =	ssyncadd.s32 $0xFFFFE000  }
0x11d: {  	[spmem:s3] =	stream.indirect.scatter.add.f32 [tilespmem:s17], [sflag:$0x4], $0x80, s31, s21, $0xb8;
	[tilespmem:$0x1E000] =	vst v63  }
0x11e: {  	_ =	swait.ge [sflag:s6], $0x4000  }
0x11f: {  	[sflag:s6] =	ssyncset.done $0x0  }
0x120: {  	s8 =	simm.s32 $0x14980;
	[sflag:s6] =	ssyncadd.s32 $0xFFFFC000  }
0x121: {  	[tilespmem:s17], [sflag:$0x2] =	stream.indirect.gather [hbm4b:s2+s12], $0x80, s8, s12, $0xb8;
	[tilespmem:$0x1E000] =	vst v63  }
0x122: {  	s10 =	simm.s32 $0x149C0  }
0x123: {  	[tilespmem:s19], [sflag:$0x2] =	stream.indirect.gather [hbm4b:s2+s12], $0x80, s10, s12, $0xb8;
	[tilespmem:$0x1E000] =	vst v63  }
0x124: {  	_ =	swait.ge [sflag:s20], $0x2000  }
0x125: {  	[sflag:s20] =	ssyncset.done $0x0  }
0x126: {  	[sflag:s20] =	ssyncadd.s32 $0xFFFFE000  }
0x127: {  	_ =	swait.ge [sflag:s20], $0x2000  }
0x128: {  	[sflag:s20] =	ssyncset.done $0x0  }
0x129: {  	s14 =	simm.s32 $0x15900;
	[sflag:s20] =	ssyncadd.s32 $0xFFFFE000  }
0x12a: {  	[spmem:s3] =	stream.indirect.scatter.add.f32 [tilespmem:s13], [sflag:$0x4], $0x80, s14, s21, $0xb8;
	[tilespmem:$0x1E000] =	vst v63  }
0x12b: {  	_ =	swait.ge [sflag:s6], $0x4000  }
0x12c: {  	[sflag:s6] =	ssyncset.done $0x0  }
0x12d: {  	s16 =	simm.s32 $0x14A00;
	[sflag:s6] =	ssyncadd.s32 $0xFFFFC000  }
0x12e: {  	[tilespmem:s13], [sflag:$0x1] =	stream.indirect.gather [hbm4b:s2+s12], $0x80, s16, s12, $0xb8;
	[tilespmem:$0x1E000] =	vst v63  }
0x12f: {  	s18 =	simm.s32 $0x14A40  }
0x130: {  	[tilespmem:s15], [sflag:$0x1] =	stream.indirect.gather [hbm4b:s2+s12], $0x80, s18, s12, $0xb8;
	[tilespmem:$0x1E000] =	vst v63  }
0x131: {  	_ =	swait.ge [sflag:s24], $0x2000  }
0x132: {  	[sflag:s24] =	ssyncset.done $0x0  }
0x133: {  	[sflag:s24] =	ssyncadd.s32 $0xFFFFE000  }
0x134: {  	_ =	swait.ge [sflag:s24], $0x2000  }
0x135: {  	[sflag:s24] =	ssyncset.done $0x0  }
0x136: {  	s22 =	simm.s32 $0x15980;
	[sflag:s24] =	ssyncadd.s32 $0xFFFFE000  }
0x137: {  	[spmem:s3] =	stream.indirect.scatter.add.f32 [tilespmem:s17], [sflag:$0x4], $0x80, s22, s21, $0xb8;
	[tilespmem:$0x1E000] =	vst v63  }
0x138: {  	_ =	swait.ge [sflag:s6], $0x4000  }
0x139: {  	[sflag:s6] =	ssyncset.done $0x0  }
0x13a: {  	s23 =	simm.s32 $0x14A80;
	[sflag:s6] =	ssyncadd.s32 $0xFFFFC000  }
0x13b: {  	[tilespmem:s17], [sflag:$0x2] =	stream.indirect.gather [hbm4b:s2+s12], $0x80, s23, s12, $0xb8;
	[tilespmem:$0x1E000] =	vst v63  }
0x13c: {  	s25 =	simm.s32 $0x14AC0  }
0x13d: {  	[tilespmem:s19], [sflag:$0x2] =	stream.indirect.gather [hbm4b:s2+s12], $0x80, s25, s12, $0xb8;
	[tilespmem:$0x1E000] =	vst v63  }
0x13e: {  	_ =	swait.ge [sflag:s20], $0x2000  }
0x13f: {  	[sflag:s20] =	ssyncset.done $0x0  }
0x140: {  	[sflag:s20] =	ssyncadd.s32 $0xFFFFE000  }
0x141: {  	_ =	swait.ge [sflag:s20], $0x2000  }
0x142: {  	[sflag:s20] =	ssyncset.done $0x0  }
0x143: {  	s28 =	simm.s32 $0x15A00;
	[sflag:s20] =	ssyncadd.s32 $0xFFFFE000  }
0x144: {  	[spmem:s3] =	stream.indirect.scatter.add.f32 [tilespmem:s13], [sflag:$0x4], $0x80, s28, s21, $0xb8;
	[tilespmem:$0x1E000] =	vst v63  }
0x145: {  	_ =	swait.ge [sflag:s6], $0x4000  }
0x146: {  	[sflag:s6] =	ssyncset.done $0x0  }
0x147: {  	s30 =	simm.s32 $0x14B00;
	[sflag:s6] =	ssyncadd.s32 $0xFFFFC000  }
0x148: {  	[tilespmem:s13], [sflag:$0x1] =	stream.indirect.gather [hbm4b:s2+s12], $0x80, s30, s12, $0xb8;
	[tilespmem:$0x1E000] =	vst v63  }
0x149: {  	s31 =	simm.s32 $0x14B40  }
0x14a: {  	[tilespmem:s15], [sflag:$0x1] =	stream.indirect.gather [hbm4b:s2+s12], $0x80, s31, s12, $0xb8;
	[tilespmem:$0x1E000] =	vst v63  }
0x14b: {  	_ =	swait.ge [sflag:s24], $0x2000  }
0x14c: {  	[sflag:s24] =	ssyncset.done $0x0  }
0x14d: {  	[sflag:s24] =	ssyncadd.s32 $0xFFFFE000  }
0x14e: {  	_ =	swait.ge [sflag:s24], $0x2000  }
0x14f: {  	[sflag:s24] =	ssyncset.done $0x0  }
0x150: {  	s8 =	simm.s32 $0x15A80;
	[sflag:s24] =	ssyncadd.s32 $0xFFFFE000  }
0x151: {  	[spmem:s3] =	stream.indirect.scatter.add.f32 [tilespmem:s17], [sflag:$0x4], $0x80, s8, s21, $0xb8;
	[tilespmem:$0x1E000] =	vst v63  }
0x152: {  	_ =	swait.ge [sflag:s6], $0x4000  }
0x153: {  	[sflag:s6] =	ssyncset.done $0x0  }
0x154: {  	s10 =	simm.s32 $0x14B80;
	[sflag:s6] =	ssyncadd.s32 $0xFFFFC000  }
0x155: {  	[tilespmem:s17], [sflag:$0x2] =	stream.indirect.gather [hbm4b:s2+s12], $0x80, s10, s12, $0xb8;
	[tilespmem:$0x1E000] =	vst v63  }
0x156: {  	s14 =	simm.s32 $0x14BC0  }
0x157: {  	[tilespmem:s19], [sflag:$0x2] =	stream.indirect.gather [hbm4b:s2+s12], $0x80, s14, s12, $0xb8;
	[tilespmem:$0x1E000] =	vst v63  }
0x158: {  	_ =	swait.ge [sflag:s20], $0x2000  }
0x159: {  	[sflag:s20] =	ssyncset.done $0x0  }
0x15a: {  	[sflag:s20] =	ssyncadd.s32 $0xFFFFE000  }
0x15b: {  	_ =	swait.ge [sflag:s20], $0x2000  }
0x15c: {  	[sflag:s20] =	ssyncset.done $0x0  }
0x15d: {  	s16 =	simm.s32 $0x15B00;
	[sflag:s20] =	ssyncadd.s32 $0xFFFFE000  }
0x15e: {  	[spmem:s3] =	stream.indirect.scatter.add.f32 [tilespmem:s13], [sflag:$0x4], $0x80, s16, s21, $0xb8;
	[tilespmem:$0x1E000] =	vst v63  }
0x15f: {  	_ =	swait.ge [sflag:s6], $0x4000  }
0x160: {  	[sflag:s6] =	ssyncset.done $0x0  }
0x161: {  	s18 =	simm.s32 $0x14C00;
	[sflag:s6] =	ssyncadd.s32 $0xFFFFC000  }
0x162: {  	[tilespmem:s13], [sflag:$0x1] =	stream.indirect.gather [hbm4b:s2+s12], $0x80, s18, s12, $0xb8;
	[tilespmem:$0x1E000] =	vst v63  }
0x163: {  	s22 =	simm.s32 $0x14C40  }
0x164: {  	[tilespmem:s15], [sflag:$0x1] =	stream.indirect.gather [hbm4b:s2+s12], $0x80, s22, s12, $0xb8;
	[tilespmem:$0x1E000] =	vst v63  }
0x165: {  	_ =	swait.ge [sflag:s24], $0x2000  }
0x166: {  	[sflag:s24] =	ssyncset.done $0x0  }
0x167: {  	[sflag:s24] =	ssyncadd.s32 $0xFFFFE000  }
0x168: {  	_ =	swait.ge [sflag:s24], $0x2000  }
0x169: {  	[sflag:s24] =	ssyncset.done $0x0  }
0x16a: {  	s23 =	simm.s32 $0x15B80;
	[sflag:s24] =	ssyncadd.s32 $0xFFFFE000  }
0x16b: {  	[spmem:s3] =	stream.indirect.scatter.add.f32 [tilespmem:s17], [sflag:$0x4], $0x80, s23, s21, $0xb8;
	[tilespmem:$0x1E000] =	vst v63  }
0x16c: {  	_ =	swait.ge [sflag:s6], $0x4000  }
0x16d: {  	[sflag:s6] =	ssyncset.done $0x0  }
0x16e: {  	s25 =	simm.s32 $0x14C80;
	[sflag:s6] =	ssyncadd.s32 $0xFFFFC000  }
0x16f: {  	[tilespmem:s17], [sflag:$0x2] =	stream.indirect.gather [hbm4b:s2+s12], $0x80, s25, s12, $0xb8;
	[tilespmem:$0x1E000] =	vst v63  }
0x170: {  	s28 =	simm.s32 $0x14CC0  }
0x171: {  	[tilespmem:s19], [sflag:$0x2] =	stream.indirect.gather [hbm4b:s2+s12], $0x80, s28, s12, $0xb8;
	[tilespmem:$0x1E000] =	vst v63  }
0x172: {  	_ =	swait.ge [sflag:s20], $0x2000  }
0x173: {  	[sflag:s20] =	ssyncset.done $0x0  }
0x174: {  	[sflag:s20] =	ssyncadd.s32 $0xFFFFE000  }
0x175: {  	_ =	swait.ge [sflag:s20], $0x2000  }
0x176: {  	[sflag:s20] =	ssyncset.done $0x0  }
0x177: {  	s30 =	simm.s32 $0x15C00;
	[sflag:s20] =	ssyncadd.s32 $0xFFFFE000  }
0x178: {  	[spmem:s3] =	stream.indirect.scatter.add.f32 [tilespmem:s13], [sflag:$0x4], $0x80, s30, s21, $0xb8;
	[tilespmem:$0x1E000] =	vst v63  }
0x179: {  	_ =	swait.ge [sflag:s6], $0x4000  }
0x17a: {  	[sflag:s6] =	ssyncset.done $0x0  }
0x17b: {  	s31 =	simm.s32 $0x14D00;
	[sflag:s6] =	ssyncadd.s32 $0xFFFFC000  }
0x17c: {  	[tilespmem:s13], [sflag:$0x1] =	stream.indirect.gather [hbm4b:s2+s12], $0x80, s31, s12, $0xb8;
	[tilespmem:$0x1E000] =	vst v63  }
0x17d: {  	s8 =	simm.s32 $0x14D40  }
0x17e: {  	[tilespmem:s15], [sflag:$0x1] =	stream.indirect.gather [hbm4b:s2+s12], $0x80, s8, s12, $0xb8;
	[tilespmem:$0x1E000] =	vst v63  }
0x17f: {  	_ =	swait.ge [sflag:s24], $0x2000  }
0x180: {  	[sflag:s24] =	ssyncset.done $0x0  }
0x181: {  	[sflag:s24] =	ssyncadd.s32 $0xFFFFE000  }
0x182: {  	_ =	swait.ge [sflag:s24], $0x2000  }
0x183: {  	[sflag:s24] =	ssyncset.done $0x0  }
0x184: {  	s10 =	simm.s32 $0x15C80;
	[sflag:s24] =	ssyncadd.s32 $0xFFFFE000  }
0x185: {  	[spmem:s3] =	stream.indirect.scatter.add.f32 [tilespmem:s17], [sflag:$0x4], $0x80, s10, s21, $0xb8;
	[tilespmem:$0x1E000] =	vst v63  }
0x186: {  	_ =	swait.ge [sflag:s6], $0x4000  }
0x187: {  	[sflag:s6] =	ssyncset.done $0x0  }
0x188: {  	s14 =	simm.s32 $0x14D80;
	[sflag:s6] =	ssyncadd.s32 $0xFFFFC000  }
0x189: {  	[tilespmem:s17], [sflag:$0x2] =	stream.indirect.gather [hbm4b:s2+s12], $0x80, s14, s12, $0xb8;
	[tilespmem:$0x1E000] =	vst v63  }
0x18a: {  	s16 =	simm.s32 $0x14DC0  }
0x18b: {  	[tilespmem:s19], [sflag:$0x2] =	stream.indirect.gather [hbm4b:s2+s12], $0x80, s16, s12, $0xb8;
	[tilespmem:$0x1E000] =	vst v63  }
0x18c: {  	_ =	swait.ge [sflag:s20], $0x2000  }
0x18d: {  	[sflag:s20] =	ssyncset.done $0x0  }
0x18e: {  	[sflag:s20] =	ssyncadd.s32 $0xFFFFE000  }
0x18f: {  	_ =	swait.ge [sflag:s20], $0x2000  }
0x190: {  	[sflag:s20] =	ssyncset.done $0x0  }
0x191: {  	s18 =	simm.s32 $0x15D00;
	[sflag:s20] =	ssyncadd.s32 $0xFFFFE000  }
0x192: {  	[spmem:s3] =	stream.indirect.scatter.add.f32 [tilespmem:s13], [sflag:$0x4], $0x80, s18, s21, $0xb8;
	[tilespmem:$0x1E000] =	vst v63  }
0x193: {  	_ =	swait.ge [sflag:s6], $0x4000  }
0x194: {  	[sflag:s6] =	ssyncset.done $0x0  }
0x195: {  	s22 =	simm.s32 $0x14E00;
	[sflag:s6] =	ssyncadd.s32 $0xFFFFC000  }
0x196: {  	[tilespmem:s13], [sflag:$0x1] =	stream.indirect.gather [hbm4b:s2+s12], $0x80, s22, s12, $0xb8;
	[tilespmem:$0x1E000] =	vst v63  }
0x197: {  	s23 =	simm.s32 $0x14E40  }
0x198: {  	[tilespmem:s15], [sflag:$0x1] =	stream.indirect.gather [hbm4b:s2+s12], $0x80, s23, s12, $0xb8;
	[tilespmem:$0x1E000] =	vst v63  }
0x199: {  	_ =	swait.ge [sflag:s24], $0x2000  }
0x19a: {  	[sflag:s24] =	ssyncset.done $0x0  }
0x19b: {  	[sflag:s24] =	ssyncadd.s32 $0xFFFFE000  }
0x19c: {  	_ =	swait.ge [sflag:s24], $0x2000  }
0x19d: {  	[sflag:s24] =	ssyncset.done $0x0  }
0x19e: {  	s25 =	simm.s32 $0x15D80;
	[sflag:s24] =	ssyncadd.s32 $0xFFFFE000  }
0x19f: {  	[spmem:s3] =	stream.indirect.scatter.add.f32 [tilespmem:s17], [sflag:$0x4], $0x80, s25, s21, $0xb8;
	[tilespmem:$0x1E000] =	vst v63  }
0x1a0: {  	_ =	swait.ge [sflag:s6], $0x4000  }
0x1a1: {  	[sflag:s6] =	ssyncset.done $0x0  }
0x1a2: {  	s28 =	simm.s32 $0x14E80;
	[sflag:s6] =	ssyncadd.s32 $0xFFFFC000  }
0x1a3: {  	[tilespmem:s17], [sflag:$0x2] =	stream.indirect.gather [hbm4b:s2+s12], $0x80, s28, s12, $0xb8;
	[tilespmem:$0x1E000] =	vst v63  }
0x1a4: {  	s30 =	simm.s32 $0x14EC0  }
0x1a5: {  	[tilespmem:s19], [sflag:$0x2] =	stream.indirect.gather [hbm4b:s2+s12], $0x80, s30, s12, $0xb8;
	[tilespmem:$0x1E000] =	vst v63  }
0x1a6: {  	_ =	swait.ge [sflag:s20], $0x2000  }
0x1a7: {  	[sflag:s20] =	ssyncset.done $0x0  }
0x1a8: {  	[sflag:s20] =	ssyncadd.s32 $0xFFFFE000  }
0x1a9: {  	_ =	swait.ge [sflag:s20], $0x2000  }
0x1aa: {  	[sflag:s20] =	ssyncset.done $0x0  }
0x1ab: {  	s31 =	simm.s32 $0x15E00;
	[sflag:s20] =	ssyncadd.s32 $0xFFFFE000  }
0x1ac: {  	[spmem:s3] =	stream.indirect.scatter.add.f32 [tilespmem:s13], [sflag:$0x4], $0x80, s31, s21, $0xb8;
	[tilespmem:$0x1E000] =	vst v63  }
0x1ad: {  	_ =	swait.ge [sflag:s6], $0x4000  }
0x1ae: {  	[sflag:s6] =	ssyncset.done $0x0  }
0x1af: {  	s8 =	simm.s32 $0x14F00;
	[sflag:s6] =	ssyncadd.s32 $0xFFFFC000  }
0x1b0: {  	[tilespmem:s13], [sflag:$0x1] =	stream.indirect.gather [hbm4b:s2+s12], $0x80, s8, s12, $0xb8;
	[tilespmem:$0x1E000] =	vst v63  }
0x1b1: {  	s10 =	simm.s32 $0x14F40  }
0x1b2: {  	[tilespmem:s15], [sflag:$0x1] =	stream.indirect.gather [hbm4b:s2+s12], $0x80, s10, s12, $0xb8;
	[tilespmem:$0x1E000] =	vst v63  }
0x1b3: {  	_ =	swait.ge [sflag:s24], $0x2000  }
0x1b4: {  	[sflag:s24] =	ssyncset.done $0x0  }
0x1b5: {  	[sflag:s24] =	ssyncadd.s32 $0xFFFFE000  }
0x1b6: {  	_ =	swait.ge [sflag:s24], $0x2000  }
0x1b7: {  	[sflag:s24] =	ssyncset.done $0x0  }
0x1b8: {  	s14 =	simm.s32 $0x15E80;
	[sflag:s24] =	ssyncadd.s32 $0xFFFFE000  }
0x1b9: {  	[spmem:s3] =	stream.indirect.scatter.add.f32 [tilespmem:s17], [sflag:$0x4], $0x80, s14, s21, $0xb8;
	[tilespmem:$0x1E000] =	vst v63  }
0x1ba: {  	_ =	swait.ge [sflag:s6], $0x4000  }
0x1bb: {  	[sflag:s6] =	ssyncset.done $0x0  }
0x1bc: {  	s16 =	simm.s32 $0x14F80;
	[sflag:s6] =	ssyncadd.s32 $0xFFFFC000  }
0x1bd: {  	[tilespmem:s17], [sflag:$0x2] =	stream.indirect.gather [hbm4b:s2+s12], $0x80, s16, s12, $0xb8;
	[tilespmem:$0x1E000] =	vst v63  }
0x1be: {  	s18 =	simm.s32 $0x14FC0  }
0x1bf: {  	[tilespmem:s19], [sflag:$0x2] =	stream.indirect.gather [hbm4b:s2+s12], $0x80, s18, s12, $0xb8;
	[tilespmem:$0x1E000] =	vst v63  }
0x1c0: {  	_ =	swait.ge [sflag:s20], $0x2000  }
0x1c1: {  	[sflag:s20] =	ssyncset.done $0x0  }
0x1c2: {  	[sflag:s20] =	ssyncadd.s32 $0xFFFFE000  }
0x1c3: {  	_ =	swait.ge [sflag:s20], $0x2000  }
0x1c4: {  	[sflag:s20] =	ssyncset.done $0x0  }
0x1c5: {  	s22 =	simm.s32 $0x15F00;
	[sflag:s20] =	ssyncadd.s32 $0xFFFFE000  }
0x1c6: {  	[spmem:s3] =	stream.indirect.scatter.add.f32 [tilespmem:s13], [sflag:$0x4], $0x80, s22, s21, $0xb8;
	[tilespmem:$0x1E000] =	vst v63  }
0x1c7: {  	_ =	swait.ge [sflag:s6], $0x4000  }
0x1c8: {  	[sflag:s6] =	ssyncset.done $0x0  }
0x1c9: {  	[sflag:s6] =	ssyncadd.s32 $0xFFFFC000  }
0x1ca: {  	_ =	swait.ge [sflag:s26], $0x800  }
0x1cb: {  	[sflag:s26] =	ssyncset.done $0x0  }
0x1cc: {  	[sflag:s26] =	ssyncadd.s32 $0xFFFFF800  }
0x1cd: {  	_ =	swait.ge [sflag:s26], $0x800  }
0x1ce: {  	[sflag:s26] =	ssyncset.done $0x0  }
0x1cf: {  	[sflag:s26] =	ssyncadd.s32 $0xFFFFF800  }
0x1d0: {  	[tilespmem:s13], [sflag:$0x1] =	stream.indirect.gather [hbm4b:s2+s12], $0x80, s9, s12, $0xb8;
	[tilespmem:$0x1E000] =	vst v63  }
0x1d1: {  	s1 =	simm.s32 $0x14040  }
0x1d2: {  	[tilespmem:s15], [sflag:$0x1] =	stream.indirect.gather [hbm4b:s2+s12], $0x80, s1, s12, $0xb8;
	[tilespmem:$0x1E000] =	vst v63  }
0x1d3: {  	_ =	swait.ge [sflag:s24], $0x2000  }
0x1d4: {  	[sflag:s24] =	ssyncset.done $0x0  }
0x1d5: {  	[sflag:s24] =	ssyncadd.s32 $0xFFFFE000  }
0x1d6: {  	_ =	swait.ge [sflag:s24], $0x2000  }
0x1d7: {  	[sflag:s24] =	ssyncset.done $0x0  }
0x1d8: {  	s23 =	simm.s32 $0x15F80;
	[sflag:s24] =	ssyncadd.s32 $0xFFFFE000  }
0x1d9: {  	[spmem:s3] =	stream.indirect.scatter.add.f32 [tilespmem:s17], [sflag:$0x4], $0x80, s23, s21, $0xb8;
	[tilespmem:$0x1E000] =	vst v63  }
0x1da: {  	_ =	swait.ge [sflag:s6], $0x4000  }
0x1db: {  	[sflag:s6] =	ssyncset.done $0x0  }
0x1dc: {  	s25 =	simm.s32 $0x14080;
	[sflag:s6] =	ssyncadd.s32 $0xFFFFC000  }
0x1dd: {  	[tilespmem:s17], [sflag:$0x2] =	stream.indirect.gather [hbm4b:s2+s12], $0x80, s25, s12, $0xb8;
	[tilespmem:$0x1E000] =	vst v63  }
0x1de: {  	s29 =	simm.s32 $0x140C0  }
0x1df: {  	[tilespmem:s19], [sflag:$0x2] =	stream.indirect.gather [hbm4b:s2+s12], $0x80, s29, s12, $0xb8;
	[tilespmem:$0x1E000] =	vst v63  }
0x1e0: {  	s28 =	rddreg [dreg:$0xc]  }
0x1e1: {  	[tilespmem:s7], [sflag:$0x3] =	stream.linear.gather [hbm4b:s28+s4], $0x800, $0x38;
	[tilespmem:$0x1E000] =	vst v63  }
0x1e2: {  	s5 =	simm.s32 $0x15800;
	s29 =	rddreg [dreg:$0xd]  }
0x1e3: {  	[tilespmem:s5], [sflag:$0x3] =	stream.linear.gather [hbm4b:s29+s4], $0x800, $0x38;
	[tilespmem:$0x1E000] =	vst v63  }
0x1e4: {  	_ =	swait.ge [sflag:s20], $0x2000  }
0x1e5: {  	[sflag:s20] =	ssyncset.done $0x0  }
0x1e6: {  	[sflag:s20] =	ssyncadd.s32 $0xFFFFE000  }
0x1e7: {  	_ =	swait.ge [sflag:s20], $0x2000  }
0x1e8: {  	[sflag:s20] =	ssyncset.done $0x0  }
0x1e9: {  	[sflag:s20] =	ssyncadd.s32 $0xFFFFE000  }
0x1ea: {  	[spmem:s3] =	stream.indirect.scatter.add.f32 [tilespmem:s13], [sflag:$0x4], $0x80, s11, s21, $0xb8;
	[tilespmem:$0x1E000] =	vst v63  }
0x1eb: {  	_ =	swait.ge [sflag:s6], $0x4000  }
0x1ec: {  	[sflag:s6] =	ssyncset.done $0x0  }
0x1ed: {  	s30 =	simm.s32 $0x14100;
	[sflag:s6] =	ssyncadd.s32 $0xFFFFC000  }
0x1ee: {  	[tilespmem:s13], [sflag:$0x1] =	stream.indirect.gather [hbm4b:s2+s12], $0x80, s30, s12, $0xb8;
	[tilespmem:$0x1E000] =	vst v63  }
0x1ef: {  	s1 =	simm.s32 $0x14140  }
0x1f0: {  	[tilespmem:s15], [sflag:$0x1] =	stream.indirect.gather [hbm4b:s2+s12], $0x80, s1, s12, $0xb8;
	[tilespmem:$0x1E000] =	vst v63  }
0x1f1: {  	_ =	swait.ge [sflag:s24], $0x2000  }
0x1f2: {  	[sflag:s24] =	ssyncset.done $0x0  }
0x1f3: {  	[sflag:s24] =	ssyncadd.s32 $0xFFFFE000  }
0x1f4: {  	_ =	swait.ge [sflag:s24], $0x2000  }
0x1f5: {  	[sflag:s24] =	ssyncset.done $0x0  }
0x1f6: {  	s31 =	simm.s32 $0x15080;
	[sflag:s24] =	ssyncadd.s32 $0xFFFFE000  }
0x1f7: {  	[spmem:s3] =	stream.indirect.scatter.add.f32 [tilespmem:s17], [sflag:$0x4], $0x80, s31, s21, $0xb8;
	[tilespmem:$0x1E000] =	vst v63  }
0x1f8: {  	_ =	swait.ge [sflag:s6], $0x4000  }
0x1f9: {  	[sflag:s6] =	ssyncset.done $0x0  }
0x1fa: {  	s7 =	simm.s32 $0x14180;
	[sflag:s6] =	ssyncadd.s32 $0xFFFFC000  }
0x1fb: {  	[tilespmem:s17], [sflag:$0x2] =	stream.indirect.gather [hbm4b:s2+s12], $0x80, s7, s12, $0xb8;
	[tilespmem:$0x1E000] =	vst v63  }
0x1fc: {  	s8 =	simm.s32 $0x141C0  }
0x1fd: {  	[tilespmem:s19], [sflag:$0x2] =	stream.indirect.gather [hbm4b:s2+s12], $0x80, s8, s12, $0xb8;
	[tilespmem:$0x1E000] =	vst v63  }
0x1fe: {  	_ =	swait.ge [sflag:s20], $0x2000  }
0x1ff: {  	[sflag:s20] =	ssyncset.done $0x0  }
0x200: {  	[sflag:s20] =	ssyncadd.s32 $0xFFFFE000  }
0x201: {  	_ =	swait.ge [sflag:s20], $0x2000  }
0x202: {  	[sflag:s20] =	ssyncset.done $0x0  }
0x203: {  	s10 =	simm.s32 $0x15100;
	[sflag:s20] =	ssyncadd.s32 $0xFFFFE000  }
0x204: {  	[spmem:s3] =	stream.indirect.scatter.add.f32 [tilespmem:s13], [sflag:$0x4], $0x80, s10, s21, $0xb8;
	[tilespmem:$0x1E000] =	vst v63  }
0x205: {  	_ =	swait.ge [sflag:s6], $0x4000  }
0x206: {  	[sflag:s6] =	ssyncset.done $0x0  }
0x207: {  	s14 =	simm.s32 $0x14200;
	[sflag:s6] =	ssyncadd.s32 $0xFFFFC000  }
0x208: {  	[tilespmem:s13], [sflag:$0x1] =	stream.indirect.gather [hbm4b:s2+s12], $0x80, s14, s12, $0xb8;
	[tilespmem:$0x1E000] =	vst v63  }
0x209: {  	s16 =	simm.s32 $0x14240  }
0x20a: {  	[tilespmem:s15], [sflag:$0x1] =	stream.indirect.gather [hbm4b:s2+s12], $0x80, s16, s12, $0xb8;
	[tilespmem:$0x1E000] =	vst v63  }
0x20b: {  	_ =	swait.ge [sflag:s24], $0x2000  }
0x20c: {  	[sflag:s24] =	ssyncset.done $0x0  }
0x20d: {  	[sflag:s24] =	ssyncadd.s32 $0xFFFFE000  }
0x20e: {  	_ =	swait.ge [sflag:s24], $0x2000  }
0x20f: {  	[sflag:s24] =	ssyncset.done $0x0  }
0x210: {  	s18 =	simm.s32 $0x15180;
	[sflag:s24] =	ssyncadd.s32 $0xFFFFE000  }
0x211: {  	[spmem:s3] =	stream.indirect.scatter.add.f32 [tilespmem:s17], [sflag:$0x4], $0x80, s18, s21, $0xb8;
	[tilespmem:$0x1E000] =	vst v63  }
0x212: {  	_ =	swait.ge [sflag:s6], $0x4000  }
0x213: {  	[sflag:s6] =	ssyncset.done $0x0  }
0x214: {  	s22 =	simm.s32 $0x14280;
	[sflag:s6] =	ssyncadd.s32 $0xFFFFC000  }
0x215: {  	[tilespmem:s17], [sflag:$0x2] =	stream.indirect.gather [hbm4b:s2+s12], $0x80, s22, s12, $0xb8;
	[tilespmem:$0x1E000] =	vst v63  }
0x216: {  	s23 =	simm.s32 $0x142C0  }
0x217: {  	[tilespmem:s19], [sflag:$0x2] =	stream.indirect.gather [hbm4b:s2+s12], $0x80, s23, s12, $0xb8;
	[tilespmem:$0x1E000] =	vst v63  }
0x218: {  	_ =	swait.ge [sflag:s20], $0x2000  }
0x219: {  	[sflag:s20] =	ssyncset.done $0x0  }
0x21a: {  	[sflag:s20] =	ssyncadd.s32 $0xFFFFE000  }
0x21b: {  	_ =	swait.ge [sflag:s20], $0x2000  }
0x21c: {  	[sflag:s20] =	ssyncset.done $0x0  }
0x21d: {  	s25 =	simm.s32 $0x15200;
	[sflag:s20] =	ssyncadd.s32 $0xFFFFE000  }
0x21e: {  	[spmem:s3] =	stream.indirect.scatter.add.f32 [tilespmem:s13], [sflag:$0x4], $0x80, s25, s21, $0xb8;
	[tilespmem:$0x1E000] =	vst v63  }
0x21f: {  	_ =	swait.ge [sflag:s6], $0x4000  }
0x220: {  	[sflag:s6] =	ssyncset.done $0x0  }
0x221: {  	s28 =	simm.s32 $0x14300;
	[sflag:s6] =	ssyncadd.s32 $0xFFFFC000  }
0x222: {  	[tilespmem:s13], [sflag:$0x1] =	stream.indirect.gather [hbm4b:s2+s12], $0x80, s28, s12, $0xb8;
	[tilespmem:$0x1E000] =	vst v63  }
0x223: {  	s30 =	simm.s32 $0x14340  }
0x224: {  	[tilespmem:s15], [sflag:$0x1] =	stream.indirect.gather [hbm4b:s2+s12], $0x80, s30, s12, $0xb8;
	[tilespmem:$0x1E000] =	vst v63  }
0x225: {  	_ =	swait.ge [sflag:s24], $0x2000  }
0x226: {  	[sflag:s24] =	ssyncset.done $0x0  }
0x227: {  	[sflag:s24] =	ssyncadd.s32 $0xFFFFE000  }
0x228: {  	_ =	swait.ge [sflag:s24], $0x2000  }
0x229: {  	[sflag:s24] =	ssyncset.done $0x0  }
0x22a: {  	s31 =	simm.s32 $0x15280;
	[sflag:s24] =	ssyncadd.s32 $0xFFFFE000  }
0x22b: {  	[spmem:s3] =	stream.indirect.scatter.add.f32 [tilespmem:s17], [sflag:$0x4], $0x80, s31, s21, $0xb8;
	[tilespmem:$0x1E000] =	vst v63  }
0x22c: {  	_ =	swait.ge [sflag:s6], $0x4000  }
0x22d: {  	[sflag:s6] =	ssyncset.done $0x0  }
0x22e: {  	s29 =	simm.s32 $0x14380;
	[sflag:s6] =	ssyncadd.s32 $0xFFFFC000  }
0x22f: {  	[tilespmem:s17], [sflag:$0x2] =	stream.indirect.gather [hbm4b:s2+s12], $0x80, s29, s12, $0xb8;
	[tilespmem:$0x1E000] =	vst v63  }
0x230: {  	s29 =	simm.s32 $0x143C0  }
0x231: {  	[tilespmem:s19], [sflag:$0x2] =	stream.indirect.gather [hbm4b:s2+s12], $0x80, s29, s12, $0xb8;
	[tilespmem:$0x1E000] =	vst v63  }
0x232: {  	_ =	swait.ge [sflag:s20], $0x2000  }
0x233: {  	[sflag:s20] =	ssyncset.done $0x0  }
0x234: {  	[sflag:s20] =	ssyncadd.s32 $0xFFFFE000  }
0x235: {  	_ =	swait.ge [sflag:s20], $0x2000  }
0x236: {  	[sflag:s20] =	ssyncset.done $0x0  }
0x237: {  	s29 =	simm.s32 $0x15300;
	[sflag:s20] =	ssyncadd.s32 $0xFFFFE000  }
0x238: {  	[spmem:s3] =	stream.indirect.scatter.add.f32 [tilespmem:s13], [sflag:$0x4], $0x80, s29, s21, $0xb8;
	[tilespmem:$0x1E000] =	vst v63  }
0x239: {  	_ =	swait.ge [sflag:s6], $0x4000  }
0x23a: {  	[sflag:s6] =	ssyncset.done $0x0  }
0x23b: {  	s29 =	simm.s32 $0x14400;
	[sflag:s6] =	ssyncadd.s32 $0xFFFFC000  }
0x23c: {  	[tilespmem:s13], [sflag:$0x1] =	stream.indirect.gather [hbm4b:s2+s12], $0x80, s29, s12, $0xb8;
	[tilespmem:$0x1E000] =	vst v63  }
0x23d: {  	s29 =	simm.s32 $0x14440  }
0x23e: {  	[tilespmem:s15], [sflag:$0x1] =	stream.indirect.gather [hbm4b:s2+s12], $0x80, s29, s12, $0xb8;
	[tilespmem:$0x1E000] =	vst v63  }
0x23f: {  	_ =	swait.ge [sflag:s24], $0x2000  }
0x240: {  	[sflag:s24] =	ssyncset.done $0x0  }
0x241: {  	[sflag:s24] =	ssyncadd.s32 $0xFFFFE000  }
0x242: {  	_ =	swait.ge [sflag:s24], $0x2000  }
0x243: {  	[sflag:s24] =	ssyncset.done $0x0  }
0x244: {  	s29 =	simm.s32 $0x15380;
	[sflag:s24] =	ssyncadd.s32 $0xFFFFE000  }
0x245: {  	[spmem:s3] =	stream.indirect.scatter.add.f32 [tilespmem:s17], [sflag:$0x4], $0x80, s29, s21, $0xb8;
	[tilespmem:$0x1E000] =	vst v63  }
0x246: {  	_ =	swait.ge [sflag:s6], $0x4000  }
0x247: {  	[sflag:s6] =	ssyncset.done $0x0  }
0x248: {  	s29 =	simm.s32 $0x14480;
	[sflag:s6] =	ssyncadd.s32 $0xFFFFC000  }
0x249: {  	[tilespmem:s17], [sflag:$0x2] =	stream.indirect.gather [hbm4b:s2+s12], $0x80, s29, s12, $0xb8;
	[tilespmem:$0x1E000] =	vst v63  }
0x24a: {  	s29 =	simm.s32 $0x144C0  }
0x24b: {  	[tilespmem:s19], [sflag:$0x2] =	stream.indirect.gather [hbm4b:s2+s12], $0x80, s29, s12, $0xb8;
	[tilespmem:$0x1E000] =	vst v63  }
0x24c: {  	_ =	swait.ge [sflag:s20], $0x2000  }
0x24d: {  	[sflag:s20] =	ssyncset.done $0x0  }
0x24e: {  	[sflag:s20] =	ssyncadd.s32 $0xFFFFE000  }
0x24f: {  	_ =	swait.ge [sflag:s20], $0x2000  }
0x250: {  	[sflag:s20] =	ssyncset.done $0x0  }
0x251: {  	s29 =	simm.s32 $0x15400;
	[sflag:s20] =	ssyncadd.s32 $0xFFFFE000  }
0x252: {  	[spmem:s3] =	stream.indirect.scatter.add.f32 [tilespmem:s13], [sflag:$0x4], $0x80, s29, s21, $0xb8;
	[tilespmem:$0x1E000] =	vst v63  }
0x253: {  	_ =	swait.ge [sflag:s6], $0x4000  }
0x254: {  	[sflag:s6] =	ssyncset.done $0x0  }
0x255: {  	s29 =	simm.s32 $0x14500;
	[sflag:s6] =	ssyncadd.s32 $0xFFFFC000  }
0x256: {  	[tilespmem:s13], [sflag:$0x1] =	stream.indirect.gather [hbm4b:s2+s12], $0x80, s29, s12, $0xb8;
	[tilespmem:$0x1E000] =	vst v63  }
0x257: {  	s29 =	simm.s32 $0x14540  }
0x258: {  	[tilespmem:s15], [sflag:$0x1] =	stream.indirect.gather [hbm4b:s2+s12], $0x80, s29, s12, $0xb8;
	[tilespmem:$0x1E000] =	vst v63  }
0x259: {  	_ =	swait.ge [sflag:s24], $0x2000  }
0x25a: {  	[sflag:s24] =	ssyncset.done $0x0  }
0x25b: {  	[sflag:s24] =	ssyncadd.s32 $0xFFFFE000  }
0x25c: {  	_ =	swait.ge [sflag:s24], $0x2000  }
0x25d: {  	[sflag:s24] =	ssyncset.done $0x0  }
0x25e: {  	s29 =	simm.s32 $0x15480;
	[sflag:s24] =	ssyncadd.s32 $0xFFFFE000  }
0x25f: {  	[spmem:s3] =	stream.indirect.scatter.add.f32 [tilespmem:s17], [sflag:$0x4], $0x80, s29, s21, $0xb8;
	[tilespmem:$0x1E000] =	vst v63  }
0x260: {  	_ =	swait.ge [sflag:s6], $0x4000  }
0x261: {  	[sflag:s6] =	ssyncset.done $0x0  }
0x262: {  	s29 =	simm.s32 $0x14580;
	[sflag:s6] =	ssyncadd.s32 $0xFFFFC000  }
0x263: {  	[tilespmem:s17], [sflag:$0x2] =	stream.indirect.gather [hbm4b:s2+s12], $0x80, s29, s12, $0xb8;
	[tilespmem:$0x1E000] =	vst v63  }
0x264: {  	s29 =	simm.s32 $0x145C0  }
0x265: {  	[tilespmem:s19], [sflag:$0x2] =	stream.indirect.gather [hbm4b:s2+s12], $0x80, s29, s12, $0xb8;
	[tilespmem:$0x1E000] =	vst v63  }
0x266: {  	_ =	swait.ge [sflag:s20], $0x2000  }
0x267: {  	[sflag:s20] =	ssyncset.done $0x0  }
0x268: {  	[sflag:s20] =	ssyncadd.s32 $0xFFFFE000  }
0x269: {  	_ =	swait.ge [sflag:s20], $0x2000  }
0x26a: {  	[sflag:s20] =	ssyncset.done $0x0  }
0x26b: {  	s29 =	simm.s32 $0x15500;
	[sflag:s20] =	ssyncadd.s32 $0xFFFFE000  }
0x26c: {  	[spmem:s3] =	stream.indirect.scatter.add.f32 [tilespmem:s13], [sflag:$0x4], $0x80, s29, s21, $0xb8;
	[tilespmem:$0x1E000] =	vst v63  }
0x26d: {  	_ =	swait.ge [sflag:s6], $0x4000  }
0x26e: {  	[sflag:s6] =	ssyncset.done $0x0  }
0x26f: {  	s29 =	simm.s32 $0x14600;
	[sflag:s6] =	ssyncadd.s32 $0xFFFFC000  }
0x270: {  	[tilespmem:s13], [sflag:$0x1] =	stream.indirect.gather [hbm4b:s2+s12], $0x80, s29, s12, $0xb8;
	[tilespmem:$0x1E000] =	vst v63  }
0x271: {  	s29 =	simm.s32 $0x14640  }
0x272: {  	[tilespmem:s15], [sflag:$0x1] =	stream.indirect.gather [hbm4b:s2+s12], $0x80, s29, s12, $0xb8;
	[tilespmem:$0x1E000] =	vst v63  }
0x273: {  	_ =	swait.ge [sflag:s24], $0x2000  }
0x274: {  	[sflag:s24] =	ssyncset.done $0x0  }
0x275: {  	[sflag:s24] =	ssyncadd.s32 $0xFFFFE000  }
0x276: {  	_ =	swait.ge [sflag:s24], $0x2000  }
0x277: {  	[sflag:s24] =	ssyncset.done $0x0  }
0x278: {  	s29 =	simm.s32 $0x15580;
	[sflag:s24] =	ssyncadd.s32 $0xFFFFE000  }
0x279: {  	[spmem:s3] =	stream.indirect.scatter.add.f32 [tilespmem:s17], [sflag:$0x4], $0x80, s29, s21, $0xb8;
	[tilespmem:$0x1E000] =	vst v63  }
0x27a: {  	_ =	swait.ge [sflag:s6], $0x4000  }
0x27b: {  	[sflag:s6] =	ssyncset.done $0x0  }
0x27c: {  	s29 =	simm.s32 $0x14680;
	[sflag:s6] =	ssyncadd.s32 $0xFFFFC000  }
0x27d: {  	[tilespmem:s17], [sflag:$0x2] =	stream.indirect.gather [hbm4b:s2+s12], $0x80, s29, s12, $0xb8;
	[tilespmem:$0x1E000] =	vst v63  }
0x27e: {  	s29 =	simm.s32 $0x146C0  }
0x27f: {  	[tilespmem:s19], [sflag:$0x2] =	stream.indirect.gather [hbm4b:s2+s12], $0x80, s29, s12, $0xb8;
	[tilespmem:$0x1E000] =	vst v63  }
0x280: {  	_ =	swait.ge [sflag:s20], $0x2000  }
0x281: {  	[sflag:s20] =	ssyncset.done $0x0  }
0x282: {  	[sflag:s20] =	ssyncadd.s32 $0xFFFFE000  }
0x283: {  	_ =	swait.ge [sflag:s20], $0x2000  }
0x284: {  	[sflag:s20] =	ssyncset.done $0x0  }
0x285: {  	s29 =	simm.s32 $0x15600;
	[sflag:s20] =	ssyncadd.s32 $0xFFFFE000  }
0x286: {  	[spmem:s3] =	stream.indirect.scatter.add.f32 [tilespmem:s13], [sflag:$0x4], $0x80, s29, s21, $0xb8;
	[tilespmem:$0x1E000] =	vst v63  }
0x287: {  	_ =	swait.ge [sflag:s6], $0x4000  }
0x288: {  	[sflag:s6] =	ssyncset.done $0x0  }
0x289: {  	s29 =	simm.s32 $0x14700;
	[sflag:s6] =	ssyncadd.s32 $0xFFFFC000  }
0x28a: {  	[tilespmem:s13], [sflag:$0x1] =	stream.indirect.gather [hbm4b:s2+s12], $0x80, s29, s12, $0xb8;
	[tilespmem:$0x1E000] =	vst v63  }
0x28b: {  	s29 =	simm.s32 $0x14740  }
0x28c: {  	[tilespmem:s15], [sflag:$0x1] =	stream.indirect.gather [hbm4b:s2+s12], $0x80, s29, s12, $0xb8;
	[tilespmem:$0x1E000] =	vst v63  }
0x28d: {  	_ =	swait.ge [sflag:s24], $0x2000  }
0x28e: {  	[sflag:s24] =	ssyncset.done $0x0  }
0x28f: {  	[sflag:s24] =	ssyncadd.s32 $0xFFFFE000  }
0x290: {  	_ =	swait.ge [sflag:s24], $0x2000  }
0x291: {  	[sflag:s24] =	ssyncset.done $0x0  }
0x292: {  	s29 =	simm.s32 $0x15680;
	[sflag:s24] =	ssyncadd.s32 $0xFFFFE000  }
0x293: {  	[spmem:s3] =	stream.indirect.scatter.add.f32 [tilespmem:s17], [sflag:$0x4], $0x80, s29, s21, $0xb8;
	[tilespmem:$0x1E000] =	vst v63  }
0x294: {  	_ =	swait.ge [sflag:s6], $0x4000  }
0x295: {  	[sflag:s6] =	ssyncset.done $0x0  }
0x296: {  	s29 =	simm.s32 $0x14780;
	[sflag:s6] =	ssyncadd.s32 $0xFFFFC000  }
0x297: {  	[tilespmem:s17], [sflag:$0x2] =	stream.indirect.gather [hbm4b:s2+s12], $0x80, s29, s12, $0xb8;
	[tilespmem:$0x1E000] =	vst v63  }
0x298: {  	s29 =	simm.s32 $0x147C0  }
0x299: {  	[tilespmem:s19], [sflag:$0x2] =	stream.indirect.gather [hbm4b:s2+s12], $0x80, s29, s12, $0xb8;
	[tilespmem:$0x1E000] =	vst v63  }
0x29a: {  	_ =	swait.ge [sflag:s20], $0x2000  }
0x29b: {  	[sflag:s20] =	ssyncset.done $0x0  }
0x29c: {  	[sflag:s20] =	ssyncadd.s32 $0xFFFFE000  }
0x29d: {  	_ =	swait.ge [sflag:s20], $0x2000  }
0x29e: {  	[sflag:s20] =	ssyncset.done $0x0  }
0x29f: {  	s29 =	simm.s32 $0x15700;
	[sflag:s20] =	ssyncadd.s32 $0xFFFFE000  }
0x2a0: {  	[spmem:s3] =	stream.indirect.scatter.add.f32 [tilespmem:s13], [sflag:$0x4], $0x80, s29, s21, $0xb8;
	[tilespmem:$0x1E000] =	vst v63  }
0x2a1: {  	_ =	swait.ge [sflag:s6], $0x4000  }
0x2a2: {  	[sflag:s6] =	ssyncset.done $0x0  }
0x2a3: {  	[sflag:s6] =	ssyncadd.s32 $0xFFFFC000  }
0x2a4: {  	_ =	swait.ge [sflag:s26], $0x800  }
0x2a5: {  	[sflag:s26] =	ssyncset.done $0x0  }
0x2a6: {  	[sflag:s26] =	ssyncadd.s32 $0xFFFFF800  }
0x2a7: {  	_ =	swait.ge [sflag:s26], $0x800  }
0x2a8: {  	[sflag:s26] =	ssyncset.done $0x0  }
0x2a9: {  	s0 =	simm.s32 $0x14800;
	[sflag:s26] =	ssyncadd.s32 $0xFFFFF800  }
0x2aa: {  	[tilespmem:s13], [sflag:$0x1] =	stream.indirect.gather [hbm4b:s2+s12], $0x80, s0, s12, $0xb8;
	[tilespmem:$0x1E000] =	vst v63  }
0x2ab: {  	s0 =	simm.s32 $0x14840  }
0x2ac: {  	[tilespmem:s15], [sflag:$0x1] =	stream.indirect.gather [hbm4b:s2+s12], $0x80, s0, s12, $0xb8;
	[tilespmem:$0x1E000] =	vst v63  }
0x2ad: {  	_ =	swait.ge [sflag:s24], $0x2000  }
0x2ae: {  	[sflag:s24] =	ssyncset.done $0x0  }
0x2af: {  	[sflag:s24] =	ssyncadd.s32 $0xFFFFE000  }
0x2b0: {  	_ =	swait.ge [sflag:s24], $0x2000  }
0x2b1: {  	[sflag:s24] =	ssyncset.done $0x0  }
0x2b2: {  	s29 =	simm.s32 $0x15780;
	[sflag:s24] =	ssyncadd.s32 $0xFFFFE000  }
0x2b3: {  	[spmem:s3] =	stream.indirect.scatter.add.f32 [tilespmem:s17], [sflag:$0x4], $0x80, s29, s21, $0xb8;
	[tilespmem:$0x1E000] =	vst v63  }
0x2b4: {  	_ =	swait.ge [sflag:s6], $0x4000  }
0x2b5: {  	[sflag:s6] =	ssyncset.done $0x0  }
0x2b6: {  	s0 =	simm.s32 $0x14880;
	[sflag:s6] =	ssyncadd.s32 $0xFFFFC000  }
0x2b7: {  	[tilespmem:s17], [sflag:$0x2] =	stream.indirect.gather [hbm4b:s2+s12], $0x80, s0, s12, $0xb8;
	[tilespmem:$0x1E000] =	vst v63  }
0x2b8: {  	s0 =	rddreg [dreg:$0xe]  }
0x2b9: {  	[dreg:$0x14] =	wrdreg s0;
	s0 =	simm.s32 $0x148C0  }
0x2ba: {  	[tilespmem:s19], [sflag:$0x2] =	stream.indirect.gather [hbm4b:s2+s12], $0x80, s0, s12, $0xb8;
	[tilespmem:$0x1E000] =	vst v63  }
0x2bb: {  	s0 =	rddreg [dreg:$0x14]  }
0x2bc: {  	[tilespmem:s9], [sflag:$0x3] =	stream.linear.gather [hbm4b:s0+s4], $0x800, $0x38;
	[tilespmem:$0x1E000] =	vst v63  }
0x2bd: {  	s29 =	rddreg [dreg:$0xf]  }
0x2be: {  	[tilespmem:s11], [sflag:$0x3] =	stream.linear.gather [hbm4b:s29+s4], $0x800, $0x38;
	[tilespmem:$0x1E000] =	vst v63  }
0x2bf: {  	_ =	swait.ge [sflag:s20], $0x2000  }
0x2c0: {  	[sflag:s20] =	ssyncset.done $0x0  }
0x2c1: {  	[sflag:s20] =	ssyncadd.s32 $0xFFFFE000  }
0x2c2: {  	_ =	swait.ge [sflag:s20], $0x2000  }
0x2c3: {  	[sflag:s20] =	ssyncset.done $0x0  }
0x2c4: {  	s5 =	simm.s32 $0x15800;
	[sflag:s20] =	ssyncadd.s32 $0xFFFFE000  }
0x2c5: {  	[spmem:s3] =	stream.indirect.scatter.add.f32 [tilespmem:s13], [sflag:$0x4], $0x80, s5, s21, $0xb8;
	[tilespmem:$0x1E000] =	vst v63  }
0x2c6: {  	_ =	swait.ge [sflag:s6], $0x4000  }
0x2c7: {  	[sflag:s6] =	ssyncset.done $0x0  }
0x2c8: {  	s4 =	simm.s32 $0x14900;
	[sflag:s6] =	ssyncadd.s32 $0xFFFFC000  }
0x2c9: {  	[tilespmem:s13], [sflag:$0x1] =	stream.indirect.gather [hbm4b:s2+s12], $0x80, s4, s12, $0xb8;
	[tilespmem:$0x1E000] =	vst v63  }
0x2ca: {  	s5 =	simm.s32 $0x14940  }
0x2cb: {  	[tilespmem:s15], [sflag:$0x1] =	stream.indirect.gather [hbm4b:s2+s12], $0x80, s5, s12, $0xb8;
	[tilespmem:$0x1E000] =	vst v63  }
0x2cc: {  	_ =	swait.ge [sflag:s24], $0x2000  }
0x2cd: {  	[sflag:s24] =	ssyncset.done $0x0  }
0x2ce: {  	[sflag:s24] =	ssyncadd.s32 $0xFFFFE000  }
0x2cf: {  	_ =	swait.ge [sflag:s24], $0x2000  }
0x2d0: {  	[sflag:s24] =	ssyncset.done $0x0  }
0x2d1: {  	s4 =	simm.s32 $0x15880;
	[sflag:s24] =	ssyncadd.s32 $0xFFFFE000  }
0x2d2: {  	[spmem:s3] =	stream.indirect.scatter.add.f32 [tilespmem:s17], [sflag:$0x4], $0x80, s4, s21, $0xb8;
	[tilespmem:$0x1E000] =	vst v63  }
0x2d3: {  	_ =	swait.ge [sflag:s6], $0x4000  }
0x2d4: {  	[sflag:s6] =	ssyncset.done $0x0  }
0x2d5: {  	s5 =	simm.s32 $0x14980;
	[sflag:s6] =	ssyncadd.s32 $0xFFFFC000  }
0x2d6: {  	[tilespmem:s17], [sflag:$0x2] =	stream.indirect.gather [hbm4b:s2+s12], $0x80, s5, s12, $0xb8;
	[tilespmem:$0x1E000] =	vst v63  }
0x2d7: {  	s4 =	simm.s32 $0x149C0  }
0x2d8: {  	[tilespmem:s19], [sflag:$0x2] =	stream.indirect.gather [hbm4b:s2+s12], $0x80, s4, s12, $0xb8;
	[tilespmem:$0x1E000] =	vst v63  }
0x2d9: {  	_ =	swait.ge [sflag:s20], $0x2000  }
0x2da: {  	[sflag:s20] =	ssyncset.done $0x0  }
0x2db: {  	[sflag:s20] =	ssyncadd.s32 $0xFFFFE000  }
0x2dc: {  	_ =	swait.ge [sflag:s20], $0x2000  }
0x2dd: {  	[sflag:s20] =	ssyncset.done $0x0  }
0x2de: {  	s5 =	simm.s32 $0x15900;
	[sflag:s20] =	ssyncadd.s32 $0xFFFFE000  }
0x2df: {  	[spmem:s3] =	stream.indirect.scatter.add.f32 [tilespmem:s13], [sflag:$0x4], $0x80, s5, s21, $0xb8;
	[tilespmem:$0x1E000] =	vst v63  }
0x2e0: {  	_ =	swait.ge [sflag:s6], $0x4000  }
0x2e1: {  	[sflag:s6] =	ssyncset.done $0x0  }
0x2e2: {  	s4 =	simm.s32 $0x14A00;
	[sflag:s6] =	ssyncadd.s32 $0xFFFFC000  }
0x2e3: {  	[tilespmem:s13], [sflag:$0x1] =	stream.indirect.gather [hbm4b:s2+s12], $0x80, s4, s12, $0xb8;
	[tilespmem:$0x1E000] =	vst v63  }
0x2e4: {  	s5 =	simm.s32 $0x14A40  }
0x2e5: {  	[tilespmem:s15], [sflag:$0x1] =	stream.indirect.gather [hbm4b:s2+s12], $0x80, s5, s12, $0xb8;
	[tilespmem:$0x1E000] =	vst v63  }
0x2e6: {  	_ =	swait.ge [sflag:s24], $0x2000  }
0x2e7: {  	[sflag:s24] =	ssyncset.done $0x0  }
0x2e8: {  	[sflag:s24] =	ssyncadd.s32 $0xFFFFE000  }
0x2e9: {  	_ =	swait.ge [sflag:s24], $0x2000  }
0x2ea: {  	[sflag:s24] =	ssyncset.done $0x0  }
0x2eb: {  	s4 =	simm.s32 $0x15980;
	[sflag:s24] =	ssyncadd.s32 $0xFFFFE000  }
0x2ec: {  	[spmem:s3] =	stream.indirect.scatter.add.f32 [tilespmem:s17], [sflag:$0x4], $0x80, s4, s21, $0xb8;
	[tilespmem:$0x1E000] =	vst v63  }
0x2ed: {  	_ =	swait.ge [sflag:s6], $0x4000  }
0x2ee: {  	[sflag:s6] =	ssyncset.done $0x0  }
0x2ef: {  	s5 =	simm.s32 $0x14A80;
	[sflag:s6] =	ssyncadd.s32 $0xFFFFC000  }
0x2f0: {  	[tilespmem:s17], [sflag:$0x2] =	stream.indirect.gather [hbm4b:s2+s12], $0x80, s5, s12, $0xb8;
	[tilespmem:$0x1E000] =	vst v63  }
0x2f1: {  	s4 =	simm.s32 $0x14AC0  }
0x2f2: {  	[tilespmem:s19], [sflag:$0x2] =	stream.indirect.gather [hbm4b:s2+s12], $0x80, s4, s12, $0xb8;
	[tilespmem:$0x1E000] =	vst v63  }
0x2f3: {  	_ =	swait.ge [sflag:s20], $0x2000  }
0x2f4: {  	[sflag:s20] =	ssyncset.done $0x0  }
0x2f5: {  	[sflag:s20] =	ssyncadd.s32 $0xFFFFE000  }
0x2f6: {  	_ =	swait.ge [sflag:s20], $0x2000  }
0x2f7: {  	[sflag:s20] =	ssyncset.done $0x0  }
0x2f8: {  	s5 =	simm.s32 $0x15A00;
	[sflag:s20] =	ssyncadd.s32 $0xFFFFE000  }
0x2f9: {  	[spmem:s3] =	stream.indirect.scatter.add.f32 [tilespmem:s13], [sflag:$0x4], $0x80, s5, s21, $0xb8;
	[tilespmem:$0x1E000] =	vst v63  }
0x2fa: {  	_ =	swait.ge [sflag:s6], $0x4000  }
0x2fb: {  	[sflag:s6] =	ssyncset.done $0x0  }
0x2fc: {  	s4 =	simm.s32 $0x14B00;
	[sflag:s6] =	ssyncadd.s32 $0xFFFFC000  }
0x2fd: {  	[tilespmem:s13], [sflag:$0x1] =	stream.indirect.gather [hbm4b:s2+s12], $0x80, s4, s12, $0xb8;
	[tilespmem:$0x1E000] =	vst v63  }
0x2fe: {  	s5 =	simm.s32 $0x14B40  }
0x2ff: {  	[tilespmem:s15], [sflag:$0x1] =	stream.indirect.gather [hbm4b:s2+s12], $0x80, s5, s12, $0xb8;
	[tilespmem:$0x1E000] =	vst v63  }
0x300: {  	_ =	swait.ge [sflag:s24], $0x2000  }
0x301: {  	[sflag:s24] =	ssyncset.done $0x0  }
0x302: {  	[sflag:s24] =	ssyncadd.s32 $0xFFFFE000  }
0x303: {  	_ =	swait.ge [sflag:s24], $0x2000  }
0x304: {  	[sflag:s24] =	ssyncset.done $0x0  }
0x305: {  	s4 =	simm.s32 $0x15A80;
	[sflag:s24] =	ssyncadd.s32 $0xFFFFE000  }
0x306: {  	[spmem:s3] =	stream.indirect.scatter.add.f32 [tilespmem:s17], [sflag:$0x4], $0x80, s4, s21, $0xb8;
	[tilespmem:$0x1E000] =	vst v63  }
0x307: {  	_ =	swait.ge [sflag:s6], $0x4000  }
0x308: {  	[sflag:s6] =	ssyncset.done $0x0  }
0x309: {  	s5 =	simm.s32 $0x14B80;
	[sflag:s6] =	ssyncadd.s32 $0xFFFFC000  }
0x30a: {  	[tilespmem:s17], [sflag:$0x2] =	stream.indirect.gather [hbm4b:s2+s12], $0x80, s5, s12, $0xb8;
	[tilespmem:$0x1E000] =	vst v63  }
0x30b: {  	s4 =	simm.s32 $0x14BC0  }
0x30c: {  	[tilespmem:s19], [sflag:$0x2] =	stream.indirect.gather [hbm4b:s2+s12], $0x80, s4, s12, $0xb8;
	[tilespmem:$0x1E000] =	vst v63  }
0x30d: {  	_ =	swait.ge [sflag:s20], $0x2000  }
0x30e: {  	[sflag:s20] =	ssyncset.done $0x0  }
0x30f: {  	[sflag:s20] =	ssyncadd.s32 $0xFFFFE000  }
0x310: {  	_ =	swait.ge [sflag:s20], $0x2000  }
0x311: {  	[sflag:s20] =	ssyncset.done $0x0  }
0x312: {  	s5 =	simm.s32 $0x15B00;
	[sflag:s20] =	ssyncadd.s32 $0xFFFFE000  }
0x313: {  	[spmem:s3] =	stream.indirect.scatter.add.f32 [tilespmem:s13], [sflag:$0x4], $0x80, s5, s21, $0xb8;
	[tilespmem:$0x1E000] =	vst v63  }
0x314: {  	_ =	swait.ge [sflag:s6], $0x4000  }
0x315: {  	[sflag:s6] =	ssyncset.done $0x0  }
0x316: {  	s4 =	simm.s32 $0x14C00;
	[sflag:s6] =	ssyncadd.s32 $0xFFFFC000  }
0x317: {  	[tilespmem:s13], [sflag:$0x1] =	stream.indirect.gather [hbm4b:s2+s12], $0x80, s4, s12, $0xb8;
	[tilespmem:$0x1E000] =	vst v63  }
0x318: {  	s5 =	simm.s32 $0x14C40  }
0x319: {  	[tilespmem:s15], [sflag:$0x1] =	stream.indirect.gather [hbm4b:s2+s12], $0x80, s5, s12, $0xb8;
	[tilespmem:$0x1E000] =	vst v63  }
0x31a: {  	_ =	swait.ge [sflag:s24], $0x2000  }
0x31b: {  	[sflag:s24] =	ssyncset.done $0x0  }
0x31c: {  	[sflag:s24] =	ssyncadd.s32 $0xFFFFE000  }
0x31d: {  	_ =	swait.ge [sflag:s24], $0x2000  }
0x31e: {  	[sflag:s24] =	ssyncset.done $0x0  }
0x31f: {  	s4 =	simm.s32 $0x15B80;
	[sflag:s24] =	ssyncadd.s32 $0xFFFFE000  }
0x320: {  	[spmem:s3] =	stream.indirect.scatter.add.f32 [tilespmem:s17], [sflag:$0x4], $0x80, s4, s21, $0xb8;
	[tilespmem:$0x1E000] =	vst v63  }
0x321: {  	_ =	swait.ge [sflag:s6], $0x4000  }
0x322: {  	[sflag:s6] =	ssyncset.done $0x0  }
0x323: {  	s5 =	simm.s32 $0x14C80;
	[sflag:s6] =	ssyncadd.s32 $0xFFFFC000  }
0x324: {  	[tilespmem:s17], [sflag:$0x2] =	stream.indirect.gather [hbm4b:s2+s12], $0x80, s5, s12, $0xb8;
	[tilespmem:$0x1E000] =	vst v63  }
0x325: {  	s4 =	simm.s32 $0x14CC0  }
0x326: {  	[tilespmem:s19], [sflag:$0x2] =	stream.indirect.gather [hbm4b:s2+s12], $0x80, s4, s12, $0xb8;
	[tilespmem:$0x1E000] =	vst v63  }
0x327: {  	_ =	swait.ge [sflag:s20], $0x2000  }
0x328: {  	[sflag:s20] =	ssyncset.done $0x0  }
0x329: {  	[sflag:s20] =	ssyncadd.s32 $0xFFFFE000  }
0x32a: {  	_ =	swait.ge [sflag:s20], $0x2000  }
0x32b: {  	[sflag:s20] =	ssyncset.done $0x0  }
0x32c: {  	s5 =	simm.s32 $0x15C00;
	[sflag:s20] =	ssyncadd.s32 $0xFFFFE000  }
0x32d: {  	[spmem:s3] =	stream.indirect.scatter.add.f32 [tilespmem:s13], [sflag:$0x4], $0x80, s5, s21, $0xb8;
	[tilespmem:$0x1E000] =	vst v63  }
0x32e: {  	_ =	swait.ge [sflag:s6], $0x4000  }
0x32f: {  	[sflag:s6] =	ssyncset.done $0x0  }
0x330: {  	s4 =	simm.s32 $0x14D00;
	[sflag:s6] =	ssyncadd.s32 $0xFFFFC000  }
0x331: {  	[tilespmem:s13], [sflag:$0x1] =	stream.indirect.gather [hbm4b:s2+s12], $0x80, s4, s12, $0xb8;
	[tilespmem:$0x1E000] =	vst v63  }
0x332: {  	s5 =	simm.s32 $0x14D40  }
0x333: {  	[tilespmem:s15], [sflag:$0x1] =	stream.indirect.gather [hbm4b:s2+s12], $0x80, s5, s12, $0xb8;
	[tilespmem:$0x1E000] =	vst v63  }
0x334: {  	_ =	swait.ge [sflag:s24], $0x2000  }
0x335: {  	[sflag:s24] =	ssyncset.done $0x0  }
0x336: {  	[sflag:s24] =	ssyncadd.s32 $0xFFFFE000  }
0x337: {  	_ =	swait.ge [sflag:s24], $0x2000  }
0x338: {  	[sflag:s24] =	ssyncset.done $0x0  }
0x339: {  	s4 =	simm.s32 $0x15C80;
	[sflag:s24] =	ssyncadd.s32 $0xFFFFE000  }
0x33a: {  	[spmem:s3] =	stream.indirect.scatter.add.f32 [tilespmem:s17], [sflag:$0x4], $0x80, s4, s21, $0xb8;
	[tilespmem:$0x1E000] =	vst v63  }
0x33b: {  	_ =	swait.ge [sflag:s6], $0x4000  }
0x33c: {  	[sflag:s6] =	ssyncset.done $0x0  }
0x33d: {  	s5 =	simm.s32 $0x14D80;
	[sflag:s6] =	ssyncadd.s32 $0xFFFFC000  }
0x33e: {  	[tilespmem:s17], [sflag:$0x2] =	stream.indirect.gather [hbm4b:s2+s12], $0x80, s5, s12, $0xb8;
	[tilespmem:$0x1E000] =	vst v63  }
0x33f: {  	s4 =	simm.s32 $0x14DC0  }
0x340: {  	[tilespmem:s19], [sflag:$0x2] =	stream.indirect.gather [hbm4b:s2+s12], $0x80, s4, s12, $0xb8;
	[tilespmem:$0x1E000] =	vst v63  }
0x341: {  	_ =	swait.ge [sflag:s20], $0x2000  }
0x342: {  	[sflag:s20] =	ssyncset.done $0x0  }
0x343: {  	[sflag:s20] =	ssyncadd.s32 $0xFFFFE000  }
0x344: {  	_ =	swait.ge [sflag:s20], $0x2000  }
0x345: {  	[sflag:s20] =	ssyncset.done $0x0  }
0x346: {  	s5 =	simm.s32 $0x15D00;
	[sflag:s20] =	ssyncadd.s32 $0xFFFFE000  }
0x347: {  	[spmem:s3] =	stream.indirect.scatter.add.f32 [tilespmem:s13], [sflag:$0x4], $0x80, s5, s21, $0xb8;
	[tilespmem:$0x1E000] =	vst v63  }
0x348: {  	_ =	swait.ge [sflag:s6], $0x4000  }
0x349: {  	[sflag:s6] =	ssyncset.done $0x0  }
0x34a: {  	s4 =	simm.s32 $0x14E00;
	[sflag:s6] =	ssyncadd.s32 $0xFFFFC000  }
0x34b: {  	[tilespmem:s13], [sflag:$0x1] =	stream.indirect.gather [hbm4b:s2+s12], $0x80, s4, s12, $0xb8;
	[tilespmem:$0x1E000] =	vst v63  }
0x34c: {  	s5 =	simm.s32 $0x14E40  }
0x34d: {  	[tilespmem:s15], [sflag:$0x1] =	stream.indirect.gather [hbm4b:s2+s12], $0x80, s5, s12, $0xb8;
	[tilespmem:$0x1E000] =	vst v63  }
0x34e: {  	_ =	swait.ge [sflag:s24], $0x2000  }
0x34f: {  	[sflag:s24] =	ssyncset.done $0x0  }
0x350: {  	[sflag:s24] =	ssyncadd.s32 $0xFFFFE000  }
0x351: {  	_ =	swait.ge [sflag:s24], $0x2000  }
0x352: {  	[sflag:s24] =	ssyncset.done $0x0  }
0x353: {  	s4 =	simm.s32 $0x15D80;
	[sflag:s24] =	ssyncadd.s32 $0xFFFFE000  }
0x354: {  	[spmem:s3] =	stream.indirect.scatter.add.f32 [tilespmem:s17], [sflag:$0x4], $0x80, s4, s21, $0xb8;
	[tilespmem:$0x1E000] =	vst v63  }
0x355: {  	_ =	swait.ge [sflag:s6], $0x4000  }
0x356: {  	[sflag:s6] =	ssyncset.done $0x0  }
0x357: {  	s5 =	simm.s32 $0x14E80;
	[sflag:s6] =	ssyncadd.s32 $0xFFFFC000  }
0x358: {  	[tilespmem:s17], [sflag:$0x2] =	stream.indirect.gather [hbm4b:s2+s12], $0x80, s5, s12, $0xb8;
	[tilespmem:$0x1E000] =	vst v63  }
0x359: {  	s4 =	simm.s32 $0x14EC0  }
0x35a: {  	[tilespmem:s19], [sflag:$0x2] =	stream.indirect.gather [hbm4b:s2+s12], $0x80, s4, s12, $0xb8;
	[tilespmem:$0x1E000] =	vst v63  }
0x35b: {  	_ =	swait.ge [sflag:s20], $0x2000  }
0x35c: {  	[sflag:s20] =	ssyncset.done $0x0  }
0x35d: {  	[sflag:s20] =	ssyncadd.s32 $0xFFFFE000  }
0x35e: {  	_ =	swait.ge [sflag:s20], $0x2000  }
0x35f: {  	[sflag:s20] =	ssyncset.done $0x0  }
0x360: {  	s5 =	simm.s32 $0x15E00;
	[sflag:s20] =	ssyncadd.s32 $0xFFFFE000  }
0x361: {  	[spmem:s3] =	stream.indirect.scatter.add.f32 [tilespmem:s13], [sflag:$0x4], $0x80, s5, s21, $0xb8;
	[tilespmem:$0x1E000] =	vst v63  }
0x362: {  	_ =	swait.ge [sflag:s6], $0x4000  }
0x363: {  	[sflag:s6] =	ssyncset.done $0x0  }
0x364: {  	s4 =	simm.s32 $0x14F00;
	[sflag:s6] =	ssyncadd.s32 $0xFFFFC000  }
0x365: {  	[tilespmem:s13], [sflag:$0x1] =	stream.indirect.gather [hbm4b:s2+s12], $0x80, s4, s12, $0xb8;
	[tilespmem:$0x1E000] =	vst v63  }
0x366: {  	s5 =	simm.s32 $0x14F40  }
0x367: {  	[tilespmem:s15], [sflag:$0x1] =	stream.indirect.gather [hbm4b:s2+s12], $0x80, s5, s12, $0xb8;
	[tilespmem:$0x1E000] =	vst v63  }
0x368: {  	_ =	swait.ge [sflag:s24], $0x2000  }
0x369: {  	[sflag:s24] =	ssyncset.done $0x0  }
0x36a: {  	[sflag:s24] =	ssyncadd.s32 $0xFFFFE000  }
0x36b: {  	_ =	swait.ge [sflag:s24], $0x2000  }
0x36c: {  	[sflag:s24] =	ssyncset.done $0x0  }
0x36d: {  	s4 =	simm.s32 $0x15E80;
	[sflag:s24] =	ssyncadd.s32 $0xFFFFE000  }
0x36e: {  	[spmem:s3] =	stream.indirect.scatter.add.f32 [tilespmem:s17], [sflag:$0x4], $0x80, s4, s21, $0xb8;
	[tilespmem:$0x1E000] =	vst v63  }
0x36f: {  	_ =	swait.ge [sflag:s6], $0x4000  }
0x370: {  	[sflag:s6] =	ssyncset.done $0x0  }
0x371: {  	s5 =	simm.s32 $0x14F80;
	[sflag:s6] =	ssyncadd.s32 $0xFFFFC000  }
0x372: {  	[tilespmem:s17], [sflag:$0x2] =	stream.indirect.gather [hbm4b:s2+s12], $0x80, s5, s12, $0xb8;
	[tilespmem:$0x1E000] =	vst v63  }
0x373: {  	s4 =	simm.s32 $0x14FC0  }
0x374: {  	[tilespmem:s19], [sflag:$0x2] =	stream.indirect.gather [hbm4b:s2+s12], $0x80, s4, s12, $0xb8;
	[tilespmem:$0x1E000] =	vst v63  }
0x375: {  	_ =	swait.ge [sflag:s20], $0x2000  }
0x376: {  	[sflag:s20] =	ssyncset.done $0x0  }
0x377: {  	[sflag:s20] =	ssyncadd.s32 $0xFFFFE000  }
0x378: {  	_ =	swait.ge [sflag:s20], $0x2000  }
0x379: {  	[sflag:s20] =	ssyncset.done $0x0  }
0x37a: {  	s5 =	simm.s32 $0x15F00;
	[sflag:s20] =	ssyncadd.s32 $0xFFFFE000  }
0x37b: {  	[spmem:s3] =	stream.indirect.scatter.add.f32 [tilespmem:s13], [sflag:$0x4], $0x80, s5, s21, $0xb8;
	[tilespmem:$0x1E000] =	vst v63  }
0x37c: {  	_ =	swait.ge [sflag:s6], $0x4000  }
0x37d: {  	[sflag:s6] =	ssyncset.done $0x0  }
0x37e: {  	[sflag:s6] =	ssyncadd.s32 $0xFFFFC000  }
0x37f: {  	_ =	swait.ge [sflag:s26], $0x800  }
0x380: {  	[sflag:s26] =	ssyncset.done $0x0  }
0x381: {  	[sflag:s26] =	ssyncadd.s32 $0xFFFFF800  }
0x382: {  	_ =	swait.ge [sflag:s26], $0x800  }
0x383: {  	[sflag:s26] =	ssyncset.done $0x0  }
0x384: {  	[sflag:s26] =	ssyncadd.s32 $0xFFFFF800  }
0x385: {  	[tilespmem:s13], [sflag:$0x1] =	stream.indirect.gather [hbm4b:s2+s12], $0x80, s9, s12, $0xb8;
	[tilespmem:$0x1E000] =	vst v63  }
0x386: {  	s9 =	simm.s32 $0x14040  }
0x387: {  	[tilespmem:s15], [sflag:$0x1] =	stream.indirect.gather [hbm4b:s2+s12], $0x80, s9, s12, $0xb8;
	[tilespmem:$0x1E000] =	vst v63  }
0x388: {  	_ =	swait.ge [sflag:s24], $0x2000  }
0x389: {  	[sflag:s24] =	ssyncset.done $0x0  }
0x38a: {  	[sflag:s24] =	ssyncadd.s32 $0xFFFFE000  }
0x38b: {  	_ =	swait.ge [sflag:s24], $0x2000  }
0x38c: {  	[sflag:s24] =	ssyncset.done $0x0  }
0x38d: {  	s4 =	simm.s32 $0x15F80;
	[sflag:s24] =	ssyncadd.s32 $0xFFFFE000  }
0x38e: {  	[spmem:s3] =	stream.indirect.scatter.add.f32 [tilespmem:s17], [sflag:$0x4], $0x80, s4, s21, $0xb8;
	[tilespmem:$0x1E000] =	vst v63  }
0x38f: {  	_ =	swait.ge [sflag:s6], $0x4000  }
0x390: {  	[sflag:s6] =	ssyncset.done $0x0  }
0x391: {  	s5 =	simm.s32 $0x14080;
	[sflag:s6] =	ssyncadd.s32 $0xFFFFC000  }
0x392: {  	[tilespmem:s17], [sflag:$0x2] =	stream.indirect.gather [hbm4b:s2+s12], $0x80, s5, s12, $0xb8;
	[tilespmem:$0x1E000] =	vst v63  }
0x393: {  	s9 =	simm.s32 $0x140C0  }
0x394: {  	[tilespmem:s19], [sflag:$0x2] =	stream.indirect.gather [hbm4b:s2+s12], $0x80, s9, s12, $0xb8;
	[tilespmem:$0x1E000] =	vst v63  }
0x395: {  	_ =	swait.ge [sflag:s20], $0x2000  }
0x396: {  	[sflag:s20] =	ssyncset.done $0x0  }
0x397: {  	[sflag:s20] =	ssyncadd.s32 $0xFFFFE000  }
0x398: {  	_ =	swait.ge [sflag:s20], $0x2000  }
0x399: {  	[sflag:s20] =	ssyncset.done $0x0  }
0x39a: {  	[sflag:s20] =	ssyncadd.s32 $0xFFFFE000  }
0x39b: {  	[spmem:s3] =	stream.indirect.scatter.add.f32 [tilespmem:s13], [sflag:$0x4], $0x80, s11, s21, $0xb8;
	[tilespmem:$0x1E000] =	vst v63  }
0x39c: {  	_ =	swait.ge [sflag:s6], $0x4000  }
0x39d: {  	[sflag:s6] =	ssyncset.done $0x0  }
0x39e: {  	s11 =	simm.s32 $0x14100;
	[sflag:s6] =	ssyncadd.s32 $0xFFFFC000  }
0x39f: {  	[tilespmem:s13], [sflag:$0x1] =	stream.indirect.gather [hbm4b:s2+s12], $0x80, s11, s12, $0xb8;
	[tilespmem:$0x1E000] =	vst v63  }
0x3a0: {  	_ = 	snop  }
0x3a1: {  	[tilespmem:s15], [sflag:$0x1] =	stream.indirect.gather [hbm4b:s2+s12], $0x80, s1, s12, $0xb8;
	[tilespmem:$0x1E000] =	vst v63  }
0x3a2: {  	_ =	swait.ge [sflag:s24], $0x2000  }
0x3a3: {  	[sflag:s24] =	ssyncset.done $0x0  }
0x3a4: {  	[sflag:s24] =	ssyncadd.s32 $0xFFFFE000  }
0x3a5: {  	_ =	swait.ge [sflag:s24], $0x2000  }
0x3a6: {  	[sflag:s24] =	ssyncset.done $0x0  }
0x3a7: {  	s4 =	simm.s32 $0x15080;
	[sflag:s24] =	ssyncadd.s32 $0xFFFFE000  }
0x3a8: {  	[spmem:s3] =	stream.indirect.scatter.add.f32 [tilespmem:s17], [sflag:$0x4], $0x80, s4, s21, $0xb8;
	[tilespmem:$0x1E000] =	vst v63  }
0x3a9: {  	_ =	swait.ge [sflag:s6], $0x4000  }
0x3aa: {  	[sflag:s6] =	ssyncset.done $0x0  }
0x3ab: {  	[sflag:s6] =	ssyncadd.s32 $0xFFFFC000  }
0x3ac: {  	[tilespmem:s17], [sflag:$0x2] =	stream.indirect.gather [hbm4b:s2+s12], $0x80, s7, s12, $0xb8;
	[tilespmem:$0x1E000] =	vst v63  }
0x3ad: {  	_ = 	snop  }
0x3ae: {  	[tilespmem:s19], [sflag:$0x2] =	stream.indirect.gather [hbm4b:s2+s12], $0x80, s8, s12, $0xb8;
	[tilespmem:$0x1E000] =	vst v63  }
0x3af: {  	_ =	swait.ge [sflag:s20], $0x2000  }
0x3b0: {  	[sflag:s20] =	ssyncset.done $0x0  }
0x3b1: {  	[sflag:s20] =	ssyncadd.s32 $0xFFFFE000  }
0x3b2: {  	_ =	swait.ge [sflag:s20], $0x2000  }
0x3b3: {  	[sflag:s20] =	ssyncset.done $0x0  }
0x3b4: {  	[sflag:s20] =	ssyncadd.s32 $0xFFFFE000  }
0x3b5: {  	[spmem:s3] =	stream.indirect.scatter.add.f32 [tilespmem:s13], [sflag:$0x4], $0x80, s10, s21, $0xb8;
	[tilespmem:$0x1E000] =	vst v63  }
0x3b6: {  	_ =	swait.ge [sflag:s6], $0x4000  }
0x3b7: {  	[sflag:s6] =	ssyncset.done $0x0  }
0x3b8: {  	[sflag:s6] =	ssyncadd.s32 $0xFFFFC000  }
0x3b9: {  	[tilespmem:s13], [sflag:$0x1] =	stream.indirect.gather [hbm4b:s2+s12], $0x80, s14, s12, $0xb8;
	[tilespmem:$0x1E000] =	vst v63  }
0x3ba: {  	_ = 	snop  }
0x3bb: {  	[tilespmem:s15], [sflag:$0x1] =	stream.indirect.gather [hbm4b:s2+s12], $0x80, s16, s12, $0xb8;
	[tilespmem:$0x1E000] =	vst v63  }
0x3bc: {  	_ =	swait.ge [sflag:s24], $0x2000  }
0x3bd: {  	[sflag:s24] =	ssyncset.done $0x0  }
0x3be: {  	[sflag:s24] =	ssyncadd.s32 $0xFFFFE000  }
0x3bf: {  	_ =	swait.ge [sflag:s24], $0x2000  }
0x3c0: {  	[sflag:s24] =	ssyncset.done $0x0  }
0x3c1: {  	[sflag:s24] =	ssyncadd.s32 $0xFFFFE000  }
0x3c2: {  	[spmem:s3] =	stream.indirect.scatter.add.f32 [tilespmem:s17], [sflag:$0x4], $0x80, s18, s21, $0xb8;
	[tilespmem:$0x1E000] =	vst v63  }
0x3c3: {  	_ =	swait.ge [sflag:s6], $0x4000  }
0x3c4: {  	[sflag:s6] =	ssyncset.done $0x0  }
0x3c5: {  	[sflag:s6] =	ssyncadd.s32 $0xFFFFC000  }
0x3c6: {  	[tilespmem:s17], [sflag:$0x2] =	stream.indirect.gather [hbm4b:s2+s12], $0x80, s22, s12, $0xb8;
	[tilespmem:$0x1E000] =	vst v63  }
0x3c7: {  	_ = 	snop  }
0x3c8: {  	[tilespmem:s19], [sflag:$0x2] =	stream.indirect.gather [hbm4b:s2+s12], $0x80, s23, s12, $0xb8;
	[tilespmem:$0x1E000] =	vst v63  }
0x3c9: {  	_ =	swait.ge [sflag:s20], $0x2000  }
0x3ca: {  	[sflag:s20] =	ssyncset.done $0x0  }
0x3cb: {  	[sflag:s20] =	ssyncadd.s32 $0xFFFFE000  }
0x3cc: {  	_ =	swait.ge [sflag:s20], $0x2000  }
0x3cd: {  	[sflag:s20] =	ssyncset.done $0x0  }
0x3ce: {  	[sflag:s20] =	ssyncadd.s32 $0xFFFFE000  }
0x3cf: {  	[spmem:s3] =	stream.indirect.scatter.add.f32 [tilespmem:s13], [sflag:$0x4], $0x80, s25, s21, $0xb8;
	[tilespmem:$0x1E000] =	vst v63  }
0x3d0: {  	_ =	swait.ge [sflag:s6], $0x4000  }
0x3d1: {  	[sflag:s6] =	ssyncset.done $0x0  }
0x3d2: {  	[sflag:s6] =	ssyncadd.s32 $0xFFFFC000  }
0x3d3: {  	[tilespmem:s13], [sflag:$0x1] =	stream.indirect.gather [hbm4b:s2+s12], $0x80, s28, s12, $0xb8;
	[tilespmem:$0x1E000] =	vst v63  }
0x3d4: {  	_ = 	snop  }
0x3d5: {  	[tilespmem:s15], [sflag:$0x1] =	stream.indirect.gather [hbm4b:s2+s12], $0x80, s30, s12, $0xb8;
	[tilespmem:$0x1E000] =	vst v63  }
0x3d6: {  	_ =	swait.ge [sflag:s24], $0x2000  }
0x3d7: {  	[sflag:s24] =	ssyncset.done $0x0  }
0x3d8: {  	[sflag:s24] =	ssyncadd.s32 $0xFFFFE000  }
0x3d9: {  	_ =	swait.ge [sflag:s24], $0x2000  }
0x3da: {  	[sflag:s24] =	ssyncset.done $0x0  }
0x3db: {  	[sflag:s24] =	ssyncadd.s32 $0xFFFFE000  }
0x3dc: {  	[spmem:s3] =	stream.indirect.scatter.add.f32 [tilespmem:s17], [sflag:$0x4], $0x80, s31, s21, $0xb8;
	[tilespmem:$0x1E000] =	vst v63  }
0x3dd: {  	_ =	swait.ge [sflag:s6], $0x4000  }
0x3de: {  	[sflag:s6] =	ssyncset.done $0x0  }
0x3df: {  	s5 =	simm.s32 $0x14380;
	[sflag:s6] =	ssyncadd.s32 $0xFFFFC000  }
0x3e0: {  	[tilespmem:s17], [sflag:$0x2] =	stream.indirect.gather [hbm4b:s2+s12], $0x80, s5, s12, $0xb8;
	[tilespmem:$0x1E000] =	vst v63  }
0x3e1: {  	s7 =	simm.s32 $0x143C0  }
0x3e2: {  	[tilespmem:s19], [sflag:$0x2] =	stream.indirect.gather [hbm4b:s2+s12], $0x80, s7, s12, $0xb8;
	[tilespmem:$0x1E000] =	vst v63  }
0x3e3: {  	_ =	swait.ge [sflag:s20], $0x2000  }
0x3e4: {  	[sflag:s20] =	ssyncset.done $0x0  }
0x3e5: {  	[sflag:s20] =	ssyncadd.s32 $0xFFFFE000  }
0x3e6: {  	_ =	swait.ge [sflag:s20], $0x2000  }
0x3e7: {  	[sflag:s20] =	ssyncset.done $0x0  }
0x3e8: {  	s8 =	simm.s32 $0x15300;
	[sflag:s20] =	ssyncadd.s32 $0xFFFFE000  }
0x3e9: {  	[spmem:s3] =	stream.indirect.scatter.add.f32 [tilespmem:s13], [sflag:$0x4], $0x80, s8, s21, $0xb8;
	[tilespmem:$0x1E000] =	vst v63  }
0x3ea: {  	_ =	swait.ge [sflag:s6], $0x4000  }
0x3eb: {  	[sflag:s6] =	ssyncset.done $0x0  }
0x3ec: {  	s9 =	simm.s32 $0x14400;
	[sflag:s6] =	ssyncadd.s32 $0xFFFFC000  }
0x3ed: {  	[tilespmem:s13], [sflag:$0x1] =	stream.indirect.gather [hbm4b:s2+s12], $0x80, s9, s12, $0xb8;
	[tilespmem:$0x1E000] =	vst v63  }
0x3ee: {  	s10 =	simm.s32 $0x14440  }
0x3ef: {  	[tilespmem:s15], [sflag:$0x1] =	stream.indirect.gather [hbm4b:s2+s12], $0x80, s10, s12, $0xb8;
	[tilespmem:$0x1E000] =	vst v63  }
0x3f0: {  	_ =	swait.ge [sflag:s24], $0x2000  }
0x3f1: {  	[sflag:s24] =	ssyncset.done $0x0  }
0x3f2: {  	[sflag:s24] =	ssyncadd.s32 $0xFFFFE000  }
0x3f3: {  	_ =	swait.ge [sflag:s24], $0x2000  }
0x3f4: {  	[sflag:s24] =	ssyncset.done $0x0  }
0x3f5: {  	s11 =	simm.s32 $0x15380;
	[sflag:s24] =	ssyncadd.s32 $0xFFFFE000  }
0x3f6: {  	[spmem:s3] =	stream.indirect.scatter.add.f32 [tilespmem:s17], [sflag:$0x4], $0x80, s11, s21, $0xb8;
	[tilespmem:$0x1E000] =	vst v63  }
0x3f7: {  	_ =	swait.ge [sflag:s6], $0x4000  }
0x3f8: {  	[sflag:s6] =	ssyncset.done $0x0  }
0x3f9: {  	s14 =	simm.s32 $0x14480;
	[sflag:s6] =	ssyncadd.s32 $0xFFFFC000  }
0x3fa: {  	[tilespmem:s17], [sflag:$0x2] =	stream.indirect.gather [hbm4b:s2+s12], $0x80, s14, s12, $0xb8;
	[tilespmem:$0x1E000] =	vst v63  }
0x3fb: {  	s16 =	simm.s32 $0x144C0  }
0x3fc: {  	[tilespmem:s19], [sflag:$0x2] =	stream.indirect.gather [hbm4b:s2+s12], $0x80, s16, s12, $0xb8;
	[tilespmem:$0x1E000] =	vst v63  }
0x3fd: {  	_ =	swait.ge [sflag:s20], $0x2000  }
0x3fe: {  	[sflag:s20] =	ssyncset.done $0x0  }
0x3ff: {  	[sflag:s20] =	ssyncadd.s32 $0xFFFFE000  }
0x400: {  	_ =	swait.ge [sflag:s20], $0x2000  }
0x401: {  	[sflag:s20] =	ssyncset.done $0x0  }
0x402: {  	s18 =	simm.s32 $0x15400;
	[sflag:s20] =	ssyncadd.s32 $0xFFFFE000  }
0x403: {  	[spmem:s3] =	stream.indirect.scatter.add.f32 [tilespmem:s13], [sflag:$0x4], $0x80, s18, s21, $0xb8;
	[tilespmem:$0x1E000] =	vst v63  }
0x404: {  	_ =	swait.ge [sflag:s6], $0x4000  }
0x405: {  	[sflag:s6] =	ssyncset.done $0x0  }
0x406: {  	s22 =	simm.s32 $0x14500;
	[sflag:s6] =	ssyncadd.s32 $0xFFFFC000  }
0x407: {  	[tilespmem:s13], [sflag:$0x1] =	stream.indirect.gather [hbm4b:s2+s12], $0x80, s22, s12, $0xb8;
	[tilespmem:$0x1E000] =	vst v63  }
0x408: {  	s23 =	simm.s32 $0x14540  }
0x409: {  	[tilespmem:s15], [sflag:$0x1] =	stream.indirect.gather [hbm4b:s2+s12], $0x80, s23, s12, $0xb8;
	[tilespmem:$0x1E000] =	vst v63  }
0x40a: {  	_ =	swait.ge [sflag:s24], $0x2000  }
0x40b: {  	[sflag:s24] =	ssyncset.done $0x0  }
0x40c: {  	[sflag:s24] =	ssyncadd.s32 $0xFFFFE000  }
0x40d: {  	_ =	swait.ge [sflag:s24], $0x2000  }
0x40e: {  	[sflag:s24] =	ssyncset.done $0x0  }
0x40f: {  	s25 =	simm.s32 $0x15480;
	[sflag:s24] =	ssyncadd.s32 $0xFFFFE000  }
0x410: {  	[spmem:s3] =	stream.indirect.scatter.add.f32 [tilespmem:s17], [sflag:$0x4], $0x80, s25, s21, $0xb8;
	[tilespmem:$0x1E000] =	vst v63  }
0x411: {  	_ =	swait.ge [sflag:s6], $0x4000  }
0x412: {  	[sflag:s6] =	ssyncset.done $0x0  }
0x413: {  	s28 =	simm.s32 $0x14580;
	[sflag:s6] =	ssyncadd.s32 $0xFFFFC000  }
0x414: {  	[tilespmem:s17], [sflag:$0x2] =	stream.indirect.gather [hbm4b:s2+s12], $0x80, s28, s12, $0xb8;
	[tilespmem:$0x1E000] =	vst v63  }
0x415: {  	s30 =	simm.s32 $0x145C0  }
0x416: {  	[tilespmem:s19], [sflag:$0x2] =	stream.indirect.gather [hbm4b:s2+s12], $0x80, s30, s12, $0xb8;
	[tilespmem:$0x1E000] =	vst v63  }
0x417: {  	_ =	swait.ge [sflag:s20], $0x2000  }
0x418: {  	[sflag:s20] =	ssyncset.done $0x0  }
0x419: {  	[sflag:s20] =	ssyncadd.s32 $0xFFFFE000  }
0x41a: {  	_ =	swait.ge [sflag:s20], $0x2000  }
0x41b: {  	[sflag:s20] =	ssyncset.done $0x0  }
0x41c: {  	s31 =	simm.s32 $0x15500;
	[sflag:s20] =	ssyncadd.s32 $0xFFFFE000  }
0x41d: {  	[spmem:s3] =	stream.indirect.scatter.add.f32 [tilespmem:s13], [sflag:$0x4], $0x80, s31, s21, $0xb8;
	[tilespmem:$0x1E000] =	vst v63  }
0x41e: {  	_ =	swait.ge [sflag:s6], $0x4000  }
0x41f: {  	[sflag:s6] =	ssyncset.done $0x0  }
0x420: {  	s1 =	simm.s32 $0x14600;
	[sflag:s6] =	ssyncadd.s32 $0xFFFFC000  }
0x421: {  	[tilespmem:s13], [sflag:$0x1] =	stream.indirect.gather [hbm4b:s2+s12], $0x80, s1, s12, $0xb8;
	[tilespmem:$0x1E000] =	vst v63  }
0x422: {  	s4 =	simm.s32 $0x14640  }
0x423: {  	[tilespmem:s15], [sflag:$0x1] =	stream.indirect.gather [hbm4b:s2+s12], $0x80, s4, s12, $0xb8;
	[tilespmem:$0x1E000] =	vst v63  }
0x424: {  	_ =	swait.ge [sflag:s24], $0x2000  }
0x425: {  	[sflag:s24] =	ssyncset.done $0x0  }
0x426: {  	[sflag:s24] =	ssyncadd.s32 $0xFFFFE000  }
0x427: {  	_ =	swait.ge [sflag:s24], $0x2000  }
0x428: {  	[sflag:s24] =	ssyncset.done $0x0  }
0x429: {  	s5 =	simm.s32 $0x15580;
	[sflag:s24] =	ssyncadd.s32 $0xFFFFE000  }
0x42a: {  	[spmem:s3] =	stream.indirect.scatter.add.f32 [tilespmem:s17], [sflag:$0x4], $0x80, s5, s21, $0xb8;
	[tilespmem:$0x1E000] =	vst v63  }
0x42b: {  	_ =	swait.ge [sflag:s6], $0x4000  }
0x42c: {  	[sflag:s6] =	ssyncset.done $0x0  }
0x42d: {  	s7 =	simm.s32 $0x14680;
	[sflag:s6] =	ssyncadd.s32 $0xFFFFC000  }
0x42e: {  	[tilespmem:s17], [sflag:$0x2] =	stream.indirect.gather [hbm4b:s2+s12], $0x80, s7, s12, $0xb8;
	[tilespmem:$0x1E000] =	vst v63  }
0x42f: {  	s8 =	simm.s32 $0x146C0  }
0x430: {  	[tilespmem:s19], [sflag:$0x2] =	stream.indirect.gather [hbm4b:s2+s12], $0x80, s8, s12, $0xb8;
	[tilespmem:$0x1E000] =	vst v63  }
0x431: {  	_ =	swait.ge [sflag:s20], $0x2000  }
0x432: {  	[sflag:s20] =	ssyncset.done $0x0  }
0x433: {  	[sflag:s20] =	ssyncadd.s32 $0xFFFFE000  }
0x434: {  	_ =	swait.ge [sflag:s20], $0x2000  }
0x435: {  	[sflag:s20] =	ssyncset.done $0x0  }
0x436: {  	s9 =	simm.s32 $0x15600;
	[sflag:s20] =	ssyncadd.s32 $0xFFFFE000  }
0x437: {  	[spmem:s3] =	stream.indirect.scatter.add.f32 [tilespmem:s13], [sflag:$0x4], $0x80, s9, s21, $0xb8;
	[tilespmem:$0x1E000] =	vst v63  }
0x438: {  	_ =	swait.ge [sflag:s6], $0x4000  }
0x439: {  	[sflag:s6] =	ssyncset.done $0x0  }
0x43a: {  	s10 =	simm.s32 $0x14700;
	[sflag:s6] =	ssyncadd.s32 $0xFFFFC000  }
0x43b: {  	[tilespmem:s13], [sflag:$0x1] =	stream.indirect.gather [hbm4b:s2+s12], $0x80, s10, s12, $0xb8;
	[tilespmem:$0x1E000] =	vst v63  }
0x43c: {  	s11 =	simm.s32 $0x14740  }
0x43d: {  	[tilespmem:s15], [sflag:$0x1] =	stream.indirect.gather [hbm4b:s2+s12], $0x80, s11, s12, $0xb8;
	[tilespmem:$0x1E000] =	vst v63  }
0x43e: {  	_ =	swait.ge [sflag:s24], $0x2000  }
0x43f: {  	[sflag:s24] =	ssyncset.done $0x0  }
0x440: {  	[sflag:s24] =	ssyncadd.s32 $0xFFFFE000  }
0x441: {  	_ =	swait.ge [sflag:s24], $0x2000  }
0x442: {  	[sflag:s24] =	ssyncset.done $0x0  }
0x443: {  	s14 =	simm.s32 $0x15680;
	[sflag:s24] =	ssyncadd.s32 $0xFFFFE000  }
0x444: {  	[spmem:s3] =	stream.indirect.scatter.add.f32 [tilespmem:s17], [sflag:$0x4], $0x80, s14, s21, $0xb8;
	[tilespmem:$0x1E000] =	vst v63  }
0x445: {  	_ =	swait.ge [sflag:s6], $0x4000  }
0x446: {  	[sflag:s6] =	ssyncset.done $0x0  }
0x447: {  	s16 =	simm.s32 $0x14780;
	[sflag:s6] =	ssyncadd.s32 $0xFFFFC000  }
0x448: {  	[tilespmem:s17], [sflag:$0x2] =	stream.indirect.gather [hbm4b:s2+s12], $0x80, s16, s12, $0xb8;
	[tilespmem:$0x1E000] =	vst v63  }
0x449: {  	s18 =	simm.s32 $0x147C0  }
0x44a: {  	[tilespmem:s19], [sflag:$0x2] =	stream.indirect.gather [hbm4b:s2+s12], $0x80, s18, s12, $0xb8;
	[tilespmem:$0x1E000] =	vst v63  }
0x44b: {  	_ =	swait.ge [sflag:s20], $0x2000  }
0x44c: {  	[sflag:s20] =	ssyncset.done $0x0  }
0x44d: {  	[sflag:s20] =	ssyncadd.s32 $0xFFFFE000  }
0x44e: {  	_ =	swait.ge [sflag:s20], $0x2000  }
0x44f: {  	[sflag:s20] =	ssyncset.done $0x0  }
0x450: {  	s22 =	simm.s32 $0x15700;
	[sflag:s20] =	ssyncadd.s32 $0xFFFFE000  }
0x451: {  	[spmem:s3] =	stream.indirect.scatter.add.f32 [tilespmem:s13], [sflag:$0x4], $0x80, s22, s21, $0xb8;
	[tilespmem:$0x1E000] =	vst v63  }
0x452: {  	_ =	swait.ge [sflag:s6], $0x4000  }
0x453: {  	[sflag:s6] =	ssyncset.done $0x0  }
0x454: {  	[sflag:s6] =	ssyncadd.s32 $0xFFFFC000  }
0x455: {  	_ =	swait.ge [sflag:s24], $0x2000  }
0x456: {  	[sflag:s24] =	ssyncset.done $0x0  }
0x457: {  	[sflag:s24] =	ssyncadd.s32 $0xFFFFE000  }
0x458: {  	_ =	swait.ge [sflag:s24], $0x2000  }
0x459: {  	[sflag:s24] =	ssyncset.done $0x0  }
0x45a: {  	s23 =	simm.s32 $0x15780;
	[sflag:s24] =	ssyncadd.s32 $0xFFFFE000  }
0x45b: {  	[spmem:s3] =	stream.indirect.scatter.add.f32 [tilespmem:s17], [sflag:$0x4], $0x80, s23, s21, $0xb8;
	[tilespmem:$0x1E000] =	vst v63  }
0x45c: {  	_ =	swait.ge [sflag:s6], $0x4000  }
0x45d: {  	[sflag:s6] =	ssyncset.done $0x0  }
0x45e: {  	[sflag:s6] =	ssyncadd.s32 $0xFFFFC000  }
0x45f: {  	[bflag:$0x0] =	sbarrier.arrive $0xFFFF  }
0x460: {  	s25 =	rddreg [dreg:$0x13]  }
0x461: {  	s0 =	ssub.s32 $0x2, s25  }
0x462: {  	s29 =	sshrl.u32 s0, $0x1  }
0x463: {  	s29 =	ssub.s32 s0, s29  }
0x464: {  	s29 =	smax.u32 s29, $0x1  }
0x465: {  	p0 =	sne.s32 s29, $0x1  }
.Ltmp0:
0x466: {  	s28 =	rddreg [dreg:$0x10];
	(pc) =	sbr.rel @!p0 .LBB2_3-.Ltmp0, $4  }
0x467: {  	s30 =	rddreg [dreg:$0x11]  }
0x468: {  	s31 =	rddreg [dreg:$0x12]  }
0x469: {  	[hbm:s28], [sflag:s30] =	dma.local [spmem:s31], $0x2800  }
0x46a: {  	_ =	swait.ge [sflag:s6], $0x2800;
	s29 =	sadd.s32 $0xFFFFFFFF, s29  }
0x46b: {  	s9 =	simm.s32 $0x14000;
	s8 =	simm.s32 $0x15800;
	s5 =	simm.s32 $0x148C0  }
0x46c: {  	s7 =	simm.s32 $0x14900;
	s10 =	simm.s32 $0x14940;
	s14 =	simm.s32 $0x15880  }
0x46d: {  	s16 =	simm.s32 $0x14980;
	s18 =	simm.s32 $0x149C0;
	s22 =	simm.s32 $0x15900  }
0x46e: {  	s23 =	simm.s32 $0x14A00;
	s25 =	simm.s32 $0x14A40;
	s28 =	simm.s32 $0x15980  }
.LBB2_2:
0x46f: {  	s30 =	rddreg [dreg:$0x5]  }
0x470: {  	[sflag:s6] =	ssyncset.done $0x0;
	s0 =	rddreg [dreg:$0x11]  }
0x471: {  	s1 =	rddreg [dreg:$0x12];
	[sflag:s6] =	ssyncadd.s32 $0xFFFFD800  }
0x472: {  	[spmem:s1], [sflag:s0] =	dma.local [hbm:s30], $0x2800  }
0x473: {  	_ =	swait.ge [sflag:s6], $0x2800  }
0x474: {  	[sflag:s6] =	ssyncset.done $0x0  }
0x475: {  	s0 =	simm.s32 $0x0;
	s11 =	rddreg [dreg:$0x6];
	[sflag:s6] =	ssyncadd.s32 $0xFFFFD800  }
0x476: {  	[tilespmem:s9], [sflag:$0x4] =	stream.linear.gather [hbm4b:s11+s0], $0x800, $0x38;
	[tilespmem:$0x1E000] =	vst v63  }
0x477: {  	_ =	swait.ge [sflag:s6], $0x800  }
0x478: {  	[sflag:s6] =	ssyncset.done $0x0  }
0x479: {  	s1 =	simm.s32 $0x15000;
	s31 =	rddreg [dreg:$0x7];
	[sflag:s6] =	ssyncadd.s32 $0xFFFFF800  }
0x47a: {  	[tilespmem:s1], [sflag:$0x4] =	stream.linear.gather [hbm4b:s31+s0], $0x800, $0x38;
	[tilespmem:$0x1E000] =	vst v63  }
0x47b: {  	_ =	swait.ge [sflag:s6], $0x800  }
0x47c: {  	[sflag:s6] =	ssyncset.done $0x0  }
0x47d: {  	s11 =	simm.s32 $0x14800;
	s4 =	rddreg [dreg:$0x8];
	[sflag:s6] =	ssyncadd.s32 $0xFFFFF800  }
0x47e: {  	[tilespmem:s11], [sflag:$0x3] =	stream.linear.gather [hbm4b:s4+s0], $0x800, $0x38;
	[tilespmem:$0x1E000] =	vst v63  }
0x47f: {  	s31 =	rddreg [dreg:$0x9]  }
0x480: {  	[tilespmem:s8], [sflag:$0x3] =	stream.linear.gather [hbm4b:s31+s0], $0x800, $0x38;
	[tilespmem:$0x1E000] =	vst v63  }
0x481: {  	_ = 	snop  }
0x482: {  	[tilespmem:s13], [sflag:$0x1] =	stream.indirect.gather [hbm4b:s2+s12], $0x80, s9, s12, $0xb8;
	[tilespmem:$0x1E000] =	vst v63  }
0x483: {  	s4 =	simm.s32 $0x14040  }
0x484: {  	[tilespmem:s15], [sflag:$0x1] =	stream.indirect.gather [hbm4b:s2+s12], $0x80, s4, s12, $0xb8;
	[tilespmem:$0x1E000] =	vst v63  }
0x485: {  	s31 =	simm.s32 $0x14080  }
0x486: {  	[tilespmem:s17], [sflag:$0x2] =	stream.indirect.gather [hbm4b:s2+s12], $0x80, s31, s12, $0xb8;
	[tilespmem:$0x1E000] =	vst v63  }
0x487: {  	s30 =	simm.s32 $0x140C0  }
0x488: {  	[tilespmem:s19], [sflag:$0x2] =	stream.indirect.gather [hbm4b:s2+s12], $0x80, s30, s12, $0xb8;
	[tilespmem:$0x1E000] =	vst v63  }
0x489: {  	[bflag:$0x0] =	sbarrier.arrive $0xFFFF  }
0x48a: {  	_ =	swait.ge [sflag:s20], $0x2000  }
0x48b: {  	[sflag:s20] =	ssyncset.done $0x0  }
0x48c: {  	[sflag:s20] =	ssyncadd.s32 $0xFFFFE000  }
0x48d: {  	_ =	swait.ge [sflag:s20], $0x2000  }
0x48e: {  	[sflag:s20] =	ssyncset.done $0x0  }
0x48f: {  	[sflag:s20] =	ssyncadd.s32 $0xFFFFE000  }
0x490: {  	[spmem:s3] =	stream.indirect.scatter.add.f32 [tilespmem:s13], [sflag:$0x4], $0x80, s1, s21, $0xb8;
	[tilespmem:$0x1E000] =	vst v63  }
0x491: {  	_ =	swait.ge [sflag:s6], $0x4000  }
0x492: {  	[sflag:s6] =	ssyncset.done $0x0  }
0x493: {  	s31 =	simm.s32 $0x14100;
	[sflag:s6] =	ssyncadd.s32 $0xFFFFC000  }
0x494: {  	[tilespmem:s13], [sflag:$0x1] =	stream.indirect.gather [hbm4b:s2+s12], $0x80, s31, s12, $0xb8;
	[tilespmem:$0x1E000] =	vst v63  }
0x495: {  	s30 =	simm.s32 $0x14140  }
0x496: {  	[tilespmem:s15], [sflag:$0x1] =	stream.indirect.gather [hbm4b:s2+s12], $0x80, s30, s12, $0xb8;
	[tilespmem:$0x1E000] =	vst v63  }
0x497: {  	_ =	swait.ge [sflag:s24], $0x2000  }
0x498: {  	[sflag:s24] =	ssyncset.done $0x0  }
0x499: {  	[sflag:s24] =	ssyncadd.s32 $0xFFFFE000  }
0x49a: {  	_ =	swait.ge [sflag:s24], $0x2000  }
0x49b: {  	[sflag:s24] =	ssyncset.done $0x0  }
0x49c: {  	s31 =	simm.s32 $0x15080;
	[sflag:s24] =	ssyncadd.s32 $0xFFFFE000  }
0x49d: {  	[spmem:s3] =	stream.indirect.scatter.add.f32 [tilespmem:s17], [sflag:$0x4], $0x80, s31, s21, $0xb8;
	[tilespmem:$0x1E000] =	vst v63  }
0x49e: {  	_ =	swait.ge [sflag:s6], $0x4000  }
0x49f: {  	[sflag:s6] =	ssyncset.done $0x0  }
0x4a0: {  	s30 =	simm.s32 $0x14180;
	[sflag:s6] =	ssyncadd.s32 $0xFFFFC000  }
0x4a1: {  	[tilespmem:s17], [sflag:$0x2] =	stream.indirect.gather [hbm4b:s2+s12], $0x80, s30, s12, $0xb8;
	[tilespmem:$0x1E000] =	vst v63  }
0x4a2: {  	s31 =	simm.s32 $0x141C0  }
0x4a3: {  	[tilespmem:s19], [sflag:$0x2] =	stream.indirect.gather [hbm4b:s2+s12], $0x80, s31, s12, $0xb8;
	[tilespmem:$0x1E000] =	vst v63  }
0x4a4: {  	_ =	swait.ge [sflag:s20], $0x2000  }
0x4a5: {  	[sflag:s20] =	ssyncset.done $0x0  }
0x4a6: {  	[sflag:s20] =	ssyncadd.s32 $0xFFFFE000  }
0x4a7: {  	_ =	swait.ge [sflag:s20], $0x2000  }
0x4a8: {  	[sflag:s20] =	ssyncset.done $0x0  }
0x4a9: {  	s30 =	simm.s32 $0x15100;
	[sflag:s20] =	ssyncadd.s32 $0xFFFFE000  }
0x4aa: {  	[spmem:s3] =	stream.indirect.scatter.add.f32 [tilespmem:s13], [sflag:$0x4], $0x80, s30, s21, $0xb8;
	[tilespmem:$0x1E000] =	vst v63  }
0x4ab: {  	_ =	swait.ge [sflag:s6], $0x4000  }
0x4ac: {  	[sflag:s6] =	ssyncset.done $0x0  }
0x4ad: {  	s31 =	simm.s32 $0x14200;
	[sflag:s6] =	ssyncadd.s32 $0xFFFFC000  }
0x4ae: {  	[tilespmem:s13], [sflag:$0x1] =	stream.indirect.gather [hbm4b:s2+s12], $0x80, s31, s12, $0xb8;
	[tilespmem:$0x1E000] =	vst v63  }
0x4af: {  	s30 =	simm.s32 $0x14240  }
0x4b0: {  	[tilespmem:s15], [sflag:$0x1] =	stream.indirect.gather [hbm4b:s2+s12], $0x80, s30, s12, $0xb8;
	[tilespmem:$0x1E000] =	vst v63  }
0x4b1: {  	_ =	swait.ge [sflag:s24], $0x2000  }
0x4b2: {  	[sflag:s24] =	ssyncset.done $0x0  }
0x4b3: {  	[sflag:s24] =	ssyncadd.s32 $0xFFFFE000  }
0x4b4: {  	_ =	swait.ge [sflag:s24], $0x2000  }
0x4b5: {  	[sflag:s24] =	ssyncset.done $0x0  }
0x4b6: {  	s31 =	simm.s32 $0x15180;
	[sflag:s24] =	ssyncadd.s32 $0xFFFFE000  }
0x4b7: {  	[spmem:s3] =	stream.indirect.scatter.add.f32 [tilespmem:s17], [sflag:$0x4], $0x80, s31, s21, $0xb8;
	[tilespmem:$0x1E000] =	vst v63  }
0x4b8: {  	_ =	swait.ge [sflag:s6], $0x4000  }
0x4b9: {  	[sflag:s6] =	ssyncset.done $0x0  }
0x4ba: {  	s30 =	simm.s32 $0x14280;
	[sflag:s6] =	ssyncadd.s32 $0xFFFFC000  }
0x4bb: {  	[tilespmem:s17], [sflag:$0x2] =	stream.indirect.gather [hbm4b:s2+s12], $0x80, s30, s12, $0xb8;
	[tilespmem:$0x1E000] =	vst v63  }
0x4bc: {  	s31 =	simm.s32 $0x142C0  }
0x4bd: {  	[tilespmem:s19], [sflag:$0x2] =	stream.indirect.gather [hbm4b:s2+s12], $0x80, s31, s12, $0xb8;
	[tilespmem:$0x1E000] =	vst v63  }
0x4be: {  	_ =	swait.ge [sflag:s20], $0x2000  }
0x4bf: {  	[sflag:s20] =	ssyncset.done $0x0  }
0x4c0: {  	[sflag:s20] =	ssyncadd.s32 $0xFFFFE000  }
0x4c1: {  	_ =	swait.ge [sflag:s20], $0x2000  }
0x4c2: {  	[sflag:s20] =	ssyncset.done $0x0  }
0x4c3: {  	s30 =	simm.s32 $0x15200;
	[sflag:s20] =	ssyncadd.s32 $0xFFFFE000  }
0x4c4: {  	[spmem:s3] =	stream.indirect.scatter.add.f32 [tilespmem:s13], [sflag:$0x4], $0x80, s30, s21, $0xb8;
	[tilespmem:$0x1E000] =	vst v63  }
0x4c5: {  	_ =	swait.ge [sflag:s6], $0x4000  }
0x4c6: {  	[sflag:s6] =	ssyncset.done $0x0  }
0x4c7: {  	s31 =	simm.s32 $0x14300;
	[sflag:s6] =	ssyncadd.s32 $0xFFFFC000  }
0x4c8: {  	[tilespmem:s13], [sflag:$0x1] =	stream.indirect.gather [hbm4b:s2+s12], $0x80, s31, s12, $0xb8;
	[tilespmem:$0x1E000] =	vst v63  }
0x4c9: {  	s30 =	simm.s32 $0x14340  }
0x4ca: {  	[tilespmem:s15], [sflag:$0x1] =	stream.indirect.gather [hbm4b:s2+s12], $0x80, s30, s12, $0xb8;
	[tilespmem:$0x1E000] =	vst v63  }
0x4cb: {  	_ =	swait.ge [sflag:s24], $0x2000  }
0x4cc: {  	[sflag:s24] =	ssyncset.done $0x0  }
0x4cd: {  	[sflag:s24] =	ssyncadd.s32 $0xFFFFE000  }
0x4ce: {  	_ =	swait.ge [sflag:s24], $0x2000  }
0x4cf: {  	[sflag:s24] =	ssyncset.done $0x0  }
0x4d0: {  	s31 =	simm.s32 $0x15280;
	[sflag:s24] =	ssyncadd.s32 $0xFFFFE000  }
0x4d1: {  	[spmem:s3] =	stream.indirect.scatter.add.f32 [tilespmem:s17], [sflag:$0x4], $0x80, s31, s21, $0xb8;
	[tilespmem:$0x1E000] =	vst v63  }
0x4d2: {  	_ =	swait.ge [sflag:s6], $0x4000  }
0x4d3: {  	[sflag:s6] =	ssyncset.done $0x0  }
0x4d4: {  	s30 =	simm.s32 $0x14380;
	[sflag:s6] =	ssyncadd.s32 $0xFFFFC000  }
0x4d5: {  	[tilespmem:s17], [sflag:$0x2] =	stream.indirect.gather [hbm4b:s2+s12], $0x80, s30, s12, $0xb8;
	[tilespmem:$0x1E000] =	vst v63  }
0x4d6: {  	s31 =	simm.s32 $0x143C0  }
0x4d7: {  	[tilespmem:s19], [sflag:$0x2] =	stream.indirect.gather [hbm4b:s2+s12], $0x80, s31, s12, $0xb8;
	[tilespmem:$0x1E000] =	vst v63  }
0x4d8: {  	_ =	swait.ge [sflag:s20], $0x2000  }
0x4d9: {  	[sflag:s20] =	ssyncset.done $0x0  }
0x4da: {  	[sflag:s20] =	ssyncadd.s32 $0xFFFFE000  }
0x4db: {  	_ =	swait.ge [sflag:s20], $0x2000  }
0x4dc: {  	[sflag:s20] =	ssyncset.done $0x0  }
0x4dd: {  	s30 =	simm.s32 $0x15300;
	[sflag:s20] =	ssyncadd.s32 $0xFFFFE000  }
0x4de: {  	[spmem:s3] =	stream.indirect.scatter.add.f32 [tilespmem:s13], [sflag:$0x4], $0x80, s30, s21, $0xb8;
	[tilespmem:$0x1E000] =	vst v63  }
0x4df: {  	_ =	swait.ge [sflag:s6], $0x4000  }
0x4e0: {  	[sflag:s6] =	ssyncset.done $0x0  }
0x4e1: {  	s31 =	simm.s32 $0x14400;
	[sflag:s6] =	ssyncadd.s32 $0xFFFFC000  }
0x4e2: {  	[tilespmem:s13], [sflag:$0x1] =	stream.indirect.gather [hbm4b:s2+s12], $0x80, s31, s12, $0xb8;
	[tilespmem:$0x1E000] =	vst v63  }
0x4e3: {  	s30 =	simm.s32 $0x14440  }
0x4e4: {  	[tilespmem:s15], [sflag:$0x1] =	stream.indirect.gather [hbm4b:s2+s12], $0x80, s30, s12, $0xb8;
	[tilespmem:$0x1E000] =	vst v63  }
0x4e5: {  	_ =	swait.ge [sflag:s24], $0x2000  }
0x4e6: {  	[sflag:s24] =	ssyncset.done $0x0  }
0x4e7: {  	[sflag:s24] =	ssyncadd.s32 $0xFFFFE000  }
0x4e8: {  	_ =	swait.ge [sflag:s24], $0x2000  }
0x4e9: {  	[sflag:s24] =	ssyncset.done $0x0  }
0x4ea: {  	s31 =	simm.s32 $0x15380;
	[sflag:s24] =	ssyncadd.s32 $0xFFFFE000  }
0x4eb: {  	[spmem:s3] =	stream.indirect.scatter.add.f32 [tilespmem:s17], [sflag:$0x4], $0x80, s31, s21, $0xb8;
	[tilespmem:$0x1E000] =	vst v63  }
0x4ec: {  	_ =	swait.ge [sflag:s6], $0x4000  }
0x4ed: {  	[sflag:s6] =	ssyncset.done $0x0  }
0x4ee: {  	s30 =	simm.s32 $0x14480;
	[sflag:s6] =	ssyncadd.s32 $0xFFFFC000  }
0x4ef: {  	[tilespmem:s17], [sflag:$0x2] =	stream.indirect.gather [hbm4b:s2+s12], $0x80, s30, s12, $0xb8;
	[tilespmem:$0x1E000] =	vst v63  }
0x4f0: {  	s31 =	simm.s32 $0x144C0  }
0x4f1: {  	[tilespmem:s19], [sflag:$0x2] =	stream.indirect.gather [hbm4b:s2+s12], $0x80, s31, s12, $0xb8;
	[tilespmem:$0x1E000] =	vst v63  }
0x4f2: {  	_ =	swait.ge [sflag:s20], $0x2000  }
0x4f3: {  	[sflag:s20] =	ssyncset.done $0x0  }
0x4f4: {  	[sflag:s20] =	ssyncadd.s32 $0xFFFFE000  }
0x4f5: {  	_ =	swait.ge [sflag:s20], $0x2000  }
0x4f6: {  	[sflag:s20] =	ssyncset.done $0x0  }
0x4f7: {  	s30 =	simm.s32 $0x15400;
	[sflag:s20] =	ssyncadd.s32 $0xFFFFE000  }
0x4f8: {  	[spmem:s3] =	stream.indirect.scatter.add.f32 [tilespmem:s13], [sflag:$0x4], $0x80, s30, s21, $0xb8;
	[tilespmem:$0x1E000] =	vst v63  }
0x4f9: {  	_ =	swait.ge [sflag:s6], $0x4000  }
0x4fa: {  	[sflag:s6] =	ssyncset.done $0x0  }
0x4fb: {  	s31 =	simm.s32 $0x14500;
	[sflag:s6] =	ssyncadd.s32 $0xFFFFC000  }
0x4fc: {  	[tilespmem:s13], [sflag:$0x1] =	stream.indirect.gather [hbm4b:s2+s12], $0x80, s31, s12, $0xb8;
	[tilespmem:$0x1E000] =	vst v63  }
0x4fd: {  	s30 =	simm.s32 $0x14540  }
0x4fe: {  	[tilespmem:s15], [sflag:$0x1] =	stream.indirect.gather [hbm4b:s2+s12], $0x80, s30, s12, $0xb8;
	[tilespmem:$0x1E000] =	vst v63  }
0x4ff: {  	_ =	swait.ge [sflag:s24], $0x2000  }
0x500: {  	[sflag:s24] =	ssyncset.done $0x0  }
0x501: {  	[sflag:s24] =	ssyncadd.s32 $0xFFFFE000  }
0x502: {  	_ =	swait.ge [sflag:s24], $0x2000  }
0x503: {  	[sflag:s24] =	ssyncset.done $0x0  }
0x504: {  	s31 =	simm.s32 $0x15480;
	[sflag:s24] =	ssyncadd.s32 $0xFFFFE000  }
0x505: {  	[spmem:s3] =	stream.indirect.scatter.add.f32 [tilespmem:s17], [sflag:$0x4], $0x80, s31, s21, $0xb8;
	[tilespmem:$0x1E000] =	vst v63  }
0x506: {  	_ =	swait.ge [sflag:s6], $0x4000  }
0x507: {  	[sflag:s6] =	ssyncset.done $0x0  }
0x508: {  	s30 =	simm.s32 $0x14580;
	[sflag:s6] =	ssyncadd.s32 $0xFFFFC000  }
0x509: {  	[tilespmem:s17], [sflag:$0x2] =	stream.indirect.gather [hbm4b:s2+s12], $0x80, s30, s12, $0xb8;
	[tilespmem:$0x1E000] =	vst v63  }
0x50a: {  	s31 =	simm.s32 $0x145C0  }
0x50b: {  	[tilespmem:s19], [sflag:$0x2] =	stream.indirect.gather [hbm4b:s2+s12], $0x80, s31, s12, $0xb8;
	[tilespmem:$0x1E000] =	vst v63  }
0x50c: {  	_ =	swait.ge [sflag:s20], $0x2000  }
0x50d: {  	[sflag:s20] =	ssyncset.done $0x0  }
0x50e: {  	[sflag:s20] =	ssyncadd.s32 $0xFFFFE000  }
0x50f: {  	_ =	swait.ge [sflag:s20], $0x2000  }
0x510: {  	[sflag:s20] =	ssyncset.done $0x0  }
0x511: {  	s30 =	simm.s32 $0x15500;
	[sflag:s20] =	ssyncadd.s32 $0xFFFFE000  }
0x512: {  	[spmem:s3] =	stream.indirect.scatter.add.f32 [tilespmem:s13], [sflag:$0x4], $0x80, s30, s21, $0xb8;
	[tilespmem:$0x1E000] =	vst v63  }
0x513: {  	_ =	swait.ge [sflag:s6], $0x4000  }
0x514: {  	[sflag:s6] =	ssyncset.done $0x0  }
0x515: {  	s31 =	simm.s32 $0x14600;
	[sflag:s6] =	ssyncadd.s32 $0xFFFFC000  }
0x516: {  	[tilespmem:s13], [sflag:$0x1] =	stream.indirect.gather [hbm4b:s2+s12], $0x80, s31, s12, $0xb8;
	[tilespmem:$0x1E000] =	vst v63  }
0x517: {  	s30 =	simm.s32 $0x14640  }
0x518: {  	[tilespmem:s15], [sflag:$0x1] =	stream.indirect.gather [hbm4b:s2+s12], $0x80, s30, s12, $0xb8;
	[tilespmem:$0x1E000] =	vst v63  }
0x519: {  	_ =	swait.ge [sflag:s24], $0x2000  }
0x51a: {  	[sflag:s24] =	ssyncset.done $0x0  }
0x51b: {  	[sflag:s24] =	ssyncadd.s32 $0xFFFFE000  }
0x51c: {  	_ =	swait.ge [sflag:s24], $0x2000  }
0x51d: {  	[sflag:s24] =	ssyncset.done $0x0  }
0x51e: {  	s31 =	simm.s32 $0x15580;
	[sflag:s24] =	ssyncadd.s32 $0xFFFFE000  }
0x51f: {  	[spmem:s3] =	stream.indirect.scatter.add.f32 [tilespmem:s17], [sflag:$0x4], $0x80, s31, s21, $0xb8;
	[tilespmem:$0x1E000] =	vst v63  }
0x520: {  	_ =	swait.ge [sflag:s6], $0x4000  }
0x521: {  	[sflag:s6] =	ssyncset.done $0x0  }
0x522: {  	s30 =	simm.s32 $0x14680;
	[sflag:s6] =	ssyncadd.s32 $0xFFFFC000  }
0x523: {  	[tilespmem:s17], [sflag:$0x2] =	stream.indirect.gather [hbm4b:s2+s12], $0x80, s30, s12, $0xb8;
	[tilespmem:$0x1E000] =	vst v63  }
0x524: {  	s31 =	simm.s32 $0x146C0  }
0x525: {  	[tilespmem:s19], [sflag:$0x2] =	stream.indirect.gather [hbm4b:s2+s12], $0x80, s31, s12, $0xb8;
	[tilespmem:$0x1E000] =	vst v63  }
0x526: {  	_ =	swait.ge [sflag:s20], $0x2000  }
0x527: {  	[sflag:s20] =	ssyncset.done $0x0  }
0x528: {  	[sflag:s20] =	ssyncadd.s32 $0xFFFFE000  }
0x529: {  	_ =	swait.ge [sflag:s20], $0x2000  }
0x52a: {  	[sflag:s20] =	ssyncset.done $0x0  }
0x52b: {  	s30 =	simm.s32 $0x15600;
	[sflag:s20] =	ssyncadd.s32 $0xFFFFE000  }
0x52c: {  	[spmem:s3] =	stream.indirect.scatter.add.f32 [tilespmem:s13], [sflag:$0x4], $0x80, s30, s21, $0xb8;
	[tilespmem:$0x1E000] =	vst v63  }
0x52d: {  	_ =	swait.ge [sflag:s6], $0x4000  }
0x52e: {  	[sflag:s6] =	ssyncset.done $0x0  }
0x52f: {  	s31 =	simm.s32 $0x14700;
	[sflag:s6] =	ssyncadd.s32 $0xFFFFC000  }
0x530: {  	[tilespmem:s13], [sflag:$0x1] =	stream.indirect.gather [hbm4b:s2+s12], $0x80, s31, s12, $0xb8;
	[tilespmem:$0x1E000] =	vst v63  }
0x531: {  	s30 =	simm.s32 $0x14740  }
0x532: {  	[tilespmem:s15], [sflag:$0x1] =	stream.indirect.gather [hbm4b:s2+s12], $0x80, s30, s12, $0xb8;
	[tilespmem:$0x1E000] =	vst v63  }
0x533: {  	_ =	swait.ge [sflag:s24], $0x2000  }
0x534: {  	[sflag:s24] =	ssyncset.done $0x0  }
0x535: {  	[sflag:s24] =	ssyncadd.s32 $0xFFFFE000  }
0x536: {  	_ =	swait.ge [sflag:s24], $0x2000  }
0x537: {  	[sflag:s24] =	ssyncset.done $0x0  }
0x538: {  	s31 =	simm.s32 $0x15680;
	[sflag:s24] =	ssyncadd.s32 $0xFFFFE000  }
0x539: {  	[spmem:s3] =	stream.indirect.scatter.add.f32 [tilespmem:s17], [sflag:$0x4], $0x80, s31, s21, $0xb8;
	[tilespmem:$0x1E000] =	vst v63  }
0x53a: {  	_ =	swait.ge [sflag:s6], $0x4000  }
0x53b: {  	[sflag:s6] =	ssyncset.done $0x0  }
0x53c: {  	s30 =	simm.s32 $0x14780;
	[sflag:s6] =	ssyncadd.s32 $0xFFFFC000  }
0x53d: {  	[tilespmem:s17], [sflag:$0x2] =	stream.indirect.gather [hbm4b:s2+s12], $0x80, s30, s12, $0xb8;
	[tilespmem:$0x1E000] =	vst v63  }
0x53e: {  	s31 =	simm.s32 $0x147C0  }
0x53f: {  	[tilespmem:s19], [sflag:$0x2] =	stream.indirect.gather [hbm4b:s2+s12], $0x80, s31, s12, $0xb8;
	[tilespmem:$0x1E000] =	vst v63  }
0x540: {  	_ =	swait.ge [sflag:s20], $0x2000  }
0x541: {  	[sflag:s20] =	ssyncset.done $0x0  }
0x542: {  	[sflag:s20] =	ssyncadd.s32 $0xFFFFE000  }
0x543: {  	_ =	swait.ge [sflag:s20], $0x2000  }
0x544: {  	[sflag:s20] =	ssyncset.done $0x0  }
0x545: {  	s30 =	simm.s32 $0x15700;
	[sflag:s20] =	ssyncadd.s32 $0xFFFFE000  }
0x546: {  	[spmem:s3] =	stream.indirect.scatter.add.f32 [tilespmem:s13], [sflag:$0x4], $0x80, s30, s21, $0xb8;
	[tilespmem:$0x1E000] =	vst v63  }
0x547: {  	_ =	swait.ge [sflag:s6], $0x4000  }
0x548: {  	[sflag:s6] =	ssyncset.done $0x0  }
0x549: {  	[sflag:s6] =	ssyncadd.s32 $0xFFFFC000  }
0x54a: {  	_ =	swait.ge [sflag:s26], $0x800  }
0x54b: {  	[sflag:s26] =	ssyncset.done $0x0  }
0x54c: {  	[sflag:s26] =	ssyncadd.s32 $0xFFFFF800  }
0x54d: {  	_ =	swait.ge [sflag:s26], $0x800  }
0x54e: {  	[sflag:s26] =	ssyncset.done $0x0  }
0x54f: {  	[sflag:s26] =	ssyncadd.s32 $0xFFFFF800  }
0x550: {  	[tilespmem:s13], [sflag:$0x1] =	stream.indirect.gather [hbm4b:s2+s12], $0x80, s11, s12, $0xb8;
	[tilespmem:$0x1E000] =	vst v63  }
0x551: {  	s31 =	simm.s32 $0x14840  }
0x552: {  	[tilespmem:s15], [sflag:$0x1] =	stream.indirect.gather [hbm4b:s2+s12], $0x80, s31, s12, $0xb8;
	[tilespmem:$0x1E000] =	vst v63  }
0x553: {  	_ =	swait.ge [sflag:s24], $0x2000  }
0x554: {  	[sflag:s24] =	ssyncset.done $0x0  }
0x555: {  	[sflag:s24] =	ssyncadd.s32 $0xFFFFE000  }
0x556: {  	_ =	swait.ge [sflag:s24], $0x2000  }
0x557: {  	[sflag:s24] =	ssyncset.done $0x0  }
0x558: {  	s30 =	simm.s32 $0x15780;
	[sflag:s24] =	ssyncadd.s32 $0xFFFFE000  }
0x559: {  	[spmem:s3] =	stream.indirect.scatter.add.f32 [tilespmem:s17], [sflag:$0x4], $0x80, s30, s21, $0xb8;
	[tilespmem:$0x1E000] =	vst v63  }
0x55a: {  	_ =	swait.ge [sflag:s6], $0x4000  }
0x55b: {  	[sflag:s6] =	ssyncset.done $0x0  }
0x55c: {  	s4 =	simm.s32 $0x14880;
	[sflag:s6] =	ssyncadd.s32 $0xFFFFC000  }
0x55d: {  	[tilespmem:s17], [sflag:$0x2] =	stream.indirect.gather [hbm4b:s2+s12], $0x80, s4, s12, $0xb8;
	[tilespmem:$0x1E000] =	vst v63  }
0x55e: {  	_ = 	snop  }
0x55f: {  	[tilespmem:s19], [sflag:$0x2] =	stream.indirect.gather [hbm4b:s2+s12], $0x80, s5, s12, $0xb8;
	[tilespmem:$0x1E000] =	vst v63  }
0x560: {  	s30 =	rddreg [dreg:$0xa]  }
0x561: {  	[tilespmem:s9], [sflag:$0x3] =	stream.linear.gather [hbm4b:s30+s0], $0x800, $0x38;
	[tilespmem:$0x1E000] =	vst v63  }
0x562: {  	s31 =	rddreg [dreg:$0xb]  }
0x563: {  	[tilespmem:s1], [sflag:$0x3] =	stream.linear.gather [hbm4b:s31+s0], $0x800, $0x38;
	[tilespmem:$0x1E000] =	vst v63  }
0x564: {  	_ =	swait.ge [sflag:s20], $0x2000  }
0x565: {  	[sflag:s20] =	ssyncset.done $0x0  }
0x566: {  	[sflag:s20] =	ssyncadd.s32 $0xFFFFE000  }
0x567: {  	_ =	swait.ge [sflag:s20], $0x2000  }
0x568: {  	[sflag:s20] =	ssyncset.done $0x0  }
0x569: {  	[sflag:s20] =	ssyncadd.s32 $0xFFFFE000  }
0x56a: {  	[spmem:s3] =	stream.indirect.scatter.add.f32 [tilespmem:s13], [sflag:$0x4], $0x80, s8, s21, $0xb8;
	[tilespmem:$0x1E000] =	vst v63  }
0x56b: {  	_ =	swait.ge [sflag:s6], $0x4000  }
0x56c: {  	[sflag:s6] =	ssyncset.done $0x0  }
0x56d: {  	[sflag:s6] =	ssyncadd.s32 $0xFFFFC000  }
0x56e: {  	[tilespmem:s13], [sflag:$0x1] =	stream.indirect.gather [hbm4b:s2+s12], $0x80, s7, s12, $0xb8;
	[tilespmem:$0x1E000] =	vst v63  }
0x56f: {  	_ = 	snop  }
0x570: {  	[tilespmem:s15], [sflag:$0x1] =	stream.indirect.gather [hbm4b:s2+s12], $0x80, s10, s12, $0xb8;
	[tilespmem:$0x1E000] =	vst v63  }
0x571: {  	_ =	swait.ge [sflag:s24], $0x2000  }
0x572: {  	[sflag:s24] =	ssyncset.done $0x0  }
0x573: {  	[sflag:s24] =	ssyncadd.s32 $0xFFFFE000  }
0x574: {  	_ =	swait.ge [sflag:s24], $0x2000  }
0x575: {  	[sflag:s24] =	ssyncset.done $0x0  }
0x576: {  	[sflag:s24] =	ssyncadd.s32 $0xFFFFE000  }
0x577: {  	[spmem:s3] =	stream.indirect.scatter.add.f32 [tilespmem:s17], [sflag:$0x4], $0x80, s14, s21, $0xb8;
	[tilespmem:$0x1E000] =	vst v63  }
0x578: {  	_ =	swait.ge [sflag:s6], $0x4000  }
0x579: {  	[sflag:s6] =	ssyncset.done $0x0  }
0x57a: {  	[sflag:s6] =	ssyncadd.s32 $0xFFFFC000  }
0x57b: {  	[tilespmem:s17], [sflag:$0x2] =	stream.indirect.gather [hbm4b:s2+s12], $0x80, s16, s12, $0xb8;
	[tilespmem:$0x1E000] =	vst v63  }
0x57c: {  	_ = 	snop  }
0x57d: {  	[tilespmem:s19], [sflag:$0x2] =	stream.indirect.gather [hbm4b:s2+s12], $0x80, s18, s12, $0xb8;
	[tilespmem:$0x1E000] =	vst v63  }
0x57e: {  	_ =	swait.ge [sflag:s20], $0x2000  }
0x57f: {  	[sflag:s20] =	ssyncset.done $0x0  }
0x580: {  	[sflag:s20] =	ssyncadd.s32 $0xFFFFE000  }
0x581: {  	_ =	swait.ge [sflag:s20], $0x2000  }
0x582: {  	[sflag:s20] =	ssyncset.done $0x0  }
0x583: {  	[sflag:s20] =	ssyncadd.s32 $0xFFFFE000  }
0x584: {  	[spmem:s3] =	stream.indirect.scatter.add.f32 [tilespmem:s13], [sflag:$0x4], $0x80, s22, s21, $0xb8;
	[tilespmem:$0x1E000] =	vst v63  }
0x585: {  	_ =	swait.ge [sflag:s6], $0x4000  }
0x586: {  	[sflag:s6] =	ssyncset.done $0x0  }
0x587: {  	[sflag:s6] =	ssyncadd.s32 $0xFFFFC000  }
0x588: {  	[tilespmem:s13], [sflag:$0x1] =	stream.indirect.gather [hbm4b:s2+s12], $0x80, s23, s12, $0xb8;
	[tilespmem:$0x1E000] =	vst v63  }
0x589: {  	_ = 	snop  }
0x58a: {  	[tilespmem:s15], [sflag:$0x1] =	stream.indirect.gather [hbm4b:s2+s12], $0x80, s25, s12, $0xb8;
	[tilespmem:$0x1E000] =	vst v63  }
0x58b: {  	_ =	swait.ge [sflag:s24], $0x2000  }
0x58c: {  	[sflag:s24] =	ssyncset.done $0x0  }
0x58d: {  	[sflag:s24] =	ssyncadd.s32 $0xFFFFE000  }
0x58e: {  	_ =	swait.ge [sflag:s24], $0x2000  }
0x58f: {  	[sflag:s24] =	ssyncset.done $0x0  }
0x590: {  	[sflag:s24] =	ssyncadd.s32 $0xFFFFE000  }
0x591: {  	[spmem:s3] =	stream.indirect.scatter.add.f32 [tilespmem:s17], [sflag:$0x4], $0x80, s28, s21, $0xb8;
	[tilespmem:$0x1E000] =	vst v63  }
0x592: {  	_ =	swait.ge [sflag:s6], $0x4000  }
0x593: {  	[sflag:s6] =	ssyncset.done $0x0  }
0x594: {  	s31 =	simm.s32 $0x14A80;
	[sflag:s6] =	ssyncadd.s32 $0xFFFFC000  }
0x595: {  	[tilespmem:s17], [sflag:$0x2] =	stream.indirect.gather [hbm4b:s2+s12], $0x80, s31, s12, $0xb8;
	[tilespmem:$0x1E000] =	vst v63  }
0x596: {  	s31 =	simm.s32 $0x14AC0  }
0x597: {  	[tilespmem:s19], [sflag:$0x2] =	stream.indirect.gather [hbm4b:s2+s12], $0x80, s31, s12, $0xb8;
	[tilespmem:$0x1E000] =	vst v63  }
0x598: {  	_ =	swait.ge [sflag:s20], $0x2000  }
0x599: {  	[sflag:s20] =	ssyncset.done $0x0  }
0x59a: {  	[sflag:s20] =	ssyncadd.s32 $0xFFFFE000  }
0x59b: {  	_ =	swait.ge [sflag:s20], $0x2000  }
0x59c: {  	[sflag:s20] =	ssyncset.done $0x0  }
0x59d: {  	s31 =	simm.s32 $0x15A00;
	[sflag:s20] =	ssyncadd.s32 $0xFFFFE000  }
0x59e: {  	[spmem:s3] =	stream.indirect.scatter.add.f32 [tilespmem:s13], [sflag:$0x4], $0x80, s31, s21, $0xb8;
	[tilespmem:$0x1E000] =	vst v63  }
0x59f: {  	_ =	swait.ge [sflag:s6], $0x4000  }
0x5a0: {  	[sflag:s6] =	ssyncset.done $0x0  }
0x5a1: {  	s31 =	simm.s32 $0x14B00;
	[sflag:s6] =	ssyncadd.s32 $0xFFFFC000  }
0x5a2: {  	[tilespmem:s13], [sflag:$0x1] =	stream.indirect.gather [hbm4b:s2+s12], $0x80, s31, s12, $0xb8;
	[tilespmem:$0x1E000] =	vst v63  }
0x5a3: {  	s31 =	simm.s32 $0x14B40  }
0x5a4: {  	[tilespmem:s15], [sflag:$0x1] =	stream.indirect.gather [hbm4b:s2+s12], $0x80, s31, s12, $0xb8;
	[tilespmem:$0x1E000] =	vst v63  }
0x5a5: {  	_ =	swait.ge [sflag:s24], $0x2000  }
0x5a6: {  	[sflag:s24] =	ssyncset.done $0x0  }
0x5a7: {  	[sflag:s24] =	ssyncadd.s32 $0xFFFFE000  }
0x5a8: {  	_ =	swait.ge [sflag:s24], $0x2000  }
0x5a9: {  	[sflag:s24] =	ssyncset.done $0x0  }
0x5aa: {  	s31 =	simm.s32 $0x15A80;
	[sflag:s24] =	ssyncadd.s32 $0xFFFFE000  }
0x5ab: {  	[spmem:s3] =	stream.indirect.scatter.add.f32 [tilespmem:s17], [sflag:$0x4], $0x80, s31, s21, $0xb8;
	[tilespmem:$0x1E000] =	vst v63  }
0x5ac: {  	_ =	swait.ge [sflag:s6], $0x4000  }
0x5ad: {  	[sflag:s6] =	ssyncset.done $0x0  }
0x5ae: {  	s31 =	simm.s32 $0x14B80;
	[sflag:s6] =	ssyncadd.s32 $0xFFFFC000  }
0x5af: {  	[tilespmem:s17], [sflag:$0x2] =	stream.indirect.gather [hbm4b:s2+s12], $0x80, s31, s12, $0xb8;
	[tilespmem:$0x1E000] =	vst v63  }
0x5b0: {  	s31 =	simm.s32 $0x14BC0  }
0x5b1: {  	[tilespmem:s19], [sflag:$0x2] =	stream.indirect.gather [hbm4b:s2+s12], $0x80, s31, s12, $0xb8;
	[tilespmem:$0x1E000] =	vst v63  }
0x5b2: {  	_ =	swait.ge [sflag:s20], $0x2000  }
0x5b3: {  	[sflag:s20] =	ssyncset.done $0x0  }
0x5b4: {  	[sflag:s20] =	ssyncadd.s32 $0xFFFFE000  }
0x5b5: {  	_ =	swait.ge [sflag:s20], $0x2000  }
0x5b6: {  	[sflag:s20] =	ssyncset.done $0x0  }
0x5b7: {  	s31 =	simm.s32 $0x15B00;
	[sflag:s20] =	ssyncadd.s32 $0xFFFFE000  }
0x5b8: {  	[spmem:s3] =	stream.indirect.scatter.add.f32 [tilespmem:s13], [sflag:$0x4], $0x80, s31, s21, $0xb8;
	[tilespmem:$0x1E000] =	vst v63  }
0x5b9: {  	_ =	swait.ge [sflag:s6], $0x4000  }
0x5ba: {  	[sflag:s6] =	ssyncset.done $0x0  }
0x5bb: {  	s31 =	simm.s32 $0x14C00;
	[sflag:s6] =	ssyncadd.s32 $0xFFFFC000  }
0x5bc: {  	[tilespmem:s13], [sflag:$0x1] =	stream.indirect.gather [hbm4b:s2+s12], $0x80, s31, s12, $0xb8;
	[tilespmem:$0x1E000] =	vst v63  }
0x5bd: {  	s31 =	simm.s32 $0x14C40  }
0x5be: {  	[tilespmem:s15], [sflag:$0x1] =	stream.indirect.gather [hbm4b:s2+s12], $0x80, s31, s12, $0xb8;
	[tilespmem:$0x1E000] =	vst v63  }
0x5bf: {  	_ =	swait.ge [sflag:s24], $0x2000  }
0x5c0: {  	[sflag:s24] =	ssyncset.done $0x0  }
0x5c1: {  	[sflag:s24] =	ssyncadd.s32 $0xFFFFE000  }
0x5c2: {  	_ =	swait.ge [sflag:s24], $0x2000  }
0x5c3: {  	[sflag:s24] =	ssyncset.done $0x0  }
0x5c4: {  	s31 =	simm.s32 $0x15B80;
	[sflag:s24] =	ssyncadd.s32 $0xFFFFE000  }
0x5c5: {  	[spmem:s3] =	stream.indirect.scatter.add.f32 [tilespmem:s17], [sflag:$0x4], $0x80, s31, s21, $0xb8;
	[tilespmem:$0x1E000] =	vst v63  }
0x5c6: {  	_ =	swait.ge [sflag:s6], $0x4000  }
0x5c7: {  	[sflag:s6] =	ssyncset.done $0x0  }
0x5c8: {  	s31 =	simm.s32 $0x14C80;
	[sflag:s6] =	ssyncadd.s32 $0xFFFFC000  }
0x5c9: {  	[tilespmem:s17], [sflag:$0x2] =	stream.indirect.gather [hbm4b:s2+s12], $0x80, s31, s12, $0xb8;
	[tilespmem:$0x1E000] =	vst v63  }
0x5ca: {  	s31 =	simm.s32 $0x14CC0  }
0x5cb: {  	[tilespmem:s19], [sflag:$0x2] =	stream.indirect.gather [hbm4b:s2+s12], $0x80, s31, s12, $0xb8;
	[tilespmem:$0x1E000] =	vst v63  }
0x5cc: {  	_ =	swait.ge [sflag:s20], $0x2000  }
0x5cd: {  	[sflag:s20] =	ssyncset.done $0x0  }
0x5ce: {  	[sflag:s20] =	ssyncadd.s32 $0xFFFFE000  }
0x5cf: {  	_ =	swait.ge [sflag:s20], $0x2000  }
0x5d0: {  	[sflag:s20] =	ssyncset.done $0x0  }
0x5d1: {  	s31 =	simm.s32 $0x15C00;
	[sflag:s20] =	ssyncadd.s32 $0xFFFFE000  }
0x5d2: {  	[spmem:s3] =	stream.indirect.scatter.add.f32 [tilespmem:s13], [sflag:$0x4], $0x80, s31, s21, $0xb8;
	[tilespmem:$0x1E000] =	vst v63  }
0x5d3: {  	_ =	swait.ge [sflag:s6], $0x4000  }
0x5d4: {  	[sflag:s6] =	ssyncset.done $0x0  }
0x5d5: {  	s31 =	simm.s32 $0x14D00;
	[sflag:s6] =	ssyncadd.s32 $0xFFFFC000  }
0x5d6: {  	[tilespmem:s13], [sflag:$0x1] =	stream.indirect.gather [hbm4b:s2+s12], $0x80, s31, s12, $0xb8;
	[tilespmem:$0x1E000] =	vst v63  }
0x5d7: {  	s31 =	simm.s32 $0x14D40  }
0x5d8: {  	[tilespmem:s15], [sflag:$0x1] =	stream.indirect.gather [hbm4b:s2+s12], $0x80, s31, s12, $0xb8;
	[tilespmem:$0x1E000] =	vst v63  }
0x5d9: {  	_ =	swait.ge [sflag:s24], $0x2000  }
0x5da: {  	[sflag:s24] =	ssyncset.done $0x0  }
0x5db: {  	[sflag:s24] =	ssyncadd.s32 $0xFFFFE000  }
0x5dc: {  	_ =	swait.ge [sflag:s24], $0x2000  }
0x5dd: {  	[sflag:s24] =	ssyncset.done $0x0  }
0x5de: {  	s31 =	simm.s32 $0x15C80;
	[sflag:s24] =	ssyncadd.s32 $0xFFFFE000  }
0x5df: {  	[spmem:s3] =	stream.indirect.scatter.add.f32 [tilespmem:s17], [sflag:$0x4], $0x80, s31, s21, $0xb8;
	[tilespmem:$0x1E000] =	vst v63  }
0x5e0: {  	_ =	swait.ge [sflag:s6], $0x4000  }
0x5e1: {  	[sflag:s6] =	ssyncset.done $0x0  }
0x5e2: {  	s31 =	simm.s32 $0x14D80;
	[sflag:s6] =	ssyncadd.s32 $0xFFFFC000  }
0x5e3: {  	[tilespmem:s17], [sflag:$0x2] =	stream.indirect.gather [hbm4b:s2+s12], $0x80, s31, s12, $0xb8;
	[tilespmem:$0x1E000] =	vst v63  }
0x5e4: {  	s31 =	simm.s32 $0x14DC0  }
0x5e5: {  	[tilespmem:s19], [sflag:$0x2] =	stream.indirect.gather [hbm4b:s2+s12], $0x80, s31, s12, $0xb8;
	[tilespmem:$0x1E000] =	vst v63  }
0x5e6: {  	_ =	swait.ge [sflag:s20], $0x2000  }
0x5e7: {  	[sflag:s20] =	ssyncset.done $0x0  }
0x5e8: {  	[sflag:s20] =	ssyncadd.s32 $0xFFFFE000  }
0x5e9: {  	_ =	swait.ge [sflag:s20], $0x2000  }
0x5ea: {  	[sflag:s20] =	ssyncset.done $0x0  }
0x5eb: {  	s31 =	simm.s32 $0x15D00;
	[sflag:s20] =	ssyncadd.s32 $0xFFFFE000  }
0x5ec: {  	[spmem:s3] =	stream.indirect.scatter.add.f32 [tilespmem:s13], [sflag:$0x4], $0x80, s31, s21, $0xb8;
	[tilespmem:$0x1E000] =	vst v63  }
0x5ed: {  	_ =	swait.ge [sflag:s6], $0x4000  }
0x5ee: {  	[sflag:s6] =	ssyncset.done $0x0  }
0x5ef: {  	s31 =	simm.s32 $0x14E00;
	[sflag:s6] =	ssyncadd.s32 $0xFFFFC000  }
0x5f0: {  	[tilespmem:s13], [sflag:$0x1] =	stream.indirect.gather [hbm4b:s2+s12], $0x80, s31, s12, $0xb8;
	[tilespmem:$0x1E000] =	vst v63  }
0x5f1: {  	s31 =	simm.s32 $0x14E40  }
0x5f2: {  	[tilespmem:s15], [sflag:$0x1] =	stream.indirect.gather [hbm4b:s2+s12], $0x80, s31, s12, $0xb8;
	[tilespmem:$0x1E000] =	vst v63  }
0x5f3: {  	_ =	swait.ge [sflag:s24], $0x2000  }
0x5f4: {  	[sflag:s24] =	ssyncset.done $0x0  }
0x5f5: {  	[sflag:s24] =	ssyncadd.s32 $0xFFFFE000  }
0x5f6: {  	_ =	swait.ge [sflag:s24], $0x2000  }
0x5f7: {  	[sflag:s24] =	ssyncset.done $0x0  }
0x5f8: {  	s31 =	simm.s32 $0x15D80;
	[sflag:s24] =	ssyncadd.s32 $0xFFFFE000  }
0x5f9: {  	[spmem:s3] =	stream.indirect.scatter.add.f32 [tilespmem:s17], [sflag:$0x4], $0x80, s31, s21, $0xb8;
	[tilespmem:$0x1E000] =	vst v63  }
0x5fa: {  	_ =	swait.ge [sflag:s6], $0x4000  }
0x5fb: {  	[sflag:s6] =	ssyncset.done $0x0  }
0x5fc: {  	s31 =	simm.s32 $0x14E80;
	[sflag:s6] =	ssyncadd.s32 $0xFFFFC000  }
0x5fd: {  	[tilespmem:s17], [sflag:$0x2] =	stream.indirect.gather [hbm4b:s2+s12], $0x80, s31, s12, $0xb8;
	[tilespmem:$0x1E000] =	vst v63  }
0x5fe: {  	s31 =	simm.s32 $0x14EC0  }
0x5ff: {  	[tilespmem:s19], [sflag:$0x2] =	stream.indirect.gather [hbm4b:s2+s12], $0x80, s31, s12, $0xb8;
	[tilespmem:$0x1E000] =	vst v63  }
0x600: {  	_ =	swait.ge [sflag:s20], $0x2000  }
0x601: {  	[sflag:s20] =	ssyncset.done $0x0  }
0x602: {  	[sflag:s20] =	ssyncadd.s32 $0xFFFFE000  }
0x603: {  	_ =	swait.ge [sflag:s20], $0x2000  }
0x604: {  	[sflag:s20] =	ssyncset.done $0x0  }
0x605: {  	s31 =	simm.s32 $0x15E00;
	[sflag:s20] =	ssyncadd.s32 $0xFFFFE000  }
0x606: {  	[spmem:s3] =	stream.indirect.scatter.add.f32 [tilespmem:s13], [sflag:$0x4], $0x80, s31, s21, $0xb8;
	[tilespmem:$0x1E000] =	vst v63  }
0x607: {  	_ =	swait.ge [sflag:s6], $0x4000  }
0x608: {  	[sflag:s6] =	ssyncset.done $0x0  }
0x609: {  	s31 =	simm.s32 $0x14F00;
	[sflag:s6] =	ssyncadd.s32 $0xFFFFC000  }
0x60a: {  	[tilespmem:s13], [sflag:$0x1] =	stream.indirect.gather [hbm4b:s2+s12], $0x80, s31, s12, $0xb8;
	[tilespmem:$0x1E000] =	vst v63  }
0x60b: {  	s31 =	simm.s32 $0x14F40  }
0x60c: {  	[tilespmem:s15], [sflag:$0x1] =	stream.indirect.gather [hbm4b:s2+s12], $0x80, s31, s12, $0xb8;
	[tilespmem:$0x1E000] =	vst v63  }
0x60d: {  	_ =	swait.ge [sflag:s24], $0x2000  }
0x60e: {  	[sflag:s24] =	ssyncset.done $0x0  }
0x60f: {  	[sflag:s24] =	ssyncadd.s32 $0xFFFFE000  }
0x610: {  	_ =	swait.ge [sflag:s24], $0x2000  }
0x611: {  	[sflag:s24] =	ssyncset.done $0x0  }
0x612: {  	s31 =	simm.s32 $0x15E80;
	[sflag:s24] =	ssyncadd.s32 $0xFFFFE000  }
0x613: {  	[spmem:s3] =	stream.indirect.scatter.add.f32 [tilespmem:s17], [sflag:$0x4], $0x80, s31, s21, $0xb8;
	[tilespmem:$0x1E000] =	vst v63  }
0x614: {  	_ =	swait.ge [sflag:s6], $0x4000  }
0x615: {  	[sflag:s6] =	ssyncset.done $0x0  }
0x616: {  	s31 =	simm.s32 $0x14F80;
	[sflag:s6] =	ssyncadd.s32 $0xFFFFC000  }
0x617: {  	[tilespmem:s17], [sflag:$0x2] =	stream.indirect.gather [hbm4b:s2+s12], $0x80, s31, s12, $0xb8;
	[tilespmem:$0x1E000] =	vst v63  }
0x618: {  	s31 =	simm.s32 $0x14FC0  }
0x619: {  	[tilespmem:s19], [sflag:$0x2] =	stream.indirect.gather [hbm4b:s2+s12], $0x80, s31, s12, $0xb8;
	[tilespmem:$0x1E000] =	vst v63  }
0x61a: {  	_ =	swait.ge [sflag:s20], $0x2000  }
0x61b: {  	[sflag:s20] =	ssyncset.done $0x0  }
0x61c: {  	[sflag:s20] =	ssyncadd.s32 $0xFFFFE000  }
0x61d: {  	_ =	swait.ge [sflag:s20], $0x2000  }
0x61e: {  	[sflag:s20] =	ssyncset.done $0x0  }
0x61f: {  	s31 =	simm.s32 $0x15F00;
	[sflag:s20] =	ssyncadd.s32 $0xFFFFE000  }
0x620: {  	[spmem:s3] =	stream.indirect.scatter.add.f32 [tilespmem:s13], [sflag:$0x4], $0x80, s31, s21, $0xb8;
	[tilespmem:$0x1E000] =	vst v63  }
0x621: {  	_ =	swait.ge [sflag:s6], $0x4000  }
0x622: {  	[sflag:s6] =	ssyncset.done $0x0  }
0x623: {  	[sflag:s6] =	ssyncadd.s32 $0xFFFFC000  }
0x624: {  	_ =	swait.ge [sflag:s26], $0x800  }
0x625: {  	[sflag:s26] =	ssyncset.done $0x0  }
0x626: {  	[sflag:s26] =	ssyncadd.s32 $0xFFFFF800  }
0x627: {  	_ =	swait.ge [sflag:s26], $0x800  }
0x628: {  	[sflag:s26] =	ssyncset.done $0x0  }
0x629: {  	[sflag:s26] =	ssyncadd.s32 $0xFFFFF800  }
0x62a: {  	[tilespmem:s13], [sflag:$0x1] =	stream.indirect.gather [hbm4b:s2+s12], $0x80, s9, s12, $0xb8;
	[tilespmem:$0x1E000] =	vst v63  }
0x62b: {  	s31 =	simm.s32 $0x14040  }
0x62c: {  	[tilespmem:s15], [sflag:$0x1] =	stream.indirect.gather [hbm4b:s2+s12], $0x80, s31, s12, $0xb8;
	[tilespmem:$0x1E000] =	vst v63  }
0x62d: {  	_ =	swait.ge [sflag:s24], $0x2000  }
0x62e: {  	[sflag:s24] =	ssyncset.done $0x0  }
0x62f: {  	[sflag:s24] =	ssyncadd.s32 $0xFFFFE000  }
0x630: {  	_ =	swait.ge [sflag:s24], $0x2000  }
0x631: {  	[sflag:s24] =	ssyncset.done $0x0  }
0x632: {  	s31 =	simm.s32 $0x15F80;
	[sflag:s24] =	ssyncadd.s32 $0xFFFFE000  }
0x633: {  	[spmem:s3] =	stream.indirect.scatter.add.f32 [tilespmem:s17], [sflag:$0x4], $0x80, s31, s21, $0xb8;
	[tilespmem:$0x1E000] =	vst v63  }
0x634: {  	_ =	swait.ge [sflag:s6], $0x4000  }
0x635: {  	[sflag:s6] =	ssyncset.done $0x0  }
0x636: {  	s31 =	simm.s32 $0x14080;
	[sflag:s6] =	ssyncadd.s32 $0xFFFFC000  }
0x637: {  	[tilespmem:s17], [sflag:$0x2] =	stream.indirect.gather [hbm4b:s2+s12], $0x80, s31, s12, $0xb8;
	[tilespmem:$0x1E000] =	vst v63  }
0x638: {  	s31 =	simm.s32 $0x140C0  }
0x639: {  	[tilespmem:s19], [sflag:$0x2] =	stream.indirect.gather [hbm4b:s2+s12], $0x80, s31, s12, $0xb8;
	[tilespmem:$0x1E000] =	vst v63  }
0x63a: {  	s30 =	rddreg [dreg:$0xc]  }
0x63b: {  	[tilespmem:s11], [sflag:$0x3] =	stream.linear.gather [hbm4b:s30+s0], $0x800, $0x38;
	[tilespmem:$0x1E000] =	vst v63  }
0x63c: {  	s31 =	rddreg [dreg:$0xd]  }
0x63d: {  	[tilespmem:s8], [sflag:$0x3] =	stream.linear.gather [hbm4b:s31+s0], $0x800, $0x38;
	[tilespmem:$0x1E000] =	vst v63  }
0x63e: {  	_ =	swait.ge [sflag:s20], $0x2000  }
0x63f: {  	[sflag:s20] =	ssyncset.done $0x0  }
0x640: {  	[sflag:s20] =	ssyncadd.s32 $0xFFFFE000  }
0x641: {  	_ =	swait.ge [sflag:s20], $0x2000  }
0x642: {  	[sflag:s20] =	ssyncset.done $0x0  }
0x643: {  	[sflag:s20] =	ssyncadd.s32 $0xFFFFE000  }
0x644: {  	[spmem:s3] =	stream.indirect.scatter.add.f32 [tilespmem:s13], [sflag:$0x4], $0x80, s1, s21, $0xb8;
	[tilespmem:$0x1E000] =	vst v63  }
0x645: {  	_ =	swait.ge [sflag:s6], $0x4000  }
0x646: {  	[sflag:s6] =	ssyncset.done $0x0  }
0x647: {  	s31 =	simm.s32 $0x14100;
	[sflag:s6] =	ssyncadd.s32 $0xFFFFC000  }
0x648: {  	[tilespmem:s13], [sflag:$0x1] =	stream.indirect.gather [hbm4b:s2+s12], $0x80, s31, s12, $0xb8;
	[tilespmem:$0x1E000] =	vst v63  }
0x649: {  	s31 =	simm.s32 $0x14140  }
0x64a: {  	[tilespmem:s15], [sflag:$0x1] =	stream.indirect.gather [hbm4b:s2+s12], $0x80, s31, s12, $0xb8;
	[tilespmem:$0x1E000] =	vst v63  }
0x64b: {  	_ =	swait.ge [sflag:s24], $0x2000  }
0x64c: {  	[sflag:s24] =	ssyncset.done $0x0  }
0x64d: {  	[sflag:s24] =	ssyncadd.s32 $0xFFFFE000  }
0x64e: {  	_ =	swait.ge [sflag:s24], $0x2000  }
0x64f: {  	[sflag:s24] =	ssyncset.done $0x0  }
0x650: {  	s31 =	simm.s32 $0x15080;
	[sflag:s24] =	ssyncadd.s32 $0xFFFFE000  }
0x651: {  	[spmem:s3] =	stream.indirect.scatter.add.f32 [tilespmem:s17], [sflag:$0x4], $0x80, s31, s21, $0xb8;
	[tilespmem:$0x1E000] =	vst v63  }
0x652: {  	_ =	swait.ge [sflag:s6], $0x4000  }
0x653: {  	[sflag:s6] =	ssyncset.done $0x0  }
0x654: {  	s31 =	simm.s32 $0x14180;
	[sflag:s6] =	ssyncadd.s32 $0xFFFFC000  }
0x655: {  	[tilespmem:s17], [sflag:$0x2] =	stream.indirect.gather [hbm4b:s2+s12], $0x80, s31, s12, $0xb8;
	[tilespmem:$0x1E000] =	vst v63  }
0x656: {  	s31 =	simm.s32 $0x141C0  }
0x657: {  	[tilespmem:s19], [sflag:$0x2] =	stream.indirect.gather [hbm4b:s2+s12], $0x80, s31, s12, $0xb8;
	[tilespmem:$0x1E000] =	vst v63  }
0x658: {  	_ =	swait.ge [sflag:s20], $0x2000  }
0x659: {  	[sflag:s20] =	ssyncset.done $0x0  }
0x65a: {  	[sflag:s20] =	ssyncadd.s32 $0xFFFFE000  }
0x65b: {  	_ =	swait.ge [sflag:s20], $0x2000  }
0x65c: {  	[sflag:s20] =	ssyncset.done $0x0  }
0x65d: {  	s31 =	simm.s32 $0x15100;
	[sflag:s20] =	ssyncadd.s32 $0xFFFFE000  }
0x65e: {  	[spmem:s3] =	stream.indirect.scatter.add.f32 [tilespmem:s13], [sflag:$0x4], $0x80, s31, s21, $0xb8;
	[tilespmem:$0x1E000] =	vst v63  }
0x65f: {  	_ =	swait.ge [sflag:s6], $0x4000  }
0x660: {  	[sflag:s6] =	ssyncset.done $0x0  }
0x661: {  	s31 =	simm.s32 $0x14200;
	[sflag:s6] =	ssyncadd.s32 $0xFFFFC000  }
0x662: {  	[tilespmem:s13], [sflag:$0x1] =	stream.indirect.gather [hbm4b:s2+s12], $0x80, s31, s12, $0xb8;
	[tilespmem:$0x1E000] =	vst v63  }
0x663: {  	s31 =	simm.s32 $0x14240  }
0x664: {  	[tilespmem:s15], [sflag:$0x1] =	stream.indirect.gather [hbm4b:s2+s12], $0x80, s31, s12, $0xb8;
	[tilespmem:$0x1E000] =	vst v63  }
0x665: {  	_ =	swait.ge [sflag:s24], $0x2000  }
0x666: {  	[sflag:s24] =	ssyncset.done $0x0  }
0x667: {  	[sflag:s24] =	ssyncadd.s32 $0xFFFFE000  }
0x668: {  	_ =	swait.ge [sflag:s24], $0x2000  }
0x669: {  	[sflag:s24] =	ssyncset.done $0x0  }
0x66a: {  	s31 =	simm.s32 $0x15180;
	[sflag:s24] =	ssyncadd.s32 $0xFFFFE000  }
0x66b: {  	[spmem:s3] =	stream.indirect.scatter.add.f32 [tilespmem:s17], [sflag:$0x4], $0x80, s31, s21, $0xb8;
	[tilespmem:$0x1E000] =	vst v63  }
0x66c: {  	_ =	swait.ge [sflag:s6], $0x4000  }
0x66d: {  	[sflag:s6] =	ssyncset.done $0x0  }
0x66e: {  	s31 =	simm.s32 $0x14280;
	[sflag:s6] =	ssyncadd.s32 $0xFFFFC000  }
0x66f: {  	[tilespmem:s17], [sflag:$0x2] =	stream.indirect.gather [hbm4b:s2+s12], $0x80, s31, s12, $0xb8;
	[tilespmem:$0x1E000] =	vst v63  }
0x670: {  	s31 =	simm.s32 $0x142C0  }
0x671: {  	[tilespmem:s19], [sflag:$0x2] =	stream.indirect.gather [hbm4b:s2+s12], $0x80, s31, s12, $0xb8;
	[tilespmem:$0x1E000] =	vst v63  }
0x672: {  	_ =	swait.ge [sflag:s20], $0x2000  }
0x673: {  	[sflag:s20] =	ssyncset.done $0x0  }
0x674: {  	[sflag:s20] =	ssyncadd.s32 $0xFFFFE000  }
0x675: {  	_ =	swait.ge [sflag:s20], $0x2000  }
0x676: {  	[sflag:s20] =	ssyncset.done $0x0  }
0x677: {  	s31 =	simm.s32 $0x15200;
	[sflag:s20] =	ssyncadd.s32 $0xFFFFE000  }
0x678: {  	[spmem:s3] =	stream.indirect.scatter.add.f32 [tilespmem:s13], [sflag:$0x4], $0x80, s31, s21, $0xb8;
	[tilespmem:$0x1E000] =	vst v63  }
0x679: {  	_ =	swait.ge [sflag:s6], $0x4000  }
0x67a: {  	[sflag:s6] =	ssyncset.done $0x0  }
0x67b: {  	s31 =	simm.s32 $0x14300;
	[sflag:s6] =	ssyncadd.s32 $0xFFFFC000  }
0x67c: {  	[tilespmem:s13], [sflag:$0x1] =	stream.indirect.gather [hbm4b:s2+s12], $0x80, s31, s12, $0xb8;
	[tilespmem:$0x1E000] =	vst v63  }
0x67d: {  	s31 =	simm.s32 $0x14340  }
0x67e: {  	[tilespmem:s15], [sflag:$0x1] =	stream.indirect.gather [hbm4b:s2+s12], $0x80, s31, s12, $0xb8;
	[tilespmem:$0x1E000] =	vst v63  }
0x67f: {  	_ =	swait.ge [sflag:s24], $0x2000  }
0x680: {  	[sflag:s24] =	ssyncset.done $0x0  }
0x681: {  	[sflag:s24] =	ssyncadd.s32 $0xFFFFE000  }
0x682: {  	_ =	swait.ge [sflag:s24], $0x2000  }
0x683: {  	[sflag:s24] =	ssyncset.done $0x0  }
0x684: {  	s31 =	simm.s32 $0x15280;
	[sflag:s24] =	ssyncadd.s32 $0xFFFFE000  }
0x685: {  	[spmem:s3] =	stream.indirect.scatter.add.f32 [tilespmem:s17], [sflag:$0x4], $0x80, s31, s21, $0xb8;
	[tilespmem:$0x1E000] =	vst v63  }
0x686: {  	_ =	swait.ge [sflag:s6], $0x4000  }
0x687: {  	[sflag:s6] =	ssyncset.done $0x0  }
0x688: {  	s31 =	simm.s32 $0x14380;
	[sflag:s6] =	ssyncadd.s32 $0xFFFFC000  }
0x689: {  	[tilespmem:s17], [sflag:$0x2] =	stream.indirect.gather [hbm4b:s2+s12], $0x80, s31, s12, $0xb8;
	[tilespmem:$0x1E000] =	vst v63  }
0x68a: {  	s31 =	simm.s32 $0x143C0  }
0x68b: {  	[tilespmem:s19], [sflag:$0x2] =	stream.indirect.gather [hbm4b:s2+s12], $0x80, s31, s12, $0xb8;
	[tilespmem:$0x1E000] =	vst v63  }
0x68c: {  	_ =	swait.ge [sflag:s20], $0x2000  }
0x68d: {  	[sflag:s20] =	ssyncset.done $0x0  }
0x68e: {  	[sflag:s20] =	ssyncadd.s32 $0xFFFFE000  }
0x68f: {  	_ =	swait.ge [sflag:s20], $0x2000  }
0x690: {  	[sflag:s20] =	ssyncset.done $0x0  }
0x691: {  	s31 =	simm.s32 $0x15300;
	[sflag:s20] =	ssyncadd.s32 $0xFFFFE000  }
0x692: {  	[spmem:s3] =	stream.indirect.scatter.add.f32 [tilespmem:s13], [sflag:$0x4], $0x80, s31, s21, $0xb8;
	[tilespmem:$0x1E000] =	vst v63  }
0x693: {  	_ =	swait.ge [sflag:s6], $0x4000  }
0x694: {  	[sflag:s6] =	ssyncset.done $0x0  }
0x695: {  	s31 =	simm.s32 $0x14400;
	[sflag:s6] =	ssyncadd.s32 $0xFFFFC000  }
0x696: {  	[tilespmem:s13], [sflag:$0x1] =	stream.indirect.gather [hbm4b:s2+s12], $0x80, s31, s12, $0xb8;
	[tilespmem:$0x1E000] =	vst v63  }
0x697: {  	s31 =	simm.s32 $0x14440  }
0x698: {  	[tilespmem:s15], [sflag:$0x1] =	stream.indirect.gather [hbm4b:s2+s12], $0x80, s31, s12, $0xb8;
	[tilespmem:$0x1E000] =	vst v63  }
0x699: {  	_ =	swait.ge [sflag:s24], $0x2000  }
0x69a: {  	[sflag:s24] =	ssyncset.done $0x0  }
0x69b: {  	[sflag:s24] =	ssyncadd.s32 $0xFFFFE000  }
0x69c: {  	_ =	swait.ge [sflag:s24], $0x2000  }
0x69d: {  	[sflag:s24] =	ssyncset.done $0x0  }
0x69e: {  	s31 =	simm.s32 $0x15380;
	[sflag:s24] =	ssyncadd.s32 $0xFFFFE000  }
0x69f: {  	[spmem:s3] =	stream.indirect.scatter.add.f32 [tilespmem:s17], [sflag:$0x4], $0x80, s31, s21, $0xb8;
	[tilespmem:$0x1E000] =	vst v63  }
0x6a0: {  	_ =	swait.ge [sflag:s6], $0x4000  }
0x6a1: {  	[sflag:s6] =	ssyncset.done $0x0  }
0x6a2: {  	s31 =	simm.s32 $0x14480;
	[sflag:s6] =	ssyncadd.s32 $0xFFFFC000  }
0x6a3: {  	[tilespmem:s17], [sflag:$0x2] =	stream.indirect.gather [hbm4b:s2+s12], $0x80, s31, s12, $0xb8;
	[tilespmem:$0x1E000] =	vst v63  }
0x6a4: {  	s31 =	simm.s32 $0x144C0  }
0x6a5: {  	[tilespmem:s19], [sflag:$0x2] =	stream.indirect.gather [hbm4b:s2+s12], $0x80, s31, s12, $0xb8;
	[tilespmem:$0x1E000] =	vst v63  }
0x6a6: {  	_ =	swait.ge [sflag:s20], $0x2000  }
0x6a7: {  	[sflag:s20] =	ssyncset.done $0x0  }
0x6a8: {  	[sflag:s20] =	ssyncadd.s32 $0xFFFFE000  }
0x6a9: {  	_ =	swait.ge [sflag:s20], $0x2000  }
0x6aa: {  	[sflag:s20] =	ssyncset.done $0x0  }
0x6ab: {  	s31 =	simm.s32 $0x15400;
	[sflag:s20] =	ssyncadd.s32 $0xFFFFE000  }
0x6ac: {  	[spmem:s3] =	stream.indirect.scatter.add.f32 [tilespmem:s13], [sflag:$0x4], $0x80, s31, s21, $0xb8;
	[tilespmem:$0x1E000] =	vst v63  }
0x6ad: {  	_ =	swait.ge [sflag:s6], $0x4000  }
0x6ae: {  	[sflag:s6] =	ssyncset.done $0x0  }
0x6af: {  	s31 =	simm.s32 $0x14500;
	[sflag:s6] =	ssyncadd.s32 $0xFFFFC000  }
0x6b0: {  	[tilespmem:s13], [sflag:$0x1] =	stream.indirect.gather [hbm4b:s2+s12], $0x80, s31, s12, $0xb8;
	[tilespmem:$0x1E000] =	vst v63  }
0x6b1: {  	s31 =	simm.s32 $0x14540  }
0x6b2: {  	[tilespmem:s15], [sflag:$0x1] =	stream.indirect.gather [hbm4b:s2+s12], $0x80, s31, s12, $0xb8;
	[tilespmem:$0x1E000] =	vst v63  }
0x6b3: {  	_ =	swait.ge [sflag:s24], $0x2000  }
0x6b4: {  	[sflag:s24] =	ssyncset.done $0x0  }
0x6b5: {  	[sflag:s24] =	ssyncadd.s32 $0xFFFFE000  }
0x6b6: {  	_ =	swait.ge [sflag:s24], $0x2000  }
0x6b7: {  	[sflag:s24] =	ssyncset.done $0x0  }
0x6b8: {  	s31 =	simm.s32 $0x15480;
	[sflag:s24] =	ssyncadd.s32 $0xFFFFE000  }
0x6b9: {  	[spmem:s3] =	stream.indirect.scatter.add.f32 [tilespmem:s17], [sflag:$0x4], $0x80, s31, s21, $0xb8;
	[tilespmem:$0x1E000] =	vst v63  }
0x6ba: {  	_ =	swait.ge [sflag:s6], $0x4000  }
0x6bb: {  	[sflag:s6] =	ssyncset.done $0x0  }
0x6bc: {  	s31 =	simm.s32 $0x14580;
	[sflag:s6] =	ssyncadd.s32 $0xFFFFC000  }
0x6bd: {  	[tilespmem:s17], [sflag:$0x2] =	stream.indirect.gather [hbm4b:s2+s12], $0x80, s31, s12, $0xb8;
	[tilespmem:$0x1E000] =	vst v63  }
0x6be: {  	s31 =	simm.s32 $0x145C0  }
0x6bf: {  	[tilespmem:s19], [sflag:$0x2] =	stream.indirect.gather [hbm4b:s2+s12], $0x80, s31, s12, $0xb8;
	[tilespmem:$0x1E000] =	vst v63  }
0x6c0: {  	_ =	swait.ge [sflag:s20], $0x2000  }
0x6c1: {  	[sflag:s20] =	ssyncset.done $0x0  }
0x6c2: {  	[sflag:s20] =	ssyncadd.s32 $0xFFFFE000  }
0x6c3: {  	_ =	swait.ge [sflag:s20], $0x2000  }
0x6c4: {  	[sflag:s20] =	ssyncset.done $0x0  }
0x6c5: {  	s31 =	simm.s32 $0x15500;
	[sflag:s20] =	ssyncadd.s32 $0xFFFFE000  }
0x6c6: {  	[spmem:s3] =	stream.indirect.scatter.add.f32 [tilespmem:s13], [sflag:$0x4], $0x80, s31, s21, $0xb8;
	[tilespmem:$0x1E000] =	vst v63  }
0x6c7: {  	_ =	swait.ge [sflag:s6], $0x4000  }
0x6c8: {  	[sflag:s6] =	ssyncset.done $0x0  }
0x6c9: {  	s31 =	simm.s32 $0x14600;
	[sflag:s6] =	ssyncadd.s32 $0xFFFFC000  }
0x6ca: {  	[tilespmem:s13], [sflag:$0x1] =	stream.indirect.gather [hbm4b:s2+s12], $0x80, s31, s12, $0xb8;
	[tilespmem:$0x1E000] =	vst v63  }
0x6cb: {  	s31 =	simm.s32 $0x14640  }
0x6cc: {  	[tilespmem:s15], [sflag:$0x1] =	stream.indirect.gather [hbm4b:s2+s12], $0x80, s31, s12, $0xb8;
	[tilespmem:$0x1E000] =	vst v63  }
0x6cd: {  	_ =	swait.ge [sflag:s24], $0x2000  }
0x6ce: {  	[sflag:s24] =	ssyncset.done $0x0  }
0x6cf: {  	[sflag:s24] =	ssyncadd.s32 $0xFFFFE000  }
0x6d0: {  	_ =	swait.ge [sflag:s24], $0x2000  }
0x6d1: {  	[sflag:s24] =	ssyncset.done $0x0  }
0x6d2: {  	s31 =	simm.s32 $0x15580;
	[sflag:s24] =	ssyncadd.s32 $0xFFFFE000  }
0x6d3: {  	[spmem:s3] =	stream.indirect.scatter.add.f32 [tilespmem:s17], [sflag:$0x4], $0x80, s31, s21, $0xb8;
	[tilespmem:$0x1E000] =	vst v63  }
0x6d4: {  	_ =	swait.ge [sflag:s6], $0x4000  }
0x6d5: {  	[sflag:s6] =	ssyncset.done $0x0  }
0x6d6: {  	s31 =	simm.s32 $0x14680;
	[sflag:s6] =	ssyncadd.s32 $0xFFFFC000  }
0x6d7: {  	[tilespmem:s17], [sflag:$0x2] =	stream.indirect.gather [hbm4b:s2+s12], $0x80, s31, s12, $0xb8;
	[tilespmem:$0x1E000] =	vst v63  }
0x6d8: {  	s31 =	simm.s32 $0x146C0  }
0x6d9: {  	[tilespmem:s19], [sflag:$0x2] =	stream.indirect.gather [hbm4b:s2+s12], $0x80, s31, s12, $0xb8;
	[tilespmem:$0x1E000] =	vst v63  }
0x6da: {  	_ =	swait.ge [sflag:s20], $0x2000  }
0x6db: {  	[sflag:s20] =	ssyncset.done $0x0  }
0x6dc: {  	[sflag:s20] =	ssyncadd.s32 $0xFFFFE000  }
0x6dd: {  	_ =	swait.ge [sflag:s20], $0x2000  }
0x6de: {  	[sflag:s20] =	ssyncset.done $0x0  }
0x6df: {  	s31 =	simm.s32 $0x15600;
	[sflag:s20] =	ssyncadd.s32 $0xFFFFE000  }
0x6e0: {  	[spmem:s3] =	stream.indirect.scatter.add.f32 [tilespmem:s13], [sflag:$0x4], $0x80, s31, s21, $0xb8;
	[tilespmem:$0x1E000] =	vst v63  }
0x6e1: {  	_ =	swait.ge [sflag:s6], $0x4000  }
0x6e2: {  	[sflag:s6] =	ssyncset.done $0x0  }
0x6e3: {  	s31 =	simm.s32 $0x14700;
	[sflag:s6] =	ssyncadd.s32 $0xFFFFC000  }
0x6e4: {  	[tilespmem:s13], [sflag:$0x1] =	stream.indirect.gather [hbm4b:s2+s12], $0x80, s31, s12, $0xb8;
	[tilespmem:$0x1E000] =	vst v63  }
0x6e5: {  	s31 =	simm.s32 $0x14740  }
0x6e6: {  	[tilespmem:s15], [sflag:$0x1] =	stream.indirect.gather [hbm4b:s2+s12], $0x80, s31, s12, $0xb8;
	[tilespmem:$0x1E000] =	vst v63  }
0x6e7: {  	_ =	swait.ge [sflag:s24], $0x2000  }
0x6e8: {  	[sflag:s24] =	ssyncset.done $0x0  }
0x6e9: {  	[sflag:s24] =	ssyncadd.s32 $0xFFFFE000  }
0x6ea: {  	_ =	swait.ge [sflag:s24], $0x2000  }
0x6eb: {  	[sflag:s24] =	ssyncset.done $0x0  }
0x6ec: {  	s31 =	simm.s32 $0x15680;
	[sflag:s24] =	ssyncadd.s32 $0xFFFFE000  }
0x6ed: {  	[spmem:s3] =	stream.indirect.scatter.add.f32 [tilespmem:s17], [sflag:$0x4], $0x80, s31, s21, $0xb8;
	[tilespmem:$0x1E000] =	vst v63  }
0x6ee: {  	_ =	swait.ge [sflag:s6], $0x4000  }
0x6ef: {  	[sflag:s6] =	ssyncset.done $0x0  }
0x6f0: {  	s31 =	simm.s32 $0x14780;
	[sflag:s6] =	ssyncadd.s32 $0xFFFFC000  }
0x6f1: {  	[tilespmem:s17], [sflag:$0x2] =	stream.indirect.gather [hbm4b:s2+s12], $0x80, s31, s12, $0xb8;
	[tilespmem:$0x1E000] =	vst v63  }
0x6f2: {  	s31 =	simm.s32 $0x147C0  }
0x6f3: {  	[tilespmem:s19], [sflag:$0x2] =	stream.indirect.gather [hbm4b:s2+s12], $0x80, s31, s12, $0xb8;
	[tilespmem:$0x1E000] =	vst v63  }
0x6f4: {  	_ =	swait.ge [sflag:s20], $0x2000  }
0x6f5: {  	[sflag:s20] =	ssyncset.done $0x0  }
0x6f6: {  	[sflag:s20] =	ssyncadd.s32 $0xFFFFE000  }
0x6f7: {  	_ =	swait.ge [sflag:s20], $0x2000  }
0x6f8: {  	[sflag:s20] =	ssyncset.done $0x0  }
0x6f9: {  	s31 =	simm.s32 $0x15700;
	[sflag:s20] =	ssyncadd.s32 $0xFFFFE000  }
0x6fa: {  	[spmem:s3] =	stream.indirect.scatter.add.f32 [tilespmem:s13], [sflag:$0x4], $0x80, s31, s21, $0xb8;
	[tilespmem:$0x1E000] =	vst v63  }
0x6fb: {  	_ =	swait.ge [sflag:s6], $0x4000  }
0x6fc: {  	[sflag:s6] =	ssyncset.done $0x0  }
0x6fd: {  	[sflag:s6] =	ssyncadd.s32 $0xFFFFC000  }
0x6fe: {  	_ =	swait.ge [sflag:s26], $0x800  }
0x6ff: {  	[sflag:s26] =	ssyncset.done $0x0  }
0x700: {  	[sflag:s26] =	ssyncadd.s32 $0xFFFFF800  }
0x701: {  	_ =	swait.ge [sflag:s26], $0x800  }
0x702: {  	[sflag:s26] =	ssyncset.done $0x0  }
0x703: {  	[sflag:s26] =	ssyncadd.s32 $0xFFFFF800  }
0x704: {  	[tilespmem:s13], [sflag:$0x1] =	stream.indirect.gather [hbm4b:s2+s12], $0x80, s11, s12, $0xb8;
	[tilespmem:$0x1E000] =	vst v63  }
0x705: {  	s30 =	simm.s32 $0x14840  }
0x706: {  	[tilespmem:s15], [sflag:$0x1] =	stream.indirect.gather [hbm4b:s2+s12], $0x80, s30, s12, $0xb8;
	[tilespmem:$0x1E000] =	vst v63  }
0x707: {  	_ =	swait.ge [sflag:s24], $0x2000  }
0x708: {  	[sflag:s24] =	ssyncset.done $0x0  }
0x709: {  	[sflag:s24] =	ssyncadd.s32 $0xFFFFE000  }
0x70a: {  	_ =	swait.ge [sflag:s24], $0x2000  }
0x70b: {  	[sflag:s24] =	ssyncset.done $0x0  }
0x70c: {  	s31 =	simm.s32 $0x15780;
	[sflag:s24] =	ssyncadd.s32 $0xFFFFE000  }
0x70d: {  	[spmem:s3] =	stream.indirect.scatter.add.f32 [tilespmem:s17], [sflag:$0x4], $0x80, s31, s21, $0xb8;
	[tilespmem:$0x1E000] =	vst v63  }
0x70e: {  	_ =	swait.ge [sflag:s6], $0x4000  }
0x70f: {  	[sflag:s6] =	ssyncset.done $0x0  }
0x710: {  	[sflag:s6] =	ssyncadd.s32 $0xFFFFC000  }
0x711: {  	[tilespmem:s17], [sflag:$0x2] =	stream.indirect.gather [hbm4b:s2+s12], $0x80, s4, s12, $0xb8;
	[tilespmem:$0x1E000] =	vst v63  }
0x712: {  	_ = 	snop  }
0x713: {  	[tilespmem:s19], [sflag:$0x2] =	stream.indirect.gather [hbm4b:s2+s12], $0x80, s5, s12, $0xb8;
	[tilespmem:$0x1E000] =	vst v63  }
0x714: {  	s30 =	rddreg [dreg:$0xe]  }
0x715: {  	[tilespmem:s9], [sflag:$0x3] =	stream.linear.gather [hbm4b:s30+s0], $0x800, $0x38;
	[tilespmem:$0x1E000] =	vst v63  }
0x716: {  	s4 =	rddreg [dreg:$0xf]  }
0x717: {  	[tilespmem:s1], [sflag:$0x3] =	stream.linear.gather [hbm4b:s4+s0], $0x800, $0x38;
	[tilespmem:$0x1E000] =	vst v63  }
0x718: {  	_ =	swait.ge [sflag:s20], $0x2000  }
0x719: {  	[sflag:s20] =	ssyncset.done $0x0  }
0x71a: {  	[sflag:s20] =	ssyncadd.s32 $0xFFFFE000  }
0x71b: {  	_ =	swait.ge [sflag:s20], $0x2000  }
0x71c: {  	[sflag:s20] =	ssyncset.done $0x0  }
0x71d: {  	[sflag:s20] =	ssyncadd.s32 $0xFFFFE000  }
0x71e: {  	[spmem:s3] =	stream.indirect.scatter.add.f32 [tilespmem:s13], [sflag:$0x4], $0x80, s8, s21, $0xb8;
	[tilespmem:$0x1E000] =	vst v63  }
0x71f: {  	_ =	swait.ge [sflag:s6], $0x4000  }
0x720: {  	[sflag:s6] =	ssyncset.done $0x0  }
0x721: {  	[sflag:s6] =	ssyncadd.s32 $0xFFFFC000  }
0x722: {  	[tilespmem:s13], [sflag:$0x1] =	stream.indirect.gather [hbm4b:s2+s12], $0x80, s7, s12, $0xb8;
	[tilespmem:$0x1E000] =	vst v63  }
0x723: {  	_ = 	snop  }
0x724: {  	[tilespmem:s15], [sflag:$0x1] =	stream.indirect.gather [hbm4b:s2+s12], $0x80, s10, s12, $0xb8;
	[tilespmem:$0x1E000] =	vst v63  }
0x725: {  	_ =	swait.ge [sflag:s24], $0x2000  }
0x726: {  	[sflag:s24] =	ssyncset.done $0x0  }
0x727: {  	[sflag:s24] =	ssyncadd.s32 $0xFFFFE000  }
0x728: {  	_ =	swait.ge [sflag:s24], $0x2000  }
0x729: {  	[sflag:s24] =	ssyncset.done $0x0  }
0x72a: {  	[sflag:s24] =	ssyncadd.s32 $0xFFFFE000  }
0x72b: {  	[spmem:s3] =	stream.indirect.scatter.add.f32 [tilespmem:s17], [sflag:$0x4], $0x80, s14, s21, $0xb8;
	[tilespmem:$0x1E000] =	vst v63  }
0x72c: {  	_ =	swait.ge [sflag:s6], $0x4000  }
0x72d: {  	[sflag:s6] =	ssyncset.done $0x0  }
0x72e: {  	[sflag:s6] =	ssyncadd.s32 $0xFFFFC000  }
0x72f: {  	[tilespmem:s17], [sflag:$0x2] =	stream.indirect.gather [hbm4b:s2+s12], $0x80, s16, s12, $0xb8;
	[tilespmem:$0x1E000] =	vst v63  }
0x730: {  	_ = 	snop  }
0x731: {  	[tilespmem:s19], [sflag:$0x2] =	stream.indirect.gather [hbm4b:s2+s12], $0x80, s18, s12, $0xb8;
	[tilespmem:$0x1E000] =	vst v63  }
0x732: {  	_ =	swait.ge [sflag:s20], $0x2000  }
0x733: {  	[sflag:s20] =	ssyncset.done $0x0  }
0x734: {  	[sflag:s20] =	ssyncadd.s32 $0xFFFFE000  }
0x735: {  	_ =	swait.ge [sflag:s20], $0x2000  }
0x736: {  	[sflag:s20] =	ssyncset.done $0x0  }
0x737: {  	[sflag:s20] =	ssyncadd.s32 $0xFFFFE000  }
0x738: {  	[spmem:s3] =	stream.indirect.scatter.add.f32 [tilespmem:s13], [sflag:$0x4], $0x80, s22, s21, $0xb8;
	[tilespmem:$0x1E000] =	vst v63  }
0x739: {  	_ =	swait.ge [sflag:s6], $0x4000  }
0x73a: {  	[sflag:s6] =	ssyncset.done $0x0  }
0x73b: {  	[sflag:s6] =	ssyncadd.s32 $0xFFFFC000  }
0x73c: {  	[tilespmem:s13], [sflag:$0x1] =	stream.indirect.gather [hbm4b:s2+s12], $0x80, s23, s12, $0xb8;
	[tilespmem:$0x1E000] =	vst v63  }
0x73d: {  	_ = 	snop  }
0x73e: {  	[tilespmem:s15], [sflag:$0x1] =	stream.indirect.gather [hbm4b:s2+s12], $0x80, s25, s12, $0xb8;
	[tilespmem:$0x1E000] =	vst v63  }
0x73f: {  	_ =	swait.ge [sflag:s24], $0x2000  }
0x740: {  	[sflag:s24] =	ssyncset.done $0x0  }
0x741: {  	[sflag:s24] =	ssyncadd.s32 $0xFFFFE000  }
0x742: {  	_ =	swait.ge [sflag:s24], $0x2000  }
0x743: {  	[sflag:s24] =	ssyncset.done $0x0  }
0x744: {  	[sflag:s24] =	ssyncadd.s32 $0xFFFFE000  }
0x745: {  	[spmem:s3] =	stream.indirect.scatter.add.f32 [tilespmem:s17], [sflag:$0x4], $0x80, s28, s21, $0xb8;
	[tilespmem:$0x1E000] =	vst v63  }
0x746: {  	_ =	swait.ge [sflag:s6], $0x4000  }
0x747: {  	[sflag:s6] =	ssyncset.done $0x0  }
0x748: {  	s30 =	simm.s32 $0x14A80;
	[sflag:s6] =	ssyncadd.s32 $0xFFFFC000  }
0x749: {  	[tilespmem:s17], [sflag:$0x2] =	stream.indirect.gather [hbm4b:s2+s12], $0x80, s30, s12, $0xb8;
	[tilespmem:$0x1E000] =	vst v63  }
0x74a: {  	s31 =	simm.s32 $0x14AC0  }
0x74b: {  	[tilespmem:s19], [sflag:$0x2] =	stream.indirect.gather [hbm4b:s2+s12], $0x80, s31, s12, $0xb8;
	[tilespmem:$0x1E000] =	vst v63  }
0x74c: {  	_ =	swait.ge [sflag:s20], $0x2000  }
0x74d: {  	[sflag:s20] =	ssyncset.done $0x0  }
0x74e: {  	[sflag:s20] =	ssyncadd.s32 $0xFFFFE000  }
0x74f: {  	_ =	swait.ge [sflag:s20], $0x2000  }
0x750: {  	[sflag:s20] =	ssyncset.done $0x0  }
0x751: {  	s4 =	simm.s32 $0x15A00;
	[sflag:s20] =	ssyncadd.s32 $0xFFFFE000  }
0x752: {  	[spmem:s3] =	stream.indirect.scatter.add.f32 [tilespmem:s13], [sflag:$0x4], $0x80, s4, s21, $0xb8;
	[tilespmem:$0x1E000] =	vst v63  }
0x753: {  	_ =	swait.ge [sflag:s6], $0x4000  }
0x754: {  	[sflag:s6] =	ssyncset.done $0x0  }
0x755: {  	s30 =	simm.s32 $0x14B00;
	[sflag:s6] =	ssyncadd.s32 $0xFFFFC000  }
0x756: {  	[tilespmem:s13], [sflag:$0x1] =	stream.indirect.gather [hbm4b:s2+s12], $0x80, s30, s12, $0xb8;
	[tilespmem:$0x1E000] =	vst v63  }
0x757: {  	s31 =	simm.s32 $0x14B40  }
0x758: {  	[tilespmem:s15], [sflag:$0x1] =	stream.indirect.gather [hbm4b:s2+s12], $0x80, s31, s12, $0xb8;
	[tilespmem:$0x1E000] =	vst v63  }
0x759: {  	_ =	swait.ge [sflag:s24], $0x2000  }
0x75a: {  	[sflag:s24] =	ssyncset.done $0x0  }
0x75b: {  	[sflag:s24] =	ssyncadd.s32 $0xFFFFE000  }
0x75c: {  	_ =	swait.ge [sflag:s24], $0x2000  }
0x75d: {  	[sflag:s24] =	ssyncset.done $0x0  }
0x75e: {  	s4 =	simm.s32 $0x15A80;
	[sflag:s24] =	ssyncadd.s32 $0xFFFFE000  }
0x75f: {  	[spmem:s3] =	stream.indirect.scatter.add.f32 [tilespmem:s17], [sflag:$0x4], $0x80, s4, s21, $0xb8;
	[tilespmem:$0x1E000] =	vst v63  }
0x760: {  	_ =	swait.ge [sflag:s6], $0x4000  }
0x761: {  	[sflag:s6] =	ssyncset.done $0x0  }
0x762: {  	s30 =	simm.s32 $0x14B80;
	[sflag:s6] =	ssyncadd.s32 $0xFFFFC000  }
0x763: {  	[tilespmem:s17], [sflag:$0x2] =	stream.indirect.gather [hbm4b:s2+s12], $0x80, s30, s12, $0xb8;
	[tilespmem:$0x1E000] =	vst v63  }
0x764: {  	s31 =	simm.s32 $0x14BC0  }
0x765: {  	[tilespmem:s19], [sflag:$0x2] =	stream.indirect.gather [hbm4b:s2+s12], $0x80, s31, s12, $0xb8;
	[tilespmem:$0x1E000] =	vst v63  }
0x766: {  	_ =	swait.ge [sflag:s20], $0x2000  }
0x767: {  	[sflag:s20] =	ssyncset.done $0x0  }
0x768: {  	[sflag:s20] =	ssyncadd.s32 $0xFFFFE000  }
0x769: {  	_ =	swait.ge [sflag:s20], $0x2000  }
0x76a: {  	[sflag:s20] =	ssyncset.done $0x0  }
0x76b: {  	s4 =	simm.s32 $0x15B00;
	[sflag:s20] =	ssyncadd.s32 $0xFFFFE000  }
0x76c: {  	[spmem:s3] =	stream.indirect.scatter.add.f32 [tilespmem:s13], [sflag:$0x4], $0x80, s4, s21, $0xb8;
	[tilespmem:$0x1E000] =	vst v63  }
0x76d: {  	_ =	swait.ge [sflag:s6], $0x4000  }
0x76e: {  	[sflag:s6] =	ssyncset.done $0x0  }
0x76f: {  	s30 =	simm.s32 $0x14C00;
	[sflag:s6] =	ssyncadd.s32 $0xFFFFC000  }
0x770: {  	[tilespmem:s13], [sflag:$0x1] =	stream.indirect.gather [hbm4b:s2+s12], $0x80, s30, s12, $0xb8;
	[tilespmem:$0x1E000] =	vst v63  }
0x771: {  	s31 =	simm.s32 $0x14C40  }
0x772: {  	[tilespmem:s15], [sflag:$0x1] =	stream.indirect.gather [hbm4b:s2+s12], $0x80, s31, s12, $0xb8;
	[tilespmem:$0x1E000] =	vst v63  }
0x773: {  	_ =	swait.ge [sflag:s24], $0x2000  }
0x774: {  	[sflag:s24] =	ssyncset.done $0x0  }
0x775: {  	[sflag:s24] =	ssyncadd.s32 $0xFFFFE000  }
0x776: {  	_ =	swait.ge [sflag:s24], $0x2000  }
0x777: {  	[sflag:s24] =	ssyncset.done $0x0  }
0x778: {  	s4 =	simm.s32 $0x15B80;
	[sflag:s24] =	ssyncadd.s32 $0xFFFFE000  }
0x779: {  	[spmem:s3] =	stream.indirect.scatter.add.f32 [tilespmem:s17], [sflag:$0x4], $0x80, s4, s21, $0xb8;
	[tilespmem:$0x1E000] =	vst v63  }
0x77a: {  	_ =	swait.ge [sflag:s6], $0x4000  }
0x77b: {  	[sflag:s6] =	ssyncset.done $0x0  }
0x77c: {  	s30 =	simm.s32 $0x14C80;
	[sflag:s6] =	ssyncadd.s32 $0xFFFFC000  }
0x77d: {  	[tilespmem:s17], [sflag:$0x2] =	stream.indirect.gather [hbm4b:s2+s12], $0x80, s30, s12, $0xb8;
	[tilespmem:$0x1E000] =	vst v63  }
0x77e: {  	s31 =	simm.s32 $0x14CC0  }
0x77f: {  	[tilespmem:s19], [sflag:$0x2] =	stream.indirect.gather [hbm4b:s2+s12], $0x80, s31, s12, $0xb8;
	[tilespmem:$0x1E000] =	vst v63  }
0x780: {  	_ =	swait.ge [sflag:s20], $0x2000  }
0x781: {  	[sflag:s20] =	ssyncset.done $0x0  }
0x782: {  	[sflag:s20] =	ssyncadd.s32 $0xFFFFE000  }
0x783: {  	_ =	swait.ge [sflag:s20], $0x2000  }
0x784: {  	[sflag:s20] =	ssyncset.done $0x0  }
0x785: {  	s4 =	simm.s32 $0x15C00;
	[sflag:s20] =	ssyncadd.s32 $0xFFFFE000  }
0x786: {  	[spmem:s3] =	stream.indirect.scatter.add.f32 [tilespmem:s13], [sflag:$0x4], $0x80, s4, s21, $0xb8;
	[tilespmem:$0x1E000] =	vst v63  }
0x787: {  	_ =	swait.ge [sflag:s6], $0x4000  }
0x788: {  	[sflag:s6] =	ssyncset.done $0x0  }
0x789: {  	s30 =	simm.s32 $0x14D00;
	[sflag:s6] =	ssyncadd.s32 $0xFFFFC000  }
0x78a: {  	[tilespmem:s13], [sflag:$0x1] =	stream.indirect.gather [hbm4b:s2+s12], $0x80, s30, s12, $0xb8;
	[tilespmem:$0x1E000] =	vst v63  }
0x78b: {  	s31 =	simm.s32 $0x14D40  }
0x78c: {  	[tilespmem:s15], [sflag:$0x1] =	stream.indirect.gather [hbm4b:s2+s12], $0x80, s31, s12, $0xb8;
	[tilespmem:$0x1E000] =	vst v63  }
0x78d: {  	_ =	swait.ge [sflag:s24], $0x2000  }
0x78e: {  	[sflag:s24] =	ssyncset.done $0x0  }
0x78f: {  	[sflag:s24] =	ssyncadd.s32 $0xFFFFE000  }
0x790: {  	_ =	swait.ge [sflag:s24], $0x2000  }
0x791: {  	[sflag:s24] =	ssyncset.done $0x0  }
0x792: {  	s4 =	simm.s32 $0x15C80;
	[sflag:s24] =	ssyncadd.s32 $0xFFFFE000  }
0x793: {  	[spmem:s3] =	stream.indirect.scatter.add.f32 [tilespmem:s17], [sflag:$0x4], $0x80, s4, s21, $0xb8;
	[tilespmem:$0x1E000] =	vst v63  }
0x794: {  	_ =	swait.ge [sflag:s6], $0x4000  }
0x795: {  	[sflag:s6] =	ssyncset.done $0x0  }
0x796: {  	s30 =	simm.s32 $0x14D80;
	[sflag:s6] =	ssyncadd.s32 $0xFFFFC000  }
0x797: {  	[tilespmem:s17], [sflag:$0x2] =	stream.indirect.gather [hbm4b:s2+s12], $0x80, s30, s12, $0xb8;
	[tilespmem:$0x1E000] =	vst v63  }
0x798: {  	s31 =	simm.s32 $0x14DC0  }
0x799: {  	[tilespmem:s19], [sflag:$0x2] =	stream.indirect.gather [hbm4b:s2+s12], $0x80, s31, s12, $0xb8;
	[tilespmem:$0x1E000] =	vst v63  }
0x79a: {  	_ =	swait.ge [sflag:s20], $0x2000  }
0x79b: {  	[sflag:s20] =	ssyncset.done $0x0  }
0x79c: {  	[sflag:s20] =	ssyncadd.s32 $0xFFFFE000  }
0x79d: {  	_ =	swait.ge [sflag:s20], $0x2000  }
0x79e: {  	[sflag:s20] =	ssyncset.done $0x0  }
0x79f: {  	s4 =	simm.s32 $0x15D00;
	[sflag:s20] =	ssyncadd.s32 $0xFFFFE000  }
0x7a0: {  	[spmem:s3] =	stream.indirect.scatter.add.f32 [tilespmem:s13], [sflag:$0x4], $0x80, s4, s21, $0xb8;
	[tilespmem:$0x1E000] =	vst v63  }
0x7a1: {  	_ =	swait.ge [sflag:s6], $0x4000  }
0x7a2: {  	[sflag:s6] =	ssyncset.done $0x0  }
0x7a3: {  	s30 =	simm.s32 $0x14E00;
	[sflag:s6] =	ssyncadd.s32 $0xFFFFC000  }
0x7a4: {  	[tilespmem:s13], [sflag:$0x1] =	stream.indirect.gather [hbm4b:s2+s12], $0x80, s30, s12, $0xb8;
	[tilespmem:$0x1E000] =	vst v63  }
0x7a5: {  	s31 =	simm.s32 $0x14E40  }
0x7a6: {  	[tilespmem:s15], [sflag:$0x1] =	stream.indirect.gather [hbm4b:s2+s12], $0x80, s31, s12, $0xb8;
	[tilespmem:$0x1E000] =	vst v63  }
0x7a7: {  	_ =	swait.ge [sflag:s24], $0x2000  }
0x7a8: {  	[sflag:s24] =	ssyncset.done $0x0  }
0x7a9: {  	[sflag:s24] =	ssyncadd.s32 $0xFFFFE000  }
0x7aa: {  	_ =	swait.ge [sflag:s24], $0x2000  }
0x7ab: {  	[sflag:s24] =	ssyncset.done $0x0  }
0x7ac: {  	s4 =	simm.s32 $0x15D80;
	[sflag:s24] =	ssyncadd.s32 $0xFFFFE000  }
0x7ad: {  	[spmem:s3] =	stream.indirect.scatter.add.f32 [tilespmem:s17], [sflag:$0x4], $0x80, s4, s21, $0xb8;
	[tilespmem:$0x1E000] =	vst v63  }
0x7ae: {  	_ =	swait.ge [sflag:s6], $0x4000  }
0x7af: {  	[sflag:s6] =	ssyncset.done $0x0  }
0x7b0: {  	s30 =	simm.s32 $0x14E80;
	[sflag:s6] =	ssyncadd.s32 $0xFFFFC000  }
0x7b1: {  	[tilespmem:s17], [sflag:$0x2] =	stream.indirect.gather [hbm4b:s2+s12], $0x80, s30, s12, $0xb8;
	[tilespmem:$0x1E000] =	vst v63  }
0x7b2: {  	s31 =	simm.s32 $0x14EC0  }
0x7b3: {  	[tilespmem:s19], [sflag:$0x2] =	stream.indirect.gather [hbm4b:s2+s12], $0x80, s31, s12, $0xb8;
	[tilespmem:$0x1E000] =	vst v63  }
0x7b4: {  	_ =	swait.ge [sflag:s20], $0x2000  }
0x7b5: {  	[sflag:s20] =	ssyncset.done $0x0  }
0x7b6: {  	[sflag:s20] =	ssyncadd.s32 $0xFFFFE000  }
0x7b7: {  	_ =	swait.ge [sflag:s20], $0x2000  }
0x7b8: {  	[sflag:s20] =	ssyncset.done $0x0  }
0x7b9: {  	s4 =	simm.s32 $0x15E00;
	[sflag:s20] =	ssyncadd.s32 $0xFFFFE000  }
0x7ba: {  	[spmem:s3] =	stream.indirect.scatter.add.f32 [tilespmem:s13], [sflag:$0x4], $0x80, s4, s21, $0xb8;
	[tilespmem:$0x1E000] =	vst v63  }
0x7bb: {  	_ =	swait.ge [sflag:s6], $0x4000  }
0x7bc: {  	[sflag:s6] =	ssyncset.done $0x0  }
0x7bd: {  	s30 =	simm.s32 $0x14F00;
	[sflag:s6] =	ssyncadd.s32 $0xFFFFC000  }
0x7be: {  	[tilespmem:s13], [sflag:$0x1] =	stream.indirect.gather [hbm4b:s2+s12], $0x80, s30, s12, $0xb8;
	[tilespmem:$0x1E000] =	vst v63  }
0x7bf: {  	s31 =	simm.s32 $0x14F40  }
0x7c0: {  	[tilespmem:s15], [sflag:$0x1] =	stream.indirect.gather [hbm4b:s2+s12], $0x80, s31, s12, $0xb8;
	[tilespmem:$0x1E000] =	vst v63  }
0x7c1: {  	_ =	swait.ge [sflag:s24], $0x2000  }
0x7c2: {  	[sflag:s24] =	ssyncset.done $0x0  }
0x7c3: {  	[sflag:s24] =	ssyncadd.s32 $0xFFFFE000  }
0x7c4: {  	_ =	swait.ge [sflag:s24], $0x2000  }
0x7c5: {  	[sflag:s24] =	ssyncset.done $0x0  }
0x7c6: {  	s4 =	simm.s32 $0x15E80;
	[sflag:s24] =	ssyncadd.s32 $0xFFFFE000  }
0x7c7: {  	[spmem:s3] =	stream.indirect.scatter.add.f32 [tilespmem:s17], [sflag:$0x4], $0x80, s4, s21, $0xb8;
	[tilespmem:$0x1E000] =	vst v63  }
0x7c8: {  	_ =	swait.ge [sflag:s6], $0x4000  }
0x7c9: {  	[sflag:s6] =	ssyncset.done $0x0  }
0x7ca: {  	s30 =	simm.s32 $0x14F80;
	[sflag:s6] =	ssyncadd.s32 $0xFFFFC000  }
0x7cb: {  	[tilespmem:s17], [sflag:$0x2] =	stream.indirect.gather [hbm4b:s2+s12], $0x80, s30, s12, $0xb8;
	[tilespmem:$0x1E000] =	vst v63  }
0x7cc: {  	s31 =	simm.s32 $0x14FC0  }
0x7cd: {  	[tilespmem:s19], [sflag:$0x2] =	stream.indirect.gather [hbm4b:s2+s12], $0x80, s31, s12, $0xb8;
	[tilespmem:$0x1E000] =	vst v63  }
0x7ce: {  	_ =	swait.ge [sflag:s20], $0x2000  }
0x7cf: {  	[sflag:s20] =	ssyncset.done $0x0  }
0x7d0: {  	[sflag:s20] =	ssyncadd.s32 $0xFFFFE000  }
0x7d1: {  	_ =	swait.ge [sflag:s20], $0x2000  }
0x7d2: {  	[sflag:s20] =	ssyncset.done $0x0  }
0x7d3: {  	s4 =	simm.s32 $0x15F00;
	[sflag:s20] =	ssyncadd.s32 $0xFFFFE000  }
0x7d4: {  	[spmem:s3] =	stream.indirect.scatter.add.f32 [tilespmem:s13], [sflag:$0x4], $0x80, s4, s21, $0xb8;
	[tilespmem:$0x1E000] =	vst v63  }
0x7d5: {  	_ =	swait.ge [sflag:s6], $0x4000  }
0x7d6: {  	[sflag:s6] =	ssyncset.done $0x0  }
0x7d7: {  	[sflag:s6] =	ssyncadd.s32 $0xFFFFC000  }
0x7d8: {  	_ =	swait.ge [sflag:s26], $0x800  }
0x7d9: {  	[sflag:s26] =	ssyncset.done $0x0  }
0x7da: {  	[sflag:s26] =	ssyncadd.s32 $0xFFFFF800  }
0x7db: {  	_ =	swait.ge [sflag:s26], $0x800  }
0x7dc: {  	[sflag:s26] =	ssyncset.done $0x0  }
0x7dd: {  	[sflag:s26] =	ssyncadd.s32 $0xFFFFF800  }
0x7de: {  	[tilespmem:s13], [sflag:$0x1] =	stream.indirect.gather [hbm4b:s2+s12], $0x80, s9, s12, $0xb8;
	[tilespmem:$0x1E000] =	vst v63  }
0x7df: {  	s30 =	simm.s32 $0x14040  }
0x7e0: {  	[tilespmem:s15], [sflag:$0x1] =	stream.indirect.gather [hbm4b:s2+s12], $0x80, s30, s12, $0xb8;
	[tilespmem:$0x1E000] =	vst v63  }
0x7e1: {  	_ =	swait.ge [sflag:s24], $0x2000  }
0x7e2: {  	[sflag:s24] =	ssyncset.done $0x0  }
0x7e3: {  	[sflag:s24] =	ssyncadd.s32 $0xFFFFE000  }
0x7e4: {  	_ =	swait.ge [sflag:s24], $0x2000  }
0x7e5: {  	[sflag:s24] =	ssyncset.done $0x0  }
0x7e6: {  	s31 =	simm.s32 $0x15F80;
	[sflag:s24] =	ssyncadd.s32 $0xFFFFE000  }
0x7e7: {  	[spmem:s3] =	stream.indirect.scatter.add.f32 [tilespmem:s17], [sflag:$0x4], $0x80, s31, s21, $0xb8;
	[tilespmem:$0x1E000] =	vst v63  }
0x7e8: {  	_ =	swait.ge [sflag:s6], $0x4000  }
0x7e9: {  	[sflag:s6] =	ssyncset.done $0x0  }
0x7ea: {  	s4 =	simm.s32 $0x14080;
	[sflag:s6] =	ssyncadd.s32 $0xFFFFC000  }
0x7eb: {  	[tilespmem:s17], [sflag:$0x2] =	stream.indirect.gather [hbm4b:s2+s12], $0x80, s4, s12, $0xb8;
	[tilespmem:$0x1E000] =	vst v63  }
0x7ec: {  	s30 =	simm.s32 $0x140C0  }
0x7ed: {  	[tilespmem:s19], [sflag:$0x2] =	stream.indirect.gather [hbm4b:s2+s12], $0x80, s30, s12, $0xb8;
	[tilespmem:$0x1E000] =	vst v63  }
0x7ee: {  	_ =	swait.ge [sflag:s20], $0x2000  }
0x7ef: {  	[sflag:s20] =	ssyncset.done $0x0  }
0x7f0: {  	[sflag:s20] =	ssyncadd.s32 $0xFFFFE000  }
0x7f1: {  	_ =	swait.ge [sflag:s20], $0x2000  }
0x7f2: {  	[sflag:s20] =	ssyncset.done $0x0  }
0x7f3: {  	[sflag:s20] =	ssyncadd.s32 $0xFFFFE000  }
0x7f4: {  	[spmem:s3] =	stream.indirect.scatter.add.f32 [tilespmem:s13], [sflag:$0x4], $0x80, s1, s21, $0xb8;
	[tilespmem:$0x1E000] =	vst v63  }
0x7f5: {  	_ =	swait.ge [sflag:s6], $0x4000  }
0x7f6: {  	[sflag:s6] =	ssyncset.done $0x0  }
0x7f7: {  	s31 =	simm.s32 $0x14100;
	[sflag:s6] =	ssyncadd.s32 $0xFFFFC000  }
0x7f8: {  	[tilespmem:s13], [sflag:$0x1] =	stream.indirect.gather [hbm4b:s2+s12], $0x80, s31, s12, $0xb8;
	[tilespmem:$0x1E000] =	vst v63  }
0x7f9: {  	s1 =	simm.s32 $0x14140  }
0x7fa: {  	[tilespmem:s15], [sflag:$0x1] =	stream.indirect.gather [hbm4b:s2+s12], $0x80, s1, s12, $0xb8;
	[tilespmem:$0x1E000] =	vst v63  }
0x7fb: {  	_ =	swait.ge [sflag:s24], $0x2000  }
0x7fc: {  	[sflag:s24] =	ssyncset.done $0x0  }
0x7fd: {  	[sflag:s24] =	ssyncadd.s32 $0xFFFFE000  }
0x7fe: {  	_ =	swait.ge [sflag:s24], $0x2000  }
0x7ff: {  	[sflag:s24] =	ssyncset.done $0x0  }
0x800: {  	s4 =	simm.s32 $0x15080;
	[sflag:s24] =	ssyncadd.s32 $0xFFFFE000  }
0x801: {  	[spmem:s3] =	stream.indirect.scatter.add.f32 [tilespmem:s17], [sflag:$0x4], $0x80, s4, s21, $0xb8;
	[tilespmem:$0x1E000] =	vst v63  }
0x802: {  	_ =	swait.ge [sflag:s6], $0x4000  }
0x803: {  	[sflag:s6] =	ssyncset.done $0x0  }
0x804: {  	s30 =	simm.s32 $0x14180;
	[sflag:s6] =	ssyncadd.s32 $0xFFFFC000  }
0x805: {  	[tilespmem:s17], [sflag:$0x2] =	stream.indirect.gather [hbm4b:s2+s12], $0x80, s30, s12, $0xb8;
	[tilespmem:$0x1E000] =	vst v63  }
0x806: {  	s31 =	simm.s32 $0x141C0  }
0x807: {  	[tilespmem:s19], [sflag:$0x2] =	stream.indirect.gather [hbm4b:s2+s12], $0x80, s31, s12, $0xb8;
	[tilespmem:$0x1E000] =	vst v63  }
0x808: {  	_ =	swait.ge [sflag:s20], $0x2000  }
0x809: {  	[sflag:s20] =	ssyncset.done $0x0  }
0x80a: {  	[sflag:s20] =	ssyncadd.s32 $0xFFFFE000  }
0x80b: {  	_ =	swait.ge [sflag:s20], $0x2000  }
0x80c: {  	[sflag:s20] =	ssyncset.done $0x0  }
0x80d: {  	s1 =	simm.s32 $0x15100;
	[sflag:s20] =	ssyncadd.s32 $0xFFFFE000  }
0x80e: {  	[spmem:s3] =	stream.indirect.scatter.add.f32 [tilespmem:s13], [sflag:$0x4], $0x80, s1, s21, $0xb8;
	[tilespmem:$0x1E000] =	vst v63  }
0x80f: {  	_ =	swait.ge [sflag:s6], $0x4000  }
0x810: {  	[sflag:s6] =	ssyncset.done $0x0  }
0x811: {  	s4 =	simm.s32 $0x14200;
	[sflag:s6] =	ssyncadd.s32 $0xFFFFC000  }
0x812: {  	[tilespmem:s13], [sflag:$0x1] =	stream.indirect.gather [hbm4b:s2+s12], $0x80, s4, s12, $0xb8;
	[tilespmem:$0x1E000] =	vst v63  }
0x813: {  	s30 =	simm.s32 $0x14240  }
0x814: {  	[tilespmem:s15], [sflag:$0x1] =	stream.indirect.gather [hbm4b:s2+s12], $0x80, s30, s12, $0xb8;
	[tilespmem:$0x1E000] =	vst v63  }
0x815: {  	_ =	swait.ge [sflag:s24], $0x2000  }
0x816: {  	[sflag:s24] =	ssyncset.done $0x0  }
0x817: {  	[sflag:s24] =	ssyncadd.s32 $0xFFFFE000  }
0x818: {  	_ =	swait.ge [sflag:s24], $0x2000  }
0x819: {  	[sflag:s24] =	ssyncset.done $0x0  }
0x81a: {  	s31 =	simm.s32 $0x15180;
	[sflag:s24] =	ssyncadd.s32 $0xFFFFE000  }
0x81b: {  	[spmem:s3] =	stream.indirect.scatter.add.f32 [tilespmem:s17], [sflag:$0x4], $0x80, s31, s21, $0xb8;
	[tilespmem:$0x1E000] =	vst v63  }
0x81c: {  	_ =	swait.ge [sflag:s6], $0x4000  }
0x81d: {  	[sflag:s6] =	ssyncset.done $0x0  }
0x81e: {  	s1 =	simm.s32 $0x14280;
	[sflag:s6] =	ssyncadd.s32 $0xFFFFC000  }
0x81f: {  	[tilespmem:s17], [sflag:$0x2] =	stream.indirect.gather [hbm4b:s2+s12], $0x80, s1, s12, $0xb8;
	[tilespmem:$0x1E000] =	vst v63  }
0x820: {  	s4 =	simm.s32 $0x142C0  }
0x821: {  	[tilespmem:s19], [sflag:$0x2] =	stream.indirect.gather [hbm4b:s2+s12], $0x80, s4, s12, $0xb8;
	[tilespmem:$0x1E000] =	vst v63  }
0x822: {  	_ =	swait.ge [sflag:s20], $0x2000  }
0x823: {  	[sflag:s20] =	ssyncset.done $0x0  }
0x824: {  	[sflag:s20] =	ssyncadd.s32 $0xFFFFE000  }
0x825: {  	_ =	swait.ge [sflag:s20], $0x2000  }
0x826: {  	[sflag:s20] =	ssyncset.done $0x0  }
0x827: {  	s30 =	simm.s32 $0x15200;
	[sflag:s20] =	ssyncadd.s32 $0xFFFFE000  }
0x828: {  	[spmem:s3] =	stream.indirect.scatter.add.f32 [tilespmem:s13], [sflag:$0x4], $0x80, s30, s21, $0xb8;
	[tilespmem:$0x1E000] =	vst v63  }
0x829: {  	_ =	swait.ge [sflag:s6], $0x4000  }
0x82a: {  	[sflag:s6] =	ssyncset.done $0x0  }
0x82b: {  	s31 =	simm.s32 $0x14300;
	[sflag:s6] =	ssyncadd.s32 $0xFFFFC000  }
0x82c: {  	[tilespmem:s13], [sflag:$0x1] =	stream.indirect.gather [hbm4b:s2+s12], $0x80, s31, s12, $0xb8;
	[tilespmem:$0x1E000] =	vst v63  }
0x82d: {  	s1 =	simm.s32 $0x14340  }
0x82e: {  	[tilespmem:s15], [sflag:$0x1] =	stream.indirect.gather [hbm4b:s2+s12], $0x80, s1, s12, $0xb8;
	[tilespmem:$0x1E000] =	vst v63  }
0x82f: {  	_ =	swait.ge [sflag:s24], $0x2000  }
0x830: {  	[sflag:s24] =	ssyncset.done $0x0  }
0x831: {  	[sflag:s24] =	ssyncadd.s32 $0xFFFFE000  }
0x832: {  	_ =	swait.ge [sflag:s24], $0x2000  }
0x833: {  	[sflag:s24] =	ssyncset.done $0x0  }
0x834: {  	s4 =	simm.s32 $0x15280;
	[sflag:s24] =	ssyncadd.s32 $0xFFFFE000  }
0x835: {  	[spmem:s3] =	stream.indirect.scatter.add.f32 [tilespmem:s17], [sflag:$0x4], $0x80, s4, s21, $0xb8;
	[tilespmem:$0x1E000] =	vst v63  }
0x836: {  	_ =	swait.ge [sflag:s6], $0x4000  }
0x837: {  	[sflag:s6] =	ssyncset.done $0x0  }
0x838: {  	s30 =	simm.s32 $0x14380;
	[sflag:s6] =	ssyncadd.s32 $0xFFFFC000  }
0x839: {  	[tilespmem:s17], [sflag:$0x2] =	stream.indirect.gather [hbm4b:s2+s12], $0x80, s30, s12, $0xb8;
	[tilespmem:$0x1E000] =	vst v63  }
0x83a: {  	s31 =	simm.s32 $0x143C0  }
0x83b: {  	[tilespmem:s19], [sflag:$0x2] =	stream.indirect.gather [hbm4b:s2+s12], $0x80, s31, s12, $0xb8;
	[tilespmem:$0x1E000] =	vst v63  }
0x83c: {  	_ =	swait.ge [sflag:s20], $0x2000  }
0x83d: {  	[sflag:s20] =	ssyncset.done $0x0  }
0x83e: {  	[sflag:s20] =	ssyncadd.s32 $0xFFFFE000  }
0x83f: {  	_ =	swait.ge [sflag:s20], $0x2000  }
0x840: {  	[sflag:s20] =	ssyncset.done $0x0  }
0x841: {  	s1 =	simm.s32 $0x15300;
	[sflag:s20] =	ssyncadd.s32 $0xFFFFE000  }
0x842: {  	[spmem:s3] =	stream.indirect.scatter.add.f32 [tilespmem:s13], [sflag:$0x4], $0x80, s1, s21, $0xb8;
	[tilespmem:$0x1E000] =	vst v63  }
0x843: {  	_ =	swait.ge [sflag:s6], $0x4000  }
0x844: {  	[sflag:s6] =	ssyncset.done $0x0  }
0x845: {  	s4 =	simm.s32 $0x14400;
	[sflag:s6] =	ssyncadd.s32 $0xFFFFC000  }
0x846: {  	[tilespmem:s13], [sflag:$0x1] =	stream.indirect.gather [hbm4b:s2+s12], $0x80, s4, s12, $0xb8;
	[tilespmem:$0x1E000] =	vst v63  }
0x847: {  	s30 =	simm.s32 $0x14440  }
0x848: {  	[tilespmem:s15], [sflag:$0x1] =	stream.indirect.gather [hbm4b:s2+s12], $0x80, s30, s12, $0xb8;
	[tilespmem:$0x1E000] =	vst v63  }
0x849: {  	_ =	swait.ge [sflag:s24], $0x2000  }
0x84a: {  	[sflag:s24] =	ssyncset.done $0x0  }
0x84b: {  	[sflag:s24] =	ssyncadd.s32 $0xFFFFE000  }
0x84c: {  	_ =	swait.ge [sflag:s24], $0x2000  }
0x84d: {  	[sflag:s24] =	ssyncset.done $0x0  }
0x84e: {  	s31 =	simm.s32 $0x15380;
	[sflag:s24] =	ssyncadd.s32 $0xFFFFE000  }
0x84f: {  	[spmem:s3] =	stream.indirect.scatter.add.f32 [tilespmem:s17], [sflag:$0x4], $0x80, s31, s21, $0xb8;
	[tilespmem:$0x1E000] =	vst v63  }
0x850: {  	_ =	swait.ge [sflag:s6], $0x4000  }
0x851: {  	[sflag:s6] =	ssyncset.done $0x0  }
0x852: {  	s1 =	simm.s32 $0x14480;
	[sflag:s6] =	ssyncadd.s32 $0xFFFFC000  }
0x853: {  	[tilespmem:s17], [sflag:$0x2] =	stream.indirect.gather [hbm4b:s2+s12], $0x80, s1, s12, $0xb8;
	[tilespmem:$0x1E000] =	vst v63  }
0x854: {  	s4 =	simm.s32 $0x144C0  }
0x855: {  	[tilespmem:s19], [sflag:$0x2] =	stream.indirect.gather [hbm4b:s2+s12], $0x80, s4, s12, $0xb8;
	[tilespmem:$0x1E000] =	vst v63  }
0x856: {  	_ =	swait.ge [sflag:s20], $0x2000  }
0x857: {  	[sflag:s20] =	ssyncset.done $0x0  }
0x858: {  	[sflag:s20] =	ssyncadd.s32 $0xFFFFE000  }
0x859: {  	_ =	swait.ge [sflag:s20], $0x2000  }
0x85a: {  	[sflag:s20] =	ssyncset.done $0x0  }
0x85b: {  	s30 =	simm.s32 $0x15400;
	[sflag:s20] =	ssyncadd.s32 $0xFFFFE000  }
0x85c: {  	[spmem:s3] =	stream.indirect.scatter.add.f32 [tilespmem:s13], [sflag:$0x4], $0x80, s30, s21, $0xb8;
	[tilespmem:$0x1E000] =	vst v63  }
0x85d: {  	_ =	swait.ge [sflag:s6], $0x4000  }
0x85e: {  	[sflag:s6] =	ssyncset.done $0x0  }
0x85f: {  	s31 =	simm.s32 $0x14500;
	[sflag:s6] =	ssyncadd.s32 $0xFFFFC000  }
0x860: {  	[tilespmem:s13], [sflag:$0x1] =	stream.indirect.gather [hbm4b:s2+s12], $0x80, s31, s12, $0xb8;
	[tilespmem:$0x1E000] =	vst v63  }
0x861: {  	s1 =	simm.s32 $0x14540  }
0x862: {  	[tilespmem:s15], [sflag:$0x1] =	stream.indirect.gather [hbm4b:s2+s12], $0x80, s1, s12, $0xb8;
	[tilespmem:$0x1E000] =	vst v63  }
0x863: {  	_ =	swait.ge [sflag:s24], $0x2000  }
0x864: {  	[sflag:s24] =	ssyncset.done $0x0  }
0x865: {  	[sflag:s24] =	ssyncadd.s32 $0xFFFFE000  }
0x866: {  	_ =	swait.ge [sflag:s24], $0x2000  }
0x867: {  	[sflag:s24] =	ssyncset.done $0x0  }
0x868: {  	s4 =	simm.s32 $0x15480;
	[sflag:s24] =	ssyncadd.s32 $0xFFFFE000  }
0x869: {  	[spmem:s3] =	stream.indirect.scatter.add.f32 [tilespmem:s17], [sflag:$0x4], $0x80, s4, s21, $0xb8;
	[tilespmem:$0x1E000] =	vst v63  }
0x86a: {  	_ =	swait.ge [sflag:s6], $0x4000  }
0x86b: {  	[sflag:s6] =	ssyncset.done $0x0  }
0x86c: {  	s30 =	simm.s32 $0x14580;
	[sflag:s6] =	ssyncadd.s32 $0xFFFFC000  }
0x86d: {  	[tilespmem:s17], [sflag:$0x2] =	stream.indirect.gather [hbm4b:s2+s12], $0x80, s30, s12, $0xb8;
	[tilespmem:$0x1E000] =	vst v63  }
0x86e: {  	s31 =	simm.s32 $0x145C0  }
0x86f: {  	[tilespmem:s19], [sflag:$0x2] =	stream.indirect.gather [hbm4b:s2+s12], $0x80, s31, s12, $0xb8;
	[tilespmem:$0x1E000] =	vst v63  }
0x870: {  	_ =	swait.ge [sflag:s20], $0x2000  }
0x871: {  	[sflag:s20] =	ssyncset.done $0x0  }
0x872: {  	[sflag:s20] =	ssyncadd.s32 $0xFFFFE000  }
0x873: {  	_ =	swait.ge [sflag:s20], $0x2000  }
0x874: {  	[sflag:s20] =	ssyncset.done $0x0  }
0x875: {  	s1 =	simm.s32 $0x15500;
	[sflag:s20] =	ssyncadd.s32 $0xFFFFE000  }
0x876: {  	[spmem:s3] =	stream.indirect.scatter.add.f32 [tilespmem:s13], [sflag:$0x4], $0x80, s1, s21, $0xb8;
	[tilespmem:$0x1E000] =	vst v63  }
0x877: {  	_ =	swait.ge [sflag:s6], $0x4000  }
0x878: {  	[sflag:s6] =	ssyncset.done $0x0  }
0x879: {  	s4 =	simm.s32 $0x14600;
	[sflag:s6] =	ssyncadd.s32 $0xFFFFC000  }
0x87a: {  	[tilespmem:s13], [sflag:$0x1] =	stream.indirect.gather [hbm4b:s2+s12], $0x80, s4, s12, $0xb8;
	[tilespmem:$0x1E000] =	vst v63  }
0x87b: {  	s30 =	simm.s32 $0x14640  }
0x87c: {  	[tilespmem:s15], [sflag:$0x1] =	stream.indirect.gather [hbm4b:s2+s12], $0x80, s30, s12, $0xb8;
	[tilespmem:$0x1E000] =	vst v63  }
0x87d: {  	_ =	swait.ge [sflag:s24], $0x2000  }
0x87e: {  	[sflag:s24] =	ssyncset.done $0x0  }
0x87f: {  	[sflag:s24] =	ssyncadd.s32 $0xFFFFE000  }
0x880: {  	_ =	swait.ge [sflag:s24], $0x2000  }
0x881: {  	[sflag:s24] =	ssyncset.done $0x0  }
0x882: {  	s31 =	simm.s32 $0x15580;
	[sflag:s24] =	ssyncadd.s32 $0xFFFFE000  }
0x883: {  	[spmem:s3] =	stream.indirect.scatter.add.f32 [tilespmem:s17], [sflag:$0x4], $0x80, s31, s21, $0xb8;
	[tilespmem:$0x1E000] =	vst v63  }
0x884: {  	_ =	swait.ge [sflag:s6], $0x4000  }
0x885: {  	[sflag:s6] =	ssyncset.done $0x0  }
0x886: {  	s1 =	simm.s32 $0x14680;
	[sflag:s6] =	ssyncadd.s32 $0xFFFFC000  }
0x887: {  	[tilespmem:s17], [sflag:$0x2] =	stream.indirect.gather [hbm4b:s2+s12], $0x80, s1, s12, $0xb8;
	[tilespmem:$0x1E000] =	vst v63  }
0x888: {  	s4 =	simm.s32 $0x146C0  }
0x889: {  	[tilespmem:s19], [sflag:$0x2] =	stream.indirect.gather [hbm4b:s2+s12], $0x80, s4, s12, $0xb8;
	[tilespmem:$0x1E000] =	vst v63  }
0x88a: {  	_ =	swait.ge [sflag:s20], $0x2000  }
0x88b: {  	[sflag:s20] =	ssyncset.done $0x0  }
0x88c: {  	[sflag:s20] =	ssyncadd.s32 $0xFFFFE000  }
0x88d: {  	_ =	swait.ge [sflag:s20], $0x2000  }
0x88e: {  	[sflag:s20] =	ssyncset.done $0x0  }
0x88f: {  	s30 =	simm.s32 $0x15600;
	[sflag:s20] =	ssyncadd.s32 $0xFFFFE000  }
0x890: {  	[spmem:s3] =	stream.indirect.scatter.add.f32 [tilespmem:s13], [sflag:$0x4], $0x80, s30, s21, $0xb8;
	[tilespmem:$0x1E000] =	vst v63  }
0x891: {  	_ =	swait.ge [sflag:s6], $0x4000  }
0x892: {  	[sflag:s6] =	ssyncset.done $0x0  }
0x893: {  	s31 =	simm.s32 $0x14700;
	[sflag:s6] =	ssyncadd.s32 $0xFFFFC000  }
0x894: {  	[tilespmem:s13], [sflag:$0x1] =	stream.indirect.gather [hbm4b:s2+s12], $0x80, s31, s12, $0xb8;
	[tilespmem:$0x1E000] =	vst v63  }
0x895: {  	s1 =	simm.s32 $0x14740  }
0x896: {  	[tilespmem:s15], [sflag:$0x1] =	stream.indirect.gather [hbm4b:s2+s12], $0x80, s1, s12, $0xb8;
	[tilespmem:$0x1E000] =	vst v63  }
0x897: {  	_ =	swait.ge [sflag:s24], $0x2000  }
0x898: {  	[sflag:s24] =	ssyncset.done $0x0  }
0x899: {  	[sflag:s24] =	ssyncadd.s32 $0xFFFFE000  }
0x89a: {  	_ =	swait.ge [sflag:s24], $0x2000  }
0x89b: {  	[sflag:s24] =	ssyncset.done $0x0  }
0x89c: {  	s4 =	simm.s32 $0x15680;
	[sflag:s24] =	ssyncadd.s32 $0xFFFFE000  }
0x89d: {  	[spmem:s3] =	stream.indirect.scatter.add.f32 [tilespmem:s17], [sflag:$0x4], $0x80, s4, s21, $0xb8;
	[tilespmem:$0x1E000] =	vst v63  }
0x89e: {  	_ =	swait.ge [sflag:s6], $0x4000  }
0x89f: {  	[sflag:s6] =	ssyncset.done $0x0  }
0x8a0: {  	s30 =	simm.s32 $0x14780;
	[sflag:s6] =	ssyncadd.s32 $0xFFFFC000  }
0x8a1: {  	[tilespmem:s17], [sflag:$0x2] =	stream.indirect.gather [hbm4b:s2+s12], $0x80, s30, s12, $0xb8;
	[tilespmem:$0x1E000] =	vst v63  }
0x8a2: {  	s31 =	simm.s32 $0x147C0  }
0x8a3: {  	[tilespmem:s19], [sflag:$0x2] =	stream.indirect.gather [hbm4b:s2+s12], $0x80, s31, s12, $0xb8;
	[tilespmem:$0x1E000] =	vst v63  }
0x8a4: {  	_ =	swait.ge [sflag:s20], $0x2000  }
0x8a5: {  	[sflag:s20] =	ssyncset.done $0x0  }
0x8a6: {  	[sflag:s20] =	ssyncadd.s32 $0xFFFFE000  }
0x8a7: {  	_ =	swait.ge [sflag:s20], $0x2000  }
0x8a8: {  	[sflag:s20] =	ssyncset.done $0x0  }
0x8a9: {  	s1 =	simm.s32 $0x15700;
	[sflag:s20] =	ssyncadd.s32 $0xFFFFE000  }
0x8aa: {  	[spmem:s3] =	stream.indirect.scatter.add.f32 [tilespmem:s13], [sflag:$0x4], $0x80, s1, s21, $0xb8;
	[tilespmem:$0x1E000] =	vst v63  }
0x8ab: {  	_ =	swait.ge [sflag:s6], $0x4000  }
0x8ac: {  	[sflag:s6] =	ssyncset.done $0x0  }
0x8ad: {  	[sflag:s6] =	ssyncadd.s32 $0xFFFFC000  }
0x8ae: {  	_ =	swait.ge [sflag:s24], $0x2000  }
0x8af: {  	[sflag:s24] =	ssyncset.done $0x0  }
0x8b0: {  	[sflag:s24] =	ssyncadd.s32 $0xFFFFE000  }
0x8b1: {  	_ =	swait.ge [sflag:s24], $0x2000  }
0x8b2: {  	[sflag:s24] =	ssyncset.done $0x0  }
0x8b3: {  	s11 =	simm.s32 $0x15780;
	[sflag:s24] =	ssyncadd.s32 $0xFFFFE000  }
0x8b4: {  	[spmem:s3] =	stream.indirect.scatter.add.f32 [tilespmem:s17], [sflag:$0x4], $0x80, s11, s21, $0xb8;
	[tilespmem:$0x1E000] =	vst v63  }
0x8b5: {  	_ =	swait.ge [sflag:s6], $0x4000  }
0x8b6: {  	[sflag:s6] =	ssyncset.done $0x0  }
0x8b7: {  	[sflag:s6] =	ssyncadd.s32 $0xFFFFC000  }
0x8b8: {  	p0 =	sne.s32 s29, $0x1;
	[bflag:$0x0] =	sbarrier.arrive $0xFFFF  }
.Ltmp1:
0x8b9: {  	s4 =	rddreg [dreg:$0x10];
	(pc) =	sbr.rel @p0 .LBB2_2-.Ltmp1, $4  }
0x8ba: {  	s11 =	rddreg [dreg:$0x12]  }
0x8bb: {  	s31 =	rddreg [dreg:$0x11]  }
0x8bc: {  	[hbm:s4], [sflag:s31] =	dma.local [spmem:s11], $0x2800  }
0x8bd: {  	s29 =	sadd.s32 $0xFFFFFFFF, s29;
	_ =	swait.ge [sflag:s6], $0x2800  }
.LBB2_3:
0x8be: {  	[sflag:s6] =	ssyncset.done $0x0  }
0x8bf: {  	[sflag:s6] =	ssyncadd.s32 $0xFFFFD800  }
0x8c0: {  	_ =	sfence.sel $0x180000  }
0x8c1: {  	[bflag:$0x0] =	sbarrier.arrive $0xFFFF  }
0x8c2: {  	_ =	strace $0x90000047  }
0x8c3: {  	s0 =	stileid.u32;
	[bflag:$0x2] =	sbarrier.arrive $0xFFFF  }
0x8c4: {  	p0 =	sne.s32 s0, $0x0;
	s0 =	rddreg [dreg:$0x4]  }
0x8c5: {  	s0 =	sadd.s32 @!p0 $0x100000, s0  }
0x8c6: {  	[sflag:s0] =	ssyncadd.tile.s32 @!p0 $0x1;
	_ =	shalt  }
.Lfunc_end2:
_tile_overlayer_lowered:
.L_overlay_start_2:
0x8c7: {  	(tag) =	ssettag $0x2  }
0x8c8: {  	s0 =	rddreg [dreg:$0x0];
	s2 =	stileid.u32  }
0x8c9: {  	s1 =	rddreg [dreg:$0x1];
	p0 =	sne.s32 s2, $0x0  }
0x8ca: {  	s3 =	rddreg [dreg:$0x2];
	[bflag:$0x3] =	sbarrier.arrive $0xFFFF;
	s2 =	simm.s32 @!p0 $0x1C04  }
0x8cb: {  	[timem:s3], [sflag:s2] =	dma.local @!p0 [hbm:s0], s1  }
0x8cc: {  	s0 =	simm.s32 @!p0 $0x4  }
0x8cd: {  	_ =	swait.ge @!p0 [sflag:s0], s1  }
0x8ce: {  	s1 =	ssub.s32 @!p0 $0x0, s1;
	[sflag:s0] =	ssyncset.done @!p0 $0x0  }
0x8cf: {  	[sflag:s0] =	ssyncadd.s32 @!p0 s1  }
0x8d0: {  	[bflag:$0x3] =	sbarrier.arrive $0xFFFF  }
0x8d1: {  	_ =	shalt  }

</sc_bundles>
